<compile_context>
chip_gen: v7x
topology: tpu7x:2x2x1
jax: 0.10.2.dev20260603
libtpu: 0.0.44.dev20260713+nightly
codegen_flags: <defaults>
</compile_context>

<pallas_src>
import functools

from functools import partial

import jax
import jax.numpy as jnp
from jax import lax
from jax.experimental import pallas as pl
from jax.experimental.pallas import tpu as pltpu
from jax.experimental.pallas import tpu_sc as plsc

N = 10000
E = 320000
DIM = 128
HID = 64

NC = 2
NS = 16
NW = NC * NS
CHUNK = 80
WROWS = E // (CHUNK * NW)
NPAD = 10240
NODES_PER_TILE = NPAD // NS

def _dot(a, b):
    return jnp.dot(a, b, preferred_element_type=jnp.float32)


_mesh = plsc.VectorSubcoreMesh(core_axis_name="c", subcore_axis_name="s")
_sc_params = pltpu.CompilerParams(use_tc_tiling_on_sc=False)


def _make_segsum(D, NBUF):

    @functools.partial(
        pl.kernel,
        out_type=jax.ShapeDtypeStruct((NC, NPAD, D), jnp.float32),
        mesh=_mesh,
        compiler_params=_sc_params,
        scratch_types=[
            pltpu.VMEM((WROWS, CHUNK), jnp.int32),
            pltpu.VMEM((WROWS, CHUNK), jnp.int32),
        ] + [pltpu.VMEM((CHUNK, D), jnp.float32) for _ in range(NBUF)]
          + [pltpu.VMEM_SHARED((NPAD, D), jnp.float32)]
          + [pltpu.SemaphoreType.DMA for _ in range(2 * NBUF)],
    )
    def segsum(table_hbm, src_hbm, dst_hbm, zeros_hbm, out_hbm,
               idx_src, idx_dst, *bufs_acc_sems):
        rows = bufs_acc_sems[:NBUF]
        acc = bufs_acc_sems[NBUF]
        gs = bufs_acc_sems[NBUF + 1:NBUF + 1 + NBUF]
        ss = bufs_acc_sems[NBUF + 1 + NBUF:]
        c = lax.axis_index("c")
        s = lax.axis_index("s")
        w = c * NS + s

        def issue_g(j, b):
            return pltpu.async_copy(table_hbm.at[idx_src.at[j]], rows[b], gs[b])

        def issue_s(j, b):
            return pltpu.async_copy(rows[b], acc.at[idx_dst.at[j]], ss[b],
                                    add=True)

        pltpu.sync_copy(zeros_hbm, acc.at[pl.ds(s * NODES_PER_TILE, NODES_PER_TILE)])
        pltpu.sync_copy(src_hbm.at[w], idx_src)
        pltpu.sync_copy(dst_hbm.at[w], idx_dst)
        plsc.subcore_barrier()

        def round_body(r, _):
            j0 = r * NBUF
            gds = [issue_g(j0 + b, b) for b in range(NBUF)]
            sds = []
            for b in range(NBUF):
                gds[b].wait()
                sds.append(issue_s(j0 + b, b))
            for sd in sds:
                sd.wait()
            return 0

        nrounds = WROWS // NBUF
        lax.fori_loop(0, nrounds, round_body, 0)

        tds = []
        for jj in range(NBUF * nrounds, WROWS):
            b = jj - NBUF * nrounds
            tds.append((issue_g(jj, b), jj, b))
        sds = []
        for gd, jj, b in tds:
            gd.wait()
            sds.append(issue_s(jj, b))
        for sd in sds:
            sd.wait()

        plsc.subcore_barrier()
        pltpu.sync_copy(
            acc.at[pl.ds(s * NODES_PER_TILE, NODES_PER_TILE)],
            out_hbm.at[c, pl.ds(s * NODES_PER_TILE, NODES_PER_TILE)],
        )

    return segsum


_segsum64 = _make_segsum(HID, 6)

WROWS2 = E // (CHUNK * NS)
NBUF2 = 8


@functools.partial(
    pl.kernel,
    out_type=jax.ShapeDtypeStruct((NC, NPAD, HID), jnp.float32),
    mesh=_mesh,
    compiler_params=_sc_params,
    scratch_types=[
        pltpu.VMEM((WROWS2, CHUNK), jnp.int32),
        pltpu.VMEM((WROWS2, CHUNK), jnp.int32),
    ] + [pltpu.VMEM((CHUNK, HID), jnp.float32) for _ in range(NBUF2)]
      + [pltpu.VMEM_SHARED((NPAD, HID), jnp.float32)]
      + [pltpu.SemaphoreType.DMA for _ in range(2 * NBUF2)],
)
def _segsum_split(tab2_hbm, src_hbm, dst_hbm, zeros_hbm, out_hbm,
                  idx_src, idx_dst, *bufs_acc_sems):
    rows = bufs_acc_sems[:NBUF2]
    acc = bufs_acc_sems[NBUF2]
    gs = bufs_acc_sems[NBUF2 + 1:NBUF2 + 1 + NBUF2]
    ss = bufs_acc_sems[NBUF2 + 1 + NBUF2:]
    c = lax.axis_index("c")
    s = lax.axis_index("s")

    def issue_g(j, b):
        return pltpu.async_copy(tab2_hbm.at[idx_src.at[j]], rows[b], gs[b])

    def issue_s(j, b):
        return pltpu.async_copy(rows[b], acc.at[idx_dst.at[j]], ss[b], add=True)

    pltpu.sync_copy(zeros_hbm, acc.at[pl.ds(s * NODES_PER_TILE, NODES_PER_TILE)])
    pltpu.sync_copy(src_hbm.at[c, s], idx_src)
    pltpu.sync_copy(dst_hbm.at[s], idx_dst)
    plsc.subcore_barrier()

    def round_body(r, _):
        j0 = r * NBUF2
        gds = [issue_g(j0 + b, b) for b in range(NBUF2)]
        sds = []
        for b in range(NBUF2):
            gds[b].wait()
            sds.append(issue_s(j0 + b, b))
        for sd in sds:
            sd.wait()
        return 0

    nrounds = WROWS2 // NBUF2
    lax.fori_loop(0, nrounds, round_body, 0)

    tds = []
    for jj in range(NBUF2 * nrounds, WROWS2):
        b = jj - NBUF2 * nrounds
        tds.append((issue_g(jj, b), jj, b))
    sds = []
    for gd, jj, b in tds:
        gd.wait()
        sds.append(issue_s(jj, b))
    for sd in sds:
        sd.wait()

    plsc.subcore_barrier()
    pltpu.sync_copy(
        acc.at[pl.ds(s * NODES_PER_TILE, NODES_PER_TILE)],
        out_hbm.at[c, pl.ds(s * NODES_PER_TILE, NODES_PER_TILE)],
    )

HROWS = CHUNK // 2
EBUF = 4


@functools.partial(
    pl.kernel,
    out_type=(
        jax.ShapeDtypeStruct((E // 2, 2 * HID), jnp.float32),
        jax.ShapeDtypeStruct((NW, 2, HID), jnp.float32),
    ),
    mesh=_mesh,
    compiler_params=_sc_params,
    scratch_types=[
        pltpu.VMEM((WROWS, CHUNK), jnp.int32),
        pltpu.VMEM((WROWS, CHUNK), jnp.int32),
    ] + [pltpu.VMEM((CHUNK, HID), jnp.float32) for _ in range(2 * EBUF)]
      + [pltpu.VMEM((HROWS, 2 * HID), jnp.float32) for _ in range(EBUF)]
      + [pltpu.VMEM((2, HID), jnp.float32)]
      + [pltpu.SemaphoreType.DMA for _ in range(3 * EBUF)],
)
def _edge_gather(p_hbm, q_hbm, src_hbm, dst_hbm, h_hbm, stats_hbm,
                 idx_src, idx_dst, *bufs_sems):
    rows_p = bufs_sems[0:EBUF]
    rows_q = bufs_sems[EBUF:2 * EBUF]
    hbuf = bufs_sems[2 * EBUF:3 * EBUF]
    stats_buf = bufs_sems[3 * EBUF]
    sems_p = bufs_sems[3 * EBUF + 1:3 * EBUF + 1 + EBUF]
    sems_q = bufs_sems[3 * EBUF + 1 + EBUF:3 * EBUF + 1 + 2 * EBUF]
    sems_w = bufs_sems[3 * EBUF + 1 + 2 * EBUF:]
    c = lax.axis_index("c")
    s = lax.axis_index("s")
    w = c * NS + s
    G = HID // 16

    pltpu.sync_copy(src_hbm.at[w], idx_src)
    pltpu.sync_copy(dst_hbm.at[w], idx_dst)

    def issue_gathers(j, b):
        dp = pltpu.async_copy(p_hbm.at[idx_src.at[j]], rows_p[b], sems_p[b])
        dq = pltpu.async_copy(q_hbm.at[idx_dst.at[j]], rows_q[b], sems_q[b])
        return dp, dq

    def issue_w(j, b):
        return pltpu.async_copy(
            hbuf[b], h_hbm.at[pl.ds((w * WROWS + j) * HROWS, HROWS)], sems_w[b])

    def compute(b, carry):
        def row_body(rr, car):
            sums, sqs = car
            new_sums = list(sums)
            new_sqs = list(sqs)
            for half in range(2):
                r = 2 * rr + half
                for g in range(G):
                    a = rows_p[b][r, pl.ds(g * 16, 16)]
                    bb = rows_q[b][r, pl.ds(g * 16, 16)]
                    v = a + bb
                    hbuf[b][rr, pl.ds(half * HID + g * 16, 16)] = v
                    new_sums[g] = new_sums[g] + v
                    new_sqs[g] = new_sqs[g] + v * v
            return (tuple(new_sums), tuple(new_sqs))

        return lax.fori_loop(0, HROWS, row_body, carry)

    zero = jnp.zeros((16,), jnp.float32)
    carry = (tuple(zero for _ in range(G)), tuple(zero for _ in range(G)))

    def round_body(r, car):
        j0 = EBUF * r
        gds = [issue_gathers(j0 + b, b) for b in range(EBUF)]
        wds = []
        for b in range(EBUF):
            gds[b][0].wait()
            gds[b][1].wait()
            car = compute(b, car)
            wds.append(issue_w(j0 + b, b))
        for wd in wds:
            wd.wait()
        return car

    nrounds = WROWS // EBUF
    carry = lax.fori_loop(0, nrounds, round_body, carry)

    gds = []
    for jj in range(EBUF * nrounds, WROWS):
        gds.append((issue_gathers(jj, jj - EBUF * nrounds), jj))
    wds = []
    for (dp, dq), jj in gds:
        b = jj - EBUF * nrounds
        dp.wait()
        dq.wait()
        carry = compute(b, carry)
        wds.append(issue_w(jj, b))
    for wd in wds:
        wd.wait()

    sums, sqs = carry
    for g in range(G):
        stats_buf[0, pl.ds(g * 16, 16)] = sums[g]
        stats_buf[1, pl.ds(g * 16, 16)] = sqs[g]
    pltpu.sync_copy(stats_buf, stats_hbm.at[w])


def _bn_act(h, g, b, eps=1e-5):
    m = jnp.mean(h, axis=0, keepdims=True)
    v = jnp.mean((h - m) ** 2, axis=0, keepdims=True)
    return jax.nn.relu(g * (h - m) * lax.rsqrt(v + eps) + b)


def _gin_block(z, pr):
    h = _dot(z, pr["W1"]) + pr["b1"]
    h = _bn_act(h, pr["g1"], pr["be1"])
    h = _dot(h, pr["W2"]) + pr["b2"]
    h = _bn_act(h, pr["g2"], pr["be2"])
    return _dot(h, pr["W3"]) + pr["b3"]


def _node_mlp(coords, aggp, pr, bng, bnb):
    def body(coords_ref, aggp_ref, w1, b1, g1, be1, w2, b2, g2, be2, w3, b3,
             bg, bb, out_ref):
        agg = jnp.concatenate([aggp_ref[0, :N], aggp_ref[1, :N]], axis=1)
        z = coords_ref[...] + agg
        prd = {"W1": w1[...], "b1": b1[...], "g1": g1[...], "be1": be1[...],
               "W2": w2[...], "b2": b2[...], "g2": g2[...], "be2": be2[...],
               "W3": w3[...], "b3": b3[...]}
        x = _gin_block(z, prd)
        out_ref[...] = _bn_act(x, bg[...], bb[...])

    args = (coords, aggp,
            pr["W1"], pr["b1"].reshape(1, -1), pr["g1"].reshape(1, -1),
            pr["be1"].reshape(1, -1), pr["W2"], pr["b2"].reshape(1, -1),
            pr["g2"].reshape(1, -1), pr["be2"].reshape(1, -1), pr["W3"],
            pr["b3"].reshape(1, -1), bng.reshape(1, -1), bnb.reshape(1, -1))
    return pl.pallas_call(
        body,
        out_shape=jax.ShapeDtypeStruct((N, HID), jnp.float32),
    )(*args)


def _node_mlp1(x1, aggp, pr, bng, bnb, w1a, w1b):
    def body(x_ref, aggp_ref, w1, b1, g1, be1, w2, b2, g2, be2, w3, b3,
             bg, bb, wa, wb, p_ref, q_ref):
        z = x_ref[...] + aggp_ref[0, :N] + aggp_ref[1, :N]
        prd = {"W1": w1[...], "b1": b1[...], "g1": g1[...], "be1": be1[...],
               "W2": w2[...], "b2": b2[...], "g2": g2[...], "be2": be2[...],
               "W3": w3[...], "b3": b3[...]}
        x = _gin_block(z, prd)
        x = _bn_act(x, bg[...], bb[...])
        p_ref[...] = _dot(x, wa[...])
        q_ref[...] = _dot(x, wb[...])

    args = (x1, aggp,
            pr["W1"], pr["b1"].reshape(1, -1), pr["g1"].reshape(1, -1),
            pr["be1"].reshape(1, -1), pr["W2"], pr["b2"].reshape(1, -1),
            pr["g2"].reshape(1, -1), pr["be2"].reshape(1, -1), pr["W3"],
            pr["b3"].reshape(1, -1), bng.reshape(1, -1), bnb.reshape(1, -1),
            w1a, w1b)
    return pl.pallas_call(
        body,
        out_shape=(jax.ShapeDtypeStruct((N, HID), jnp.float32),
                   jax.ShapeDtypeStruct((N, HID), jnp.float32)),
    )(*args)


def _edge_head(h2d, stats, p):
    EB = 4000
    nblk = (E // 2) // EB

    mW2, mb2, mW3, mb3 = p["mW2"], p["mb2"], p["mW3"], p["mb3"]
    w2bd = jnp.zeros((2 * HID, HID), jnp.float32)
    w2bd = w2bd.at[:HID, :HID // 2].set(mW2).at[HID:, HID // 2:].set(mW2)
    w3bd = jnp.zeros((HID, 2), jnp.float32)
    w3bd = w3bd.at[:HID // 2, 0].set(mW3[:, 0]).at[HID // 2:, 1].set(mW3[:, 0])
    b2t = jnp.concatenate([mb2, mb2]).reshape(1, HID)
    g1t = jnp.concatenate([p["mg1"], p["mg1"]]).reshape(1, 2 * HID)
    be1t = jnp.concatenate([p["mbe1"], p["mbe1"]]).reshape(1, 2 * HID)

    def body(h_ref, stats_ref, g1_ref, be1_ref, w2_ref, b2_ref, w3_ref, b3_ref,
             out_ref):
        tot = jnp.sum(stats_ref[...], axis=0)
        m = tot[0:1, :] / E
        var = tot[1:2, :] / E - m * m
        inv = lax.rsqrt(var + 1e-5)
        m2 = jnp.concatenate([m, m], axis=1)
        inv2 = jnp.concatenate([inv, inv], axis=1)
        hn = jax.nn.relu((h_ref[...] - m2) * (inv2 * g1_ref[...]) + be1_ref[...])
        h2 = jax.nn.relu(
            _dot(hn, w2_ref[...])
            + b2_ref[...])
        out_ref[...] = (_dot(h2, w3_ref[...])
                        + b3_ref[0, 0])

    out2d = pl.pallas_call(
        body,
        grid=(nblk,),
        in_specs=[
            pl.BlockSpec((EB, 2 * HID), lambda i: (i, 0)),
            pl.BlockSpec((NW, 2, HID), lambda i: (0, 0, 0)),
            pl.BlockSpec((1, 2 * HID), lambda i: (0, 0)),
            pl.BlockSpec((1, 2 * HID), lambda i: (0, 0)),
            pl.BlockSpec((2 * HID, HID), lambda i: (0, 0)),
            pl.BlockSpec((1, HID), lambda i: (0, 0)),
            pl.BlockSpec((HID, 2), lambda i: (0, 0)),
            pl.BlockSpec((1, 1), lambda i: (0, 0)),
        ],
        out_specs=pl.BlockSpec((EB, 2), lambda i: (i, 0)),
        out_shape=jax.ShapeDtypeStruct((E // 2, 2), jnp.float32),
    )(h2d, stats, g1t, be1t, w2bd, b2t, w3bd, mb3.reshape(1, 1))
    return out2d.reshape(E)


def kernel(coords, edge_index, params):
    src2d = edge_index[0].reshape(NW, WROWS, CHUNK)
    dst2d = edge_index[1].reshape(NW, WROWS, CHUNK)
    src_ns = edge_index[0].reshape(NS, WROWS2, CHUNK)
    srcs2 = jnp.stack([src_ns, src_ns + N])
    dst_ns = edge_index[1].reshape(NS, WROWS2, CHUNK)
    tab2 = jnp.concatenate([coords[:, :HID], coords[:, HID:]], axis=0)
    zeros64 = jnp.zeros((NODES_PER_TILE, HID), jnp.float32)
    p = params

    agg0p = _segsum_split(tab2, srcs2, dst_ns, zeros64)
    x1 = _node_mlp(coords, agg0p, p["gin0"], p["bn0_g"], p["bn0_b"])

    agg1p = _segsum64(x1, src2d, dst2d, zeros64)
    P, Q = _node_mlp1(x1, agg1p, p["gin1"], p["bn1_g"], p["bn1_b"],
                      p["mW1"][:HID], p["mW1"][HID:])

    h2d, stats = _edge_gather(P, Q, src2d, dst2d)
    return _edge_head(h2d, stats, p)

# --- scband reference (transcript-rebuilt; emitter-appended) ---
"""Pipeline reference for scband-apelp-edge-attribute-decoder-61727269978221 (READ-ONLY COPY).

The authoritative reference and input builder live on the scoring server;
editing this copy changes nothing except your own understanding.
"""

import jax, jax.numpy as jnp
import numpy as np

N = 10000
E = 320000
DIM = 128
HID = 64

def _lin(k, i, o):
    return jax.random.normal(k, (i, o), dtype=jnp.float32) / np.sqrt(i)

def _gin_mlp_params(key, din, dh):
    ks = jax.random.split(key, 3)
    return {
        "W1": _lin(ks[0], din, dh), "b1": jnp.zeros((dh,), jnp.float32),
        "g1": jnp.ones((dh,), jnp.float32), "be1": jnp.zeros((dh,), jnp.float32),
        "W2": _lin(ks[1], dh, dh), "b2": jnp.zeros((dh,), jnp.float32),
        "g2": jnp.ones((dh,), jnp.float32), "be2": jnp.zeros((dh,), jnp.float32),
        "W3": _lin(ks[2], dh, dh), "b3": jnp.zeros((dh,), jnp.float32),
    }

def setup_inputs(seed: int = 0):
    key = jax.random.key(seed)
    ks = jax.random.split(key, 8)
    coords = jax.random.normal(ks[0], (N, DIM), dtype=jnp.float32)
    edge_index = jax.random.randint(ks[1], (2, E), 0, N, dtype=jnp.int32)
    params = {
        "gin0": _gin_mlp_params(ks[2], DIM, HID),
        "gin1": _gin_mlp_params(ks[3], HID, HID),
        "bn0_g": jnp.ones((HID,), jnp.float32), "bn0_b": jnp.zeros((HID,), jnp.float32),
        "bn1_g": jnp.ones((HID,), jnp.float32), "bn1_b": jnp.zeros((HID,), jnp.float32),
        "mW1": _lin(ks[4], 2 * HID, HID), "mb1": jnp.zeros((HID,), jnp.float32),
        "mg1": jnp.ones((HID,), jnp.float32), "mbe1": jnp.zeros((HID,), jnp.float32),
        "mW2": _lin(ks[5], HID, HID // 2), "mb2": jnp.zeros((HID // 2,), jnp.float32),
        "mW3": _lin(ks[6], HID // 2, 1), "mb3": jnp.zeros((1,), jnp.float32),
    }
    return {"coords": coords, "edge_index": edge_index, "params": params}

def _bn(x, g, b, eps=1e-5):
    m = jnp.mean(x, axis=0)
    v = jnp.var(x, axis=0)
    return g * (x - m) / jnp.sqrt(v + eps) + b

def _gin_mlp(x, p):
    h = x @ p["W1"] + p["b1"]
    h = jax.nn.relu(_bn(h, p["g1"], p["be1"]))
    h = h @ p["W2"] + p["b2"]
    h = jax.nn.relu(_bn(h, p["g2"], p["be2"]))
    return h @ p["W3"] + p["b3"]

def _forward(coords, params, edge_index):
    src = edge_index[0]
    dst = edge_index[1]
    n = coords.shape[0]
    # GINConv layer 0: out = mlp((1+eps)*x + sum_{j->i} x_j), eps=0 (train_eps=False)
    agg0 = jax.ops.segment_sum(coords[src], dst, num_segments=n)
    x = _gin_mlp(coords + agg0, params["gin0"])
    x = jax.nn.relu(_bn(x, params["bn0_g"], params["bn0_b"]))
    # GINConv layer 1
    agg1 = jax.ops.segment_sum(x[src], dst, num_segments=n)
    x = _gin_mlp(x + agg1, params["gin1"])
    x = jax.nn.relu(_bn(x, params["bn1_g"], params["bn1_b"]))
    # edge_type head: cat(x[node_0], x[node_1]) -> MLP -> squeeze(-1)
    e = jnp.concatenate([x[src], x[dst]], axis=-1)
    h = e @ params["mW1"] + params["mb1"]
    h = jax.nn.relu(_bn(h, params["mg1"], params["mbe1"]))
    h = h @ params["mW2"] + params["mb2"]
    h = jax.nn.relu(h)
    h = h @ params["mW3"] + params["mb3"]
    return jnp.squeeze(h, axis=-1)

def reference(coords, edge_index, params):
    return _forward(coords, params, edge_index)

if __name__ == "__main__":
    import jax
    _d = setup_inputs()
    print(jax.jit(kernel)(*tuple(_d.values())))

</pallas_src>

<mosaic_0001>
#map = affine_map<(d0, d1) -> (0, 0)>
#map1 = affine_map<(d0, d1) -> (0, 0, 0, 0)>
#map2 = affine_map<(d0, d1) -> (0, 0, 0)>
module attributes {stable_mosaic.version = 14 : i64} {
  func.func @_segsum_split(%arg0: i32, %arg1: i32, %arg2: memref<20000x64xf32, #tpu.memory_space<hbm>>, %arg3: memref<2x16x250x80xi32, #tpu.memory_space<hbm>>, %arg4: memref<16x250x80xi32, #tpu.memory_space<hbm>>, %arg5: memref<640x64xf32, #tpu.memory_space<hbm>>, %arg6: memref<2x10240x64xf32, #tpu.memory_space<hbm>>, %arg7: memref<250x80xi32, #tpu.memory_space<vmem>>, %arg8: memref<250x80xi32, #tpu.memory_space<vmem>>, %arg9: memref<80x64xf32, #tpu.memory_space<vmem>>, %arg10: memref<80x64xf32, #tpu.memory_space<vmem>>, %arg11: memref<80x64xf32, #tpu.memory_space<vmem>>, %arg12: memref<80x64xf32, #tpu.memory_space<vmem>>, %arg13: memref<80x64xf32, #tpu.memory_space<vmem>>, %arg14: memref<80x64xf32, #tpu.memory_space<vmem>>, %arg15: memref<80x64xf32, #tpu.memory_space<vmem>>, %arg16: memref<80x64xf32, #tpu.memory_space<vmem>>, %arg17: memref<10240x64xf32, #tpu.memory_space<vmem_shared>>, %arg18: memref<!tpu.dma_semaphore, #tpu.memory_space<semaphore_mem>>, %arg19: memref<!tpu.dma_semaphore, #tpu.memory_space<semaphore_mem>>, %arg20: memref<!tpu.dma_semaphore, #tpu.memory_space<semaphore_mem>>, %arg21: memref<!tpu.dma_semaphore, #tpu.memory_space<semaphore_mem>>, %arg22: memref<!tpu.dma_semaphore, #tpu.memory_space<semaphore_mem>>, %arg23: memref<!tpu.dma_semaphore, #tpu.memory_space<semaphore_mem>>, %arg24: memref<!tpu.dma_semaphore, #tpu.memory_space<semaphore_mem>>, %arg25: memref<!tpu.dma_semaphore, #tpu.memory_space<semaphore_mem>>, %arg26: memref<!tpu.dma_semaphore, #tpu.memory_space<semaphore_mem>>, %arg27: memref<!tpu.dma_semaphore, #tpu.memory_space<semaphore_mem>>, %arg28: memref<!tpu.dma_semaphore, #tpu.memory_space<semaphore_mem>>, %arg29: memref<!tpu.dma_semaphore, #tpu.memory_space<semaphore_mem>>, %arg30: memref<!tpu.dma_semaphore, #tpu.memory_space<semaphore_mem>>, %arg31: memref<!tpu.dma_semaphore, #tpu.memory_space<semaphore_mem>>, %arg32: memref<!tpu.dma_semaphore, #tpu.memory_space<semaphore_mem>>, %arg33: memref<!tpu.dma_semaphore, #tpu.memory_space<semaphore_mem>>) attributes {dimension_semantics = [#tpu.dimension_semantics<core_parallel>, #tpu.dimension_semantics<subcore_parallel>], iteration_bounds = array<i64: 2, 16>, scalar_prefetch = 0 : i64, scratch_operands = 27 : i64, tpu.core_type = #tpu.core_type<sc_vector_subcore>, window_params = [{transform_indices = #map}, {transform_indices = #map1}, {transform_indices = #map2}, {transform_indices = #map}, {transform_indices = #map2}]} {
    %mul3A = arith.constant 640 : i32
    %mul3A_0 = arith.muli %arg1, %mul3A : i32
    "tpu.region"() ({
      %run_scoped3A = tpu.sem_alloc : memref<!tpu.dma_semaphore, #tpu.memory_space<semaphore_mem>>
      %dma_start3A_66 = arith.constant 0 : i32
      %dma_start3A_67 = tpu.memref_slice %arg17[%mul3A_0, %dma_start3A_66] : memref<10240x64xf32, #tpu.memory_space<vmem_shared>> -> memref<640x64xf32, #tpu.memory_space<vmem_shared>>
      tpu.enqueue_dma source(%arg5 : memref<640x64xf32, #tpu.memory_space<hbm>>) target(%dma_start3A_67 : memref<640x64xf32, #tpu.memory_space<vmem_shared>>) target_semaphore(%run_scoped3A : memref<!tpu.dma_semaphore, #tpu.memory_space<semaphore_mem>>)
      %dma_wait3A_68 = arith.constant 0 : i32
      %dma_wait3A_69 = tpu.memref_slice %arg17[%mul3A_0, %dma_wait3A_68] : memref<10240x64xf32, #tpu.memory_space<vmem_shared>> -> memref<640x64xf32, #tpu.memory_space<vmem_shared>>
      tpu.wait_dma2 semaphore(%run_scoped3A : memref<!tpu.dma_semaphore, #tpu.memory_space<semaphore_mem>>) src(%arg5 : memref<640x64xf32, #tpu.memory_space<hbm>>) dst(%dma_wait3A_69 : memref<640x64xf32, #tpu.memory_space<vmem_shared>>)
      tpu.yield
    }) : () -> ()
    "tpu.region"() ({
      %run_scoped3A = tpu.sem_alloc : memref<!tpu.dma_semaphore, #tpu.memory_space<semaphore_mem>>
      %dma_start3A_66 = arith.constant 0 : i32
      %dma_start3A_67 = arith.constant 0 : i32
      %dma_start3A_68 = tpu.memref_slice %arg3[%arg0, %arg1, %dma_start3A_66, %dma_start3A_67] : memref<2x16x250x80xi32, #tpu.memory_space<hbm>> -> memref<1x1x250x80xi32, #tpu.memory_space<hbm>>
      %dma_start3A_69 = tpu.memref_squeeze %dma_start3A_68 : memref<1x1x250x80xi32, #tpu.memory_space<hbm>> -> memref<250x80xi32, #tpu.memory_space<hbm>>
      %dma_start3A_70 = arith.constant 0 : i32
      %dma_start3A_71 = arith.constant 0 : i32
      %dma_start3A_72 = tpu.memref_slice %arg3[%arg0, %arg1, %dma_start3A_70, %dma_start3A_71] : memref<2x16x250x80xi32, #tpu.memory_space<hbm>> -> memref<1x1x250x80xi32, #tpu.memory_space<hbm>>
      %dma_start3A_73 = tpu.memref_squeeze %dma_start3A_72 : memref<1x1x250x80xi32, #tpu.memory_space<hbm>> -> memref<250x80xi32, #tpu.memory_space<hbm>>
      tpu.enqueue_dma source(%dma_start3A_73 : memref<250x80xi32, #tpu.memory_space<hbm>>) target(%arg7 : memref<250x80xi32, #tpu.memory_space<vmem>>) target_semaphore(%run_scoped3A : memref<!tpu.dma_semaphore, #tpu.memory_space<semaphore_mem>>)
      %dma_wait3A_74 = arith.constant 0 : i32
      %dma_wait3A_75 = arith.constant 0 : i32
      %dma_wait3A_76 = tpu.memref_slice %arg3[%arg0, %arg1, %dma_wait3A_74, %dma_wait3A_75] : memref<2x16x250x80xi32, #tpu.memory_space<hbm>> -> memref<1x1x250x80xi32, #tpu.memory_space<hbm>>
      %dma_wait3A_77 = tpu.memref_squeeze %dma_wait3A_76 : memref<1x1x250x80xi32, #tpu.memory_space<hbm>> -> memref<250x80xi32, #tpu.memory_space<hbm>>
      %dma_wait3A_78 = arith.constant 0 : i32
      %dma_wait3A_79 = arith.constant 0 : i32
      %dma_wait3A_80 = tpu.memref_slice %arg3[%arg0, %arg1, %dma_wait3A_78, %dma_wait3A_79] : memref<2x16x250x80xi32, #tpu.memory_space<hbm>> -> memref<1x1x250x80xi32, #tpu.memory_space<hbm>>
      %dma_wait3A_81 = tpu.memref_squeeze %dma_wait3A_80 : memref<1x1x250x80xi32, #tpu.memory_space<hbm>> -> memref<250x80xi32, #tpu.memory_space<hbm>>
      tpu.wait_dma2 semaphore(%run_scoped3A : memref<!tpu.dma_semaphore, #tpu.memory_space<semaphore_mem>>) src(%dma_wait3A_81 : memref<250x80xi32, #tpu.memory_space<hbm>>) dst(%arg7 : memref<250x80xi32, #tpu.memory_space<vmem>>)
      tpu.yield
    }) : () -> ()
    "tpu.region"() ({
      %run_scoped3A = tpu.sem_alloc : memref<!tpu.dma_semaphore, #tpu.memory_space<semaphore_mem>>
      %dma_start3A_66 = arith.constant 0 : i32
      %dma_start3A_67 = arith.constant 0 : i32
      %dma_start3A_68 = tpu.memref_slice %arg4[%arg1, %dma_start3A_66, %dma_start3A_67] : memref<16x250x80xi32, #tpu.memory_space<hbm>> -> memref<1x250x80xi32, #tpu.memory_space<hbm>>
      %dma_start3A_69 = tpu.memref_squeeze %dma_start3A_68 : memref<1x250x80xi32, #tpu.memory_space<hbm>> -> memref<250x80xi32, #tpu.memory_space<hbm>>
      %dma_start3A_70 = arith.constant 0 : i32
      %dma_start3A_71 = arith.constant 0 : i32
      %dma_start3A_72 = tpu.memref_slice %arg4[%arg1, %dma_start3A_70, %dma_start3A_71] : memref<16x250x80xi32, #tpu.memory_space<hbm>> -> memref<1x250x80xi32, #tpu.memory_space<hbm>>
      %dma_start3A_73 = tpu.memref_squeeze %dma_start3A_72 : memref<1x250x80xi32, #tpu.memory_space<hbm>> -> memref<250x80xi32, #tpu.memory_space<hbm>>
      tpu.enqueue_dma source(%dma_start3A_73 : memref<250x80xi32, #tpu.memory_space<hbm>>) target(%arg8 : memref<250x80xi32, #tpu.memory_space<vmem>>) target_semaphore(%run_scoped3A : memref<!tpu.dma_semaphore, #tpu.memory_space<semaphore_mem>>)
      %dma_wait3A_74 = arith.constant 0 : i32
      %dma_wait3A_75 = arith.constant 0 : i32
      %dma_wait3A_76 = tpu.memref_slice %arg4[%arg1, %dma_wait3A_74, %dma_wait3A_75] : memref<16x250x80xi32, #tpu.memory_space<hbm>> -> memref<1x250x80xi32, #tpu.memory_space<hbm>>
      %dma_wait3A_77 = tpu.memref_squeeze %dma_wait3A_76 : memref<1x250x80xi32, #tpu.memory_space<hbm>> -> memref<250x80xi32, #tpu.memory_space<hbm>>
      %dma_wait3A_78 = arith.constant 0 : i32
      %dma_wait3A_79 = arith.constant 0 : i32
      %dma_wait3A_80 = tpu.memref_slice %arg4[%arg1, %dma_wait3A_78, %dma_wait3A_79] : memref<16x250x80xi32, #tpu.memory_space<hbm>> -> memref<1x250x80xi32, #tpu.memory_space<hbm>>
      %dma_wait3A_81 = tpu.memref_squeeze %dma_wait3A_80 : memref<1x250x80xi32, #tpu.memory_space<hbm>> -> memref<250x80xi32, #tpu.memory_space<hbm>>
      tpu.wait_dma2 semaphore(%run_scoped3A : memref<!tpu.dma_semaphore, #tpu.memory_space<semaphore_mem>>) src(%dma_wait3A_81 : memref<250x80xi32, #tpu.memory_space<hbm>>) dst(%arg8 : memref<250x80xi32, #tpu.memory_space<vmem>>)
      tpu.yield
    }) : () -> ()
    %barrier3A = arith.constant 0 : index
    tpu.barrier barrier_id(%barrier3A)
    %scan3A = arith.constant 0 : i32
    %scan3A_1 = arith.constant 0 : i32
    %scan3A_2 = arith.constant 31 : i32
    %scan3A_3 = arith.addi %scan3A_1, %scan3A_2 : i32
    %scan3A_4 = arith.constant 1 : i32
    %scan3A_5 = scf.for %scan3A_66 = %scan3A_1 to %scan3A_3 step %scan3A_4 iter_args(%scan3A_67 = %scan3A) -> (i32)  : i32 {
      %mul3A_68 = arith.constant 8 : i32
      %mul3A_69 = arith.muli %scan3A_66, %mul3A_68 : i32
      %add3A = arith.constant 0 : i32
      %add3A_70 = arith.addi %mul3A_69, %add3A : i32
      %dma_start3A_71 = arith.constant 0 : i32
      %dma_start3A_72 = tpu.memref_slice %arg7[%add3A_70, %dma_start3A_71] : memref<250x80xi32, #tpu.memory_space<vmem>> -> memref<1x80xi32, #tpu.memory_space<vmem>>
      %dma_start3A_73 = tpu.memref_squeeze %dma_start3A_72 : memref<1x80xi32, #tpu.memory_space<vmem>> -> memref<80xi32, #tpu.memory_space<vmem>>
      %dma_start3A_74 = arith.constant 0 : i32
      %dma_start3A_75 = arith.constant 0 : i32
      %dma_start3A_76 = tpu.memref_slice %arg2[%dma_start3A_74, %dma_start3A_75] : memref<20000x64xf32, #tpu.memory_space<hbm>> -> memref<20000x64xf32, #tpu.memory_space<hbm>>
      tpu.enqueue_indirect_dma source(%dma_start3A_76 : memref<20000x64xf32, #tpu.memory_space<hbm>>) target(%arg9 : memref<80x64xf32, #tpu.memory_space<vmem>>) offsets(%dma_start3A_73 : memref<80xi32, #tpu.memory_space<vmem>>) semaphore(%arg18 : memref<!tpu.dma_semaphore, #tpu.memory_space<semaphore_mem>>)
      %add3A_77 = arith.constant 1 : i32
      %add3A_78 = arith.addi %mul3A_69, %add3A_77 : i32
      %dma_start3A_79 = arith.constant 0 : i32
      %dma_start3A_80 = tpu.memref_slice %arg7[%add3A_78, %dma_start3A_79] : memref<250x80xi32, #tpu.memory_space<vmem>> -> memref<1x80xi32, #tpu.memory_space<vmem>>
      %dma_start3A_81 = tpu.memref_squeeze %dma_start3A_80 : memref<1x80xi32, #tpu.memory_space<vmem>> -> memref<80xi32, #tpu.memory_space<vmem>>
      %dma_start3A_82 = arith.constant 0 : i32
      %dma_start3A_83 = arith.constant 0 : i32
      %dma_start3A_84 = tpu.memref_slice %arg2[%dma_start3A_82, %dma_start3A_83] : memref<20000x64xf32, #tpu.memory_space<hbm>> -> memref<20000x64xf32, #tpu.memory_space<hbm>>
      tpu.enqueue_indirect_dma source(%dma_start3A_84 : memref<20000x64xf32, #tpu.memory_space<hbm>>) target(%arg10 : memref<80x64xf32, #tpu.memory_space<vmem>>) offsets(%dma_start3A_81 : memref<80xi32, #tpu.memory_space<vmem>>) semaphore(%arg19 : memref<!tpu.dma_semaphore, #tpu.memory_space<semaphore_mem>>)
      %add3A_85 = arith.constant 2 : i32
      %add3A_86 = arith.addi %mul3A_69, %add3A_85 : i32
      %dma_start3A_87 = arith.constant 0 : i32
      %dma_start3A_88 = tpu.memref_slice %arg7[%add3A_86, %dma_start3A_87] : memref<250x80xi32, #tpu.memory_space<vmem>> -> memref<1x80xi32, #tpu.memory_space<vmem>>
      %dma_start3A_89 = tpu.memref_squeeze %dma_start3A_88 : memref<1x80xi32, #tpu.memory_space<vmem>> -> memref<80xi32, #tpu.memory_space<vmem>>
      %dma_start3A_90 = arith.constant 0 : i32
      %dma_start3A_91 = arith.constant 0 : i32
      %dma_start3A_92 = tpu.memref_slice %arg2[%dma_start3A_90, %dma_start3A_91] : memref<20000x64xf32, #tpu.memory_space<hbm>> -> memref<20000x64xf32, #tpu.memory_space<hbm>>
      tpu.enqueue_indirect_dma source(%dma_start3A_92 : memref<20000x64xf32, #tpu.memory_space<hbm>>) target(%arg11 : memref<80x64xf32, #tpu.memory_space<vmem>>) offsets(%dma_start3A_89 : memref<80xi32, #tpu.memory_space<vmem>>) semaphore(%arg20 : memref<!tpu.dma_semaphore, #tpu.memory_space<semaphore_mem>>)
      %add3A_93 = arith.constant 3 : i32
      %add3A_94 = arith.addi %mul3A_69, %add3A_93 : i32
      %dma_start3A_95 = arith.constant 0 : i32
      %dma_start3A_96 = tpu.memref_slice %arg7[%add3A_94, %dma_start3A_95] : memref<250x80xi32, #tpu.memory_space<vmem>> -> memref<1x80xi32, #tpu.memory_space<vmem>>
      %dma_start3A_97 = tpu.memref_squeeze %dma_start3A_96 : memref<1x80xi32, #tpu.memory_space<vmem>> -> memref<80xi32, #tpu.memory_space<vmem>>
      %dma_start3A_98 = arith.constant 0 : i32
      %dma_start3A_99 = arith.constant 0 : i32
      %dma_start3A_100 = tpu.memref_slice %arg2[%dma_start3A_98, %dma_start3A_99] : memref<20000x64xf32, #tpu.memory_space<hbm>> -> memref<20000x64xf32, #tpu.memory_space<hbm>>
      tpu.enqueue_indirect_dma source(%dma_start3A_100 : memref<20000x64xf32, #tpu.memory_space<hbm>>) target(%arg12 : memref<80x64xf32, #tpu.memory_space<vmem>>) offsets(%dma_start3A_97 : memref<80xi32, #tpu.memory_space<vmem>>) semaphore(%arg21 : memref<!tpu.dma_semaphore, #tpu.memory_space<semaphore_mem>>)
      %add3A_101 = arith.constant 4 : i32
      %add3A_102 = arith.addi %mul3A_69, %add3A_101 : i32
      %dma_start3A_103 = arith.constant 0 : i32
      %dma_start3A_104 = tpu.memref_slice %arg7[%add3A_102, %dma_start3A_103] : memref<250x80xi32, #tpu.memory_space<vmem>> -> memref<1x80xi32, #tpu.memory_space<vmem>>
      %dma_start3A_105 = tpu.memref_squeeze %dma_start3A_104 : memref<1x80xi32, #tpu.memory_space<vmem>> -> memref<80xi32, #tpu.memory_space<vmem>>
      %dma_start3A_106 = arith.constant 0 : i32
      %dma_start3A_107 = arith.constant 0 : i32
      %dma_start3A_108 = tpu.memref_slice %arg2[%dma_start3A_106, %dma_start3A_107] : memref<20000x64xf32, #tpu.memory_space<hbm>> -> memref<20000x64xf32, #tpu.memory_space<hbm>>
      tpu.enqueue_indirect_dma source(%dma_start3A_108 : memref<20000x64xf32, #tpu.memory_space<hbm>>) target(%arg13 : memref<80x64xf32, #tpu.memory_space<vmem>>) offsets(%dma_start3A_105 : memref<80xi32, #tpu.memory_space<vmem>>) semaphore(%arg22 : memref<!tpu.dma_semaphore, #tpu.memory_space<semaphore_mem>>)
      %add3A_109 = arith.constant 5 : i32
      %add3A_110 = arith.addi %mul3A_69, %add3A_109 : i32
      %dma_start3A_111 = arith.constant 0 : i32
      %dma_start3A_112 = tpu.memref_slice %arg7[%add3A_110, %dma_start3A_111] : memref<250x80xi32, #tpu.memory_space<vmem>> -> memref<1x80xi32, #tpu.memory_space<vmem>>
      %dma_start3A_113 = tpu.memref_squeeze %dma_start3A_112 : memref<1x80xi32, #tpu.memory_space<vmem>> -> memref<80xi32, #tpu.memory_space<vmem>>
      %dma_start3A_114 = arith.constant 0 : i32
      %dma_start3A_115 = arith.constant 0 : i32
      %dma_start3A_116 = tpu.memref_slice %arg2[%dma_start3A_114, %dma_start3A_115] : memref<20000x64xf32, #tpu.memory_space<hbm>> -> memref<20000x64xf32, #tpu.memory_space<hbm>>
      tpu.enqueue_indirect_dma source(%dma_start3A_116 : memref<20000x64xf32, #tpu.memory_space<hbm>>) target(%arg14 : memref<80x64xf32, #tpu.memory_space<vmem>>) offsets(%dma_start3A_113 : memref<80xi32, #tpu.memory_space<vmem>>) semaphore(%arg23 : memref<!tpu.dma_semaphore, #tpu.memory_space<semaphore_mem>>)
      %add3A_117 = arith.constant 6 : i32
      %add3A_118 = arith.addi %mul3A_69, %add3A_117 : i32
      %dma_start3A_119 = arith.constant 0 : i32
      %dma_start3A_120 = tpu.memref_slice %arg7[%add3A_118, %dma_start3A_119] : memref<250x80xi32, #tpu.memory_space<vmem>> -> memref<1x80xi32, #tpu.memory_space<vmem>>
      %dma_start3A_121 = tpu.memref_squeeze %dma_start3A_120 : memref<1x80xi32, #tpu.memory_space<vmem>> -> memref<80xi32, #tpu.memory_space<vmem>>
      %dma_start3A_122 = arith.constant 0 : i32
      %dma_start3A_123 = arith.constant 0 : i32
      %dma_start3A_124 = tpu.memref_slice %arg2[%dma_start3A_122, %dma_start3A_123] : memref<20000x64xf32, #tpu.memory_space<hbm>> -> memref<20000x64xf32, #tpu.memory_space<hbm>>
      tpu.enqueue_indirect_dma source(%dma_start3A_124 : memref<20000x64xf32, #tpu.memory_space<hbm>>) target(%arg15 : memref<80x64xf32, #tpu.memory_space<vmem>>) offsets(%dma_start3A_121 : memref<80xi32, #tpu.memory_space<vmem>>) semaphore(%arg24 : memref<!tpu.dma_semaphore, #tpu.memory_space<semaphore_mem>>)
      %add3A_125 = arith.constant 7 : i32
      %add3A_126 = arith.addi %mul3A_69, %add3A_125 : i32
      %dma_start3A_127 = arith.constant 0 : i32
      %dma_start3A_128 = tpu.memref_slice %arg7[%add3A_126, %dma_start3A_127] : memref<250x80xi32, #tpu.memory_space<vmem>> -> memref<1x80xi32, #tpu.memory_space<vmem>>
      %dma_start3A_129 = tpu.memref_squeeze %dma_start3A_128 : memref<1x80xi32, #tpu.memory_space<vmem>> -> memref<80xi32, #tpu.memory_space<vmem>>
      %dma_start3A_130 = arith.constant 0 : i32
      %dma_start3A_131 = arith.constant 0 : i32
      %dma_start3A_132 = tpu.memref_slice %arg2[%dma_start3A_130, %dma_start3A_131] : memref<20000x64xf32, #tpu.memory_space<hbm>> -> memref<20000x64xf32, #tpu.memory_space<hbm>>
      tpu.enqueue_indirect_dma source(%dma_start3A_132 : memref<20000x64xf32, #tpu.memory_space<hbm>>) target(%arg16 : memref<80x64xf32, #tpu.memory_space<vmem>>) offsets(%dma_start3A_129 : memref<80xi32, #tpu.memory_space<vmem>>) semaphore(%arg25 : memref<!tpu.dma_semaphore, #tpu.memory_space<semaphore_mem>>)
      %dma_wait3A_133 = arith.constant 0 : i32
      %dma_wait3A_134 = tpu.memref_slice %arg7[%add3A_70, %dma_wait3A_133] : memref<250x80xi32, #tpu.memory_space<vmem>> -> memref<1x80xi32, #tpu.memory_space<vmem>>
      %dma_wait3A_135 = tpu.memref_squeeze %dma_wait3A_134 : memref<1x80xi32, #tpu.memory_space<vmem>> -> memref<80xi32, #tpu.memory_space<vmem>>
      %dma_wait3A_136 = arith.constant 0 : i32
      %dma_wait3A_137 = arith.constant 0 : i32
      %dma_wait3A_138 = tpu.memref_slice %arg2[%dma_wait3A_136, %dma_wait3A_137] : memref<20000x64xf32, #tpu.memory_space<hbm>> -> memref<20000x64xf32, #tpu.memory_space<hbm>>
      tpu.wait_indirect_dma semaphore(%arg18 : memref<!tpu.dma_semaphore, #tpu.memory_space<semaphore_mem>>) src(%dma_wait3A_138 : memref<20000x64xf32, #tpu.memory_space<hbm>>) dst(%arg9 : memref<80x64xf32, #tpu.memory_space<vmem>>)
      %add3A_139 = arith.constant 0 : i32
      %add3A_140 = arith.addi %mul3A_69, %add3A_139 : i32
      %dma_start3A_141 = arith.constant 0 : i32
      %dma_start3A_142 = tpu.memref_slice %arg8[%add3A_140, %dma_start3A_141] : memref<250x80xi32, #tpu.memory_space<vmem>> -> memref<1x80xi32, #tpu.memory_space<vmem>>
      %dma_start3A_143 = tpu.memref_squeeze %dma_start3A_142 : memref<1x80xi32, #tpu.memory_space<vmem>> -> memref<80xi32, #tpu.memory_space<vmem>>
      %dma_start3A_144 = arith.constant 0 : i32
      %dma_start3A_145 = arith.constant 0 : i32
      %dma_start3A_146 = tpu.memref_slice %arg17[%dma_start3A_144, %dma_start3A_145] : memref<10240x64xf32, #tpu.memory_space<vmem_shared>> -> memref<10240x64xf32, #tpu.memory_space<vmem_shared>>
      tpu.enqueue_indirect_dma source(%arg9 : memref<80x64xf32, #tpu.memory_space<vmem>>) target(%dma_start3A_146 : memref<10240x64xf32, #tpu.memory_space<vmem_shared>>) offsets(%dma_start3A_143 : memref<80xi32, #tpu.memory_space<vmem>>) semaphore(%arg26 : memref<!tpu.dma_semaphore, #tpu.memory_space<semaphore_mem>>) {add = true}
      %dma_wait3A_147 = arith.constant 0 : i32
      %dma_wait3A_148 = tpu.memref_slice %arg7[%add3A_78, %dma_wait3A_147] : memref<250x80xi32, #tpu.memory_space<vmem>> -> memref<1x80xi32, #tpu.memory_space<vmem>>
      %dma_wait3A_149 = tpu.memref_squeeze %dma_wait3A_148 : memref<1x80xi32, #tpu.memory_space<vmem>> -> memref<80xi32, #tpu.memory_space<vmem>>
      %dma_wait3A_150 = arith.constant 0 : i32
      %dma_wait3A_151 = arith.constant 0 : i32
      %dma_wait3A_152 = tpu.memref_slice %arg2[%dma_wait3A_150, %dma_wait3A_151] : memref<20000x64xf32, #tpu.memory_space<hbm>> -> memref<20000x64xf32, #tpu.memory_space<hbm>>
      tpu.wait_indirect_dma semaphore(%arg19 : memref<!tpu.dma_semaphore, #tpu.memory_space<semaphore_mem>>) src(%dma_wait3A_152 : memref<20000x64xf32, #tpu.memory_space<hbm>>) dst(%arg10 : memref<80x64xf32, #tpu.memory_space<vmem>>)
      %add3A_153 = arith.constant 1 : i32
      %add3A_154 = arith.addi %mul3A_69, %add3A_153 : i32
      %dma_start3A_155 = arith.constant 0 : i32
      %dma_start3A_156 = tpu.memref_slice %arg8[%add3A_154, %dma_start3A_155] : memref<250x80xi32, #tpu.memory_space<vmem>> -> memref<1x80xi32, #tpu.memory_space<vmem>>
      %dma_start3A_157 = tpu.memref_squeeze %dma_start3A_156 : memref<1x80xi32, #tpu.memory_space<vmem>> -> memref<80xi32, #tpu.memory_space<vmem>>
      %dma_start3A_158 = arith.constant 0 : i32
      %dma_start3A_159 = arith.constant 0 : i32
      %dma_start3A_160 = tpu.memref_slice %arg17[%dma_start3A_158, %dma_start3A_159] : memref<10240x64xf32, #tpu.memory_space<vmem_shared>> -> memref<10240x64xf32, #tpu.memory_space<vmem_shared>>
      tpu.enqueue_indirect_dma source(%arg10 : memref<80x64xf32, #tpu.memory_space<vmem>>) target(%dma_start3A_160 : memref<10240x64xf32, #tpu.memory_space<vmem_shared>>) offsets(%dma_start3A_157 : memref<80xi32, #tpu.memory_space<vmem>>) semaphore(%arg27 : memref<!tpu.dma_semaphore, #tpu.memory_space<semaphore_mem>>) {add = true}
      %dma_wait3A_161 = arith.constant 0 : i32
      %dma_wait3A_162 = tpu.memref_slice %arg7[%add3A_86, %dma_wait3A_161] : memref<250x80xi32, #tpu.memory_space<vmem>> -> memref<1x80xi32, #tpu.memory_space<vmem>>
      %dma_wait3A_163 = tpu.memref_squeeze %dma_wait3A_162 : memref<1x80xi32, #tpu.memory_space<vmem>> -> memref<80xi32, #tpu.memory_space<vmem>>
      %dma_wait3A_164 = arith.constant 0 : i32
      %dma_wait3A_165 = arith.constant 0 : i32
      %dma_wait3A_166 = tpu.memref_slice %arg2[%dma_wait3A_164, %dma_wait3A_165] : memref<20000x64xf32, #tpu.memory_space<hbm>> -> memref<20000x64xf32, #tpu.memory_space<hbm>>
      tpu.wait_indirect_dma semaphore(%arg20 : memref<!tpu.dma_semaphore, #tpu.memory_space<semaphore_mem>>) src(%dma_wait3A_166 : memref<20000x64xf32, #tpu.memory_space<hbm>>) dst(%arg11 : memref<80x64xf32, #tpu.memory_space<vmem>>)
      %add3A_167 = arith.constant 2 : i32
      %add3A_168 = arith.addi %mul3A_69, %add3A_167 : i32
      %dma_start3A_169 = arith.constant 0 : i32
      %dma_start3A_170 = tpu.memref_slice %arg8[%add3A_168, %dma_start3A_169] : memref<250x80xi32, #tpu.memory_space<vmem>> -> memref<1x80xi32, #tpu.memory_space<vmem>>
      %dma_start3A_171 = tpu.memref_squeeze %dma_start3A_170 : memref<1x80xi32, #tpu.memory_space<vmem>> -> memref<80xi32, #tpu.memory_space<vmem>>
      %dma_start3A_172 = arith.constant 0 : i32
      %dma_start3A_173 = arith.constant 0 : i32
      %dma_start3A_174 = tpu.memref_slice %arg17[%dma_start3A_172, %dma_start3A_173] : memref<10240x64xf32, #tpu.memory_space<vmem_shared>> -> memref<10240x64xf32, #tpu.memory_space<vmem_shared>>
      tpu.enqueue_indirect_dma source(%arg11 : memref<80x64xf32, #tpu.memory_space<vmem>>) target(%dma_start3A_174 : memref<10240x64xf32, #tpu.memory_space<vmem_shared>>) offsets(%dma_start3A_171 : memref<80xi32, #tpu.memory_space<vmem>>) semaphore(%arg28 : memref<!tpu.dma_semaphore, #tpu.memory_space<semaphore_mem>>) {add = true}
      %dma_wait3A_175 = arith.constant 0 : i32
      %dma_wait3A_176 = tpu.memref_slice %arg7[%add3A_94, %dma_wait3A_175] : memref<250x80xi32, #tpu.memory_space<vmem>> -> memref<1x80xi32, #tpu.memory_space<vmem>>
      %dma_wait3A_177 = tpu.memref_squeeze %dma_wait3A_176 : memref<1x80xi32, #tpu.memory_space<vmem>> -> memref<80xi32, #tpu.memory_space<vmem>>
      %dma_wait3A_178 = arith.constant 0 : i32
      %dma_wait3A_179 = arith.constant 0 : i32
      %dma_wait3A_180 = tpu.memref_slice %arg2[%dma_wait3A_178, %dma_wait3A_179] : memref<20000x64xf32, #tpu.memory_space<hbm>> -> memref<20000x64xf32, #tpu.memory_space<hbm>>
      tpu.wait_indirect_dma semaphore(%arg21 : memref<!tpu.dma_semaphore, #tpu.memory_space<semaphore_mem>>) src(%dma_wait3A_180 : memref<20000x64xf32, #tpu.memory_space<hbm>>) dst(%arg12 : memref<80x64xf32, #tpu.memory_space<vmem>>)
      %add3A_181 = arith.constant 3 : i32
      %add3A_182 = arith.addi %mul3A_69, %add3A_181 : i32
      %dma_start3A_183 = arith.constant 0 : i32
      %dma_start3A_184 = tpu.memref_slice %arg8[%add3A_182, %dma_start3A_183] : memref<250x80xi32, #tpu.memory_space<vmem>> -> memref<1x80xi32, #tpu.memory_space<vmem>>
      %dma_start3A_185 = tpu.memref_squeeze %dma_start3A_184 : memref<1x80xi32, #tpu.memory_space<vmem>> -> memref<80xi32, #tpu.memory_space<vmem>>
      %dma_start3A_186 = arith.constant 0 : i32
      %dma_start3A_187 = arith.constant 0 : i32
      %dma_start3A_188 = tpu.memref_slice %arg17[%dma_start3A_186, %dma_start3A_187] : memref<10240x64xf32, #tpu.memory_space<vmem_shared>> -> memref<10240x64xf32, #tpu.memory_space<vmem_shared>>
      tpu.enqueue_indirect_dma source(%arg12 : memref<80x64xf32, #tpu.memory_space<vmem>>) target(%dma_start3A_188 : memref<10240x64xf32, #tpu.memory_space<vmem_shared>>) offsets(%dma_start3A_185 : memref<80xi32, #tpu.memory_space<vmem>>) semaphore(%arg29 : memref<!tpu.dma_semaphore, #tpu.memory_space<semaphore_mem>>) {add = true}
      %dma_wait3A_189 = arith.constant 0 : i32
      %dma_wait3A_190 = tpu.memref_slice %arg7[%add3A_102, %dma_wait3A_189] : memref<250x80xi32, #tpu.memory_space<vmem>> -> memref<1x80xi32, #tpu.memory_space<vmem>>
      %dma_wait3A_191 = tpu.memref_squeeze %dma_wait3A_190 : memref<1x80xi32, #tpu.memory_space<vmem>> -> memref<80xi32, #tpu.memory_space<vmem>>
      %dma_wait3A_192 = arith.constant 0 : i32
      %dma_wait3A_193 = arith.constant 0 : i32
      %dma_wait3A_194 = tpu.memref_slice %arg2[%dma_wait3A_192, %dma_wait3A_193] : memref<20000x64xf32, #tpu.memory_space<hbm>> -> memref<20000x64xf32, #tpu.memory_space<hbm>>
      tpu.wait_indirect_dma semaphore(%arg22 : memref<!tpu.dma_semaphore, #tpu.memory_space<semaphore_mem>>) src(%dma_wait3A_194 : memref<20000x64xf32, #tpu.memory_space<hbm>>) dst(%arg13 : memref<80x64xf32, #tpu.memory_space<vmem>>)
      %add3A_195 = arith.constant 4 : i32
      %add3A_196 = arith.addi %mul3A_69, %add3A_195 : i32
      %dma_start3A_197 = arith.constant 0 : i32
      %dma_start3A_198 = tpu.memref_slice %arg8[%add3A_196, %dma_start3A_197] : memref<250x80xi32, #tpu.memory_space<vmem>> -> memref<1x80xi32, #tpu.memory_space<vmem>>
      %dma_start3A_199 = tpu.memref_squeeze %dma_start3A_198 : memref<1x80xi32, #tpu.memory_space<vmem>> -> memref<80xi32, #tpu.memory_space<vmem>>
      %dma_start3A_200 = arith.constant 0 : i32
      %dma_start3A_201 = arith.constant 0 : i32
      %dma_start3A_202 = tpu.memref_slice %arg17[%dma_start3A_200, %dma_start3A_201] : memref<10240x64xf32, #tpu.memory_space<vmem_shared>> -> memref<10240x64xf32, #tpu.memory_space<vmem_shared>>
      tpu.enqueue_indirect_dma source(%arg13 : memref<80x64xf32, #tpu.memory_space<vmem>>) target(%dma_start3A_202 : memref<10240x64xf32, #tpu.memory_space<vmem_shared>>) offsets(%dma_start3A_199 : memref<80xi32, #tpu.memory_space<vmem>>) semaphore(%arg30 : memref<!tpu.dma_semaphore, #tpu.memory_space<semaphore_mem>>) {add = true}
      %dma_wait3A_203 = arith.constant 0 : i32
      %dma_wait3A_204 = tpu.memref_slice %arg7[%add3A_110, %dma_wait3A_203] : memref<250x80xi32, #tpu.memory_space<vmem>> -> memref<1x80xi32, #tpu.memory_space<vmem>>
      %dma_wait3A_205 = tpu.memref_squeeze %dma_wait3A_204 : memref<1x80xi32, #tpu.memory_space<vmem>> -> memref<80xi32, #tpu.memory_space<vmem>>
      %dma_wait3A_206 = arith.constant 0 : i32
      %dma_wait3A_207 = arith.constant 0 : i32
      %dma_wait3A_208 = tpu.memref_slice %arg2[%dma_wait3A_206, %dma_wait3A_207] : memref<20000x64xf32, #tpu.memory_space<hbm>> -> memref<20000x64xf32, #tpu.memory_space<hbm>>
      tpu.wait_indirect_dma semaphore(%arg23 : memref<!tpu.dma_semaphore, #tpu.memory_space<semaphore_mem>>) src(%dma_wait3A_208 : memref<20000x64xf32, #tpu.memory_space<hbm>>) dst(%arg14 : memref<80x64xf32, #tpu.memory_space<vmem>>)
      %add3A_209 = arith.constant 5 : i32
      %add3A_210 = arith.addi %mul3A_69, %add3A_209 : i32
      %dma_start3A_211 = arith.constant 0 : i32
      %dma_start3A_212 = tpu.memref_slice %arg8[%add3A_210, %dma_start3A_211] : memref<250x80xi32, #tpu.memory_space<vmem>> -> memref<1x80xi32, #tpu.memory_space<vmem>>
      %dma_start3A_213 = tpu.memref_squeeze %dma_start3A_212 : memref<1x80xi32, #tpu.memory_space<vmem>> -> memref<80xi32, #tpu.memory_space<vmem>>
      %dma_start3A_214 = arith.constant 0 : i32
      %dma_start3A_215 = arith.constant 0 : i32
      %dma_start3A_216 = tpu.memref_slice %arg17[%dma_start3A_214, %dma_start3A_215] : memref<10240x64xf32, #tpu.memory_space<vmem_shared>> -> memref<10240x64xf32, #tpu.memory_space<vmem_shared>>
      tpu.enqueue_indirect_dma source(%arg14 : memref<80x64xf32, #tpu.memory_space<vmem>>) target(%dma_start3A_216 : memref<10240x64xf32, #tpu.memory_space<vmem_shared>>) offsets(%dma_start3A_213 : memref<80xi32, #tpu.memory_space<vmem>>) semaphore(%arg31 : memref<!tpu.dma_semaphore, #tpu.memory_space<semaphore_mem>>) {add = true}
      %dma_wait3A_217 = arith.constant 0 : i32
      %dma_wait3A_218 = tpu.memref_slice %arg7[%add3A_118, %dma_wait3A_217] : memref<250x80xi32, #tpu.memory_space<vmem>> -> memref<1x80xi32, #tpu.memory_space<vmem>>
      %dma_wait3A_219 = tpu.memref_squeeze %dma_wait3A_218 : memref<1x80xi32, #tpu.memory_space<vmem>> -> memref<80xi32, #tpu.memory_space<vmem>>
      %dma_wait3A_220 = arith.constant 0 : i32
      %dma_wait3A_221 = arith.constant 0 : i32
      %dma_wait3A_222 = tpu.memref_slice %arg2[%dma_wait3A_220, %dma_wait3A_221] : memref<20000x64xf32, #tpu.memory_space<hbm>> -> memref<20000x64xf32, #tpu.memory_space<hbm>>
      tpu.wait_indirect_dma semaphore(%arg24 : memref<!tpu.dma_semaphore, #tpu.memory_space<semaphore_mem>>) src(%dma_wait3A_222 : memref<20000x64xf32, #tpu.memory_space<hbm>>) dst(%arg15 : memref<80x64xf32, #tpu.memory_space<vmem>>)
      %add3A_223 = arith.constant 6 : i32
      %add3A_224 = arith.addi %mul3A_69, %add3A_223 : i32
      %dma_start3A_225 = arith.constant 0 : i32
      %dma_start3A_226 = tpu.memref_slice %arg8[%add3A_224, %dma_start3A_225] : memref<250x80xi32, #tpu.memory_space<vmem>> -> memref<1x80xi32, #tpu.memory_space<vmem>>
      %dma_start3A_227 = tpu.memref_squeeze %dma_start3A_226 : memref<1x80xi32, #tpu.memory_space<vmem>> -> memref<80xi32, #tpu.memory_space<vmem>>
      %dma_start3A_228 = arith.constant 0 : i32
      %dma_start3A_229 = arith.constant 0 : i32
      %dma_start3A_230 = tpu.memref_slice %arg17[%dma_start3A_228, %dma_start3A_229] : memref<10240x64xf32, #tpu.memory_space<vmem_shared>> -> memref<10240x64xf32, #tpu.memory_space<vmem_shared>>
      tpu.enqueue_indirect_dma source(%arg15 : memref<80x64xf32, #tpu.memory_space<vmem>>) target(%dma_start3A_230 : memref<10240x64xf32, #tpu.memory_space<vmem_shared>>) offsets(%dma_start3A_227 : memref<80xi32, #tpu.memory_space<vmem>>) semaphore(%arg32 : memref<!tpu.dma_semaphore, #tpu.memory_space<semaphore_mem>>) {add = true}
      %dma_wait3A_231 = arith.constant 0 : i32
      %dma_wait3A_232 = tpu.memref_slice %arg7[%add3A_126, %dma_wait3A_231] : memref<250x80xi32, #tpu.memory_space<vmem>> -> memref<1x80xi32, #tpu.memory_space<vmem>>
      %dma_wait3A_233 = tpu.memref_squeeze %dma_wait3A_232 : memref<1x80xi32, #tpu.memory_space<vmem>> -> memref<80xi32, #tpu.memory_space<vmem>>
      %dma_wait3A_234 = arith.constant 0 : i32
      %dma_wait3A_235 = arith.constant 0 : i32
      %dma_wait3A_236 = tpu.memref_slice %arg2[%dma_wait3A_234, %dma_wait3A_235] : memref<20000x64xf32, #tpu.memory_space<hbm>> -> memref<20000x64xf32, #tpu.memory_space<hbm>>
      tpu.wait_indirect_dma semaphore(%arg25 : memref<!tpu.dma_semaphore, #tpu.memory_space<semaphore_mem>>) src(%dma_wait3A_236 : memref<20000x64xf32, #tpu.memory_space<hbm>>) dst(%arg16 : memref<80x64xf32, #tpu.memory_space<vmem>>)
      %add3A_237 = arith.constant 7 : i32
      %add3A_238 = arith.addi %mul3A_69, %add3A_237 : i32
      %dma_start3A_239 = arith.constant 0 : i32
      %dma_start3A_240 = tpu.memref_slice %arg8[%add3A_238, %dma_start3A_239] : memref<250x80xi32, #tpu.memory_space<vmem>> -> memref<1x80xi32, #tpu.memory_space<vmem>>
      %dma_start3A_241 = tpu.memref_squeeze %dma_start3A_240 : memref<1x80xi32, #tpu.memory_space<vmem>> -> memref<80xi32, #tpu.memory_space<vmem>>
      %dma_start3A_242 = arith.constant 0 : i32
      %dma_start3A_243 = arith.constant 0 : i32
      %dma_start3A_244 = tpu.memref_slice %arg17[%dma_start3A_242, %dma_start3A_243] : memref<10240x64xf32, #tpu.memory_space<vmem_shared>> -> memref<10240x64xf32, #tpu.memory_space<vmem_shared>>
      tpu.enqueue_indirect_dma source(%arg16 : memref<80x64xf32, #tpu.memory_space<vmem>>) target(%dma_start3A_244 : memref<10240x64xf32, #tpu.memory_space<vmem_shared>>) offsets(%dma_start3A_241 : memref<80xi32, #tpu.memory_space<vmem>>) semaphore(%arg33 : memref<!tpu.dma_semaphore, #tpu.memory_space<semaphore_mem>>) {add = true}
      %dma_wait3A_245 = arith.constant 0 : i32
      %dma_wait3A_246 = tpu.memref_slice %arg8[%add3A_140, %dma_wait3A_245] : memref<250x80xi32, #tpu.memory_space<vmem>> -> memref<1x80xi32, #tpu.memory_space<vmem>>
      %dma_wait3A_247 = tpu.memref_squeeze %dma_wait3A_246 : memref<1x80xi32, #tpu.memory_space<vmem>> -> memref<80xi32, #tpu.memory_space<vmem>>
      %dma_wait3A_248 = arith.constant 0 : i32
      %dma_wait3A_249 = arith.constant 0 : i32
      %dma_wait3A_250 = tpu.memref_slice %arg17[%dma_wait3A_248, %dma_wait3A_249] : memref<10240x64xf32, #tpu.memory_space<vmem_shared>> -> memref<10240x64xf32, #tpu.memory_space<vmem_shared>>
      tpu.wait_indirect_dma semaphore(%arg26 : memref<!tpu.dma_semaphore, #tpu.memory_space<semaphore_mem>>) src(%arg9 : memref<80x64xf32, #tpu.memory_space<vmem>>) dst(%dma_wait3A_250 : memref<10240x64xf32, #tpu.memory_space<vmem_shared>>)
      %dma_wait3A_251 = arith.constant 0 : i32
      %dma_wait3A_252 = tpu.memref_slice %arg8[%add3A_154, %dma_wait3A_251] : memref<250x80xi32, #tpu.memory_space<vmem>> -> memref<1x80xi32, #tpu.memory_space<vmem>>
      %dma_wait3A_253 = tpu.memref_squeeze %dma_wait3A_252 : memref<1x80xi32, #tpu.memory_space<vmem>> -> memref<80xi32, #tpu.memory_space<vmem>>
      %dma_wait3A_254 = arith.constant 0 : i32
      %dma_wait3A_255 = arith.constant 0 : i32
      %dma_wait3A_256 = tpu.memref_slice %arg17[%dma_wait3A_254, %dma_wait3A_255] : memref<10240x64xf32, #tpu.memory_space<vmem_shared>> -> memref<10240x64xf32, #tpu.memory_space<vmem_shared>>
      tpu.wait_indirect_dma semaphore(%arg27 : memref<!tpu.dma_semaphore, #tpu.memory_space<semaphore_mem>>) src(%arg10 : memref<80x64xf32, #tpu.memory_space<vmem>>) dst(%dma_wait3A_256 : memref<10240x64xf32, #tpu.memory_space<vmem_shared>>)
      %dma_wait3A_257 = arith.constant 0 : i32
      %dma_wait3A_258 = tpu.memref_slice %arg8[%add3A_168, %dma_wait3A_257] : memref<250x80xi32, #tpu.memory_space<vmem>> -> memref<1x80xi32, #tpu.memory_space<vmem>>
      %dma_wait3A_259 = tpu.memref_squeeze %dma_wait3A_258 : memref<1x80xi32, #tpu.memory_space<vmem>> -> memref<80xi32, #tpu.memory_space<vmem>>
      %dma_wait3A_260 = arith.constant 0 : i32
      %dma_wait3A_261 = arith.constant 0 : i32
      %dma_wait3A_262 = tpu.memref_slice %arg17[%dma_wait3A_260, %dma_wait3A_261] : memref<10240x64xf32, #tpu.memory_space<vmem_shared>> -> memref<10240x64xf32, #tpu.memory_space<vmem_shared>>
      tpu.wait_indirect_dma semaphore(%arg28 : memref<!tpu.dma_semaphore, #tpu.memory_space<semaphore_mem>>) src(%arg11 : memref<80x64xf32, #tpu.memory_space<vmem>>) dst(%dma_wait3A_262 : memref<10240x64xf32, #tpu.memory_space<vmem_shared>>)
      %dma_wait3A_263 = arith.constant 0 : i32
      %dma_wait3A_264 = tpu.memref_slice %arg8[%add3A_182, %dma_wait3A_263] : memref<250x80xi32, #tpu.memory_space<vmem>> -> memref<1x80xi32, #tpu.memory_space<vmem>>
      %dma_wait3A_265 = tpu.memref_squeeze %dma_wait3A_264 : memref<1x80xi32, #tpu.memory_space<vmem>> -> memref<80xi32, #tpu.memory_space<vmem>>
      %dma_wait3A_266 = arith.constant 0 : i32
      %dma_wait3A_267 = arith.constant 0 : i32
      %dma_wait3A_268 = tpu.memref_slice %arg17[%dma_wait3A_266, %dma_wait3A_267] : memref<10240x64xf32, #tpu.memory_space<vmem_shared>> -> memref<10240x64xf32, #tpu.memory_space<vmem_shared>>
      tpu.wait_indirect_dma semaphore(%arg29 : memref<!tpu.dma_semaphore, #tpu.memory_space<semaphore_mem>>) src(%arg12 : memref<80x64xf32, #tpu.memory_space<vmem>>) dst(%dma_wait3A_268 : memref<10240x64xf32, #tpu.memory_space<vmem_shared>>)
      %dma_wait3A_269 = arith.constant 0 : i32
      %dma_wait3A_270 = tpu.memref_slice %arg8[%add3A_196, %dma_wait3A_269] : memref<250x80xi32, #tpu.memory_space<vmem>> -> memref<1x80xi32, #tpu.memory_space<vmem>>
      %dma_wait3A_271 = tpu.memref_squeeze %dma_wait3A_270 : memref<1x80xi32, #tpu.memory_space<vmem>> -> memref<80xi32, #tpu.memory_space<vmem>>
      %dma_wait3A_272 = arith.constant 0 : i32
      %dma_wait3A_273 = arith.constant 0 : i32
      %dma_wait3A_274 = tpu.memref_slice %arg17[%dma_wait3A_272, %dma_wait3A_273] : memref<10240x64xf32, #tpu.memory_space<vmem_shared>> -> memref<10240x64xf32, #tpu.memory_space<vmem_shared>>
      tpu.wait_indirect_dma semaphore(%arg30 : memref<!tpu.dma_semaphore, #tpu.memory_space<semaphore_mem>>) src(%arg13 : memref<80x64xf32, #tpu.memory_space<vmem>>) dst(%dma_wait3A_274 : memref<10240x64xf32, #tpu.memory_space<vmem_shared>>)
      %dma_wait3A_275 = arith.constant 0 : i32
      %dma_wait3A_276 = tpu.memref_slice %arg8[%add3A_210, %dma_wait3A_275] : memref<250x80xi32, #tpu.memory_space<vmem>> -> memref<1x80xi32, #tpu.memory_space<vmem>>
      %dma_wait3A_277 = tpu.memref_squeeze %dma_wait3A_276 : memref<1x80xi32, #tpu.memory_space<vmem>> -> memref<80xi32, #tpu.memory_space<vmem>>
      %dma_wait3A_278 = arith.constant 0 : i32
      %dma_wait3A_279 = arith.constant 0 : i32
      %dma_wait3A_280 = tpu.memref_slice %arg17[%dma_wait3A_278, %dma_wait3A_279] : memref<10240x64xf32, #tpu.memory_space<vmem_shared>> -> memref<10240x64xf32, #tpu.memory_space<vmem_shared>>
      tpu.wait_indirect_dma semaphore(%arg31 : memref<!tpu.dma_semaphore, #tpu.memory_space<semaphore_mem>>) src(%arg14 : memref<80x64xf32, #tpu.memory_space<vmem>>) dst(%dma_wait3A_280 : memref<10240x64xf32, #tpu.memory_space<vmem_shared>>)
      %dma_wait3A_281 = arith.constant 0 : i32
      %dma_wait3A_282 = tpu.memref_slice %arg8[%add3A_224, %dma_wait3A_281] : memref<250x80xi32, #tpu.memory_space<vmem>> -> memref<1x80xi32, #tpu.memory_space<vmem>>
      %dma_wait3A_283 = tpu.memref_squeeze %dma_wait3A_282 : memref<1x80xi32, #tpu.memory_space<vmem>> -> memref<80xi32, #tpu.memory_space<vmem>>
      %dma_wait3A_284 = arith.constant 0 : i32
      %dma_wait3A_285 = arith.constant 0 : i32
      %dma_wait3A_286 = tpu.memref_slice %arg17[%dma_wait3A_284, %dma_wait3A_285] : memref<10240x64xf32, #tpu.memory_space<vmem_shared>> -> memref<10240x64xf32, #tpu.memory_space<vmem_shared>>
      tpu.wait_indirect_dma semaphore(%arg32 : memref<!tpu.dma_semaphore, #tpu.memory_space<semaphore_mem>>) src(%arg15 : memref<80x64xf32, #tpu.memory_space<vmem>>) dst(%dma_wait3A_286 : memref<10240x64xf32, #tpu.memory_space<vmem_shared>>)
      %dma_wait3A_287 = arith.constant 0 : i32
      %dma_wait3A_288 = tpu.memref_slice %arg8[%add3A_238, %dma_wait3A_287] : memref<250x80xi32, #tpu.memory_space<vmem>> -> memref<1x80xi32, #tpu.memory_space<vmem>>
      %dma_wait3A_289 = tpu.memref_squeeze %dma_wait3A_288 : memref<1x80xi32, #tpu.memory_space<vmem>> -> memref<80xi32, #tpu.memory_space<vmem>>
      %dma_wait3A_290 = arith.constant 0 : i32
      %dma_wait3A_291 = arith.constant 0 : i32
      %dma_wait3A_292 = tpu.memref_slice %arg17[%dma_wait3A_290, %dma_wait3A_291] : memref<10240x64xf32, #tpu.memory_space<vmem_shared>> -> memref<10240x64xf32, #tpu.memory_space<vmem_shared>>
      tpu.wait_indirect_dma semaphore(%arg33 : memref<!tpu.dma_semaphore, #tpu.memory_space<semaphore_mem>>) src(%arg16 : memref<80x64xf32, #tpu.memory_space<vmem>>) dst(%dma_wait3A_292 : memref<10240x64xf32, #tpu.memory_space<vmem_shared>>)
      %scan3A_293 = arith.constant 0 : i32
      scf.yield %scan3A_293 : i32
    }
    %scan3A_6 = arith.constant 31 : i32
    %dma_start3A = arith.constant 248 : i32
    %dma_start3A_7 = arith.constant 0 : i32
    %dma_start3A_8 = tpu.memref_slice %arg7[%dma_start3A, %dma_start3A_7] : memref<250x80xi32, #tpu.memory_space<vmem>> -> memref<1x80xi32, #tpu.memory_space<vmem>>
    %dma_start3A_9 = tpu.memref_squeeze %dma_start3A_8 : memref<1x80xi32, #tpu.memory_space<vmem>> -> memref<80xi32, #tpu.memory_space<vmem>>
    %dma_start3A_10 = arith.constant 0 : i32
    %dma_start3A_11 = arith.constant 0 : i32
    %dma_start3A_12 = tpu.memref_slice %arg2[%dma_start3A_10, %dma_start3A_11] : memref<20000x64xf32, #tpu.memory_space<hbm>> -> memref<20000x64xf32, #tpu.memory_space<hbm>>
    tpu.enqueue_indirect_dma source(%dma_start3A_12 : memref<20000x64xf32, #tpu.memory_space<hbm>>) target(%arg9 : memref<80x64xf32, #tpu.memory_space<vmem>>) offsets(%dma_start3A_9 : memref<80xi32, #tpu.memory_space<vmem>>) semaphore(%arg18 : memref<!tpu.dma_semaphore, #tpu.memory_space<semaphore_mem>>)
    %dma_start3A_13 = arith.constant 249 : i32
    %dma_start3A_14 = arith.constant 0 : i32
    %dma_start3A_15 = tpu.memref_slice %arg7[%dma_start3A_13, %dma_start3A_14] : memref<250x80xi32, #tpu.memory_space<vmem>> -> memref<1x80xi32, #tpu.memory_space<vmem>>
    %dma_start3A_16 = tpu.memref_squeeze %dma_start3A_15 : memref<1x80xi32, #tpu.memory_space<vmem>> -> memref<80xi32, #tpu.memory_space<vmem>>
    %dma_start3A_17 = arith.constant 0 : i32
    %dma_start3A_18 = arith.constant 0 : i32
    %dma_start3A_19 = tpu.memref_slice %arg2[%dma_start3A_17, %dma_start3A_18] : memref<20000x64xf32, #tpu.memory_space<hbm>> -> memref<20000x64xf32, #tpu.memory_space<hbm>>
    tpu.enqueue_indirect_dma source(%dma_start3A_19 : memref<20000x64xf32, #tpu.memory_space<hbm>>) target(%arg10 : memref<80x64xf32, #tpu.memory_space<vmem>>) offsets(%dma_start3A_16 : memref<80xi32, #tpu.memory_space<vmem>>) semaphore(%arg19 : memref<!tpu.dma_semaphore, #tpu.memory_space<semaphore_mem>>)
    %dma_wait3A = arith.constant 248 : i32
    %dma_wait3A_20 = arith.constant 0 : i32
    %dma_wait3A_21 = tpu.memref_slice %arg7[%dma_wait3A, %dma_wait3A_20] : memref<250x80xi32, #tpu.memory_space<vmem>> -> memref<1x80xi32, #tpu.memory_space<vmem>>
    %dma_wait3A_22 = tpu.memref_squeeze %dma_wait3A_21 : memref<1x80xi32, #tpu.memory_space<vmem>> -> memref<80xi32, #tpu.memory_space<vmem>>
    %dma_wait3A_23 = arith.constant 0 : i32
    %dma_wait3A_24 = arith.constant 0 : i32
    %dma_wait3A_25 = tpu.memref_slice %arg2[%dma_wait3A_23, %dma_wait3A_24] : memref<20000x64xf32, #tpu.memory_space<hbm>> -> memref<20000x64xf32, #tpu.memory_space<hbm>>
    tpu.wait_indirect_dma semaphore(%arg18 : memref<!tpu.dma_semaphore, #tpu.memory_space<semaphore_mem>>) src(%dma_wait3A_25 : memref<20000x64xf32, #tpu.memory_space<hbm>>) dst(%arg9 : memref<80x64xf32, #tpu.memory_space<vmem>>)
    %dma_start3A_26 = arith.constant 248 : i32
    %dma_start3A_27 = arith.constant 0 : i32
    %dma_start3A_28 = tpu.memref_slice %arg8[%dma_start3A_26, %dma_start3A_27] : memref<250x80xi32, #tpu.memory_space<vmem>> -> memref<1x80xi32, #tpu.memory_space<vmem>>
    %dma_start3A_29 = tpu.memref_squeeze %dma_start3A_28 : memref<1x80xi32, #tpu.memory_space<vmem>> -> memref<80xi32, #tpu.memory_space<vmem>>
    %dma_start3A_30 = arith.constant 0 : i32
    %dma_start3A_31 = arith.constant 0 : i32
    %dma_start3A_32 = tpu.memref_slice %arg17[%dma_start3A_30, %dma_start3A_31] : memref<10240x64xf32, #tpu.memory_space<vmem_shared>> -> memref<10240x64xf32, #tpu.memory_space<vmem_shared>>
    tpu.enqueue_indirect_dma source(%arg9 : memref<80x64xf32, #tpu.memory_space<vmem>>) target(%dma_start3A_32 : memref<10240x64xf32, #tpu.memory_space<vmem_shared>>) offsets(%dma_start3A_29 : memref<80xi32, #tpu.memory_space<vmem>>) semaphore(%arg26 : memref<!tpu.dma_semaphore, #tpu.memory_space<semaphore_mem>>) {add = true}
    %dma_wait3A_33 = arith.constant 249 : i32
    %dma_wait3A_34 = arith.constant 0 : i32
    %dma_wait3A_35 = tpu.memref_slice %arg7[%dma_wait3A_33, %dma_wait3A_34] : memref<250x80xi32, #tpu.memory_space<vmem>> -> memref<1x80xi32, #tpu.memory_space<vmem>>
    %dma_wait3A_36 = tpu.memref_squeeze %dma_wait3A_35 : memref<1x80xi32, #tpu.memory_space<vmem>> -> memref<80xi32, #tpu.memory_space<vmem>>
    %dma_wait3A_37 = arith.constant 0 : i32
    %dma_wait3A_38 = arith.constant 0 : i32
    %dma_wait3A_39 = tpu.memref_slice %arg2[%dma_wait3A_37, %dma_wait3A_38] : memref<20000x64xf32, #tpu.memory_space<hbm>> -> memref<20000x64xf32, #tpu.memory_space<hbm>>
    tpu.wait_indirect_dma semaphore(%arg19 : memref<!tpu.dma_semaphore, #tpu.memory_space<semaphore_mem>>) src(%dma_wait3A_39 : memref<20000x64xf32, #tpu.memory_space<hbm>>) dst(%arg10 : memref<80x64xf32, #tpu.memory_space<vmem>>)
    %dma_start3A_40 = arith.constant 249 : i32
    %dma_start3A_41 = arith.constant 0 : i32
    %dma_start3A_42 = tpu.memref_slice %arg8[%dma_start3A_40, %dma_start3A_41] : memref<250x80xi32, #tpu.memory_space<vmem>> -> memref<1x80xi32, #tpu.memory_space<vmem>>
    %dma_start3A_43 = tpu.memref_squeeze %dma_start3A_42 : memref<1x80xi32, #tpu.memory_space<vmem>> -> memref<80xi32, #tpu.memory_space<vmem>>
    %dma_start3A_44 = arith.constant 0 : i32
    %dma_start3A_45 = arith.constant 0 : i32
    %dma_start3A_46 = tpu.memref_slice %arg17[%dma_start3A_44, %dma_start3A_45] : memref<10240x64xf32, #tpu.memory_space<vmem_shared>> -> memref<10240x64xf32, #tpu.memory_space<vmem_shared>>
    tpu.enqueue_indirect_dma source(%arg10 : memref<80x64xf32, #tpu.memory_space<vmem>>) target(%dma_start3A_46 : memref<10240x64xf32, #tpu.memory_space<vmem_shared>>) offsets(%dma_start3A_43 : memref<80xi32, #tpu.memory_space<vmem>>) semaphore(%arg27 : memref<!tpu.dma_semaphore, #tpu.memory_space<semaphore_mem>>) {add = true}
    %dma_wait3A_47 = arith.constant 248 : i32
    %dma_wait3A_48 = arith.constant 0 : i32
    %dma_wait3A_49 = tpu.memref_slice %arg8[%dma_wait3A_47, %dma_wait3A_48] : memref<250x80xi32, #tpu.memory_space<vmem>> -> memref<1x80xi32, #tpu.memory_space<vmem>>
    %dma_wait3A_50 = tpu.memref_squeeze %dma_wait3A_49 : memref<1x80xi32, #tpu.memory_space<vmem>> -> memref<80xi32, #tpu.memory_space<vmem>>
    %dma_wait3A_51 = arith.constant 0 : i32
    %dma_wait3A_52 = arith.constant 0 : i32
    %dma_wait3A_53 = tpu.memref_slice %arg17[%dma_wait3A_51, %dma_wait3A_52] : memref<10240x64xf32, #tpu.memory_space<vmem_shared>> -> memref<10240x64xf32, #tpu.memory_space<vmem_shared>>
    tpu.wait_indirect_dma semaphore(%arg26 : memref<!tpu.dma_semaphore, #tpu.memory_space<semaphore_mem>>) src(%arg9 : memref<80x64xf32, #tpu.memory_space<vmem>>) dst(%dma_wait3A_53 : memref<10240x64xf32, #tpu.memory_space<vmem_shared>>)
    %dma_wait3A_54 = arith.constant 249 : i32
    %dma_wait3A_55 = arith.constant 0 : i32
    %dma_wait3A_56 = tpu.memref_slice %arg8[%dma_wait3A_54, %dma_wait3A_55] : memref<250x80xi32, #tpu.memory_space<vmem>> -> memref<1x80xi32, #tpu.memory_space<vmem>>
    %dma_wait3A_57 = tpu.memref_squeeze %dma_wait3A_56 : memref<1x80xi32, #tpu.memory_space<vmem>> -> memref<80xi32, #tpu.memory_space<vmem>>
    %dma_wait3A_58 = arith.constant 0 : i32
    %dma_wait3A_59 = arith.constant 0 : i32
    %dma_wait3A_60 = tpu.memref_slice %arg17[%dma_wait3A_58, %dma_wait3A_59] : memref<10240x64xf32, #tpu.memory_space<vmem_shared>> -> memref<10240x64xf32, #tpu.memory_space<vmem_shared>>
    tpu.wait_indirect_dma semaphore(%arg27 : memref<!tpu.dma_semaphore, #tpu.memory_space<semaphore_mem>>) src(%arg10 : memref<80x64xf32, #tpu.memory_space<vmem>>) dst(%dma_wait3A_60 : memref<10240x64xf32, #tpu.memory_space<vmem_shared>>)
    %barrier3A_61 = arith.constant 0 : index
    tpu.barrier barrier_id(%barrier3A_61)
    %mul3A_62 = arith.constant 640 : i32
    %mul3A_63 = arith.muli %arg1, %mul3A_62 : i32
    %mul3A_64 = arith.constant 640 : i32
    %mul3A_65 = arith.muli %arg1, %mul3A_64 : i32
    "tpu.region"() ({
      %run_scoped3A = tpu.sem_alloc : memref<!tpu.dma_semaphore, #tpu.memory_space<semaphore_mem>>
      %dma_start3A_66 = arith.constant 0 : i32
      %dma_start3A_67 = tpu.memref_slice %arg6[%arg0, %mul3A_65, %dma_start3A_66] : memref<2x10240x64xf32, #tpu.memory_space<hbm>> -> memref<1x640x64xf32, #tpu.memory_space<hbm>>
      %dma_start3A_68 = tpu.memref_squeeze %dma_start3A_67 : memref<1x640x64xf32, #tpu.memory_space<hbm>> -> memref<640x64xf32, #tpu.memory_space<hbm>>
      %dma_start3A_69 = arith.constant 0 : i32
      %dma_start3A_70 = tpu.memref_slice %arg17[%mul3A_63, %dma_start3A_69] : memref<10240x64xf32, #tpu.memory_space<vmem_shared>> -> memref<640x64xf32, #tpu.memory_space<vmem_shared>>
      tpu.enqueue_dma source(%dma_start3A_70 : memref<640x64xf32, #tpu.memory_space<vmem_shared>>) target(%dma_start3A_68 : memref<640x64xf32, #tpu.memory_space<hbm>>) target_semaphore(%run_scoped3A : memref<!tpu.dma_semaphore, #tpu.memory_space<semaphore_mem>>)
      %dma_wait3A_71 = arith.constant 0 : i32
      %dma_wait3A_72 = tpu.memref_slice %arg6[%arg0, %mul3A_65, %dma_wait3A_71] : memref<2x10240x64xf32, #tpu.memory_space<hbm>> -> memref<1x640x64xf32, #tpu.memory_space<hbm>>
      %dma_wait3A_73 = tpu.memref_squeeze %dma_wait3A_72 : memref<1x640x64xf32, #tpu.memory_space<hbm>> -> memref<640x64xf32, #tpu.memory_space<hbm>>
      %dma_wait3A_74 = arith.constant 0 : i32
      %dma_wait3A_75 = tpu.memref_slice %arg17[%mul3A_63, %dma_wait3A_74] : memref<10240x64xf32, #tpu.memory_space<vmem_shared>> -> memref<640x64xf32, #tpu.memory_space<vmem_shared>>
      tpu.wait_dma2 semaphore(%run_scoped3A : memref<!tpu.dma_semaphore, #tpu.memory_space<semaphore_mem>>) src(%dma_wait3A_75 : memref<640x64xf32, #tpu.memory_space<vmem_shared>>) dst(%dma_wait3A_73 : memref<640x64xf32, #tpu.memory_space<hbm>>)
      tpu.yield
    }) : () -> ()
    return
  }
}

#map = affine_map<(d0, d1) -> (0, 0)>
#map1 = affine_map<(d0, d1) -> (0, 0, 0)>
module attributes {stable_mosaic.version = 14 : i64} {
  func.func @segsum(%arg0: i32, %arg1: i32, %arg2: memref<10000x64xf32, #tpu.memory_space<hbm>>, %arg3: memref<32x125x80xi32, #tpu.memory_space<hbm>>, %arg4: memref<32x125x80xi32, #tpu.memory_space<hbm>>, %arg5: memref<640x64xf32, #tpu.memory_space<hbm>>, %arg6: memref<2x10240x64xf32, #tpu.memory_space<hbm>>, %arg7: memref<125x80xi32, #tpu.memory_space<vmem>>, %arg8: memref<125x80xi32, #tpu.memory_space<vmem>>, %arg9: memref<80x64xf32, #tpu.memory_space<vmem>>, %arg10: memref<80x64xf32, #tpu.memory_space<vmem>>, %arg11: memref<80x64xf32, #tpu.memory_space<vmem>>, %arg12: memref<80x64xf32, #tpu.memory_space<vmem>>, %arg13: memref<80x64xf32, #tpu.memory_space<vmem>>, %arg14: memref<80x64xf32, #tpu.memory_space<vmem>>, %arg15: memref<10240x64xf32, #tpu.memory_space<vmem_shared>>, %arg16: memref<!tpu.dma_semaphore, #tpu.memory_space<semaphore_mem>>, %arg17: memref<!tpu.dma_semaphore, #tpu.memory_space<semaphore_mem>>, %arg18: memref<!tpu.dma_semaphore, #tpu.memory_space<semaphore_mem>>, %arg19: memref<!tpu.dma_semaphore, #tpu.memory_space<semaphore_mem>>, %arg20: memref<!tpu.dma_semaphore, #tpu.memory_space<semaphore_mem>>, %arg21: memref<!tpu.dma_semaphore, #tpu.memory_space<semaphore_mem>>, %arg22: memref<!tpu.dma_semaphore, #tpu.memory_space<semaphore_mem>>, %arg23: memref<!tpu.dma_semaphore, #tpu.memory_space<semaphore_mem>>, %arg24: memref<!tpu.dma_semaphore, #tpu.memory_space<semaphore_mem>>, %arg25: memref<!tpu.dma_semaphore, #tpu.memory_space<semaphore_mem>>, %arg26: memref<!tpu.dma_semaphore, #tpu.memory_space<semaphore_mem>>, %arg27: memref<!tpu.dma_semaphore, #tpu.memory_space<semaphore_mem>>) attributes {dimension_semantics = [#tpu.dimension_semantics<core_parallel>, #tpu.dimension_semantics<subcore_parallel>], iteration_bounds = array<i64: 2, 16>, scalar_prefetch = 0 : i64, scratch_operands = 21 : i64, tpu.core_type = #tpu.core_type<sc_vector_subcore>, window_params = [{transform_indices = #map}, {transform_indices = #map1}, {transform_indices = #map1}, {transform_indices = #map}, {transform_indices = #map1}]} {
    %mul3A = arith.constant 16 : i32
    %mul3A_0 = arith.muli %arg0, %mul3A : i32
    %add3A = arith.addi %mul3A_0, %arg1 : i32
    %mul3A_1 = arith.constant 640 : i32
    %mul3A_2 = arith.muli %arg1, %mul3A_1 : i32
    "tpu.region"() ({
      %run_scoped3A = tpu.sem_alloc : memref<!tpu.dma_semaphore, #tpu.memory_space<semaphore_mem>>
      %dma_start3A_152 = arith.constant 0 : i32
      %dma_start3A_153 = tpu.memref_slice %arg15[%mul3A_2, %dma_start3A_152] : memref<10240x64xf32, #tpu.memory_space<vmem_shared>> -> memref<640x64xf32, #tpu.memory_space<vmem_shared>>
      tpu.enqueue_dma source(%arg5 : memref<640x64xf32, #tpu.memory_space<hbm>>) target(%dma_start3A_153 : memref<640x64xf32, #tpu.memory_space<vmem_shared>>) target_semaphore(%run_scoped3A : memref<!tpu.dma_semaphore, #tpu.memory_space<semaphore_mem>>)
      %dma_wait3A_154 = arith.constant 0 : i32
      %dma_wait3A_155 = tpu.memref_slice %arg15[%mul3A_2, %dma_wait3A_154] : memref<10240x64xf32, #tpu.memory_space<vmem_shared>> -> memref<640x64xf32, #tpu.memory_space<vmem_shared>>
      tpu.wait_dma2 semaphore(%run_scoped3A : memref<!tpu.dma_semaphore, #tpu.memory_space<semaphore_mem>>) src(%arg5 : memref<640x64xf32, #tpu.memory_space<hbm>>) dst(%dma_wait3A_155 : memref<640x64xf32, #tpu.memory_space<vmem_shared>>)
      tpu.yield
    }) : () -> ()
    "tpu.region"() ({
      %run_scoped3A = tpu.sem_alloc : memref<!tpu.dma_semaphore, #tpu.memory_space<semaphore_mem>>
      %dma_start3A_152 = arith.constant 0 : i32
      %dma_start3A_153 = arith.constant 0 : i32
      %dma_start3A_154 = tpu.memref_slice %arg3[%add3A, %dma_start3A_152, %dma_start3A_153] : memref<32x125x80xi32, #tpu.memory_space<hbm>> -> memref<1x125x80xi32, #tpu.memory_space<hbm>>
      %dma_start3A_155 = tpu.memref_squeeze %dma_start3A_154 : memref<1x125x80xi32, #tpu.memory_space<hbm>> -> memref<125x80xi32, #tpu.memory_space<hbm>>
      %dma_start3A_156 = arith.constant 0 : i32
      %dma_start3A_157 = arith.constant 0 : i32
      %dma_start3A_158 = tpu.memref_slice %arg3[%add3A, %dma_start3A_156, %dma_start3A_157] : memref<32x125x80xi32, #tpu.memory_space<hbm>> -> memref<1x125x80xi32, #tpu.memory_space<hbm>>
      %dma_start3A_159 = tpu.memref_squeeze %dma_start3A_158 : memref<1x125x80xi32, #tpu.memory_space<hbm>> -> memref<125x80xi32, #tpu.memory_space<hbm>>
      tpu.enqueue_dma source(%dma_start3A_159 : memref<125x80xi32, #tpu.memory_space<hbm>>) target(%arg7 : memref<125x80xi32, #tpu.memory_space<vmem>>) target_semaphore(%run_scoped3A : memref<!tpu.dma_semaphore, #tpu.memory_space<semaphore_mem>>)
      %dma_wait3A_160 = arith.constant 0 : i32
      %dma_wait3A_161 = arith.constant 0 : i32
      %dma_wait3A_162 = tpu.memref_slice %arg3[%add3A, %dma_wait3A_160, %dma_wait3A_161] : memref<32x125x80xi32, #tpu.memory_space<hbm>> -> memref<1x125x80xi32, #tpu.memory_space<hbm>>
      %dma_wait3A_163 = tpu.memref_squeeze %dma_wait3A_162 : memref<1x125x80xi32, #tpu.memory_space<hbm>> -> memref<125x80xi32, #tpu.memory_space<hbm>>
      %dma_wait3A_164 = arith.constant 0 : i32
      %dma_wait3A_165 = arith.constant 0 : i32
      %dma_wait3A_166 = tpu.memref_slice %arg3[%add3A, %dma_wait3A_164, %dma_wait3A_165] : memref<32x125x80xi32, #tpu.memory_space<hbm>> -> memref<1x125x80xi32, #tpu.memory_space<hbm>>
      %dma_wait3A_167 = tpu.memref_squeeze %dma_wait3A_166 : memref<1x125x80xi32, #tpu.memory_space<hbm>> -> memref<125x80xi32, #tpu.memory_space<hbm>>
      tpu.wait_dma2 semaphore(%run_scoped3A : memref<!tpu.dma_semaphore, #tpu.memory_space<semaphore_mem>>) src(%dma_wait3A_167 : memref<125x80xi32, #tpu.memory_space<hbm>>) dst(%arg7 : memref<125x80xi32, #tpu.memory_space<vmem>>)
      tpu.yield
    }) : () -> ()
    "tpu.region"() ({
      %run_scoped3A = tpu.sem_alloc : memref<!tpu.dma_semaphore, #tpu.memory_space<semaphore_mem>>
      %dma_start3A_152 = arith.constant 0 : i32
      %dma_start3A_153 = arith.constant 0 : i32
      %dma_start3A_154 = tpu.memref_slice %arg4[%add3A, %dma_start3A_152, %dma_start3A_153] : memref<32x125x80xi32, #tpu.memory_space<hbm>> -> memref<1x125x80xi32, #tpu.memory_space<hbm>>
      %dma_start3A_155 = tpu.memref_squeeze %dma_start3A_154 : memref<1x125x80xi32, #tpu.memory_space<hbm>> -> memref<125x80xi32, #tpu.memory_space<hbm>>
      %dma_start3A_156 = arith.constant 0 : i32
      %dma_start3A_157 = arith.constant 0 : i32
      %dma_start3A_158 = tpu.memref_slice %arg4[%add3A, %dma_start3A_156, %dma_start3A_157] : memref<32x125x80xi32, #tpu.memory_space<hbm>> -> memref<1x125x80xi32, #tpu.memory_space<hbm>>
      %dma_start3A_159 = tpu.memref_squeeze %dma_start3A_158 : memref<1x125x80xi32, #tpu.memory_space<hbm>> -> memref<125x80xi32, #tpu.memory_space<hbm>>
      tpu.enqueue_dma source(%dma_start3A_159 : memref<125x80xi32, #tpu.memory_space<hbm>>) target(%arg8 : memref<125x80xi32, #tpu.memory_space<vmem>>) target_semaphore(%run_scoped3A : memref<!tpu.dma_semaphore, #tpu.memory_space<semaphore_mem>>)
      %dma_wait3A_160 = arith.constant 0 : i32
      %dma_wait3A_161 = arith.constant 0 : i32
      %dma_wait3A_162 = tpu.memref_slice %arg4[%add3A, %dma_wait3A_160, %dma_wait3A_161] : memref<32x125x80xi32, #tpu.memory_space<hbm>> -> memref<1x125x80xi32, #tpu.memory_space<hbm>>
      %dma_wait3A_163 = tpu.memref_squeeze %dma_wait3A_162 : memref<1x125x80xi32, #tpu.memory_space<hbm>> -> memref<125x80xi32, #tpu.memory_space<hbm>>
      %dma_wait3A_164 = arith.constant 0 : i32
      %dma_wait3A_165 = arith.constant 0 : i32
      %dma_wait3A_166 = tpu.memref_slice %arg4[%add3A, %dma_wait3A_164, %dma_wait3A_165] : memref<32x125x80xi32, #tpu.memory_space<hbm>> -> memref<1x125x80xi32, #tpu.memory_space<hbm>>
      %dma_wait3A_167 = tpu.memref_squeeze %dma_wait3A_166 : memref<1x125x80xi32, #tpu.memory_space<hbm>> -> memref<125x80xi32, #tpu.memory_space<hbm>>
      tpu.wait_dma2 semaphore(%run_scoped3A : memref<!tpu.dma_semaphore, #tpu.memory_space<semaphore_mem>>) src(%dma_wait3A_167 : memref<125x80xi32, #tpu.memory_space<hbm>>) dst(%arg8 : memref<125x80xi32, #tpu.memory_space<vmem>>)
      tpu.yield
    }) : () -> ()
    %barrier3A = arith.constant 0 : index
    tpu.barrier barrier_id(%barrier3A)
    %scan3A = arith.constant 0 : i32
    %scan3A_3 = arith.constant 0 : i32
    %scan3A_4 = arith.constant 20 : i32
    %scan3A_5 = arith.addi %scan3A_3, %scan3A_4 : i32
    %scan3A_6 = arith.constant 1 : i32
    %scan3A_7 = scf.for %scan3A_152 = %scan3A_3 to %scan3A_5 step %scan3A_6 iter_args(%scan3A_153 = %scan3A) -> (i32)  : i32 {
      %mul3A_154 = arith.constant 6 : i32
      %mul3A_155 = arith.muli %scan3A_152, %mul3A_154 : i32
      %add3A_156 = arith.constant 0 : i32
      %add3A_157 = arith.addi %mul3A_155, %add3A_156 : i32
      %dma_start3A_158 = arith.constant 0 : i32
      %dma_start3A_159 = tpu.memref_slice %arg7[%add3A_157, %dma_start3A_158] : memref<125x80xi32, #tpu.memory_space<vmem>> -> memref<1x80xi32, #tpu.memory_space<vmem>>
      %dma_start3A_160 = tpu.memref_squeeze %dma_start3A_159 : memref<1x80xi32, #tpu.memory_space<vmem>> -> memref<80xi32, #tpu.memory_space<vmem>>
      %dma_start3A_161 = arith.constant 0 : i32
      %dma_start3A_162 = arith.constant 0 : i32
      %dma_start3A_163 = tpu.memref_slice %arg2[%dma_start3A_161, %dma_start3A_162] : memref<10000x64xf32, #tpu.memory_space<hbm>> -> memref<10000x64xf32, #tpu.memory_space<hbm>>
      tpu.enqueue_indirect_dma source(%dma_start3A_163 : memref<10000x64xf32, #tpu.memory_space<hbm>>) target(%arg9 : memref<80x64xf32, #tpu.memory_space<vmem>>) offsets(%dma_start3A_160 : memref<80xi32, #tpu.memory_space<vmem>>) semaphore(%arg16 : memref<!tpu.dma_semaphore, #tpu.memory_space<semaphore_mem>>)
      %add3A_164 = arith.constant 1 : i32
      %add3A_165 = arith.addi %mul3A_155, %add3A_164 : i32
      %dma_start3A_166 = arith.constant 0 : i32
      %dma_start3A_167 = tpu.memref_slice %arg7[%add3A_165, %dma_start3A_166] : memref<125x80xi32, #tpu.memory_space<vmem>> -> memref<1x80xi32, #tpu.memory_space<vmem>>
      %dma_start3A_168 = tpu.memref_squeeze %dma_start3A_167 : memref<1x80xi32, #tpu.memory_space<vmem>> -> memref<80xi32, #tpu.memory_space<vmem>>
      %dma_start3A_169 = arith.constant 0 : i32
      %dma_start3A_170 = arith.constant 0 : i32
      %dma_start3A_171 = tpu.memref_slice %arg2[%dma_start3A_169, %dma_start3A_170] : memref<10000x64xf32, #tpu.memory_space<hbm>> -> memref<10000x64xf32, #tpu.memory_space<hbm>>
      tpu.enqueue_indirect_dma source(%dma_start3A_171 : memref<10000x64xf32, #tpu.memory_space<hbm>>) target(%arg10 : memref<80x64xf32, #tpu.memory_space<vmem>>) offsets(%dma_start3A_168 : memref<80xi32, #tpu.memory_space<vmem>>) semaphore(%arg17 : memref<!tpu.dma_semaphore, #tpu.memory_space<semaphore_mem>>)
      %add3A_172 = arith.constant 2 : i32
      %add3A_173 = arith.addi %mul3A_155, %add3A_172 : i32
      %dma_start3A_174 = arith.constant 0 : i32
      %dma_start3A_175 = tpu.memref_slice %arg7[%add3A_173, %dma_start3A_174] : memref<125x80xi32, #tpu.memory_space<vmem>> -> memref<1x80xi32, #tpu.memory_space<vmem>>
      %dma_start3A_176 = tpu.memref_squeeze %dma_start3A_175 : memref<1x80xi32, #tpu.memory_space<vmem>> -> memref<80xi32, #tpu.memory_space<vmem>>
      %dma_start3A_177 = arith.constant 0 : i32
      %dma_start3A_178 = arith.constant 0 : i32
      %dma_start3A_179 = tpu.memref_slice %arg2[%dma_start3A_177, %dma_start3A_178] : memref<10000x64xf32, #tpu.memory_space<hbm>> -> memref<10000x64xf32, #tpu.memory_space<hbm>>
      tpu.enqueue_indirect_dma source(%dma_start3A_179 : memref<10000x64xf32, #tpu.memory_space<hbm>>) target(%arg11 : memref<80x64xf32, #tpu.memory_space<vmem>>) offsets(%dma_start3A_176 : memref<80xi32, #tpu.memory_space<vmem>>) semaphore(%arg18 : memref<!tpu.dma_semaphore, #tpu.memory_space<semaphore_mem>>)
      %add3A_180 = arith.constant 3 : i32
      %add3A_181 = arith.addi %mul3A_155, %add3A_180 : i32
      %dma_start3A_182 = arith.constant 0 : i32
      %dma_start3A_183 = tpu.memref_slice %arg7[%add3A_181, %dma_start3A_182] : memref<125x80xi32, #tpu.memory_space<vmem>> -> memref<1x80xi32, #tpu.memory_space<vmem>>
      %dma_start3A_184 = tpu.memref_squeeze %dma_start3A_183 : memref<1x80xi32, #tpu.memory_space<vmem>> -> memref<80xi32, #tpu.memory_space<vmem>>
      %dma_start3A_185 = arith.constant 0 : i32
      %dma_start3A_186 = arith.constant 0 : i32
      %dma_start3A_187 = tpu.memref_slice %arg2[%dma_start3A_185, %dma_start3A_186] : memref<10000x64xf32, #tpu.memory_space<hbm>> -> memref<10000x64xf32, #tpu.memory_space<hbm>>
      tpu.enqueue_indirect_dma source(%dma_start3A_187 : memref<10000x64xf32, #tpu.memory_space<hbm>>) target(%arg12 : memref<80x64xf32, #tpu.memory_space<vmem>>) offsets(%dma_start3A_184 : memref<80xi32, #tpu.memory_space<vmem>>) semaphore(%arg19 : memref<!tpu.dma_semaphore, #tpu.memory_space<semaphore_mem>>)
      %add3A_188 = arith.constant 4 : i32
      %add3A_189 = arith.addi %mul3A_155, %add3A_188 : i32
      %dma_start3A_190 = arith.constant 0 : i32
      %dma_start3A_191 = tpu.memref_slice %arg7[%add3A_189, %dma_start3A_190] : memref<125x80xi32, #tpu.memory_space<vmem>> -> memref<1x80xi32, #tpu.memory_space<vmem>>
      %dma_start3A_192 = tpu.memref_squeeze %dma_start3A_191 : memref<1x80xi32, #tpu.memory_space<vmem>> -> memref<80xi32, #tpu.memory_space<vmem>>
      %dma_start3A_193 = arith.constant 0 : i32
      %dma_start3A_194 = arith.constant 0 : i32
      %dma_start3A_195 = tpu.memref_slice %arg2[%dma_start3A_193, %dma_start3A_194] : memref<10000x64xf32, #tpu.memory_space<hbm>> -> memref<10000x64xf32, #tpu.memory_space<hbm>>
      tpu.enqueue_indirect_dma source(%dma_start3A_195 : memref<10000x64xf32, #tpu.memory_space<hbm>>) target(%arg13 : memref<80x64xf32, #tpu.memory_space<vmem>>) offsets(%dma_start3A_192 : memref<80xi32, #tpu.memory_space<vmem>>) semaphore(%arg20 : memref<!tpu.dma_semaphore, #tpu.memory_space<semaphore_mem>>)
      %add3A_196 = arith.constant 5 : i32
      %add3A_197 = arith.addi %mul3A_155, %add3A_196 : i32
      %dma_start3A_198 = arith.constant 0 : i32
      %dma_start3A_199 = tpu.memref_slice %arg7[%add3A_197, %dma_start3A_198] : memref<125x80xi32, #tpu.memory_space<vmem>> -> memref<1x80xi32, #tpu.memory_space<vmem>>
      %dma_start3A_200 = tpu.memref_squeeze %dma_start3A_199 : memref<1x80xi32, #tpu.memory_space<vmem>> -> memref<80xi32, #tpu.memory_space<vmem>>
      %dma_start3A_201 = arith.constant 0 : i32
      %dma_start3A_202 = arith.constant 0 : i32
      %dma_start3A_203 = tpu.memref_slice %arg2[%dma_start3A_201, %dma_start3A_202] : memref<10000x64xf32, #tpu.memory_space<hbm>> -> memref<10000x64xf32, #tpu.memory_space<hbm>>
      tpu.enqueue_indirect_dma source(%dma_start3A_203 : memref<10000x64xf32, #tpu.memory_space<hbm>>) target(%arg14 : memref<80x64xf32, #tpu.memory_space<vmem>>) offsets(%dma_start3A_200 : memref<80xi32, #tpu.memory_space<vmem>>) semaphore(%arg21 : memref<!tpu.dma_semaphore, #tpu.memory_space<semaphore_mem>>)
      %dma_wait3A_204 = arith.constant 0 : i32
      %dma_wait3A_205 = tpu.memref_slice %arg7[%add3A_157, %dma_wait3A_204] : memref<125x80xi32, #tpu.memory_space<vmem>> -> memref<1x80xi32, #tpu.memory_space<vmem>>
      %dma_wait3A_206 = tpu.memref_squeeze %dma_wait3A_205 : memref<1x80xi32, #tpu.memory_space<vmem>> -> memref<80xi32, #tpu.memory_space<vmem>>
      %dma_wait3A_207 = arith.constant 0 : i32
      %dma_wait3A_208 = arith.constant 0 : i32
      %dma_wait3A_209 = tpu.memref_slice %arg2[%dma_wait3A_207, %dma_wait3A_208] : memref<10000x64xf32, #tpu.memory_space<hbm>> -> memref<10000x64xf32, #tpu.memory_space<hbm>>
      tpu.wait_indirect_dma semaphore(%arg16 : memref<!tpu.dma_semaphore, #tpu.memory_space<semaphore_mem>>) src(%dma_wait3A_209 : memref<10000x64xf32, #tpu.memory_space<hbm>>) dst(%arg9 : memref<80x64xf32, #tpu.memory_space<vmem>>)
      %add3A_210 = arith.constant 0 : i32
      %add3A_211 = arith.addi %mul3A_155, %add3A_210 : i32
      %dma_start3A_212 = arith.constant 0 : i32
      %dma_start3A_213 = tpu.memref_slice %arg8[%add3A_211, %dma_start3A_212] : memref<125x80xi32, #tpu.memory_space<vmem>> -> memref<1x80xi32, #tpu.memory_space<vmem>>
      %dma_start3A_214 = tpu.memref_squeeze %dma_start3A_213 : memref<1x80xi32, #tpu.memory_space<vmem>> -> memref<80xi32, #tpu.memory_space<vmem>>
      %dma_start3A_215 = arith.constant 0 : i32
      %dma_start3A_216 = arith.constant 0 : i32
      %dma_start3A_217 = tpu.memref_slice %arg15[%dma_start3A_215, %dma_start3A_216] : memref<10240x64xf32, #tpu.memory_space<vmem_shared>> -> memref<10240x64xf32, #tpu.memory_space<vmem_shared>>
      tpu.enqueue_indirect_dma source(%arg9 : memref<80x64xf32, #tpu.memory_space<vmem>>) target(%dma_start3A_217 : memref<10240x64xf32, #tpu.memory_space<vmem_shared>>) offsets(%dma_start3A_214 : memref<80xi32, #tpu.memory_space<vmem>>) semaphore(%arg22 : memref<!tpu.dma_semaphore, #tpu.memory_space<semaphore_mem>>) {add = true}
      %dma_wait3A_218 = arith.constant 0 : i32
      %dma_wait3A_219 = tpu.memref_slice %arg7[%add3A_165, %dma_wait3A_218] : memref<125x80xi32, #tpu.memory_space<vmem>> -> memref<1x80xi32, #tpu.memory_space<vmem>>
      %dma_wait3A_220 = tpu.memref_squeeze %dma_wait3A_219 : memref<1x80xi32, #tpu.memory_space<vmem>> -> memref<80xi32, #tpu.memory_space<vmem>>
      %dma_wait3A_221 = arith.constant 0 : i32
      %dma_wait3A_222 = arith.constant 0 : i32
      %dma_wait3A_223 = tpu.memref_slice %arg2[%dma_wait3A_221, %dma_wait3A_222] : memref<10000x64xf32, #tpu.memory_space<hbm>> -> memref<10000x64xf32, #tpu.memory_space<hbm>>
      tpu.wait_indirect_dma semaphore(%arg17 : memref<!tpu.dma_semaphore, #tpu.memory_space<semaphore_mem>>) src(%dma_wait3A_223 : memref<10000x64xf32, #tpu.memory_space<hbm>>) dst(%arg10 : memref<80x64xf32, #tpu.memory_space<vmem>>)
      %add3A_224 = arith.constant 1 : i32
      %add3A_225 = arith.addi %mul3A_155, %add3A_224 : i32
      %dma_start3A_226 = arith.constant 0 : i32
      %dma_start3A_227 = tpu.memref_slice %arg8[%add3A_225, %dma_start3A_226] : memref<125x80xi32, #tpu.memory_space<vmem>> -> memref<1x80xi32, #tpu.memory_space<vmem>>
      %dma_start3A_228 = tpu.memref_squeeze %dma_start3A_227 : memref<1x80xi32, #tpu.memory_space<vmem>> -> memref<80xi32, #tpu.memory_space<vmem>>
      %dma_start3A_229 = arith.constant 0 : i32
      %dma_start3A_230 = arith.constant 0 : i32
      %dma_start3A_231 = tpu.memref_slice %arg15[%dma_start3A_229, %dma_start3A_230] : memref<10240x64xf32, #tpu.memory_space<vmem_shared>> -> memref<10240x64xf32, #tpu.memory_space<vmem_shared>>
      tpu.enqueue_indirect_dma source(%arg10 : memref<80x64xf32, #tpu.memory_space<vmem>>) target(%dma_start3A_231 : memref<10240x64xf32, #tpu.memory_space<vmem_shared>>) offsets(%dma_start3A_228 : memref<80xi32, #tpu.memory_space<vmem>>) semaphore(%arg23 : memref<!tpu.dma_semaphore, #tpu.memory_space<semaphore_mem>>) {add = true}
      %dma_wait3A_232 = arith.constant 0 : i32
      %dma_wait3A_233 = tpu.memref_slice %arg7[%add3A_173, %dma_wait3A_232] : memref<125x80xi32, #tpu.memory_space<vmem>> -> memref<1x80xi32, #tpu.memory_space<vmem>>
      %dma_wait3A_234 = tpu.memref_squeeze %dma_wait3A_233 : memref<1x80xi32, #tpu.memory_space<vmem>> -> memref<80xi32, #tpu.memory_space<vmem>>
      %dma_wait3A_235 = arith.constant 0 : i32
      %dma_wait3A_236 = arith.constant 0 : i32
      %dma_wait3A_237 = tpu.memref_slice %arg2[%dma_wait3A_235, %dma_wait3A_236] : memref<10000x64xf32, #tpu.memory_space<hbm>> -> memref<10000x64xf32, #tpu.memory_space<hbm>>
      tpu.wait_indirect_dma semaphore(%arg18 : memref<!tpu.dma_semaphore, #tpu.memory_space<semaphore_mem>>) src(%dma_wait3A_237 : memref<10000x64xf32, #tpu.memory_space<hbm>>) dst(%arg11 : memref<80x64xf32, #tpu.memory_space<vmem>>)
      %add3A_238 = arith.constant 2 : i32
      %add3A_239 = arith.addi %mul3A_155, %add3A_238 : i32
      %dma_start3A_240 = arith.constant 0 : i32
      %dma_start3A_241 = tpu.memref_slice %arg8[%add3A_239, %dma_start3A_240] : memref<125x80xi32, #tpu.memory_space<vmem>> -> memref<1x80xi32, #tpu.memory_space<vmem>>
      %dma_start3A_242 = tpu.memref_squeeze %dma_start3A_241 : memref<1x80xi32, #tpu.memory_space<vmem>> -> memref<80xi32, #tpu.memory_space<vmem>>
      %dma_start3A_243 = arith.constant 0 : i32
      %dma_start3A_244 = arith.constant 0 : i32
      %dma_start3A_245 = tpu.memref_slice %arg15[%dma_start3A_243, %dma_start3A_244] : memref<10240x64xf32, #tpu.memory_space<vmem_shared>> -> memref<10240x64xf32, #tpu.memory_space<vmem_shared>>
      tpu.enqueue_indirect_dma source(%arg11 : memref<80x64xf32, #tpu.memory_space<vmem>>) target(%dma_start3A_245 : memref<10240x64xf32, #tpu.memory_space<vmem_shared>>) offsets(%dma_start3A_242 : memref<80xi32, #tpu.memory_space<vmem>>) semaphore(%arg24 : memref<!tpu.dma_semaphore, #tpu.memory_space<semaphore_mem>>) {add = true}
      %dma_wait3A_246 = arith.constant 0 : i32
      %dma_wait3A_247 = tpu.memref_slice %arg7[%add3A_181, %dma_wait3A_246] : memref<125x80xi32, #tpu.memory_space<vmem>> -> memref<1x80xi32, #tpu.memory_space<vmem>>
      %dma_wait3A_248 = tpu.memref_squeeze %dma_wait3A_247 : memref<1x80xi32, #tpu.memory_space<vmem>> -> memref<80xi32, #tpu.memory_space<vmem>>
      %dma_wait3A_249 = arith.constant 0 : i32
      %dma_wait3A_250 = arith.constant 0 : i32
      %dma_wait3A_251 = tpu.memref_slice %arg2[%dma_wait3A_249, %dma_wait3A_250] : memref<10000x64xf32, #tpu.memory_space<hbm>> -> memref<10000x64xf32, #tpu.memory_space<hbm>>
      tpu.wait_indirect_dma semaphore(%arg19 : memref<!tpu.dma_semaphore, #tpu.memory_space<semaphore_mem>>) src(%dma_wait3A_251 : memref<10000x64xf32, #tpu.memory_space<hbm>>) dst(%arg12 : memref<80x64xf32, #tpu.memory_space<vmem>>)
      %add3A_252 = arith.constant 3 : i32
      %add3A_253 = arith.addi %mul3A_155, %add3A_252 : i32
      %dma_start3A_254 = arith.constant 0 : i32
      %dma_start3A_255 = tpu.memref_slice %arg8[%add3A_253, %dma_start3A_254] : memref<125x80xi32, #tpu.memory_space<vmem>> -> memref<1x80xi32, #tpu.memory_space<vmem>>
      %dma_start3A_256 = tpu.memref_squeeze %dma_start3A_255 : memref<1x80xi32, #tpu.memory_space<vmem>> -> memref<80xi32, #tpu.memory_space<vmem>>
      %dma_start3A_257 = arith.constant 0 : i32
      %dma_start3A_258 = arith.constant 0 : i32
      %dma_start3A_259 = tpu.memref_slice %arg15[%dma_start3A_257, %dma_start3A_258] : memref<10240x64xf32, #tpu.memory_space<vmem_shared>> -> memref<10240x64xf32, #tpu.memory_space<vmem_shared>>
      tpu.enqueue_indirect_dma source(%arg12 : memref<80x64xf32, #tpu.memory_space<vmem>>) target(%dma_start3A_259 : memref<10240x64xf32, #tpu.memory_space<vmem_shared>>) offsets(%dma_start3A_256 : memref<80xi32, #tpu.memory_space<vmem>>) semaphore(%arg25 : memref<!tpu.dma_semaphore, #tpu.memory_space<semaphore_mem>>) {add = true}
      %dma_wait3A_260 = arith.constant 0 : i32
      %dma_wait3A_261 = tpu.memref_slice %arg7[%add3A_189, %dma_wait3A_260] : memref<125x80xi32, #tpu.memory_space<vmem>> -> memref<1x80xi32, #tpu.memory_space<vmem>>
      %dma_wait3A_262 = tpu.memref_squeeze %dma_wait3A_261 : memref<1x80xi32, #tpu.memory_space<vmem>> -> memref<80xi32, #tpu.memory_space<vmem>>
      %dma_wait3A_263 = arith.constant 0 : i32
      %dma_wait3A_264 = arith.constant 0 : i32
      %dma_wait3A_265 = tpu.memref_slice %arg2[%dma_wait3A_263, %dma_wait3A_264] : memref<10000x64xf32, #tpu.memory_space<hbm>> -> memref<10000x64xf32, #tpu.memory_space<hbm>>
      tpu.wait_indirect_dma semaphore(%arg20 : memref<!tpu.dma_semaphore, #tpu.memory_space<semaphore_mem>>) src(%dma_wait3A_265 : memref<10000x64xf32, #tpu.memory_space<hbm>>) dst(%arg13 : memref<80x64xf32, #tpu.memory_space<vmem>>)
      %add3A_266 = arith.constant 4 : i32
      %add3A_267 = arith.addi %mul3A_155, %add3A_266 : i32
      %dma_start3A_268 = arith.constant 0 : i32
      %dma_start3A_269 = tpu.memref_slice %arg8[%add3A_267, %dma_start3A_268] : memref<125x80xi32, #tpu.memory_space<vmem>> -> memref<1x80xi32, #tpu.memory_space<vmem>>
      %dma_start3A_270 = tpu.memref_squeeze %dma_start3A_269 : memref<1x80xi32, #tpu.memory_space<vmem>> -> memref<80xi32, #tpu.memory_space<vmem>>
      %dma_start3A_271 = arith.constant 0 : i32
      %dma_start3A_272 = arith.constant 0 : i32
      %dma_start3A_273 = tpu.memref_slice %arg15[%dma_start3A_271, %dma_start3A_272] : memref<10240x64xf32, #tpu.memory_space<vmem_shared>> -> memref<10240x64xf32, #tpu.memory_space<vmem_shared>>
      tpu.enqueue_indirect_dma source(%arg13 : memref<80x64xf32, #tpu.memory_space<vmem>>) target(%dma_start3A_273 : memref<10240x64xf32, #tpu.memory_space<vmem_shared>>) offsets(%dma_start3A_270 : memref<80xi32, #tpu.memory_space<vmem>>) semaphore(%arg26 : memref<!tpu.dma_semaphore, #tpu.memory_space<semaphore_mem>>) {add = true}
      %dma_wait3A_274 = arith.constant 0 : i32
      %dma_wait3A_275 = tpu.memref_slice %arg7[%add3A_197, %dma_wait3A_274] : memref<125x80xi32, #tpu.memory_space<vmem>> -> memref<1x80xi32, #tpu.memory_space<vmem>>
      %dma_wait3A_276 = tpu.memref_squeeze %dma_wait3A_275 : memref<1x80xi32, #tpu.memory_space<vmem>> -> memref<80xi32, #tpu.memory_space<vmem>>
      %dma_wait3A_277 = arith.constant 0 : i32
      %dma_wait3A_278 = arith.constant 0 : i32
      %dma_wait3A_279 = tpu.memref_slice %arg2[%dma_wait3A_277, %dma_wait3A_278] : memref<10000x64xf32, #tpu.memory_space<hbm>> -> memref<10000x64xf32, #tpu.memory_space<hbm>>
      tpu.wait_indirect_dma semaphore(%arg21 : memref<!tpu.dma_semaphore, #tpu.memory_space<semaphore_mem>>) src(%dma_wait3A_279 : memref<10000x64xf32, #tpu.memory_space<hbm>>) dst(%arg14 : memref<80x64xf32, #tpu.memory_space<vmem>>)
      %add3A_280 = arith.constant 5 : i32
      %add3A_281 = arith.addi %mul3A_155, %add3A_280 : i32
      %dma_start3A_282 = arith.constant 0 : i32
      %dma_start3A_283 = tpu.memref_slice %arg8[%add3A_281, %dma_start3A_282] : memref<125x80xi32, #tpu.memory_space<vmem>> -> memref<1x80xi32, #tpu.memory_space<vmem>>
      %dma_start3A_284 = tpu.memref_squeeze %dma_start3A_283 : memref<1x80xi32, #tpu.memory_space<vmem>> -> memref<80xi32, #tpu.memory_space<vmem>>
      %dma_start3A_285 = arith.constant 0 : i32
      %dma_start3A_286 = arith.constant 0 : i32
      %dma_start3A_287 = tpu.memref_slice %arg15[%dma_start3A_285, %dma_start3A_286] : memref<10240x64xf32, #tpu.memory_space<vmem_shared>> -> memref<10240x64xf32, #tpu.memory_space<vmem_shared>>
      tpu.enqueue_indirect_dma source(%arg14 : memref<80x64xf32, #tpu.memory_space<vmem>>) target(%dma_start3A_287 : memref<10240x64xf32, #tpu.memory_space<vmem_shared>>) offsets(%dma_start3A_284 : memref<80xi32, #tpu.memory_space<vmem>>) semaphore(%arg27 : memref<!tpu.dma_semaphore, #tpu.memory_space<semaphore_mem>>) {add = true}
      %dma_wait3A_288 = arith.constant 0 : i32
      %dma_wait3A_289 = tpu.memref_slice %arg8[%add3A_211, %dma_wait3A_288] : memref<125x80xi32, #tpu.memory_space<vmem>> -> memref<1x80xi32, #tpu.memory_space<vmem>>
      %dma_wait3A_290 = tpu.memref_squeeze %dma_wait3A_289 : memref<1x80xi32, #tpu.memory_space<vmem>> -> memref<80xi32, #tpu.memory_space<vmem>>
      %dma_wait3A_291 = arith.constant 0 : i32
      %dma_wait3A_292 = arith.constant 0 : i32
      %dma_wait3A_293 = tpu.memref_slice %arg15[%dma_wait3A_291, %dma_wait3A_292] : memref<10240x64xf32, #tpu.memory_space<vmem_shared>> -> memref<10240x64xf32, #tpu.memory_space<vmem_shared>>
      tpu.wait_indirect_dma semaphore(%arg22 : memref<!tpu.dma_semaphore, #tpu.memory_space<semaphore_mem>>) src(%arg9 : memref<80x64xf32, #tpu.memory_space<vmem>>) dst(%dma_wait3A_293 : memref<10240x64xf32, #tpu.memory_space<vmem_shared>>)
      %dma_wait3A_294 = arith.constant 0 : i32
      %dma_wait3A_295 = tpu.memref_slice %arg8[%add3A_225, %dma_wait3A_294] : memref<125x80xi32, #tpu.memory_space<vmem>> -> memref<1x80xi32, #tpu.memory_space<vmem>>
      %dma_wait3A_296 = tpu.memref_squeeze %dma_wait3A_295 : memref<1x80xi32, #tpu.memory_space<vmem>> -> memref<80xi32, #tpu.memory_space<vmem>>
      %dma_wait3A_297 = arith.constant 0 : i32
      %dma_wait3A_298 = arith.constant 0 : i32
      %dma_wait3A_299 = tpu.memref_slice %arg15[%dma_wait3A_297, %dma_wait3A_298] : memref<10240x64xf32, #tpu.memory_space<vmem_shared>> -> memref<10240x64xf32, #tpu.memory_space<vmem_shared>>
      tpu.wait_indirect_dma semaphore(%arg23 : memref<!tpu.dma_semaphore, #tpu.memory_space<semaphore_mem>>) src(%arg10 : memref<80x64xf32, #tpu.memory_space<vmem>>) dst(%dma_wait3A_299 : memref<10240x64xf32, #tpu.memory_space<vmem_shared>>)
      %dma_wait3A_300 = arith.constant 0 : i32
      %dma_wait3A_301 = tpu.memref_slice %arg8[%add3A_239, %dma_wait3A_300] : memref<125x80xi32, #tpu.memory_space<vmem>> -> memref<1x80xi32, #tpu.memory_space<vmem>>
      %dma_wait3A_302 = tpu.memref_squeeze %dma_wait3A_301 : memref<1x80xi32, #tpu.memory_space<vmem>> -> memref<80xi32, #tpu.memory_space<vmem>>
      %dma_wait3A_303 = arith.constant 0 : i32
      %dma_wait3A_304 = arith.constant 0 : i32
      %dma_wait3A_305 = tpu.memref_slice %arg15[%dma_wait3A_303, %dma_wait3A_304] : memref<10240x64xf32, #tpu.memory_space<vmem_shared>> -> memref<10240x64xf32, #tpu.memory_space<vmem_shared>>
      tpu.wait_indirect_dma semaphore(%arg24 : memref<!tpu.dma_semaphore, #tpu.memory_space<semaphore_mem>>) src(%arg11 : memref<80x64xf32, #tpu.memory_space<vmem>>) dst(%dma_wait3A_305 : memref<10240x64xf32, #tpu.memory_space<vmem_shared>>)
      %dma_wait3A_306 = arith.constant 0 : i32
      %dma_wait3A_307 = tpu.memref_slice %arg8[%add3A_253, %dma_wait3A_306] : memref<125x80xi32, #tpu.memory_space<vmem>> -> memref<1x80xi32, #tpu.memory_space<vmem>>
      %dma_wait3A_308 = tpu.memref_squeeze %dma_wait3A_307 : memref<1x80xi32, #tpu.memory_space<vmem>> -> memref<80xi32, #tpu.memory_space<vmem>>
      %dma_wait3A_309 = arith.constant 0 : i32
      %dma_wait3A_310 = arith.constant 0 : i32
      %dma_wait3A_311 = tpu.memref_slice %arg15[%dma_wait3A_309, %dma_wait3A_310] : memref<10240x64xf32, #tpu.memory_space<vmem_shared>> -> memref<10240x64xf32, #tpu.memory_space<vmem_shared>>
      tpu.wait_indirect_dma semaphore(%arg25 : memref<!tpu.dma_semaphore, #tpu.memory_space<semaphore_mem>>) src(%arg12 : memref<80x64xf32, #tpu.memory_space<vmem>>) dst(%dma_wait3A_311 : memref<10240x64xf32, #tpu.memory_space<vmem_shared>>)
      %dma_wait3A_312 = arith.constant 0 : i32
      %dma_wait3A_313 = tpu.memref_slice %arg8[%add3A_267, %dma_wait3A_312] : memref<125x80xi32, #tpu.memory_space<vmem>> -> memref<1x80xi32, #tpu.memory_space<vmem>>
      %dma_wait3A_314 = tpu.memref_squeeze %dma_wait3A_313 : memref<1x80xi32, #tpu.memory_space<vmem>> -> memref<80xi32, #tpu.memory_space<vmem>>
      %dma_wait3A_315 = arith.constant 0 : i32
      %dma_wait3A_316 = arith.constant 0 : i32
      %dma_wait3A_317 = tpu.memref_slice %arg15[%dma_wait3A_315, %dma_wait3A_316] : memref<10240x64xf32, #tpu.memory_space<vmem_shared>> -> memref<10240x64xf32, #tpu.memory_space<vmem_shared>>
      tpu.wait_indirect_dma semaphore(%arg26 : memref<!tpu.dma_semaphore, #tpu.memory_space<semaphore_mem>>) src(%arg13 : memref<80x64xf32, #tpu.memory_space<vmem>>) dst(%dma_wait3A_317 : memref<10240x64xf32, #tpu.memory_space<vmem_shared>>)
      %dma_wait3A_318 = arith.constant 0 : i32
      %dma_wait3A_319 = tpu.memref_slice %arg8[%add3A_281, %dma_wait3A_318] : memref<125x80xi32, #tpu.memory_space<vmem>> -> memref<1x80xi32, #tpu.memory_space<vmem>>
      %dma_wait3A_320 = tpu.memref_squeeze %dma_wait3A_319 : memref<1x80xi32, #tpu.memory_space<vmem>> -> memref<80xi32, #tpu.memory_space<vmem>>
      %dma_wait3A_321 = arith.constant 0 : i32
      %dma_wait3A_322 = arith.constant 0 : i32
      %dma_wait3A_323 = tpu.memref_slice %arg15[%dma_wait3A_321, %dma_wait3A_322] : memref<10240x64xf32, #tpu.memory_space<vmem_shared>> -> memref<10240x64xf32, #tpu.memory_space<vmem_shared>>
      tpu.wait_indirect_dma semaphore(%arg27 : memref<!tpu.dma_semaphore, #tpu.memory_space<semaphore_mem>>) src(%arg14 : memref<80x64xf32, #tpu.memory_space<vmem>>) dst(%dma_wait3A_323 : memref<10240x64xf32, #tpu.memory_space<vmem_shared>>)
      %scan3A_324 = arith.constant 0 : i32
      scf.yield %scan3A_324 : i32
    }
    %scan3A_8 = arith.constant 20 : i32
    %dma_start3A = arith.constant 120 : i32
    %dma_start3A_9 = arith.constant 0 : i32
    %dma_start3A_10 = tpu.memref_slice %arg7[%dma_start3A, %dma_start3A_9] : memref<125x80xi32, #tpu.memory_space<vmem>> -> memref<1x80xi32, #tpu.memory_space<vmem>>
    %dma_start3A_11 = tpu.memref_squeeze %dma_start3A_10 : memref<1x80xi32, #tpu.memory_space<vmem>> -> memref<80xi32, #tpu.memory_space<vmem>>
    %dma_start3A_12 = arith.constant 0 : i32
    %dma_start3A_13 = arith.constant 0 : i32
    %dma_start3A_14 = tpu.memref_slice %arg2[%dma_start3A_12, %dma_start3A_13] : memref<10000x64xf32, #tpu.memory_space<hbm>> -> memref<10000x64xf32, #tpu.memory_space<hbm>>
    tpu.enqueue_indirect_dma source(%dma_start3A_14 : memref<10000x64xf32, #tpu.memory_space<hbm>>) target(%arg9 : memref<80x64xf32, #tpu.memory_space<vmem>>) offsets(%dma_start3A_11 : memref<80xi32, #tpu.memory_space<vmem>>) semaphore(%arg16 : memref<!tpu.dma_semaphore, #tpu.memory_space<semaphore_mem>>)
    %dma_start3A_15 = arith.constant 121 : i32
    %dma_start3A_16 = arith.constant 0 : i32
    %dma_start3A_17 = tpu.memref_slice %arg7[%dma_start3A_15, %dma_start3A_16] : memref<125x80xi32, #tpu.memory_space<vmem>> -> memref<1x80xi32, #tpu.memory_space<vmem>>
    %dma_start3A_18 = tpu.memref_squeeze %dma_start3A_17 : memref<1x80xi32, #tpu.memory_space<vmem>> -> memref<80xi32, #tpu.memory_space<vmem>>
    %dma_start3A_19 = arith.constant 0 : i32
    %dma_start3A_20 = arith.constant 0 : i32
    %dma_start3A_21 = tpu.memref_slice %arg2[%dma_start3A_19, %dma_start3A_20] : memref<10000x64xf32, #tpu.memory_space<hbm>> -> memref<10000x64xf32, #tpu.memory_space<hbm>>
    tpu.enqueue_indirect_dma source(%dma_start3A_21 : memref<10000x64xf32, #tpu.memory_space<hbm>>) target(%arg10 : memref<80x64xf32, #tpu.memory_space<vmem>>) offsets(%dma_start3A_18 : memref<80xi32, #tpu.memory_space<vmem>>) semaphore(%arg17 : memref<!tpu.dma_semaphore, #tpu.memory_space<semaphore_mem>>)
    %dma_start3A_22 = arith.constant 122 : i32
    %dma_start3A_23 = arith.constant 0 : i32
    %dma_start3A_24 = tpu.memref_slice %arg7[%dma_start3A_22, %dma_start3A_23] : memref<125x80xi32, #tpu.memory_space<vmem>> -> memref<1x80xi32, #tpu.memory_space<vmem>>
    %dma_start3A_25 = tpu.memref_squeeze %dma_start3A_24 : memref<1x80xi32, #tpu.memory_space<vmem>> -> memref<80xi32, #tpu.memory_space<vmem>>
    %dma_start3A_26 = arith.constant 0 : i32
    %dma_start3A_27 = arith.constant 0 : i32
    %dma_start3A_28 = tpu.memref_slice %arg2[%dma_start3A_26, %dma_start3A_27] : memref<10000x64xf32, #tpu.memory_space<hbm>> -> memref<10000x64xf32, #tpu.memory_space<hbm>>
    tpu.enqueue_indirect_dma source(%dma_start3A_28 : memref<10000x64xf32, #tpu.memory_space<hbm>>) target(%arg11 : memref<80x64xf32, #tpu.memory_space<vmem>>) offsets(%dma_start3A_25 : memref<80xi32, #tpu.memory_space<vmem>>) semaphore(%arg18 : memref<!tpu.dma_semaphore, #tpu.memory_space<semaphore_mem>>)
    %dma_start3A_29 = arith.constant 123 : i32
    %dma_start3A_30 = arith.constant 0 : i32
    %dma_start3A_31 = tpu.memref_slice %arg7[%dma_start3A_29, %dma_start3A_30] : memref<125x80xi32, #tpu.memory_space<vmem>> -> memref<1x80xi32, #tpu.memory_space<vmem>>
    %dma_start3A_32 = tpu.memref_squeeze %dma_start3A_31 : memref<1x80xi32, #tpu.memory_space<vmem>> -> memref<80xi32, #tpu.memory_space<vmem>>
    %dma_start3A_33 = arith.constant 0 : i32
    %dma_start3A_34 = arith.constant 0 : i32
    %dma_start3A_35 = tpu.memref_slice %arg2[%dma_start3A_33, %dma_start3A_34] : memref<10000x64xf32, #tpu.memory_space<hbm>> -> memref<10000x64xf32, #tpu.memory_space<hbm>>
    tpu.enqueue_indirect_dma source(%dma_start3A_35 : memref<10000x64xf32, #tpu.memory_space<hbm>>) target(%arg12 : memref<80x64xf32, #tpu.memory_space<vmem>>) offsets(%dma_start3A_32 : memref<80xi32, #tpu.memory_space<vmem>>) semaphore(%arg19 : memref<!tpu.dma_semaphore, #tpu.memory_space<semaphore_mem>>)
    %dma_start3A_36 = arith.constant 124 : i32
    %dma_start3A_37 = arith.constant 0 : i32
    %dma_start3A_38 = tpu.memref_slice %arg7[%dma_start3A_36, %dma_start3A_37] : memref<125x80xi32, #tpu.memory_space<vmem>> -> memref<1x80xi32, #tpu.memory_space<vmem>>
    %dma_start3A_39 = tpu.memref_squeeze %dma_start3A_38 : memref<1x80xi32, #tpu.memory_space<vmem>> -> memref<80xi32, #tpu.memory_space<vmem>>
    %dma_start3A_40 = arith.constant 0 : i32
    %dma_start3A_41 = arith.constant 0 : i32
    %dma_start3A_42 = tpu.memref_slice %arg2[%dma_start3A_40, %dma_start3A_41] : memref<10000x64xf32, #tpu.memory_space<hbm>> -> memref<10000x64xf32, #tpu.memory_space<hbm>>
    tpu.enqueue_indirect_dma source(%dma_start3A_42 : memref<10000x64xf32, #tpu.memory_space<hbm>>) target(%arg13 : memref<80x64xf32, #tpu.memory_space<vmem>>) offsets(%dma_start3A_39 : memref<80xi32, #tpu.memory_space<vmem>>) semaphore(%arg20 : memref<!tpu.dma_semaphore, #tpu.memory_space<semaphore_mem>>)
    %dma_wait3A = arith.constant 120 : i32
    %dma_wait3A_43 = arith.constant 0 : i32
    %dma_wait3A_44 = tpu.memref_slice %arg7[%dma_wait3A, %dma_wait3A_43] : memref<125x80xi32, #tpu.memory_space<vmem>> -> memref<1x80xi32, #tpu.memory_space<vmem>>
    %dma_wait3A_45 = tpu.memref_squeeze %dma_wait3A_44 : memref<1x80xi32, #tpu.memory_space<vmem>> -> memref<80xi32, #tpu.memory_space<vmem>>
    %dma_wait3A_46 = arith.constant 0 : i32
    %dma_wait3A_47 = arith.constant 0 : i32
    %dma_wait3A_48 = tpu.memref_slice %arg2[%dma_wait3A_46, %dma_wait3A_47] : memref<10000x64xf32, #tpu.memory_space<hbm>> -> memref<10000x64xf32, #tpu.memory_space<hbm>>
    tpu.wait_indirect_dma semaphore(%arg16 : memref<!tpu.dma_semaphore, #tpu.memory_space<semaphore_mem>>) src(%dma_wait3A_48 : memref<10000x64xf32, #tpu.memory_space<hbm>>) dst(%arg9 : memref<80x64xf32, #tpu.memory_space<vmem>>)
    %dma_start3A_49 = arith.constant 120 : i32
    %dma_start3A_50 = arith.constant 0 : i32
    %dma_start3A_51 = tpu.memref_slice %arg8[%dma_start3A_49, %dma_start3A_50] : memref<125x80xi32, #tpu.memory_space<vmem>> -> memref<1x80xi32, #tpu.memory_space<vmem>>
    %dma_start3A_52 = tpu.memref_squeeze %dma_start3A_51 : memref<1x80xi32, #tpu.memory_space<vmem>> -> memref<80xi32, #tpu.memory_space<vmem>>
    %dma_start3A_53 = arith.constant 0 : i32
    %dma_start3A_54 = arith.constant 0 : i32
    %dma_start3A_55 = tpu.memref_slice %arg15[%dma_start3A_53, %dma_start3A_54] : memref<10240x64xf32, #tpu.memory_space<vmem_shared>> -> memref<10240x64xf32, #tpu.memory_space<vmem_shared>>
    tpu.enqueue_indirect_dma source(%arg9 : memref<80x64xf32, #tpu.memory_space<vmem>>) target(%dma_start3A_55 : memref<10240x64xf32, #tpu.memory_space<vmem_shared>>) offsets(%dma_start3A_52 : memref<80xi32, #tpu.memory_space<vmem>>) semaphore(%arg22 : memref<!tpu.dma_semaphore, #tpu.memory_space<semaphore_mem>>) {add = true}
    %dma_wait3A_56 = arith.constant 121 : i32
    %dma_wait3A_57 = arith.constant 0 : i32
    %dma_wait3A_58 = tpu.memref_slice %arg7[%dma_wait3A_56, %dma_wait3A_57] : memref<125x80xi32, #tpu.memory_space<vmem>> -> memref<1x80xi32, #tpu.memory_space<vmem>>
    %dma_wait3A_59 = tpu.memref_squeeze %dma_wait3A_58 : memref<1x80xi32, #tpu.memory_space<vmem>> -> memref<80xi32, #tpu.memory_space<vmem>>
    %dma_wait3A_60 = arith.constant 0 : i32
    %dma_wait3A_61 = arith.constant 0 : i32
    %dma_wait3A_62 = tpu.memref_slice %arg2[%dma_wait3A_60, %dma_wait3A_61] : memref<10000x64xf32, #tpu.memory_space<hbm>> -> memref<10000x64xf32, #tpu.memory_space<hbm>>
    tpu.wait_indirect_dma semaphore(%arg17 : memref<!tpu.dma_semaphore, #tpu.memory_space<semaphore_mem>>) src(%dma_wait3A_62 : memref<10000x64xf32, #tpu.memory_space<hbm>>) dst(%arg10 : memref<80x64xf32, #tpu.memory_space<vmem>>)
    %dma_start3A_63 = arith.constant 121 : i32
    %dma_start3A_64 = arith.constant 0 : i32
    %dma_start3A_65 = tpu.memref_slice %arg8[%dma_start3A_63, %dma_start3A_64] : memref<125x80xi32, #tpu.memory_space<vmem>> -> memref<1x80xi32, #tpu.memory_space<vmem>>
    %dma_start3A_66 = tpu.memref_squeeze %dma_start3A_65 : memref<1x80xi32, #tpu.memory_space<vmem>> -> memref<80xi32, #tpu.memory_space<vmem>>
    %dma_start3A_67 = arith.constant 0 : i32
    %dma_start3A_68 = arith.constant 0 : i32
    %dma_start3A_69 = tpu.memref_slice %arg15[%dma_start3A_67, %dma_start3A_68] : memref<10240x64xf32, #tpu.memory_space<vmem_shared>> -> memref<10240x64xf32, #tpu.memory_space<vmem_shared>>
    tpu.enqueue_indirect_dma source(%arg10 : memref<80x64xf32, #tpu.memory_space<vmem>>) target(%dma_start3A_69 : memref<10240x64xf32, #tpu.memory_space<vmem_shared>>) offsets(%dma_start3A_66 : memref<80xi32, #tpu.memory_space<vmem>>) semaphore(%arg23 : memref<!tpu.dma_semaphore, #tpu.memory_space<semaphore_mem>>) {add = true}
    %dma_wait3A_70 = arith.constant 122 : i32
    %dma_wait3A_71 = arith.constant 0 : i32
    %dma_wait3A_72 = tpu.memref_slice %arg7[%dma_wait3A_70, %dma_wait3A_71] : memref<125x80xi32, #tpu.memory_space<vmem>> -> memref<1x80xi32, #tpu.memory_space<vmem>>
    %dma_wait3A_73 = tpu.memref_squeeze %dma_wait3A_72 : memref<1x80xi32, #tpu.memory_space<vmem>> -> memref<80xi32, #tpu.memory_space<vmem>>
    %dma_wait3A_74 = arith.constant 0 : i32
    %dma_wait3A_75 = arith.constant 0 : i32
    %dma_wait3A_76 = tpu.memref_slice %arg2[%dma_wait3A_74, %dma_wait3A_75] : memref<10000x64xf32, #tpu.memory_space<hbm>> -> memref<10000x64xf32, #tpu.memory_space<hbm>>
    tpu.wait_indirect_dma semaphore(%arg18 : memref<!tpu.dma_semaphore, #tpu.memory_space<semaphore_mem>>) src(%dma_wait3A_76 : memref<10000x64xf32, #tpu.memory_space<hbm>>) dst(%arg11 : memref<80x64xf32, #tpu.memory_space<vmem>>)
    %dma_start3A_77 = arith.constant 122 : i32
    %dma_start3A_78 = arith.constant 0 : i32
    %dma_start3A_79 = tpu.memref_slice %arg8[%dma_start3A_77, %dma_start3A_78] : memref<125x80xi32, #tpu.memory_space<vmem>> -> memref<1x80xi32, #tpu.memory_space<vmem>>
    %dma_start3A_80 = tpu.memref_squeeze %dma_start3A_79 : memref<1x80xi32, #tpu.memory_space<vmem>> -> memref<80xi32, #tpu.memory_space<vmem>>
    %dma_start3A_81 = arith.constant 0 : i32
    %dma_start3A_82 = arith.constant 0 : i32
    %dma_start3A_83 = tpu.memref_slice %arg15[%dma_start3A_81, %dma_start3A_82] : memref<10240x64xf32, #tpu.memory_space<vmem_shared>> -> memref<10240x64xf32, #tpu.memory_space<vmem_shared>>
    tpu.enqueue_indirect_dma source(%arg11 : memref<80x64xf32, #tpu.memory_space<vmem>>) target(%dma_start3A_83 : memref<10240x64xf32, #tpu.memory_space<vmem_shared>>) offsets(%dma_start3A_80 : memref<80xi32, #tpu.memory_space<vmem>>) semaphore(%arg24 : memref<!tpu.dma_semaphore, #tpu.memory_space<semaphore_mem>>) {add = true}
    %dma_wait3A_84 = arith.constant 123 : i32
    %dma_wait3A_85 = arith.constant 0 : i32
    %dma_wait3A_86 = tpu.memref_slice %arg7[%dma_wait3A_84, %dma_wait3A_85] : memref<125x80xi32, #tpu.memory_space<vmem>> -> memref<1x80xi32, #tpu.memory_space<vmem>>
    %dma_wait3A_87 = tpu.memref_squeeze %dma_wait3A_86 : memref<1x80xi32, #tpu.memory_space<vmem>> -> memref<80xi32, #tpu.memory_space<vmem>>
    %dma_wait3A_88 = arith.constant 0 : i32
    %dma_wait3A_89 = arith.constant 0 : i32
    %dma_wait3A_90 = tpu.memref_slice %arg2[%dma_wait3A_88, %dma_wait3A_89] : memref<10000x64xf32, #tpu.memory_space<hbm>> -> memref<10000x64xf32, #tpu.memory_space<hbm>>
    tpu.wait_indirect_dma semaphore(%arg19 : memref<!tpu.dma_semaphore, #tpu.memory_space<semaphore_mem>>) src(%dma_wait3A_90 : memref<10000x64xf32, #tpu.memory_space<hbm>>) dst(%arg12 : memref<80x64xf32, #tpu.memory_space<vmem>>)
    %dma_start3A_91 = arith.constant 123 : i32
    %dma_start3A_92 = arith.constant 0 : i32
    %dma_start3A_93 = tpu.memref_slice %arg8[%dma_start3A_91, %dma_start3A_92] : memref<125x80xi32, #tpu.memory_space<vmem>> -> memref<1x80xi32, #tpu.memory_space<vmem>>
    %dma_start3A_94 = tpu.memref_squeeze %dma_start3A_93 : memref<1x80xi32, #tpu.memory_space<vmem>> -> memref<80xi32, #tpu.memory_space<vmem>>
    %dma_start3A_95 = arith.constant 0 : i32
    %dma_start3A_96 = arith.constant 0 : i32
    %dma_start3A_97 = tpu.memref_slice %arg15[%dma_start3A_95, %dma_start3A_96] : memref<10240x64xf32, #tpu.memory_space<vmem_shared>> -> memref<10240x64xf32, #tpu.memory_space<vmem_shared>>
    tpu.enqueue_indirect_dma source(%arg12 : memref<80x64xf32, #tpu.memory_space<vmem>>) target(%dma_start3A_97 : memref<10240x64xf32, #tpu.memory_space<vmem_shared>>) offsets(%dma_start3A_94 : memref<80xi32, #tpu.memory_space<vmem>>) semaphore(%arg25 : memref<!tpu.dma_semaphore, #tpu.memory_space<semaphore_mem>>) {add = true}
    %dma_wait3A_98 = arith.constant 124 : i32
    %dma_wait3A_99 = arith.constant 0 : i32
    %dma_wait3A_100 = tpu.memref_slice %arg7[%dma_wait3A_98, %dma_wait3A_99] : memref<125x80xi32, #tpu.memory_space<vmem>> -> memref<1x80xi32, #tpu.memory_space<vmem>>
    %dma_wait3A_101 = tpu.memref_squeeze %dma_wait3A_100 : memref<1x80xi32, #tpu.memory_space<vmem>> -> memref<80xi32, #tpu.memory_space<vmem>>
    %dma_wait3A_102 = arith.constant 0 : i32
    %dma_wait3A_103 = arith.constant 0 : i32
    %dma_wait3A_104 = tpu.memref_slice %arg2[%dma_wait3A_102, %dma_wait3A_103] : memref<10000x64xf32, #tpu.memory_space<hbm>> -> memref<10000x64xf32, #tpu.memory_space<hbm>>
    tpu.wait_indirect_dma semaphore(%arg20 : memref<!tpu.dma_semaphore, #tpu.memory_space<semaphore_mem>>) src(%dma_wait3A_104 : memref<10000x64xf32, #tpu.memory_space<hbm>>) dst(%arg13 : memref<80x64xf32, #tpu.memory_space<vmem>>)
    %dma_start3A_105 = arith.constant 124 : i32
    %dma_start3A_106 = arith.constant 0 : i32
    %dma_start3A_107 = tpu.memref_slice %arg8[%dma_start3A_105, %dma_start3A_106] : memref<125x80xi32, #tpu.memory_space<vmem>> -> memref<1x80xi32, #tpu.memory_space<vmem>>
    %dma_start3A_108 = tpu.memref_squeeze %dma_start3A_107 : memref<1x80xi32, #tpu.memory_space<vmem>> -> memref<80xi32, #tpu.memory_space<vmem>>
    %dma_start3A_109 = arith.constant 0 : i32
    %dma_start3A_110 = arith.constant 0 : i32
    %dma_start3A_111 = tpu.memref_slice %arg15[%dma_start3A_109, %dma_start3A_110] : memref<10240x64xf32, #tpu.memory_space<vmem_shared>> -> memref<10240x64xf32, #tpu.memory_space<vmem_shared>>
    tpu.enqueue_indirect_dma source(%arg13 : memref<80x64xf32, #tpu.memory_space<vmem>>) target(%dma_start3A_111 : memref<10240x64xf32, #tpu.memory_space<vmem_shared>>) offsets(%dma_start3A_108 : memref<80xi32, #tpu.memory_space<vmem>>) semaphore(%arg26 : memref<!tpu.dma_semaphore, #tpu.memory_space<semaphore_mem>>) {add = true}
    %dma_wait3A_112 = arith.constant 120 : i32
    %dma_wait3A_113 = arith.constant 0 : i32
    %dma_wait3A_114 = tpu.memref_slice %arg8[%dma_wait3A_112, %dma_wait3A_113] : memref<125x80xi32, #tpu.memory_space<vmem>> -> memref<1x80xi32, #tpu.memory_space<vmem>>
    %dma_wait3A_115 = tpu.memref_squeeze %dma_wait3A_114 : memref<1x80xi32, #tpu.memory_space<vmem>> -> memref<80xi32, #tpu.memory_space<vmem>>
    %dma_wait3A_116 = arith.constant 0 : i32
    %dma_wait3A_117 = arith.constant 0 : i32
    %dma_wait3A_118 = tpu.memref_slice %arg15[%dma_wait3A_116, %dma_wait3A_117] : memref<10240x64xf32, #tpu.memory_space<vmem_shared>> -> memref<10240x64xf32, #tpu.memory_space<vmem_shared>>
    tpu.wait_indirect_dma semaphore(%arg22 : memref<!tpu.dma_semaphore, #tpu.memory_space<semaphore_mem>>) src(%arg9 : memref<80x64xf32, #tpu.memory_space<vmem>>) dst(%dma_wait3A_118 : memref<10240x64xf32, #tpu.memory_space<vmem_shared>>)
    %dma_wait3A_119 = arith.constant 121 : i32
    %dma_wait3A_120 = arith.constant 0 : i32
    %dma_wait3A_121 = tpu.memref_slice %arg8[%dma_wait3A_119, %dma_wait3A_120] : memref<125x80xi32, #tpu.memory_space<vmem>> -> memref<1x80xi32, #tpu.memory_space<vmem>>
    %dma_wait3A_122 = tpu.memref_squeeze %dma_wait3A_121 : memref<1x80xi32, #tpu.memory_space<vmem>> -> memref<80xi32, #tpu.memory_space<vmem>>
    %dma_wait3A_123 = arith.constant 0 : i32
    %dma_wait3A_124 = arith.constant 0 : i32
    %dma_wait3A_125 = tpu.memref_slice %arg15[%dma_wait3A_123, %dma_wait3A_124] : memref<10240x64xf32, #tpu.memory_space<vmem_shared>> -> memref<10240x64xf32, #tpu.memory_space<vmem_shared>>
    tpu.wait_indirect_dma semaphore(%arg23 : memref<!tpu.dma_semaphore, #tpu.memory_space<semaphore_mem>>) src(%arg10 : memref<80x64xf32, #tpu.memory_space<vmem>>) dst(%dma_wait3A_125 : memref<10240x64xf32, #tpu.memory_space<vmem_shared>>)
    %dma_wait3A_126 = arith.constant 122 : i32
    %dma_wait3A_127 = arith.constant 0 : i32
    %dma_wait3A_128 = tpu.memref_slice %arg8[%dma_wait3A_126, %dma_wait3A_127] : memref<125x80xi32, #tpu.memory_space<vmem>> -> memref<1x80xi32, #tpu.memory_space<vmem>>
    %dma_wait3A_129 = tpu.memref_squeeze %dma_wait3A_128 : memref<1x80xi32, #tpu.memory_space<vmem>> -> memref<80xi32, #tpu.memory_space<vmem>>
    %dma_wait3A_130 = arith.constant 0 : i32
    %dma_wait3A_131 = arith.constant 0 : i32
    %dma_wait3A_132 = tpu.memref_slice %arg15[%dma_wait3A_130, %dma_wait3A_131] : memref<10240x64xf32, #tpu.memory_space<vmem_shared>> -> memref<10240x64xf32, #tpu.memory_space<vmem_shared>>
    tpu.wait_indirect_dma semaphore(%arg24 : memref<!tpu.dma_semaphore, #tpu.memory_space<semaphore_mem>>) src(%arg11 : memref<80x64xf32, #tpu.memory_space<vmem>>) dst(%dma_wait3A_132 : memref<10240x64xf32, #tpu.memory_space<vmem_shared>>)
    %dma_wait3A_133 = arith.constant 123 : i32
    %dma_wait3A_134 = arith.constant 0 : i32
    %dma_wait3A_135 = tpu.memref_slice %arg8[%dma_wait3A_133, %dma_wait3A_134] : memref<125x80xi32, #tpu.memory_space<vmem>> -> memref<1x80xi32, #tpu.memory_space<vmem>>
    %dma_wait3A_136 = tpu.memref_squeeze %dma_wait3A_135 : memref<1x80xi32, #tpu.memory_space<vmem>> -> memref<80xi32, #tpu.memory_space<vmem>>
    %dma_wait3A_137 = arith.constant 0 : i32
    %dma_wait3A_138 = arith.constant 0 : i32
    %dma_wait3A_139 = tpu.memref_slice %arg15[%dma_wait3A_137, %dma_wait3A_138] : memref<10240x64xf32, #tpu.memory_space<vmem_shared>> -> memref<10240x64xf32, #tpu.memory_space<vmem_shared>>
    tpu.wait_indirect_dma semaphore(%arg25 : memref<!tpu.dma_semaphore, #tpu.memory_space<semaphore_mem>>) src(%arg12 : memref<80x64xf32, #tpu.memory_space<vmem>>) dst(%dma_wait3A_139 : memref<10240x64xf32, #tpu.memory_space<vmem_shared>>)
    %dma_wait3A_140 = arith.constant 124 : i32
    %dma_wait3A_141 = arith.constant 0 : i32
    %dma_wait3A_142 = tpu.memref_slice %arg8[%dma_wait3A_140, %dma_wait3A_141] : memref<125x80xi32, #tpu.memory_space<vmem>> -> memref<1x80xi32, #tpu.memory_space<vmem>>
    %dma_wait3A_143 = tpu.memref_squeeze %dma_wait3A_142 : memref<1x80xi32, #tpu.memory_space<vmem>> -> memref<80xi32, #tpu.memory_space<vmem>>
    %dma_wait3A_144 = arith.constant 0 : i32
    %dma_wait3A_145 = arith.constant 0 : i32
    %dma_wait3A_146 = tpu.memref_slice %arg15[%dma_wait3A_144, %dma_wait3A_145] : memref<10240x64xf32, #tpu.memory_space<vmem_shared>> -> memref<10240x64xf32, #tpu.memory_space<vmem_shared>>
    tpu.wait_indirect_dma semaphore(%arg26 : memref<!tpu.dma_semaphore, #tpu.memory_space<semaphore_mem>>) src(%arg13 : memref<80x64xf32, #tpu.memory_space<vmem>>) dst(%dma_wait3A_146 : memref<10240x64xf32, #tpu.memory_space<vmem_shared>>)
    %barrier3A_147 = arith.constant 0 : index
    tpu.barrier barrier_id(%barrier3A_147)
    %mul3A_148 = arith.constant 640 : i32
    %mul3A_149 = arith.muli %arg1, %mul3A_148 : i32
    %mul3A_150 = arith.constant 640 : i32
    %mul3A_151 = arith.muli %arg1, %mul3A_150 : i32
    "tpu.region"() ({
      %run_scoped3A = tpu.sem_alloc : memref<!tpu.dma_semaphore, #tpu.memory_space<semaphore_mem>>
      %dma_start3A_152 = arith.constant 0 : i32
      %dma_start3A_153 = tpu.memref_slice %arg6[%arg0, %mul3A_151, %dma_start3A_152] : memref<2x10240x64xf32, #tpu.memory_space<hbm>> -> memref<1x640x64xf32, #tpu.memory_space<hbm>>
      %dma_start3A_154 = tpu.memref_squeeze %dma_start3A_153 : memref<1x640x64xf32, #tpu.memory_space<hbm>> -> memref<640x64xf32, #tpu.memory_space<hbm>>
      %dma_start3A_155 = arith.constant 0 : i32
      %dma_start3A_156 = tpu.memref_slice %arg15[%mul3A_149, %dma_start3A_155] : memref<10240x64xf32, #tpu.memory_space<vmem_shared>> -> memref<640x64xf32, #tpu.memory_space<vmem_shared>>
      tpu.enqueue_dma source(%dma_start3A_156 : memref<640x64xf32, #tpu.memory_space<vmem_shared>>) target(%dma_start3A_154 : memref<640x64xf32, #tpu.memory_space<hbm>>) target_semaphore(%run_scoped3A : memref<!tpu.dma_semaphore, #tpu.memory_space<semaphore_mem>>)
      %dma_wait3A_157 = arith.constant 0 : i32
      %dma_wait3A_158 = tpu.memref_slice %arg6[%arg0, %mul3A_151, %dma_wait3A_157] : memref<2x10240x64xf32, #tpu.memory_space<hbm>> -> memref<1x640x64xf32, #tpu.memory_space<hbm>>
      %dma_wait3A_159 = tpu.memref_squeeze %dma_wait3A_158 : memref<1x640x64xf32, #tpu.memory_space<hbm>> -> memref<640x64xf32, #tpu.memory_space<hbm>>
      %dma_wait3A_160 = arith.constant 0 : i32
      %dma_wait3A_161 = tpu.memref_slice %arg15[%mul3A_149, %dma_wait3A_160] : memref<10240x64xf32, #tpu.memory_space<vmem_shared>> -> memref<640x64xf32, #tpu.memory_space<vmem_shared>>
      tpu.wait_dma2 semaphore(%run_scoped3A : memref<!tpu.dma_semaphore, #tpu.memory_space<semaphore_mem>>) src(%dma_wait3A_161 : memref<640x64xf32, #tpu.memory_space<vmem_shared>>) dst(%dma_wait3A_159 : memref<640x64xf32, #tpu.memory_space<hbm>>)
      tpu.yield
    }) : () -> ()
    return
  }
}

#map = affine_map<(d0, d1) -> (0, 0)>
#map1 = affine_map<(d0, d1) -> (0, 0, 0)>
module attributes {stable_mosaic.version = 14 : i64} {
  func.func @_edge_gather(%arg0: i32, %arg1: i32, %arg2: memref<10000x64xf32, #tpu.memory_space<hbm>>, %arg3: memref<10000x64xf32, #tpu.memory_space<hbm>>, %arg4: memref<32x125x80xi32, #tpu.memory_space<hbm>>, %arg5: memref<32x125x80xi32, #tpu.memory_space<hbm>>, %arg6: memref<160000x128xf32, #tpu.memory_space<hbm>>, %arg7: memref<32x2x64xf32, #tpu.memory_space<hbm>>, %arg8: memref<125x80xi32, #tpu.memory_space<vmem>>, %arg9: memref<125x80xi32, #tpu.memory_space<vmem>>, %arg10: memref<80x64xf32, #tpu.memory_space<vmem>>, %arg11: memref<80x64xf32, #tpu.memory_space<vmem>>, %arg12: memref<80x64xf32, #tpu.memory_space<vmem>>, %arg13: memref<80x64xf32, #tpu.memory_space<vmem>>, %arg14: memref<80x64xf32, #tpu.memory_space<vmem>>, %arg15: memref<80x64xf32, #tpu.memory_space<vmem>>, %arg16: memref<80x64xf32, #tpu.memory_space<vmem>>, %arg17: memref<80x64xf32, #tpu.memory_space<vmem>>, %arg18: memref<40x128xf32, #tpu.memory_space<vmem>>, %arg19: memref<40x128xf32, #tpu.memory_space<vmem>>, %arg20: memref<40x128xf32, #tpu.memory_space<vmem>>, %arg21: memref<40x128xf32, #tpu.memory_space<vmem>>, %arg22: memref<2x64xf32, #tpu.memory_space<vmem>>, %arg23: memref<!tpu.dma_semaphore, #tpu.memory_space<semaphore_mem>>, %arg24: memref<!tpu.dma_semaphore, #tpu.memory_space<semaphore_mem>>, %arg25: memref<!tpu.dma_semaphore, #tpu.memory_space<semaphore_mem>>, %arg26: memref<!tpu.dma_semaphore, #tpu.memory_space<semaphore_mem>>, %arg27: memref<!tpu.dma_semaphore, #tpu.memory_space<semaphore_mem>>, %arg28: memref<!tpu.dma_semaphore, #tpu.memory_space<semaphore_mem>>, %arg29: memref<!tpu.dma_semaphore, #tpu.memory_space<semaphore_mem>>, %arg30: memref<!tpu.dma_semaphore, #tpu.memory_space<semaphore_mem>>, %arg31: memref<!tpu.dma_semaphore, #tpu.memory_space<semaphore_mem>>, %arg32: memref<!tpu.dma_semaphore, #tpu.memory_space<semaphore_mem>>, %arg33: memref<!tpu.dma_semaphore, #tpu.memory_space<semaphore_mem>>, %arg34: memref<!tpu.dma_semaphore, #tpu.memory_space<semaphore_mem>>) attributes {dimension_semantics = [#tpu.dimension_semantics<core_parallel>, #tpu.dimension_semantics<subcore_parallel>], iteration_bounds = array<i64: 2, 16>, scalar_prefetch = 0 : i64, scratch_operands = 27 : i64, tpu.core_type = #tpu.core_type<sc_vector_subcore>, window_params = [{transform_indices = #map}, {transform_indices = #map}, {transform_indices = #map1}, {transform_indices = #map1}, {transform_indices = #map}, {transform_indices = #map1}]} {
    %mul3A = arith.constant 16 : i32
    %mul3A_0 = arith.muli %arg0, %mul3A : i32
    %add3A = arith.addi %mul3A_0, %arg1 : i32
    "tpu.region"() ({
      %run_scoped3A = tpu.sem_alloc : memref<!tpu.dma_semaphore, #tpu.memory_space<semaphore_mem>>
      %dma_start3A_100 = arith.constant 0 : i32
      %dma_start3A_101 = arith.constant 0 : i32
      %dma_start3A_102 = tpu.memref_slice %arg4[%add3A, %dma_start3A_100, %dma_start3A_101] : memref<32x125x80xi32, #tpu.memory_space<hbm>> -> memref<1x125x80xi32, #tpu.memory_space<hbm>>
      %dma_start3A_103 = tpu.memref_squeeze %dma_start3A_102 : memref<1x125x80xi32, #tpu.memory_space<hbm>> -> memref<125x80xi32, #tpu.memory_space<hbm>>
      %dma_start3A_104 = arith.constant 0 : i32
      %dma_start3A_105 = arith.constant 0 : i32
      %dma_start3A_106 = tpu.memref_slice %arg4[%add3A, %dma_start3A_104, %dma_start3A_105] : memref<32x125x80xi32, #tpu.memory_space<hbm>> -> memref<1x125x80xi32, #tpu.memory_space<hbm>>
      %dma_start3A_107 = tpu.memref_squeeze %dma_start3A_106 : memref<1x125x80xi32, #tpu.memory_space<hbm>> -> memref<125x80xi32, #tpu.memory_space<hbm>>
      tpu.enqueue_dma source(%dma_start3A_107 : memref<125x80xi32, #tpu.memory_space<hbm>>) target(%arg8 : memref<125x80xi32, #tpu.memory_space<vmem>>) target_semaphore(%run_scoped3A : memref<!tpu.dma_semaphore, #tpu.memory_space<semaphore_mem>>)
      %dma_wait3A_108 = arith.constant 0 : i32
      %dma_wait3A_109 = arith.constant 0 : i32
      %dma_wait3A_110 = tpu.memref_slice %arg4[%add3A, %dma_wait3A_108, %dma_wait3A_109] : memref<32x125x80xi32, #tpu.memory_space<hbm>> -> memref<1x125x80xi32, #tpu.memory_space<hbm>>
      %dma_wait3A_111 = tpu.memref_squeeze %dma_wait3A_110 : memref<1x125x80xi32, #tpu.memory_space<hbm>> -> memref<125x80xi32, #tpu.memory_space<hbm>>
      %dma_wait3A_112 = arith.constant 0 : i32
      %dma_wait3A_113 = arith.constant 0 : i32
      %dma_wait3A_114 = tpu.memref_slice %arg4[%add3A, %dma_wait3A_112, %dma_wait3A_113] : memref<32x125x80xi32, #tpu.memory_space<hbm>> -> memref<1x125x80xi32, #tpu.memory_space<hbm>>
      %dma_wait3A_115 = tpu.memref_squeeze %dma_wait3A_114 : memref<1x125x80xi32, #tpu.memory_space<hbm>> -> memref<125x80xi32, #tpu.memory_space<hbm>>
      tpu.wait_dma2 semaphore(%run_scoped3A : memref<!tpu.dma_semaphore, #tpu.memory_space<semaphore_mem>>) src(%dma_wait3A_115 : memref<125x80xi32, #tpu.memory_space<hbm>>) dst(%arg8 : memref<125x80xi32, #tpu.memory_space<vmem>>)
      tpu.yield
    }) : () -> ()
    "tpu.region"() ({
      %run_scoped3A = tpu.sem_alloc : memref<!tpu.dma_semaphore, #tpu.memory_space<semaphore_mem>>
      %dma_start3A_100 = arith.constant 0 : i32
      %dma_start3A_101 = arith.constant 0 : i32
      %dma_start3A_102 = tpu.memref_slice %arg5[%add3A, %dma_start3A_100, %dma_start3A_101] : memref<32x125x80xi32, #tpu.memory_space<hbm>> -> memref<1x125x80xi32, #tpu.memory_space<hbm>>
      %dma_start3A_103 = tpu.memref_squeeze %dma_start3A_102 : memref<1x125x80xi32, #tpu.memory_space<hbm>> -> memref<125x80xi32, #tpu.memory_space<hbm>>
      %dma_start3A_104 = arith.constant 0 : i32
      %dma_start3A_105 = arith.constant 0 : i32
      %dma_start3A_106 = tpu.memref_slice %arg5[%add3A, %dma_start3A_104, %dma_start3A_105] : memref<32x125x80xi32, #tpu.memory_space<hbm>> -> memref<1x125x80xi32, #tpu.memory_space<hbm>>
      %dma_start3A_107 = tpu.memref_squeeze %dma_start3A_106 : memref<1x125x80xi32, #tpu.memory_space<hbm>> -> memref<125x80xi32, #tpu.memory_space<hbm>>
      tpu.enqueue_dma source(%dma_start3A_107 : memref<125x80xi32, #tpu.memory_space<hbm>>) target(%arg9 : memref<125x80xi32, #tpu.memory_space<vmem>>) target_semaphore(%run_scoped3A : memref<!tpu.dma_semaphore, #tpu.memory_space<semaphore_mem>>)
      %dma_wait3A_108 = arith.constant 0 : i32
      %dma_wait3A_109 = arith.constant 0 : i32
      %dma_wait3A_110 = tpu.memref_slice %arg5[%add3A, %dma_wait3A_108, %dma_wait3A_109] : memref<32x125x80xi32, #tpu.memory_space<hbm>> -> memref<1x125x80xi32, #tpu.memory_space<hbm>>
      %dma_wait3A_111 = tpu.memref_squeeze %dma_wait3A_110 : memref<1x125x80xi32, #tpu.memory_space<hbm>> -> memref<125x80xi32, #tpu.memory_space<hbm>>
      %dma_wait3A_112 = arith.constant 0 : i32
      %dma_wait3A_113 = arith.constant 0 : i32
      %dma_wait3A_114 = tpu.memref_slice %arg5[%add3A, %dma_wait3A_112, %dma_wait3A_113] : memref<32x125x80xi32, #tpu.memory_space<hbm>> -> memref<1x125x80xi32, #tpu.memory_space<hbm>>
      %dma_wait3A_115 = tpu.memref_squeeze %dma_wait3A_114 : memref<1x125x80xi32, #tpu.memory_space<hbm>> -> memref<125x80xi32, #tpu.memory_space<hbm>>
      tpu.wait_dma2 semaphore(%run_scoped3A : memref<!tpu.dma_semaphore, #tpu.memory_space<semaphore_mem>>) src(%dma_wait3A_115 : memref<125x80xi32, #tpu.memory_space<hbm>>) dst(%arg9 : memref<125x80xi32, #tpu.memory_space<vmem>>)
      tpu.yield
    }) : () -> ()
    %broadcast_in_dim3A = arith.constant 0.000000e+00 : f32
    %broadcast_in_dim3A_1 = vector.broadcast %broadcast_in_dim3A : f32 to vector<16xf32>
    %scan3A = arith.constant 0 : i32
    %scan3A_2 = arith.constant 31 : i32
    %scan3A_3 = arith.addi %scan3A, %scan3A_2 : i32
    %scan3A_4 = arith.constant 1 : i32
    %scan3A_5:8 = scf.for %scan3A_100 = %scan3A to %scan3A_3 step %scan3A_4 iter_args(%scan3A_101 = %broadcast_in_dim3A_1, %scan3A_102 = %broadcast_in_dim3A_1, %scan3A_103 = %broadcast_in_dim3A_1, %scan3A_104 = %broadcast_in_dim3A_1, %scan3A_105 = %broadcast_in_dim3A_1, %scan3A_106 = %broadcast_in_dim3A_1, %scan3A_107 = %broadcast_in_dim3A_1, %scan3A_108 = %broadcast_in_dim3A_1) -> (vector<16xf32>, vector<16xf32>, vector<16xf32>, vector<16xf32>, vector<16xf32>, vector<16xf32>, vector<16xf32>, vector<16xf32>)  : i32 {
      %mul3A_109 = arith.constant 4 : i32
      %mul3A_110 = arith.muli %mul3A_109, %scan3A_100 : i32
      %add3A_111 = arith.constant 0 : i32
      %add3A_112 = arith.addi %mul3A_110, %add3A_111 : i32
      %dma_start3A_113 = arith.constant 0 : i32
      %dma_start3A_114 = tpu.memref_slice %arg8[%add3A_112, %dma_start3A_113] : memref<125x80xi32, #tpu.memory_space<vmem>> -> memref<1x80xi32, #tpu.memory_space<vmem>>
      %dma_start3A_115 = tpu.memref_squeeze %dma_start3A_114 : memref<1x80xi32, #tpu.memory_space<vmem>> -> memref<80xi32, #tpu.memory_space<vmem>>
      %dma_start3A_116 = arith.constant 0 : i32
      %dma_start3A_117 = arith.constant 0 : i32
      %dma_start3A_118 = tpu.memref_slice %arg2[%dma_start3A_116, %dma_start3A_117] : memref<10000x64xf32, #tpu.memory_space<hbm>> -> memref<10000x64xf32, #tpu.memory_space<hbm>>
      tpu.enqueue_indirect_dma source(%dma_start3A_118 : memref<10000x64xf32, #tpu.memory_space<hbm>>) target(%arg10 : memref<80x64xf32, #tpu.memory_space<vmem>>) offsets(%dma_start3A_115 : memref<80xi32, #tpu.memory_space<vmem>>) semaphore(%arg23 : memref<!tpu.dma_semaphore, #tpu.memory_space<semaphore_mem>>)
      %dma_start3A_119 = arith.constant 0 : i32
      %dma_start3A_120 = tpu.memref_slice %arg9[%add3A_112, %dma_start3A_119] : memref<125x80xi32, #tpu.memory_space<vmem>> -> memref<1x80xi32, #tpu.memory_space<vmem>>
      %dma_start3A_121 = tpu.memref_squeeze %dma_start3A_120 : memref<1x80xi32, #tpu.memory_space<vmem>> -> memref<80xi32, #tpu.memory_space<vmem>>
      %dma_start3A_122 = arith.constant 0 : i32
      %dma_start3A_123 = arith.constant 0 : i32
      %dma_start3A_124 = tpu.memref_slice %arg3[%dma_start3A_122, %dma_start3A_123] : memref<10000x64xf32, #tpu.memory_space<hbm>> -> memref<10000x64xf32, #tpu.memory_space<hbm>>
      tpu.enqueue_indirect_dma source(%dma_start3A_124 : memref<10000x64xf32, #tpu.memory_space<hbm>>) target(%arg14 : memref<80x64xf32, #tpu.memory_space<vmem>>) offsets(%dma_start3A_121 : memref<80xi32, #tpu.memory_space<vmem>>) semaphore(%arg27 : memref<!tpu.dma_semaphore, #tpu.memory_space<semaphore_mem>>)
      %add3A_125 = arith.constant 1 : i32
      %add3A_126 = arith.addi %mul3A_110, %add3A_125 : i32
      %dma_start3A_127 = arith.constant 0 : i32
      %dma_start3A_128 = tpu.memref_slice %arg8[%add3A_126, %dma_start3A_127] : memref<125x80xi32, #tpu.memory_space<vmem>> -> memref<1x80xi32, #tpu.memory_space<vmem>>
      %dma_start3A_129 = tpu.memref_squeeze %dma_start3A_128 : memref<1x80xi32, #tpu.memory_space<vmem>> -> memref<80xi32, #tpu.memory_space<vmem>>
      %dma_start3A_130 = arith.constant 0 : i32
      %dma_start3A_131 = arith.constant 0 : i32
      %dma_start3A_132 = tpu.memref_slice %arg2[%dma_start3A_130, %dma_start3A_131] : memref<10000x64xf32, #tpu.memory_space<hbm>> -> memref<10000x64xf32, #tpu.memory_space<hbm>>
      tpu.enqueue_indirect_dma source(%dma_start3A_132 : memref<10000x64xf32, #tpu.memory_space<hbm>>) target(%arg11 : memref<80x64xf32, #tpu.memory_space<vmem>>) offsets(%dma_start3A_129 : memref<80xi32, #tpu.memory_space<vmem>>) semaphore(%arg24 : memref<!tpu.dma_semaphore, #tpu.memory_space<semaphore_mem>>)
      %dma_start3A_133 = arith.constant 0 : i32
      %dma_start3A_134 = tpu.memref_slice %arg9[%add3A_126, %dma_start3A_133] : memref<125x80xi32, #tpu.memory_space<vmem>> -> memref<1x80xi32, #tpu.memory_space<vmem>>
      %dma_start3A_135 = tpu.memref_squeeze %dma_start3A_134 : memref<1x80xi32, #tpu.memory_space<vmem>> -> memref<80xi32, #tpu.memory_space<vmem>>
      %dma_start3A_136 = arith.constant 0 : i32
      %dma_start3A_137 = arith.constant 0 : i32
      %dma_start3A_138 = tpu.memref_slice %arg3[%dma_start3A_136, %dma_start3A_137] : memref<10000x64xf32, #tpu.memory_space<hbm>> -> memref<10000x64xf32, #tpu.memory_space<hbm>>
      tpu.enqueue_indirect_dma source(%dma_start3A_138 : memref<10000x64xf32, #tpu.memory_space<hbm>>) target(%arg15 : memref<80x64xf32, #tpu.memory_space<vmem>>) offsets(%dma_start3A_135 : memref<80xi32, #tpu.memory_space<vmem>>) semaphore(%arg28 : memref<!tpu.dma_semaphore, #tpu.memory_space<semaphore_mem>>)
      %add3A_139 = arith.constant 2 : i32
      %add3A_140 = arith.addi %mul3A_110, %add3A_139 : i32
      %dma_start3A_141 = arith.constant 0 : i32
      %dma_start3A_142 = tpu.memref_slice %arg8[%add3A_140, %dma_start3A_141] : memref<125x80xi32, #tpu.memory_space<vmem>> -> memref<1x80xi32, #tpu.memory_space<vmem>>
      %dma_start3A_143 = tpu.memref_squeeze %dma_start3A_142 : memref<1x80xi32, #tpu.memory_space<vmem>> -> memref<80xi32, #tpu.memory_space<vmem>>
      %dma_start3A_144 = arith.constant 0 : i32
      %dma_start3A_145 = arith.constant 0 : i32
      %dma_start3A_146 = tpu.memref_slice %arg2[%dma_start3A_144, %dma_start3A_145] : memref<10000x64xf32, #tpu.memory_space<hbm>> -> memref<10000x64xf32, #tpu.memory_space<hbm>>
      tpu.enqueue_indirect_dma source(%dma_start3A_146 : memref<10000x64xf32, #tpu.memory_space<hbm>>) target(%arg12 : memref<80x64xf32, #tpu.memory_space<vmem>>) offsets(%dma_start3A_143 : memref<80xi32, #tpu.memory_space<vmem>>) semaphore(%arg25 : memref<!tpu.dma_semaphore, #tpu.memory_space<semaphore_mem>>)
      %dma_start3A_147 = arith.constant 0 : i32
      %dma_start3A_148 = tpu.memref_slice %arg9[%add3A_140, %dma_start3A_147] : memref<125x80xi32, #tpu.memory_space<vmem>> -> memref<1x80xi32, #tpu.memory_space<vmem>>
      %dma_start3A_149 = tpu.memref_squeeze %dma_start3A_148 : memref<1x80xi32, #tpu.memory_space<vmem>> -> memref<80xi32, #tpu.memory_space<vmem>>
      %dma_start3A_150 = arith.constant 0 : i32
      %dma_start3A_151 = arith.constant 0 : i32
      %dma_start3A_152 = tpu.memref_slice %arg3[%dma_start3A_150, %dma_start3A_151] : memref<10000x64xf32, #tpu.memory_space<hbm>> -> memref<10000x64xf32, #tpu.memory_space<hbm>>
      tpu.enqueue_indirect_dma source(%dma_start3A_152 : memref<10000x64xf32, #tpu.memory_space<hbm>>) target(%arg16 : memref<80x64xf32, #tpu.memory_space<vmem>>) offsets(%dma_start3A_149 : memref<80xi32, #tpu.memory_space<vmem>>) semaphore(%arg29 : memref<!tpu.dma_semaphore, #tpu.memory_space<semaphore_mem>>)
      %add3A_153 = arith.constant 3 : i32
      %add3A_154 = arith.addi %mul3A_110, %add3A_153 : i32
      %dma_start3A_155 = arith.constant 0 : i32
      %dma_start3A_156 = tpu.memref_slice %arg8[%add3A_154, %dma_start3A_155] : memref<125x80xi32, #tpu.memory_space<vmem>> -> memref<1x80xi32, #tpu.memory_space<vmem>>
      %dma_start3A_157 = tpu.memref_squeeze %dma_start3A_156 : memref<1x80xi32, #tpu.memory_space<vmem>> -> memref<80xi32, #tpu.memory_space<vmem>>
      %dma_start3A_158 = arith.constant 0 : i32
      %dma_start3A_159 = arith.constant 0 : i32
      %dma_start3A_160 = tpu.memref_slice %arg2[%dma_start3A_158, %dma_start3A_159] : memref<10000x64xf32, #tpu.memory_space<hbm>> -> memref<10000x64xf32, #tpu.memory_space<hbm>>
      tpu.enqueue_indirect_dma source(%dma_start3A_160 : memref<10000x64xf32, #tpu.memory_space<hbm>>) target(%arg13 : memref<80x64xf32, #tpu.memory_space<vmem>>) offsets(%dma_start3A_157 : memref<80xi32, #tpu.memory_space<vmem>>) semaphore(%arg26 : memref<!tpu.dma_semaphore, #tpu.memory_space<semaphore_mem>>)
      %dma_start3A_161 = arith.constant 0 : i32
      %dma_start3A_162 = tpu.memref_slice %arg9[%add3A_154, %dma_start3A_161] : memref<125x80xi32, #tpu.memory_space<vmem>> -> memref<1x80xi32, #tpu.memory_space<vmem>>
      %dma_start3A_163 = tpu.memref_squeeze %dma_start3A_162 : memref<1x80xi32, #tpu.memory_space<vmem>> -> memref<80xi32, #tpu.memory_space<vmem>>
      %dma_start3A_164 = arith.constant 0 : i32
      %dma_start3A_165 = arith.constant 0 : i32
      %dma_start3A_166 = tpu.memref_slice %arg3[%dma_start3A_164, %dma_start3A_165] : memref<10000x64xf32, #tpu.memory_space<hbm>> -> memref<10000x64xf32, #tpu.memory_space<hbm>>
      tpu.enqueue_indirect_dma source(%dma_start3A_166 : memref<10000x64xf32, #tpu.memory_space<hbm>>) target(%arg17 : memref<80x64xf32, #tpu.memory_space<vmem>>) offsets(%dma_start3A_163 : memref<80xi32, #tpu.memory_space<vmem>>) semaphore(%arg30 : memref<!tpu.dma_semaphore, #tpu.memory_space<semaphore_mem>>)
      %dma_wait3A_167 = arith.constant 0 : i32
      %dma_wait3A_168 = tpu.memref_slice %arg8[%add3A_112, %dma_wait3A_167] : memref<125x80xi32, #tpu.memory_space<vmem>> -> memref<1x80xi32, #tpu.memory_space<vmem>>
      %dma_wait3A_169 = tpu.memref_squeeze %dma_wait3A_168 : memref<1x80xi32, #tpu.memory_space<vmem>> -> memref<80xi32, #tpu.memory_space<vmem>>
      %dma_wait3A_170 = arith.constant 0 : i32
      %dma_wait3A_171 = arith.constant 0 : i32
      %dma_wait3A_172 = tpu.memref_slice %arg2[%dma_wait3A_170, %dma_wait3A_171] : memref<10000x64xf32, #tpu.memory_space<hbm>> -> memref<10000x64xf32, #tpu.memory_space<hbm>>
      tpu.wait_indirect_dma semaphore(%arg23 : memref<!tpu.dma_semaphore, #tpu.memory_space<semaphore_mem>>) src(%dma_wait3A_172 : memref<10000x64xf32, #tpu.memory_space<hbm>>) dst(%arg10 : memref<80x64xf32, #tpu.memory_space<vmem>>)
      %dma_wait3A_173 = arith.constant 0 : i32
      %dma_wait3A_174 = tpu.memref_slice %arg9[%add3A_112, %dma_wait3A_173] : memref<125x80xi32, #tpu.memory_space<vmem>> -> memref<1x80xi32, #tpu.memory_space<vmem>>
      %dma_wait3A_175 = tpu.memref_squeeze %dma_wait3A_174 : memref<1x80xi32, #tpu.memory_space<vmem>> -> memref<80xi32, #tpu.memory_space<vmem>>
      %dma_wait3A_176 = arith.constant 0 : i32
      %dma_wait3A_177 = arith.constant 0 : i32
      %dma_wait3A_178 = tpu.memref_slice %arg3[%dma_wait3A_176, %dma_wait3A_177] : memref<10000x64xf32, #tpu.memory_space<hbm>> -> memref<10000x64xf32, #tpu.memory_space<hbm>>
      tpu.wait_indirect_dma semaphore(%arg27 : memref<!tpu.dma_semaphore, #tpu.memory_space<semaphore_mem>>) src(%dma_wait3A_178 : memref<10000x64xf32, #tpu.memory_space<hbm>>) dst(%arg14 : memref<80x64xf32, #tpu.memory_space<vmem>>)
      %scan3A_179 = arith.constant 0 : i32
      %scan3A_180 = arith.constant 40 : i32
      %scan3A_181 = arith.addi %scan3A_179, %scan3A_180 : i32
      %scan3A_182 = arith.constant 1 : i32
      %scan3A_183:8 = scf.for %scan3A_299 = %scan3A_179 to %scan3A_181 step %scan3A_182 iter_args(%scan3A_300 = %scan3A_101, %scan3A_301 = %scan3A_102, %scan3A_302 = %scan3A_103, %scan3A_303 = %scan3A_104, %scan3A_304 = %scan3A_105, %scan3A_305 = %scan3A_106, %scan3A_306 = %scan3A_107, %scan3A_307 = %scan3A_108) -> (vector<16xf32>, vector<16xf32>, vector<16xf32>, vector<16xf32>, vector<16xf32>, vector<16xf32>, vector<16xf32>, vector<16xf32>)  : i32 {
        %mul3A_308 = arith.constant 2 : i32
        %mul3A_309 = arith.muli %mul3A_308, %scan3A_299 : i32
        %add3A_310 = arith.constant 0 : i32
        %add3A_311 = arith.addi %mul3A_309, %add3A_310 : i32
        %get3A = arith.index_cast %add3A_311 : i32 to index
        %get3A_312 = arith.constant 0 : index
        %get3A_313 = tpu.vector_load %arg10[%get3A, %get3A_312] {strides = array<i32>} : memref<80x64xf32, #tpu.memory_space<vmem>>, vector<1x16xf32>,
        %get3A_314 = vector.shape_cast %get3A_313 : vector<1x16xf32> to vector<16xf32>
        %get3A_315 = arith.index_cast %add3A_311 : i32 to index
        %get3A_316 = arith.constant 0 : index
        %get3A_317 = tpu.vector_load %arg14[%get3A_315, %get3A_316] {strides = array<i32>} : memref<80x64xf32, #tpu.memory_space<vmem>>, vector<1x16xf32>,
        %get3A_318 = vector.shape_cast %get3A_317 : vector<1x16xf32> to vector<16xf32>
        %add3A_319 = arith.addf %get3A_314, %get3A_318 : vector<16xf32>
        %swap3A_320 = arith.index_cast %scan3A_299 : i32 to index
        %swap3A_321 = arith.constant 0 : index
        %swap3A_322 = tpu.vector_load %arg18[%swap3A_320, %swap3A_321] {strides = array<i32>} : memref<40x128xf32, #tpu.memory_space<vmem>>, vector<1x16xf32>,
        %swap3A_323 = vector.shape_cast %swap3A_322 : vector<1x16xf32> to vector<16xf32>
        %swap3A_324 = vector.shape_cast %add3A_319 : vector<16xf32> to vector<1x16xf32>
        tpu.vector_store %arg18[%swap3A_320, %swap3A_321], %swap3A_324 {strides = array<i32>} : memref<40x128xf32, #tpu.memory_space<vmem>>, vector<1x16xf32>,
        %add3A_325 = arith.addf %scan3A_300, %add3A_319 : vector<16xf32>
        %mul3A_326 = arith.mulf %add3A_319, %add3A_319 : vector<16xf32>
        %add3A_327 = arith.addf %scan3A_304, %mul3A_326 : vector<16xf32>
        %get3A_328 = arith.index_cast %add3A_311 : i32 to index
        %get3A_329 = arith.constant 16 : index
        %get3A_330 = tpu.vector_load %arg10[%get3A_328, %get3A_329] {strides = array<i32>} : memref<80x64xf32, #tpu.memory_space<vmem>>, vector<1x16xf32>,
        %get3A_331 = vector.shape_cast %get3A_330 : vector<1x16xf32> to vector<16xf32>
        %get3A_332 = arith.index_cast %add3A_311 : i32 to index
        %get3A_333 = arith.constant 16 : index
        %get3A_334 = tpu.vector_load %arg14[%get3A_332, %get3A_333] {strides = array<i32>} : memref<80x64xf32, #tpu.memory_space<vmem>>, vector<1x16xf32>,
        %get3A_335 = vector.shape_cast %get3A_334 : vector<1x16xf32> to vector<16xf32>
        %add3A_336 = arith.addf %get3A_331, %get3A_335 : vector<16xf32>
        %swap3A_337 = arith.index_cast %scan3A_299 : i32 to index
        %swap3A_338 = arith.constant 16 : index
        %swap3A_339 = tpu.vector_load %arg18[%swap3A_337, %swap3A_338] {strides = array<i32>} : memref<40x128xf32, #tpu.memory_space<vmem>>, vector<1x16xf32>,
        %swap3A_340 = vector.shape_cast %swap3A_339 : vector<1x16xf32> to vector<16xf32>
        %swap3A_341 = vector.shape_cast %add3A_336 : vector<16xf32> to vector<1x16xf32>
        tpu.vector_store %arg18[%swap3A_337, %swap3A_338], %swap3A_341 {strides = array<i32>} : memref<40x128xf32, #tpu.memory_space<vmem>>, vector<1x16xf32>,
        %add3A_342 = arith.addf %scan3A_301, %add3A_336 : vector<16xf32>
        %mul3A_343 = arith.mulf %add3A_336, %add3A_336 : vector<16xf32>
        %add3A_344 = arith.addf %scan3A_305, %mul3A_343 : vector<16xf32>
        %get3A_345 = arith.index_cast %add3A_311 : i32 to index
        %get3A_346 = arith.constant 32 : index
        %get3A_347 = tpu.vector_load %arg10[%get3A_345, %get3A_346] {strides = array<i32>} : memref<80x64xf32, #tpu.memory_space<vmem>>, vector<1x16xf32>,
        %get3A_348 = vector.shape_cast %get3A_347 : vector<1x16xf32> to vector<16xf32>
        %get3A_349 = arith.index_cast %add3A_311 : i32 to index
        %get3A_350 = arith.constant 32 : index
        %get3A_351 = tpu.vector_load %arg14[%get3A_349, %get3A_350] {strides = array<i32>} : memref<80x64xf32, #tpu.memory_space<vmem>>, vector<1x16xf32>,
        %get3A_352 = vector.shape_cast %get3A_351 : vector<1x16xf32> to vector<16xf32>
        %add3A_353 = arith.addf %get3A_348, %get3A_352 : vector<16xf32>
        %swap3A_354 = arith.index_cast %scan3A_299 : i32 to index
        %swap3A_355 = arith.constant 32 : index
        %swap3A_356 = tpu.vector_load %arg18[%swap3A_354, %swap3A_355] {strides = array<i32>} : memref<40x128xf32, #tpu.memory_space<vmem>>, vector<1x16xf32>,
        %swap3A_357 = vector.shape_cast %swap3A_356 : vector<1x16xf32> to vector<16xf32>
        %swap3A_358 = vector.shape_cast %add3A_353 : vector<16xf32> to vector<1x16xf32>
        tpu.vector_store %arg18[%swap3A_354, %swap3A_355], %swap3A_358 {strides = array<i32>} : memref<40x128xf32, #tpu.memory_space<vmem>>, vector<1x16xf32>,
        %add3A_359 = arith.addf %scan3A_302, %add3A_353 : vector<16xf32>
        %mul3A_360 = arith.mulf %add3A_353, %add3A_353 : vector<16xf32>
        %add3A_361 = arith.addf %scan3A_306, %mul3A_360 : vector<16xf32>
        %get3A_362 = arith.index_cast %add3A_311 : i32 to index
        %get3A_363 = arith.constant 48 : index
        %get3A_364 = tpu.vector_load %arg10[%get3A_362, %get3A_363] {strides = array<i32>} : memref<80x64xf32, #tpu.memory_space<vmem>>, vector<1x16xf32>,
        %get3A_365 = vector.shape_cast %get3A_364 : vector<1x16xf32> to vector<16xf32>
        %get3A_366 = arith.index_cast %add3A_311 : i32 to index
        %get3A_367 = arith.constant 48 : index
        %get3A_368 = tpu.vector_load %arg14[%get3A_366, %get3A_367] {strides = array<i32>} : memref<80x64xf32, #tpu.memory_space<vmem>>, vector<1x16xf32>,
        %get3A_369 = vector.shape_cast %get3A_368 : vector<1x16xf32> to vector<16xf32>
        %add3A_370 = arith.addf %get3A_365, %get3A_369 : vector<16xf32>
        %swap3A_371 = arith.index_cast %scan3A_299 : i32 to index
        %swap3A_372 = arith.constant 48 : index
        %swap3A_373 = tpu.vector_load %arg18[%swap3A_371, %swap3A_372] {strides = array<i32>} : memref<40x128xf32, #tpu.memory_space<vmem>>, vector<1x16xf32>,
        %swap3A_374 = vector.shape_cast %swap3A_373 : vector<1x16xf32> to vector<16xf32>
        %swap3A_375 = vector.shape_cast %add3A_370 : vector<16xf32> to vector<1x16xf32>
        tpu.vector_store %arg18[%swap3A_371, %swap3A_372], %swap3A_375 {strides = array<i32>} : memref<40x128xf32, #tpu.memory_space<vmem>>, vector<1x16xf32>,
        %add3A_376 = arith.addf %scan3A_303, %add3A_370 : vector<16xf32>
        %mul3A_377 = arith.mulf %add3A_370, %add3A_370 : vector<16xf32>
        %add3A_378 = arith.addf %scan3A_307, %mul3A_377 : vector<16xf32>
        %mul3A_379 = arith.constant 2 : i32
        %mul3A_380 = arith.muli %mul3A_379, %scan3A_299 : i32
        %add3A_381 = arith.constant 1 : i32
        %add3A_382 = arith.addi %mul3A_380, %add3A_381 : i32
        %get3A_383 = arith.index_cast %add3A_382 : i32 to index
        %get3A_384 = arith.constant 0 : index
        %get3A_385 = tpu.vector_load %arg10[%get3A_383, %get3A_384] {strides = array<i32>} : memref<80x64xf32, #tpu.memory_space<vmem>>, vector<1x16xf32>,
        %get3A_386 = vector.shape_cast %get3A_385 : vector<1x16xf32> to vector<16xf32>
        %get3A_387 = arith.index_cast %add3A_382 : i32 to index
        %get3A_388 = arith.constant 0 : index
        %get3A_389 = tpu.vector_load %arg14[%get3A_387, %get3A_388] {strides = array<i32>} : memref<80x64xf32, #tpu.memory_space<vmem>>, vector<1x16xf32>,
        %get3A_390 = vector.shape_cast %get3A_389 : vector<1x16xf32> to vector<16xf32>
        %add3A_391 = arith.addf %get3A_386, %get3A_390 : vector<16xf32>
        %swap3A_392 = arith.index_cast %scan3A_299 : i32 to index
        %swap3A_393 = arith.constant 64 : index
        %swap3A_394 = tpu.vector_load %arg18[%swap3A_392, %swap3A_393] {strides = array<i32>} : memref<40x128xf32, #tpu.memory_space<vmem>>, vector<1x16xf32>,
        %swap3A_395 = vector.shape_cast %swap3A_394 : vector<1x16xf32> to vector<16xf32>
        %swap3A_396 = vector.shape_cast %add3A_391 : vector<16xf32> to vector<1x16xf32>
        tpu.vector_store %arg18[%swap3A_392, %swap3A_393], %swap3A_396 {strides = array<i32>} : memref<40x128xf32, #tpu.memory_space<vmem>>, vector<1x16xf32>,
        %add3A_397 = arith.addf %add3A_325, %add3A_391 : vector<16xf32>
        %mul3A_398 = arith.mulf %add3A_391, %add3A_391 : vector<16xf32>
        %add3A_399 = arith.addf %add3A_327, %mul3A_398 : vector<16xf32>
        %get3A_400 = arith.index_cast %add3A_382 : i32 to index
        %get3A_401 = arith.constant 16 : index
        %get3A_402 = tpu.vector_load %arg10[%get3A_400, %get3A_401] {strides = array<i32>} : memref<80x64xf32, #tpu.memory_space<vmem>>, vector<1x16xf32>,
        %get3A_403 = vector.shape_cast %get3A_402 : vector<1x16xf32> to vector<16xf32>
        %get3A_404 = arith.index_cast %add3A_382 : i32 to index
        %get3A_405 = arith.constant 16 : index
        %get3A_406 = tpu.vector_load %arg14[%get3A_404, %get3A_405] {strides = array<i32>} : memref<80x64xf32, #tpu.memory_space<vmem>>, vector<1x16xf32>,
        %get3A_407 = vector.shape_cast %get3A_406 : vector<1x16xf32> to vector<16xf32>
        %add3A_408 = arith.addf %get3A_403, %get3A_407 : vector<16xf32>
        %swap3A_409 = arith.index_cast %scan3A_299 : i32 to index
        %swap3A_410 = arith.constant 80 : index
        %swap3A_411 = tpu.vector_load %arg18[%swap3A_409, %swap3A_410] {strides = array<i32>} : memref<40x128xf32, #tpu.memory_space<vmem>>, vector<1x16xf32>,
        %swap3A_412 = vector.shape_cast %swap3A_411 : vector<1x16xf32> to vector<16xf32>
        %swap3A_413 = vector.shape_cast %add3A_408 : vector<16xf32> to vector<1x16xf32>
        tpu.vector_store %arg18[%swap3A_409, %swap3A_410], %swap3A_413 {strides = array<i32>} : memref<40x128xf32, #tpu.memory_space<vmem>>, vector<1x16xf32>,
        %add3A_414 = arith.addf %add3A_342, %add3A_408 : vector<16xf32>
        %mul3A_415 = arith.mulf %add3A_408, %add3A_408 : vector<16xf32>
        %add3A_416 = arith.addf %add3A_344, %mul3A_415 : vector<16xf32>
        %get3A_417 = arith.index_cast %add3A_382 : i32 to index
        %get3A_418 = arith.constant 32 : index
        %get3A_419 = tpu.vector_load %arg10[%get3A_417, %get3A_418] {strides = array<i32>} : memref<80x64xf32, #tpu.memory_space<vmem>>, vector<1x16xf32>,
        %get3A_420 = vector.shape_cast %get3A_419 : vector<1x16xf32> to vector<16xf32>
        %get3A_421 = arith.index_cast %add3A_382 : i32 to index
        %get3A_422 = arith.constant 32 : index
        %get3A_423 = tpu.vector_load %arg14[%get3A_421, %get3A_422] {strides = array<i32>} : memref<80x64xf32, #tpu.memory_space<vmem>>, vector<1x16xf32>,
        %get3A_424 = vector.shape_cast %get3A_423 : vector<1x16xf32> to vector<16xf32>
        %add3A_425 = arith.addf %get3A_420, %get3A_424 : vector<16xf32>
        %swap3A_426 = arith.index_cast %scan3A_299 : i32 to index
        %swap3A_427 = arith.constant 96 : index
        %swap3A_428 = tpu.vector_load %arg18[%swap3A_426, %swap3A_427] {strides = array<i32>} : memref<40x128xf32, #tpu.memory_space<vmem>>, vector<1x16xf32>,
        %swap3A_429 = vector.shape_cast %swap3A_428 : vector<1x16xf32> to vector<16xf32>
        %swap3A_430 = vector.shape_cast %add3A_425 : vector<16xf32> to vector<1x16xf32>
        tpu.vector_store %arg18[%swap3A_426, %swap3A_427], %swap3A_430 {strides = array<i32>} : memref<40x128xf32, #tpu.memory_space<vmem>>, vector<1x16xf32>,
        %add3A_431 = arith.addf %add3A_359, %add3A_425 : vector<16xf32>
        %mul3A_432 = arith.mulf %add3A_425, %add3A_425 : vector<16xf32>
        %add3A_433 = arith.addf %add3A_361, %mul3A_432 : vector<16xf32>
        %get3A_434 = arith.index_cast %add3A_382 : i32 to index
        %get3A_435 = arith.constant 48 : index
        %get3A_436 = tpu.vector_load %arg10[%get3A_434, %get3A_435] {strides = array<i32>} : memref<80x64xf32, #tpu.memory_space<vmem>>, vector<1x16xf32>,
        %get3A_437 = vector.shape_cast %get3A_436 : vector<1x16xf32> to vector<16xf32>
        %get3A_438 = arith.index_cast %add3A_382 : i32 to index
        %get3A_439 = arith.constant 48 : index
        %get3A_440 = tpu.vector_load %arg14[%get3A_438, %get3A_439] {strides = array<i32>} : memref<80x64xf32, #tpu.memory_space<vmem>>, vector<1x16xf32>,
        %get3A_441 = vector.shape_cast %get3A_440 : vector<1x16xf32> to vector<16xf32>
        %add3A_442 = arith.addf %get3A_437, %get3A_441 : vector<16xf32>
        %swap3A_443 = arith.index_cast %scan3A_299 : i32 to index
        %swap3A_444 = arith.constant 112 : index
        %swap3A_445 = tpu.vector_load %arg18[%swap3A_443, %swap3A_444] {strides = array<i32>} : memref<40x128xf32, #tpu.memory_space<vmem>>, vector<1x16xf32>,
        %swap3A_446 = vector.shape_cast %swap3A_445 : vector<1x16xf32> to vector<16xf32>
        %swap3A_447 = vector.shape_cast %add3A_442 : vector<16xf32> to vector<1x16xf32>
        tpu.vector_store %arg18[%swap3A_443, %swap3A_444], %swap3A_447 {strides = array<i32>} : memref<40x128xf32, #tpu.memory_space<vmem>>, vector<1x16xf32>,
        %add3A_448 = arith.addf %add3A_376, %add3A_442 : vector<16xf32>
        %mul3A_449 = arith.mulf %add3A_442, %add3A_442 : vector<16xf32>
        %add3A_450 = arith.addf %add3A_378, %mul3A_449 : vector<16xf32>
        scf.yield %add3A_397, %add3A_414, %add3A_431, %add3A_448, %add3A_399, %add3A_416, %add3A_433, %add3A_450 : vector<16xf32>, vector<16xf32>, vector<16xf32>, vector<16xf32>, vector<16xf32>, vector<16xf32>, vector<16xf32>, vector<16xf32>
      }
      %scan3A_184 = arith.constant 40 : i32
      %add3A_185 = arith.constant 0 : i32
      %add3A_186 = arith.addi %mul3A_110, %add3A_185 : i32
      %mul3A_187 = arith.constant 125 : i32
      %mul3A_188 = arith.muli %add3A, %mul3A_187 : i32
      %add3A_189 = arith.addi %mul3A_188, %add3A_186 : i32
      %mul3A_190 = arith.constant 40 : i32
      %mul3A_191 = arith.muli %add3A_189, %mul3A_190 : i32
      %dma_start3A_192 = arith.constant 0 : i32
      %dma_start3A_193 = tpu.memref_slice %arg6[%mul3A_191, %dma_start3A_192] : memref<160000x128xf32, #tpu.memory_space<hbm>> -> memref<40x128xf32, #tpu.memory_space<hbm>>
      %dma_start3A_194 = arith.constant 0 : i32
      %dma_start3A_195 = tpu.memref_slice %arg6[%mul3A_191, %dma_start3A_194] : memref<160000x128xf32, #tpu.memory_space<hbm>> -> memref<40x128xf32, #tpu.memory_space<hbm>>
      tpu.enqueue_dma source(%arg18 : memref<40x128xf32, #tpu.memory_space<vmem>>) target(%dma_start3A_195 : memref<40x128xf32, #tpu.memory_space<hbm>>) target_semaphore(%arg31 : memref<!tpu.dma_semaphore, #tpu.memory_space<semaphore_mem>>)
      %dma_wait3A_196 = arith.constant 0 : i32
      %dma_wait3A_197 = tpu.memref_slice %arg8[%add3A_126, %dma_wait3A_196] : memref<125x80xi32, #tpu.memory_space<vmem>> -> memref<1x80xi32, #tpu.memory_space<vmem>>
      %dma_wait3A_198 = tpu.memref_squeeze %dma_wait3A_197 : memref<1x80xi32, #tpu.memory_space<vmem>> -> memref<80xi32, #tpu.memory_space<vmem>>
      %dma_wait3A_199 = arith.constant 0 : i32
      %dma_wait3A_200 = arith.constant 0 : i32
      %dma_wait3A_201 = tpu.memref_slice %arg2[%dma_wait3A_199, %dma_wait3A_200] : memref<10000x64xf32, #tpu.memory_space<hbm>> -> memref<10000x64xf32, #tpu.memory_space<hbm>>
      tpu.wait_indirect_dma semaphore(%arg24 : memref<!tpu.dma_semaphore, #tpu.memory_space<semaphore_mem>>) src(%dma_wait3A_201 : memref<10000x64xf32, #tpu.memory_space<hbm>>) dst(%arg11 : memref<80x64xf32, #tpu.memory_space<vmem>>)
      %dma_wait3A_202 = arith.constant 0 : i32
      %dma_wait3A_203 = tpu.memref_slice %arg9[%add3A_126, %dma_wait3A_202] : memref<125x80xi32, #tpu.memory_space<vmem>> -> memref<1x80xi32, #tpu.memory_space<vmem>>
      %dma_wait3A_204 = tpu.memref_squeeze %dma_wait3A_203 : memref<1x80xi32, #tpu.memory_space<vmem>> -> memref<80xi32, #tpu.memory_space<vmem>>
      %dma_wait3A_205 = arith.constant 0 : i32
      %dma_wait3A_206 = arith.constant 0 : i32
      %dma_wait3A_207 = tpu.memref_slice %arg3[%dma_wait3A_205, %dma_wait3A_206] : memref<10000x64xf32, #tpu.memory_space<hbm>> -> memref<10000x64xf32, #tpu.memory_space<hbm>>
      tpu.wait_indirect_dma semaphore(%arg28 : memref<!tpu.dma_semaphore, #tpu.memory_space<semaphore_mem>>) src(%dma_wait3A_207 : memref<10000x64xf32, #tpu.memory_space<hbm>>) dst(%arg15 : memref<80x64xf32, #tpu.memory_space<vmem>>)
      %scan3A_208 = arith.constant 0 : i32
      %scan3A_209 = arith.constant 40 : i32
      %scan3A_210 = arith.addi %scan3A_208, %scan3A_209 : i32
      %scan3A_211 = arith.constant 1 : i32
      %scan3A_212:8 = scf.for %scan3A_299 = %scan3A_208 to %scan3A_210 step %scan3A_211 iter_args(%scan3A_300 = %scan3A_183#0, %scan3A_301 = %scan3A_183#1, %scan3A_302 = %scan3A_183#2, %scan3A_303 = %scan3A_183#3, %scan3A_304 = %scan3A_183#4, %scan3A_305 = %scan3A_183#5, %scan3A_306 = %scan3A_183#6, %scan3A_307 = %scan3A_183#7) -> (vector<16xf32>, vector<16xf32>, vector<16xf32>, vector<16xf32>, vector<16xf32>, vector<16xf32>, vector<16xf32>, vector<16xf32>)  : i32 {
        %mul3A_308 = arith.constant 2 : i32
        %mul3A_309 = arith.muli %mul3A_308, %scan3A_299 : i32
        %add3A_310 = arith.constant 0 : i32
        %add3A_311 = arith.addi %mul3A_309, %add3A_310 : i32
        %get3A = arith.index_cast %add3A_311 : i32 to index
        %get3A_312 = arith.constant 0 : index
        %get3A_313 = tpu.vector_load %arg11[%get3A, %get3A_312] {strides = array<i32>} : memref<80x64xf32, #tpu.memory_space<vmem>>, vector<1x16xf32>,
        %get3A_314 = vector.shape_cast %get3A_313 : vector<1x16xf32> to vector<16xf32>
        %get3A_315 = arith.index_cast %add3A_311 : i32 to index
        %get3A_316 = arith.constant 0 : index
        %get3A_317 = tpu.vector_load %arg15[%get3A_315, %get3A_316] {strides = array<i32>} : memref<80x64xf32, #tpu.memory_space<vmem>>, vector<1x16xf32>,
        %get3A_318 = vector.shape_cast %get3A_317 : vector<1x16xf32> to vector<16xf32>
        %add3A_319 = arith.addf %get3A_314, %get3A_318 : vector<16xf32>
        %swap3A_320 = arith.index_cast %scan3A_299 : i32 to index
        %swap3A_321 = arith.constant 0 : index
        %swap3A_322 = tpu.vector_load %arg19[%swap3A_320, %swap3A_321] {strides = array<i32>} : memref<40x128xf32, #tpu.memory_space<vmem>>, vector<1x16xf32>,
        %swap3A_323 = vector.shape_cast %swap3A_322 : vector<1x16xf32> to vector<16xf32>
        %swap3A_324 = vector.shape_cast %add3A_319 : vector<16xf32> to vector<1x16xf32>
        tpu.vector_store %arg19[%swap3A_320, %swap3A_321], %swap3A_324 {strides = array<i32>} : memref<40x128xf32, #tpu.memory_space<vmem>>, vector<1x16xf32>,
        %add3A_325 = arith.addf %scan3A_300, %add3A_319 : vector<16xf32>
        %mul3A_326 = arith.mulf %add3A_319, %add3A_319 : vector<16xf32>
        %add3A_327 = arith.addf %scan3A_304, %mul3A_326 : vector<16xf32>
        %get3A_328 = arith.index_cast %add3A_311 : i32 to index
        %get3A_329 = arith.constant 16 : index
        %get3A_330 = tpu.vector_load %arg11[%get3A_328, %get3A_329] {strides = array<i32>} : memref<80x64xf32, #tpu.memory_space<vmem>>, vector<1x16xf32>,
        %get3A_331 = vector.shape_cast %get3A_330 : vector<1x16xf32> to vector<16xf32>
        %get3A_332 = arith.index_cast %add3A_311 : i32 to index
        %get3A_333 = arith.constant 16 : index
        %get3A_334 = tpu.vector_load %arg15[%get3A_332, %get3A_333] {strides = array<i32>} : memref<80x64xf32, #tpu.memory_space<vmem>>, vector<1x16xf32>,
        %get3A_335 = vector.shape_cast %get3A_334 : vector<1x16xf32> to vector<16xf32>
        %add3A_336 = arith.addf %get3A_331, %get3A_335 : vector<16xf32>
        %swap3A_337 = arith.index_cast %scan3A_299 : i32 to index
        %swap3A_338 = arith.constant 16 : index
        %swap3A_339 = tpu.vector_load %arg19[%swap3A_337, %swap3A_338] {strides = array<i32>} : memref<40x128xf32, #tpu.memory_space<vmem>>, vector<1x16xf32>,
        %swap3A_340 = vector.shape_cast %swap3A_339 : vector<1x16xf32> to vector<16xf32>
        %swap3A_341 = vector.shape_cast %add3A_336 : vector<16xf32> to vector<1x16xf32>
        tpu.vector_store %arg19[%swap3A_337, %swap3A_338], %swap3A_341 {strides = array<i32>} : memref<40x128xf32, #tpu.memory_space<vmem>>, vector<1x16xf32>,
        %add3A_342 = arith.addf %scan3A_301, %add3A_336 : vector<16xf32>
        %mul3A_343 = arith.mulf %add3A_336, %add3A_336 : vector<16xf32>
        %add3A_344 = arith.addf %scan3A_305, %mul3A_343 : vector<16xf32>
        %get3A_345 = arith.index_cast %add3A_311 : i32 to index
        %get3A_346 = arith.constant 32 : index
        %get3A_347 = tpu.vector_load %arg11[%get3A_345, %get3A_346] {strides = array<i32>} : memref<80x64xf32, #tpu.memory_space<vmem>>, vector<1x16xf32>,
        %get3A_348 = vector.shape_cast %get3A_347 : vector<1x16xf32> to vector<16xf32>
        %get3A_349 = arith.index_cast %add3A_311 : i32 to index
        %get3A_350 = arith.constant 32 : index
        %get3A_351 = tpu.vector_load %arg15[%get3A_349, %get3A_350] {strides = array<i32>} : memref<80x64xf32, #tpu.memory_space<vmem>>, vector<1x16xf32>,
        %get3A_352 = vector.shape_cast %get3A_351 : vector<1x16xf32> to vector<16xf32>
        %add3A_353 = arith.addf %get3A_348, %get3A_352 : vector<16xf32>
        %swap3A_354 = arith.index_cast %scan3A_299 : i32 to index
        %swap3A_355 = arith.constant 32 : index
        %swap3A_356 = tpu.vector_load %arg19[%swap3A_354, %swap3A_355] {strides = array<i32>} : memref<40x128xf32, #tpu.memory_space<vmem>>, vector<1x16xf32>,
        %swap3A_357 = vector.shape_cast %swap3A_356 : vector<1x16xf32> to vector<16xf32>
        %swap3A_358 = vector.shape_cast %add3A_353 : vector<16xf32> to vector<1x16xf32>
        tpu.vector_store %arg19[%swap3A_354, %swap3A_355], %swap3A_358 {strides = array<i32>} : memref<40x128xf32, #tpu.memory_space<vmem>>, vector<1x16xf32>,
        %add3A_359 = arith.addf %scan3A_302, %add3A_353 : vector<16xf32>
        %mul3A_360 = arith.mulf %add3A_353, %add3A_353 : vector<16xf32>
        %add3A_361 = arith.addf %scan3A_306, %mul3A_360 : vector<16xf32>
        %get3A_362 = arith.index_cast %add3A_311 : i32 to index
        %get3A_363 = arith.constant 48 : index
        %get3A_364 = tpu.vector_load %arg11[%get3A_362, %get3A_363] {strides = array<i32>} : memref<80x64xf32, #tpu.memory_space<vmem>>, vector<1x16xf32>,
        %get3A_365 = vector.shape_cast %get3A_364 : vector<1x16xf32> to vector<16xf32>
        %get3A_366 = arith.index_cast %add3A_311 : i32 to index
        %get3A_367 = arith.constant 48 : index
        %get3A_368 = tpu.vector_load %arg15[%get3A_366, %get3A_367] {strides = array<i32>} : memref<80x64xf32, #tpu.memory_space<vmem>>, vector<1x16xf32>,
        %get3A_369 = vector.shape_cast %get3A_368 : vector<1x16xf32> to vector<16xf32>
        %add3A_370 = arith.addf %get3A_365, %get3A_369 : vector<16xf32>
        %swap3A_371 = arith.index_cast %scan3A_299 : i32 to index
        %swap3A_372 = arith.constant 48 : index
        %swap3A_373 = tpu.vector_load %arg19[%swap3A_371, %swap3A_372] {strides = array<i32>} : memref<40x128xf32, #tpu.memory_space<vmem>>, vector<1x16xf32>,
        %swap3A_374 = vector.shape_cast %swap3A_373 : vector<1x16xf32> to vector<16xf32>
        %swap3A_375 = vector.shape_cast %add3A_370 : vector<16xf32> to vector<1x16xf32>
        tpu.vector_store %arg19[%swap3A_371, %swap3A_372], %swap3A_375 {strides = array<i32>} : memref<40x128xf32, #tpu.memory_space<vmem>>, vector<1x16xf32>,
        %add3A_376 = arith.addf %scan3A_303, %add3A_370 : vector<16xf32>
        %mul3A_377 = arith.mulf %add3A_370, %add3A_370 : vector<16xf32>
        %add3A_378 = arith.addf %scan3A_307, %mul3A_377 : vector<16xf32>
        %mul3A_379 = arith.constant 2 : i32
        %mul3A_380 = arith.muli %mul3A_379, %scan3A_299 : i32
        %add3A_381 = arith.constant 1 : i32
        %add3A_382 = arith.addi %mul3A_380, %add3A_381 : i32
        %get3A_383 = arith.index_cast %add3A_382 : i32 to index
        %get3A_384 = arith.constant 0 : index
        %get3A_385 = tpu.vector_load %arg11[%get3A_383, %get3A_384] {strides = array<i32>} : memref<80x64xf32, #tpu.memory_space<vmem>>, vector<1x16xf32>,
        %get3A_386 = vector.shape_cast %get3A_385 : vector<1x16xf32> to vector<16xf32>
        %get3A_387 = arith.index_cast %add3A_382 : i32 to index
        %get3A_388 = arith.constant 0 : index
        %get3A_389 = tpu.vector_load %arg15[%get3A_387, %get3A_388] {strides = array<i32>} : memref<80x64xf32, #tpu.memory_space<vmem>>, vector<1x16xf32>,
        %get3A_390 = vector.shape_cast %get3A_389 : vector<1x16xf32> to vector<16xf32>
        %add3A_391 = arith.addf %get3A_386, %get3A_390 : vector<16xf32>
        %swap3A_392 = arith.index_cast %scan3A_299 : i32 to index
        %swap3A_393 = arith.constant 64 : index
        %swap3A_394 = tpu.vector_load %arg19[%swap3A_392, %swap3A_393] {strides = array<i32>} : memref<40x128xf32, #tpu.memory_space<vmem>>, vector<1x16xf32>,
        %swap3A_395 = vector.shape_cast %swap3A_394 : vector<1x16xf32> to vector<16xf32>
        %swap3A_396 = vector.shape_cast %add3A_391 : vector<16xf32> to vector<1x16xf32>
        tpu.vector_store %arg19[%swap3A_392, %swap3A_393], %swap3A_396 {strides = array<i32>} : memref<40x128xf32, #tpu.memory_space<vmem>>, vector<1x16xf32>,
        %add3A_397 = arith.addf %add3A_325, %add3A_391 : vector<16xf32>
        %mul3A_398 = arith.mulf %add3A_391, %add3A_391 : vector<16xf32>
        %add3A_399 = arith.addf %add3A_327, %mul3A_398 : vector<16xf32>
        %get3A_400 = arith.index_cast %add3A_382 : i32 to index
        %get3A_401 = arith.constant 16 : index
        %get3A_402 = tpu.vector_load %arg11[%get3A_400, %get3A_401] {strides = array<i32>} : memref<80x64xf32, #tpu.memory_space<vmem>>, vector<1x16xf32>,
        %get3A_403 = vector.shape_cast %get3A_402 : vector<1x16xf32> to vector<16xf32>
        %get3A_404 = arith.index_cast %add3A_382 : i32 to index
        %get3A_405 = arith.constant 16 : index
        %get3A_406 = tpu.vector_load %arg15[%get3A_404, %get3A_405] {strides = array<i32>} : memref<80x64xf32, #tpu.memory_space<vmem>>, vector<1x16xf32>,
        %get3A_407 = vector.shape_cast %get3A_406 : vector<1x16xf32> to vector<16xf32>
        %add3A_408 = arith.addf %get3A_403, %get3A_407 : vector<16xf32>
        %swap3A_409 = arith.index_cast %scan3A_299 : i32 to index
        %swap3A_410 = arith.constant 80 : index
        %swap3A_411 = tpu.vector_load %arg19[%swap3A_409, %swap3A_410] {strides = array<i32>} : memref<40x128xf32, #tpu.memory_space<vmem>>, vector<1x16xf32>,
        %swap3A_412 = vector.shape_cast %swap3A_411 : vector<1x16xf32> to vector<16xf32>
        %swap3A_413 = vector.shape_cast %add3A_408 : vector<16xf32> to vector<1x16xf32>
        tpu.vector_store %arg19[%swap3A_409, %swap3A_410], %swap3A_413 {strides = array<i32>} : memref<40x128xf32, #tpu.memory_space<vmem>>, vector<1x16xf32>,
        %add3A_414 = arith.addf %add3A_342, %add3A_408 : vector<16xf32>
        %mul3A_415 = arith.mulf %add3A_408, %add3A_408 : vector<16xf32>
        %add3A_416 = arith.addf %add3A_344, %mul3A_415 : vector<16xf32>
        %get3A_417 = arith.index_cast %add3A_382 : i32 to index
        %get3A_418 = arith.constant 32 : index
        %get3A_419 = tpu.vector_load %arg11[%get3A_417, %get3A_418] {strides = array<i32>} : memref<80x64xf32, #tpu.memory_space<vmem>>, vector<1x16xf32>,
        %get3A_420 = vector.shape_cast %get3A_419 : vector<1x16xf32> to vector<16xf32>
        %get3A_421 = arith.index_cast %add3A_382 : i32 to index
        %get3A_422 = arith.constant 32 : index
        %get3A_423 = tpu.vector_load %arg15[%get3A_421, %get3A_422] {strides = array<i32>} : memref<80x64xf32, #tpu.memory_space<vmem>>, vector<1x16xf32>,
        %get3A_424 = vector.shape_cast %get3A_423 : vector<1x16xf32> to vector<16xf32>
        %add3A_425 = arith.addf %get3A_420, %get3A_424 : vector<16xf32>
        %swap3A_426 = arith.index_cast %scan3A_299 : i32 to index
        %swap3A_427 = arith.constant 96 : index
        %swap3A_428 = tpu.vector_load %arg19[%swap3A_426, %swap3A_427] {strides = array<i32>} : memref<40x128xf32, #tpu.memory_space<vmem>>, vector<1x16xf32>,
        %swap3A_429 = vector.shape_cast %swap3A_428 : vector<1x16xf32> to vector<16xf32>
        %swap3A_430 = vector.shape_cast %add3A_425 : vector<16xf32> to vector<1x16xf32>
        tpu.vector_store %arg19[%swap3A_426, %swap3A_427], %swap3A_430 {strides = array<i32>} : memref<40x128xf32, #tpu.memory_space<vmem>>, vector<1x16xf32>,
        %add3A_431 = arith.addf %add3A_359, %add3A_425 : vector<16xf32>
        %mul3A_432 = arith.mulf %add3A_425, %add3A_425 : vector<16xf32>
        %add3A_433 = arith.addf %add3A_361, %mul3A_432 : vector<16xf32>
        %get3A_434 = arith.index_cast %add3A_382 : i32 to index
        %get3A_435 = arith.constant 48 : index
        %get3A_436 = tpu.vector_load %arg11[%get3A_434, %get3A_435] {strides = array<i32>} : memref<80x64xf32, #tpu.memory_space<vmem>>, vector<1x16xf32>,
        %get3A_437 = vector.shape_cast %get3A_436 : vector<1x16xf32> to vector<16xf32>
        %get3A_438 = arith.index_cast %add3A_382 : i32 to index
        %get3A_439 = arith.constant 48 : index
        %get3A_440 = tpu.vector_load %arg15[%get3A_438, %get3A_439] {strides = array<i32>} : memref<80x64xf32, #tpu.memory_space<vmem>>, vector<1x16xf32>,
        %get3A_441 = vector.shape_cast %get3A_440 : vector<1x16xf32> to vector<16xf32>
        %add3A_442 = arith.addf %get3A_437, %get3A_441 : vector<16xf32>
        %swap3A_443 = arith.index_cast %scan3A_299 : i32 to index
        %swap3A_444 = arith.constant 112 : index
        %swap3A_445 = tpu.vector_load %arg19[%swap3A_443, %swap3A_444] {strides = array<i32>} : memref<40x128xf32, #tpu.memory_space<vmem>>, vector<1x16xf32>,
        %swap3A_446 = vector.shape_cast %swap3A_445 : vector<1x16xf32> to vector<16xf32>
        %swap3A_447 = vector.shape_cast %add3A_442 : vector<16xf32> to vector<1x16xf32>
        tpu.vector_store %arg19[%swap3A_443, %swap3A_444], %swap3A_447 {strides = array<i32>} : memref<40x128xf32, #tpu.memory_space<vmem>>, vector<1x16xf32>,
        %add3A_448 = arith.addf %add3A_376, %add3A_442 : vector<16xf32>
        %mul3A_449 = arith.mulf %add3A_442, %add3A_442 : vector<16xf32>
        %add3A_450 = arith.addf %add3A_378, %mul3A_449 : vector<16xf32>
        scf.yield %add3A_397, %add3A_414, %add3A_431, %add3A_448, %add3A_399, %add3A_416, %add3A_433, %add3A_450 : vector<16xf32>, vector<16xf32>, vector<16xf32>, vector<16xf32>, vector<16xf32>, vector<16xf32>, vector<16xf32>, vector<16xf32>
      }
      %scan3A_213 = arith.constant 40 : i32
      %add3A_214 = arith.constant 1 : i32
      %add3A_215 = arith.addi %mul3A_110, %add3A_214 : i32
      %mul3A_216 = arith.constant 125 : i32
      %mul3A_217 = arith.muli %add3A, %mul3A_216 : i32
      %add3A_218 = arith.addi %mul3A_217, %add3A_215 : i32
      %mul3A_219 = arith.constant 40 : i32
      %mul3A_220 = arith.muli %add3A_218, %mul3A_219 : i32
      %dma_start3A_221 = arith.constant 0 : i32
      %dma_start3A_222 = tpu.memref_slice %arg6[%mul3A_220, %dma_start3A_221] : memref<160000x128xf32, #tpu.memory_space<hbm>> -> memref<40x128xf32, #tpu.memory_space<hbm>>
      %dma_start3A_223 = arith.constant 0 : i32
      %dma_start3A_224 = tpu.memref_slice %arg6[%mul3A_220, %dma_start3A_223] : memref<160000x128xf32, #tpu.memory_space<hbm>> -> memref<40x128xf32, #tpu.memory_space<hbm>>
      tpu.enqueue_dma source(%arg19 : memref<40x128xf32, #tpu.memory_space<vmem>>) target(%dma_start3A_224 : memref<40x128xf32, #tpu.memory_space<hbm>>) target_semaphore(%arg32 : memref<!tpu.dma_semaphore, #tpu.memory_space<semaphore_mem>>)
      %dma_wait3A_225 = arith.constant 0 : i32
      %dma_wait3A_226 = tpu.memref_slice %arg8[%add3A_140, %dma_wait3A_225] : memref<125x80xi32, #tpu.memory_space<vmem>> -> memref<1x80xi32, #tpu.memory_space<vmem>>
      %dma_wait3A_227 = tpu.memref_squeeze %dma_wait3A_226 : memref<1x80xi32, #tpu.memory_space<vmem>> -> memref<80xi32, #tpu.memory_space<vmem>>
      %dma_wait3A_228 = arith.constant 0 : i32
      %dma_wait3A_229 = arith.constant 0 : i32
      %dma_wait3A_230 = tpu.memref_slice %arg2[%dma_wait3A_228, %dma_wait3A_229] : memref<10000x64xf32, #tpu.memory_space<hbm>> -> memref<10000x64xf32, #tpu.memory_space<hbm>>
      tpu.wait_indirect_dma semaphore(%arg25 : memref<!tpu.dma_semaphore, #tpu.memory_space<semaphore_mem>>) src(%dma_wait3A_230 : memref<10000x64xf32, #tpu.memory_space<hbm>>) dst(%arg12 : memref<80x64xf32, #tpu.memory_space<vmem>>)
      %dma_wait3A_231 = arith.constant 0 : i32
      %dma_wait3A_232 = tpu.memref_slice %arg9[%add3A_140, %dma_wait3A_231] : memref<125x80xi32, #tpu.memory_space<vmem>> -> memref<1x80xi32, #tpu.memory_space<vmem>>
      %dma_wait3A_233 = tpu.memref_squeeze %dma_wait3A_232 : memref<1x80xi32, #tpu.memory_space<vmem>> -> memref<80xi32, #tpu.memory_space<vmem>>
      %dma_wait3A_234 = arith.constant 0 : i32
      %dma_wait3A_235 = arith.constant 0 : i32
      %dma_wait3A_236 = tpu.memref_slice %arg3[%dma_wait3A_234, %dma_wait3A_235] : memref<10000x64xf32, #tpu.memory_space<hbm>> -> memref<10000x64xf32, #tpu.memory_space<hbm>>
      tpu.wait_indirect_dma semaphore(%arg29 : memref<!tpu.dma_semaphore, #tpu.memory_space<semaphore_mem>>) src(%dma_wait3A_236 : memref<10000x64xf32, #tpu.memory_space<hbm>>) dst(%arg16 : memref<80x64xf32, #tpu.memory_space<vmem>>)
      %scan3A_237 = arith.constant 0 : i32
      %scan3A_238 = arith.constant 40 : i32
      %scan3A_239 = arith.addi %scan3A_237, %scan3A_238 : i32
      %scan3A_240 = arith.constant 1 : i32
      %scan3A_241:8 = scf.for %scan3A_299 = %scan3A_237 to %scan3A_239 step %scan3A_240 iter_args(%scan3A_300 = %scan3A_212#0, %scan3A_301 = %scan3A_212#1, %scan3A_302 = %scan3A_212#2, %scan3A_303 = %scan3A_212#3, %scan3A_304 = %scan3A_212#4, %scan3A_305 = %scan3A_212#5, %scan3A_306 = %scan3A_212#6, %scan3A_307 = %scan3A_212#7) -> (vector<16xf32>, vector<16xf32>, vector<16xf32>, vector<16xf32>, vector<16xf32>, vector<16xf32>, vector<16xf32>, vector<16xf32>)  : i32 {
        %mul3A_308 = arith.constant 2 : i32
        %mul3A_309 = arith.muli %mul3A_308, %scan3A_299 : i32
        %add3A_310 = arith.constant 0 : i32
        %add3A_311 = arith.addi %mul3A_309, %add3A_310 : i32
        %get3A = arith.index_cast %add3A_311 : i32 to index
        %get3A_312 = arith.constant 0 : index
        %get3A_313 = tpu.vector_load %arg12[%get3A, %get3A_312] {strides = array<i32>} : memref<80x64xf32, #tpu.memory_space<vmem>>, vector<1x16xf32>,
        %get3A_314 = vector.shape_cast %get3A_313 : vector<1x16xf32> to vector<16xf32>
        %get3A_315 = arith.index_cast %add3A_311 : i32 to index
        %get3A_316 = arith.constant 0 : index
        %get3A_317 = tpu.vector_load %arg16[%get3A_315, %get3A_316] {strides = array<i32>} : memref<80x64xf32, #tpu.memory_space<vmem>>, vector<1x16xf32>,
        %get3A_318 = vector.shape_cast %get3A_317 : vector<1x16xf32> to vector<16xf32>
        %add3A_319 = arith.addf %get3A_314, %get3A_318 : vector<16xf32>
        %swap3A_320 = arith.index_cast %scan3A_299 : i32 to index
        %swap3A_321 = arith.constant 0 : index
        %swap3A_322 = tpu.vector_load %arg20[%swap3A_320, %swap3A_321] {strides = array<i32>} : memref<40x128xf32, #tpu.memory_space<vmem>>, vector<1x16xf32>,
        %swap3A_323 = vector.shape_cast %swap3A_322 : vector<1x16xf32> to vector<16xf32>
        %swap3A_324 = vector.shape_cast %add3A_319 : vector<16xf32> to vector<1x16xf32>
        tpu.vector_store %arg20[%swap3A_320, %swap3A_321], %swap3A_324 {strides = array<i32>} : memref<40x128xf32, #tpu.memory_space<vmem>>, vector<1x16xf32>,
        %add3A_325 = arith.addf %scan3A_300, %add3A_319 : vector<16xf32>
        %mul3A_326 = arith.mulf %add3A_319, %add3A_319 : vector<16xf32>
        %add3A_327 = arith.addf %scan3A_304, %mul3A_326 : vector<16xf32>
        %get3A_328 = arith.index_cast %add3A_311 : i32 to index
        %get3A_329 = arith.constant 16 : index
        %get3A_330 = tpu.vector_load %arg12[%get3A_328, %get3A_329] {strides = array<i32>} : memref<80x64xf32, #tpu.memory_space<vmem>>, vector<1x16xf32>,
        %get3A_331 = vector.shape_cast %get3A_330 : vector<1x16xf32> to vector<16xf32>
        %get3A_332 = arith.index_cast %add3A_311 : i32 to index
        %get3A_333 = arith.constant 16 : index
        %get3A_334 = tpu.vector_load %arg16[%get3A_332, %get3A_333] {strides = array<i32>} : memref<80x64xf32, #tpu.memory_space<vmem>>, vector<1x16xf32>,
        %get3A_335 = vector.shape_cast %get3A_334 : vector<1x16xf32> to vector<16xf32>
        %add3A_336 = arith.addf %get3A_331, %get3A_335 : vector<16xf32>
        %swap3A_337 = arith.index_cast %scan3A_299 : i32 to index
        %swap3A_338 = arith.constant 16 : index
        %swap3A_339 = tpu.vector_load %arg20[%swap3A_337, %swap3A_338] {strides = array<i32>} : memref<40x128xf32, #tpu.memory_space<vmem>>, vector<1x16xf32>,
        %swap3A_340 = vector.shape_cast %swap3A_339 : vector<1x16xf32> to vector<16xf32>
        %swap3A_341 = vector.shape_cast %add3A_336 : vector<16xf32> to vector<1x16xf32>
        tpu.vector_store %arg20[%swap3A_337, %swap3A_338], %swap3A_341 {strides = array<i32>} : memref<40x128xf32, #tpu.memory_space<vmem>>, vector<1x16xf32>,
        %add3A_342 = arith.addf %scan3A_301, %add3A_336 : vector<16xf32>
        %mul3A_343 = arith.mulf %add3A_336, %add3A_336 : vector<16xf32>
        %add3A_344 = arith.addf %scan3A_305, %mul3A_343 : vector<16xf32>
        %get3A_345 = arith.index_cast %add3A_311 : i32 to index
        %get3A_346 = arith.constant 32 : index
        %get3A_347 = tpu.vector_load %arg12[%get3A_345, %get3A_346] {strides = array<i32>} : memref<80x64xf32, #tpu.memory_space<vmem>>, vector<1x16xf32>,
        %get3A_348 = vector.shape_cast %get3A_347 : vector<1x16xf32> to vector<16xf32>
        %get3A_349 = arith.index_cast %add3A_311 : i32 to index
        %get3A_350 = arith.constant 32 : index
        %get3A_351 = tpu.vector_load %arg16[%get3A_349, %get3A_350] {strides = array<i32>} : memref<80x64xf32, #tpu.memory_space<vmem>>, vector<1x16xf32>,
        %get3A_352 = vector.shape_cast %get3A_351 : vector<1x16xf32> to vector<16xf32>
        %add3A_353 = arith.addf %get3A_348, %get3A_352 : vector<16xf32>
        %swap3A_354 = arith.index_cast %scan3A_299 : i32 to index
        %swap3A_355 = arith.constant 32 : index
        %swap3A_356 = tpu.vector_load %arg20[%swap3A_354, %swap3A_355] {strides = array<i32>} : memref<40x128xf32, #tpu.memory_space<vmem>>, vector<1x16xf32>,
        %swap3A_357 = vector.shape_cast %swap3A_356 : vector<1x16xf32> to vector<16xf32>
        %swap3A_358 = vector.shape_cast %add3A_353 : vector<16xf32> to vector<1x16xf32>
        tpu.vector_store %arg20[%swap3A_354, %swap3A_355], %swap3A_358 {strides = array<i32>} : memref<40x128xf32, #tpu.memory_space<vmem>>, vector<1x16xf32>,
        %add3A_359 = arith.addf %scan3A_302, %add3A_353 : vector<16xf32>
        %mul3A_360 = arith.mulf %add3A_353, %add3A_353 : vector<16xf32>
        %add3A_361 = arith.addf %scan3A_306, %mul3A_360 : vector<16xf32>
        %get3A_362 = arith.index_cast %add3A_311 : i32 to index
        %get3A_363 = arith.constant 48 : index
        %get3A_364 = tpu.vector_load %arg12[%get3A_362, %get3A_363] {strides = array<i32>} : memref<80x64xf32, #tpu.memory_space<vmem>>, vector<1x16xf32>,
        %get3A_365 = vector.shape_cast %get3A_364 : vector<1x16xf32> to vector<16xf32>
        %get3A_366 = arith.index_cast %add3A_311 : i32 to index
        %get3A_367 = arith.constant 48 : index
        %get3A_368 = tpu.vector_load %arg16[%get3A_366, %get3A_367] {strides = array<i32>} : memref<80x64xf32, #tpu.memory_space<vmem>>, vector<1x16xf32>,
        %get3A_369 = vector.shape_cast %get3A_368 : vector<1x16xf32> to vector<16xf32>
        %add3A_370 = arith.addf %get3A_365, %get3A_369 : vector<16xf32>
        %swap3A_371 = arith.index_cast %scan3A_299 : i32 to index
        %swap3A_372 = arith.constant 48 : index
        %swap3A_373 = tpu.vector_load %arg20[%swap3A_371, %swap3A_372] {strides = array<i32>} : memref<40x128xf32, #tpu.memory_space<vmem>>, vector<1x16xf32>,
        %swap3A_374 = vector.shape_cast %swap3A_373 : vector<1x16xf32> to vector<16xf32>
        %swap3A_375 = vector.shape_cast %add3A_370 : vector<16xf32> to vector<1x16xf32>
        tpu.vector_store %arg20[%swap3A_371, %swap3A_372], %swap3A_375 {strides = array<i32>} : memref<40x128xf32, #tpu.memory_space<vmem>>, vector<1x16xf32>,
        %add3A_376 = arith.addf %scan3A_303, %add3A_370 : vector<16xf32>
        %mul3A_377 = arith.mulf %add3A_370, %add3A_370 : vector<16xf32>
        %add3A_378 = arith.addf %scan3A_307, %mul3A_377 : vector<16xf32>
        %mul3A_379 = arith.constant 2 : i32
        %mul3A_380 = arith.muli %mul3A_379, %scan3A_299 : i32
        %add3A_381 = arith.constant 1 : i32
        %add3A_382 = arith.addi %mul3A_380, %add3A_381 : i32
        %get3A_383 = arith.index_cast %add3A_382 : i32 to index
        %get3A_384 = arith.constant 0 : index
        %get3A_385 = tpu.vector_load %arg12[%get3A_383, %get3A_384] {strides = array<i32>} : memref<80x64xf32, #tpu.memory_space<vmem>>, vector<1x16xf32>,
        %get3A_386 = vector.shape_cast %get3A_385 : vector<1x16xf32> to vector<16xf32>
        %get3A_387 = arith.index_cast %add3A_382 : i32 to index
        %get3A_388 = arith.constant 0 : index
        %get3A_389 = tpu.vector_load %arg16[%get3A_387, %get3A_388] {strides = array<i32>} : memref<80x64xf32, #tpu.memory_space<vmem>>, vector<1x16xf32>,
        %get3A_390 = vector.shape_cast %get3A_389 : vector<1x16xf32> to vector<16xf32>
        %add3A_391 = arith.addf %get3A_386, %get3A_390 : vector<16xf32>
        %swap3A_392 = arith.index_cast %scan3A_299 : i32 to index
        %swap3A_393 = arith.constant 64 : index
        %swap3A_394 = tpu.vector_load %arg20[%swap3A_392, %swap3A_393] {strides = array<i32>} : memref<40x128xf32, #tpu.memory_space<vmem>>, vector<1x16xf32>,
        %swap3A_395 = vector.shape_cast %swap3A_394 : vector<1x16xf32> to vector<16xf32>
        %swap3A_396 = vector.shape_cast %add3A_391 : vector<16xf32> to vector<1x16xf32>
        tpu.vector_store %arg20[%swap3A_392, %swap3A_393], %swap3A_396 {strides = array<i32>} : memref<40x128xf32, #tpu.memory_space<vmem>>, vector<1x16xf32>,
        %add3A_397 = arith.addf %add3A_325, %add3A_391 : vector<16xf32>
        %mul3A_398 = arith.mulf %add3A_391, %add3A_391 : vector<16xf32>
        %add3A_399 = arith.addf %add3A_327, %mul3A_398 : vector<16xf32>
        %get3A_400 = arith.index_cast %add3A_382 : i32 to index
        %get3A_401 = arith.constant 16 : index
        %get3A_402 = tpu.vector_load %arg12[%get3A_400, %get3A_401] {strides = array<i32>} : memref<80x64xf32, #tpu.memory_space<vmem>>, vector<1x16xf32>,
        %get3A_403 = vector.shape_cast %get3A_402 : vector<1x16xf32> to vector<16xf32>
        %get3A_404 = arith.index_cast %add3A_382 : i32 to index
        %get3A_405 = arith.constant 16 : index
        %get3A_406 = tpu.vector_load %arg16[%get3A_404, %get3A_405] {strides = array<i32>} : memref<80x64xf32, #tpu.memory_space<vmem>>, vector<1x16xf32>,
        %get3A_407 = vector.shape_cast %get3A_406 : vector<1x16xf32> to vector<16xf32>
        %add3A_408 = arith.addf %get3A_403, %get3A_407 : vector<16xf32>
        %swap3A_409 = arith.index_cast %scan3A_299 : i32 to index
        %swap3A_410 = arith.constant 80 : index
        %swap3A_411 = tpu.vector_load %arg20[%swap3A_409, %swap3A_410] {strides = array<i32>} : memref<40x128xf32, #tpu.memory_space<vmem>>, vector<1x16xf32>,
        %swap3A_412 = vector.shape_cast %swap3A_411 : vector<1x16xf32> to vector<16xf32>
        %swap3A_413 = vector.shape_cast %add3A_408 : vector<16xf32> to vector<1x16xf32>
        tpu.vector_store %arg20[%swap3A_409, %swap3A_410], %swap3A_413 {strides = array<i32>} : memref<40x128xf32, #tpu.memory_space<vmem>>, vector<1x16xf32>,
        %add3A_414 = arith.addf %add3A_342, %add3A_408 : vector<16xf32>
        %mul3A_415 = arith.mulf %add3A_408, %add3A_408 : vector<16xf32>
        %add3A_416 = arith.addf %add3A_344, %mul3A_415 : vector<16xf32>
        %get3A_417 = arith.index_cast %add3A_382 : i32 to index
        %get3A_418 = arith.constant 32 : index
        %get3A_419 = tpu.vector_load %arg12[%get3A_417, %get3A_418] {strides = array<i32>} : memref<80x64xf32, #tpu.memory_space<vmem>>, vector<1x16xf32>,
        %get3A_420 = vector.shape_cast %get3A_419 : vector<1x16xf32> to vector<16xf32>
        %get3A_421 = arith.index_cast %add3A_382 : i32 to index
        %get3A_422 = arith.constant 32 : index
        %get3A_423 = tpu.vector_load %arg16[%get3A_421, %get3A_422] {strides = array<i32>} : memref<80x64xf32, #tpu.memory_space<vmem>>, vector<1x16xf32>,
        %get3A_424 = vector.shape_cast %get3A_423 : vector<1x16xf32> to vector<16xf32>
        %add3A_425 = arith.addf %get3A_420, %get3A_424 : vector<16xf32>
        %swap3A_426 = arith.index_cast %scan3A_299 : i32 to index
        %swap3A_427 = arith.constant 96 : index
        %swap3A_428 = tpu.vector_load %arg20[%swap3A_426, %swap3A_427] {strides = array<i32>} : memref<40x128xf32, #tpu.memory_space<vmem>>, vector<1x16xf32>,
        %swap3A_429 = vector.shape_cast %swap3A_428 : vector<1x16xf32> to vector<16xf32>
        %swap3A_430 = vector.shape_cast %add3A_425 : vector<16xf32> to vector<1x16xf32>
        tpu.vector_store %arg20[%swap3A_426, %swap3A_427], %swap3A_430 {strides = array<i32>} : memref<40x128xf32, #tpu.memory_space<vmem>>, vector<1x16xf32>,
        %add3A_431 = arith.addf %add3A_359, %add3A_425 : vector<16xf32>
        %mul3A_432 = arith.mulf %add3A_425, %add3A_425 : vector<16xf32>
        %add3A_433 = arith.addf %add3A_361, %mul3A_432 : vector<16xf32>
        %get3A_434 = arith.index_cast %add3A_382 : i32 to index
        %get3A_435 = arith.constant 48 : index
        %get3A_436 = tpu.vector_load %arg12[%get3A_434, %get3A_435] {strides = array<i32>} : memref<80x64xf32, #tpu.memory_space<vmem>>, vector<1x16xf32>,
        %get3A_437 = vector.shape_cast %get3A_436 : vector<1x16xf32> to vector<16xf32>
        %get3A_438 = arith.index_cast %add3A_382 : i32 to index
        %get3A_439 = arith.constant 48 : index
        %get3A_440 = tpu.vector_load %arg16[%get3A_438, %get3A_439] {strides = array<i32>} : memref<80x64xf32, #tpu.memory_space<vmem>>, vector<1x16xf32>,
        %get3A_441 = vector.shape_cast %get3A_440 : vector<1x16xf32> to vector<16xf32>
        %add3A_442 = arith.addf %get3A_437, %get3A_441 : vector<16xf32>
        %swap3A_443 = arith.index_cast %scan3A_299 : i32 to index
        %swap3A_444 = arith.constant 112 : index
        %swap3A_445 = tpu.vector_load %arg20[%swap3A_443, %swap3A_444] {strides = array<i32>} : memref<40x128xf32, #tpu.memory_space<vmem>>, vector<1x16xf32>,
        %swap3A_446 = vector.shape_cast %swap3A_445 : vector<1x16xf32> to vector<16xf32>
        %swap3A_447 = vector.shape_cast %add3A_442 : vector<16xf32> to vector<1x16xf32>
        tpu.vector_store %arg20[%swap3A_443, %swap3A_444], %swap3A_447 {strides = array<i32>} : memref<40x128xf32, #tpu.memory_space<vmem>>, vector<1x16xf32>,
        %add3A_448 = arith.addf %add3A_376, %add3A_442 : vector<16xf32>
        %mul3A_449 = arith.mulf %add3A_442, %add3A_442 : vector<16xf32>
        %add3A_450 = arith.addf %add3A_378, %mul3A_449 : vector<16xf32>
        scf.yield %add3A_397, %add3A_414, %add3A_431, %add3A_448, %add3A_399, %add3A_416, %add3A_433, %add3A_450 : vector<16xf32>, vector<16xf32>, vector<16xf32>, vector<16xf32>, vector<16xf32>, vector<16xf32>, vector<16xf32>, vector<16xf32>
      }
      %scan3A_242 = arith.constant 40 : i32
      %add3A_243 = arith.constant 2 : i32
      %add3A_244 = arith.addi %mul3A_110, %add3A_243 : i32
      %mul3A_245 = arith.constant 125 : i32
      %mul3A_246 = arith.muli %add3A, %mul3A_245 : i32
      %add3A_247 = arith.addi %mul3A_246, %add3A_244 : i32
      %mul3A_248 = arith.constant 40 : i32
      %mul3A_249 = arith.muli %add3A_247, %mul3A_248 : i32
      %dma_start3A_250 = arith.constant 0 : i32
      %dma_start3A_251 = tpu.memref_slice %arg6[%mul3A_249, %dma_start3A_250] : memref<160000x128xf32, #tpu.memory_space<hbm>> -> memref<40x128xf32, #tpu.memory_space<hbm>>
      %dma_start3A_252 = arith.constant 0 : i32
      %dma_start3A_253 = tpu.memref_slice %arg6[%mul3A_249, %dma_start3A_252] : memref<160000x128xf32, #tpu.memory_space<hbm>> -> memref<40x128xf32, #tpu.memory_space<hbm>>
      tpu.enqueue_dma source(%arg20 : memref<40x128xf32, #tpu.memory_space<vmem>>) target(%dma_start3A_253 : memref<40x128xf32, #tpu.memory_space<hbm>>) target_semaphore(%arg33 : memref<!tpu.dma_semaphore, #tpu.memory_space<semaphore_mem>>)
      %dma_wait3A_254 = arith.constant 0 : i32
      %dma_wait3A_255 = tpu.memref_slice %arg8[%add3A_154, %dma_wait3A_254] : memref<125x80xi32, #tpu.memory_space<vmem>> -> memref<1x80xi32, #tpu.memory_space<vmem>>
      %dma_wait3A_256 = tpu.memref_squeeze %dma_wait3A_255 : memref<1x80xi32, #tpu.memory_space<vmem>> -> memref<80xi32, #tpu.memory_space<vmem>>
      %dma_wait3A_257 = arith.constant 0 : i32
      %dma_wait3A_258 = arith.constant 0 : i32
      %dma_wait3A_259 = tpu.memref_slice %arg2[%dma_wait3A_257, %dma_wait3A_258] : memref<10000x64xf32, #tpu.memory_space<hbm>> -> memref<10000x64xf32, #tpu.memory_space<hbm>>
      tpu.wait_indirect_dma semaphore(%arg26 : memref<!tpu.dma_semaphore, #tpu.memory_space<semaphore_mem>>) src(%dma_wait3A_259 : memref<10000x64xf32, #tpu.memory_space<hbm>>) dst(%arg13 : memref<80x64xf32, #tpu.memory_space<vmem>>)
      %dma_wait3A_260 = arith.constant 0 : i32
      %dma_wait3A_261 = tpu.memref_slice %arg9[%add3A_154, %dma_wait3A_260] : memref<125x80xi32, #tpu.memory_space<vmem>> -> memref<1x80xi32, #tpu.memory_space<vmem>>
      %dma_wait3A_262 = tpu.memref_squeeze %dma_wait3A_261 : memref<1x80xi32, #tpu.memory_space<vmem>> -> memref<80xi32, #tpu.memory_space<vmem>>
      %dma_wait3A_263 = arith.constant 0 : i32
      %dma_wait3A_264 = arith.constant 0 : i32
      %dma_wait3A_265 = tpu.memref_slice %arg3[%dma_wait3A_263, %dma_wait3A_264] : memref<10000x64xf32, #tpu.memory_space<hbm>> -> memref<10000x64xf32, #tpu.memory_space<hbm>>
      tpu.wait_indirect_dma semaphore(%arg30 : memref<!tpu.dma_semaphore, #tpu.memory_space<semaphore_mem>>) src(%dma_wait3A_265 : memref<10000x64xf32, #tpu.memory_space<hbm>>) dst(%arg17 : memref<80x64xf32, #tpu.memory_space<vmem>>)
      %scan3A_266 = arith.constant 0 : i32
      %scan3A_267 = arith.constant 40 : i32
      %scan3A_268 = arith.addi %scan3A_266, %scan3A_267 : i32
      %scan3A_269 = arith.constant 1 : i32
      %scan3A_270:8 = scf.for %scan3A_299 = %scan3A_266 to %scan3A_268 step %scan3A_269 iter_args(%scan3A_300 = %scan3A_241#0, %scan3A_301 = %scan3A_241#1, %scan3A_302 = %scan3A_241#2, %scan3A_303 = %scan3A_241#3, %scan3A_304 = %scan3A_241#4, %scan3A_305 = %scan3A_241#5, %scan3A_306 = %scan3A_241#6, %scan3A_307 = %scan3A_241#7) -> (vector<16xf32>, vector<16xf32>, vector<16xf32>, vector<16xf32>, vector<16xf32>, vector<16xf32>, vector<16xf32>, vector<16xf32>)  : i32 {
        %mul3A_308 = arith.constant 2 : i32
        %mul3A_309 = arith.muli %mul3A_308, %scan3A_299 : i32
        %add3A_310 = arith.constant 0 : i32
        %add3A_311 = arith.addi %mul3A_309, %add3A_310 : i32
        %get3A = arith.index_cast %add3A_311 : i32 to index
        %get3A_312 = arith.constant 0 : index
        %get3A_313 = tpu.vector_load %arg13[%get3A, %get3A_312] {strides = array<i32>} : memref<80x64xf32, #tpu.memory_space<vmem>>, vector<1x16xf32>,
        %get3A_314 = vector.shape_cast %get3A_313 : vector<1x16xf32> to vector<16xf32>
        %get3A_315 = arith.index_cast %add3A_311 : i32 to index
        %get3A_316 = arith.constant 0 : index
        %get3A_317 = tpu.vector_load %arg17[%get3A_315, %get3A_316] {strides = array<i32>} : memref<80x64xf32, #tpu.memory_space<vmem>>, vector<1x16xf32>,
        %get3A_318 = vector.shape_cast %get3A_317 : vector<1x16xf32> to vector<16xf32>
        %add3A_319 = arith.addf %get3A_314, %get3A_318 : vector<16xf32>
        %swap3A_320 = arith.index_cast %scan3A_299 : i32 to index
        %swap3A_321 = arith.constant 0 : index
        %swap3A_322 = tpu.vector_load %arg21[%swap3A_320, %swap3A_321] {strides = array<i32>} : memref<40x128xf32, #tpu.memory_space<vmem>>, vector<1x16xf32>,
        %swap3A_323 = vector.shape_cast %swap3A_322 : vector<1x16xf32> to vector<16xf32>
        %swap3A_324 = vector.shape_cast %add3A_319 : vector<16xf32> to vector<1x16xf32>
        tpu.vector_store %arg21[%swap3A_320, %swap3A_321], %swap3A_324 {strides = array<i32>} : memref<40x128xf32, #tpu.memory_space<vmem>>, vector<1x16xf32>,
        %add3A_325 = arith.addf %scan3A_300, %add3A_319 : vector<16xf32>
        %mul3A_326 = arith.mulf %add3A_319, %add3A_319 : vector<16xf32>
        %add3A_327 = arith.addf %scan3A_304, %mul3A_326 : vector<16xf32>
        %get3A_328 = arith.index_cast %add3A_311 : i32 to index
        %get3A_329 = arith.constant 16 : index
        %get3A_330 = tpu.vector_load %arg13[%get3A_328, %get3A_329] {strides = array<i32>} : memref<80x64xf32, #tpu.memory_space<vmem>>, vector<1x16xf32>,
        %get3A_331 = vector.shape_cast %get3A_330 : vector<1x16xf32> to vector<16xf32>
        %get3A_332 = arith.index_cast %add3A_311 : i32 to index
        %get3A_333 = arith.constant 16 : index
        %get3A_334 = tpu.vector_load %arg17[%get3A_332, %get3A_333] {strides = array<i32>} : memref<80x64xf32, #tpu.memory_space<vmem>>, vector<1x16xf32>,
        %get3A_335 = vector.shape_cast %get3A_334 : vector<1x16xf32> to vector<16xf32>
        %add3A_336 = arith.addf %get3A_331, %get3A_335 : vector<16xf32>
        %swap3A_337 = arith.index_cast %scan3A_299 : i32 to index
        %swap3A_338 = arith.constant 16 : index
        %swap3A_339 = tpu.vector_load %arg21[%swap3A_337, %swap3A_338] {strides = array<i32>} : memref<40x128xf32, #tpu.memory_space<vmem>>, vector<1x16xf32>,
        %swap3A_340 = vector.shape_cast %swap3A_339 : vector<1x16xf32> to vector<16xf32>
        %swap3A_341 = vector.shape_cast %add3A_336 : vector<16xf32> to vector<1x16xf32>
        tpu.vector_store %arg21[%swap3A_337, %swap3A_338], %swap3A_341 {strides = array<i32>} : memref<40x128xf32, #tpu.memory_space<vmem>>, vector<1x16xf32>,
        %add3A_342 = arith.addf %scan3A_301, %add3A_336 : vector<16xf32>
        %mul3A_343 = arith.mulf %add3A_336, %add3A_336 : vector<16xf32>
        %add3A_344 = arith.addf %scan3A_305, %mul3A_343 : vector<16xf32>
        %get3A_345 = arith.index_cast %add3A_311 : i32 to index
        %get3A_346 = arith.constant 32 : index
        %get3A_347 = tpu.vector_load %arg13[%get3A_345, %get3A_346] {strides = array<i32>} : memref<80x64xf32, #tpu.memory_space<vmem>>, vector<1x16xf32>,
        %get3A_348 = vector.shape_cast %get3A_347 : vector<1x16xf32> to vector<16xf32>
        %get3A_349 = arith.index_cast %add3A_311 : i32 to index
        %get3A_350 = arith.constant 32 : index
        %get3A_351 = tpu.vector_load %arg17[%get3A_349, %get3A_350] {strides = array<i32>} : memref<80x64xf32, #tpu.memory_space<vmem>>, vector<1x16xf32>,
        %get3A_352 = vector.shape_cast %get3A_351 : vector<1x16xf32> to vector<16xf32>
        %add3A_353 = arith.addf %get3A_348, %get3A_352 : vector<16xf32>
        %swap3A_354 = arith.index_cast %scan3A_299 : i32 to index
        %swap3A_355 = arith.constant 32 : index
        %swap3A_356 = tpu.vector_load %arg21[%swap3A_354, %swap3A_355] {strides = array<i32>} : memref<40x128xf32, #tpu.memory_space<vmem>>, vector<1x16xf32>,
        %swap3A_357 = vector.shape_cast %swap3A_356 : vector<1x16xf32> to vector<16xf32>
        %swap3A_358 = vector.shape_cast %add3A_353 : vector<16xf32> to vector<1x16xf32>
        tpu.vector_store %arg21[%swap3A_354, %swap3A_355], %swap3A_358 {strides = array<i32>} : memref<40x128xf32, #tpu.memory_space<vmem>>, vector<1x16xf32>,
        %add3A_359 = arith.addf %scan3A_302, %add3A_353 : vector<16xf32>
        %mul3A_360 = arith.mulf %add3A_353, %add3A_353 : vector<16xf32>
        %add3A_361 = arith.addf %scan3A_306, %mul3A_360 : vector<16xf32>
        %get3A_362 = arith.index_cast %add3A_311 : i32 to index
        %get3A_363 = arith.constant 48 : index
        %get3A_364 = tpu.vector_load %arg13[%get3A_362, %get3A_363] {strides = array<i32>} : memref<80x64xf32, #tpu.memory_space<vmem>>, vector<1x16xf32>,
        %get3A_365 = vector.shape_cast %get3A_364 : vector<1x16xf32> to vector<16xf32>
        %get3A_366 = arith.index_cast %add3A_311 : i32 to index
        %get3A_367 = arith.constant 48 : index
        %get3A_368 = tpu.vector_load %arg17[%get3A_366, %get3A_367] {strides = array<i32>} : memref<80x64xf32, #tpu.memory_space<vmem>>, vector<1x16xf32>,
        %get3A_369 = vector.shape_cast %get3A_368 : vector<1x16xf32> to vector<16xf32>
        %add3A_370 = arith.addf %get3A_365, %get3A_369 : vector<16xf32>
        %swap3A_371 = arith.index_cast %scan3A_299 : i32 to index
        %swap3A_372 = arith.constant 48 : index
        %swap3A_373 = tpu.vector_load %arg21[%swap3A_371, %swap3A_372] {strides = array<i32>} : memref<40x128xf32, #tpu.memory_space<vmem>>, vector<1x16xf32>,
        %swap3A_374 = vector.shape_cast %swap3A_373 : vector<1x16xf32> to vector<16xf32>
        %swap3A_375 = vector.shape_cast %add3A_370 : vector<16xf32> to vector<1x16xf32>
        tpu.vector_store %arg21[%swap3A_371, %swap3A_372], %swap3A_375 {strides = array<i32>} : memref<40x128xf32, #tpu.memory_space<vmem>>, vector<1x16xf32>,
        %add3A_376 = arith.addf %scan3A_303, %add3A_370 : vector<16xf32>
        %mul3A_377 = arith.mulf %add3A_370, %add3A_370 : vector<16xf32>
        %add3A_378 = arith.addf %scan3A_307, %mul3A_377 : vector<16xf32>
        %mul3A_379 = arith.constant 2 : i32
        %mul3A_380 = arith.muli %mul3A_379, %scan3A_299 : i32
        %add3A_381 = arith.constant 1 : i32
        %add3A_382 = arith.addi %mul3A_380, %add3A_381 : i32
        %get3A_383 = arith.index_cast %add3A_382 : i32 to index
        %get3A_384 = arith.constant 0 : index
        %get3A_385 = tpu.vector_load %arg13[%get3A_383, %get3A_384] {strides = array<i32>} : memref<80x64xf32, #tpu.memory_space<vmem>>, vector<1x16xf32>,
        %get3A_386 = vector.shape_cast %get3A_385 : vector<1x16xf32> to vector<16xf32>
        %get3A_387 = arith.index_cast %add3A_382 : i32 to index
        %get3A_388 = arith.constant 0 : index
        %get3A_389 = tpu.vector_load %arg17[%get3A_387, %get3A_388] {strides = array<i32>} : memref<80x64xf32, #tpu.memory_space<vmem>>, vector<1x16xf32>,
        %get3A_390 = vector.shape_cast %get3A_389 : vector<1x16xf32> to vector<16xf32>
        %add3A_391 = arith.addf %get3A_386, %get3A_390 : vector<16xf32>
        %swap3A_392 = arith.index_cast %scan3A_299 : i32 to index
        %swap3A_393 = arith.constant 64 : index
        %swap3A_394 = tpu.vector_load %arg21[%swap3A_392, %swap3A_393] {strides = array<i32>} : memref<40x128xf32, #tpu.memory_space<vmem>>, vector<1x16xf32>,
        %swap3A_395 = vector.shape_cast %swap3A_394 : vector<1x16xf32> to vector<16xf32>
        %swap3A_396 = vector.shape_cast %add3A_391 : vector<16xf32> to vector<1x16xf32>
        tpu.vector_store %arg21[%swap3A_392, %swap3A_393], %swap3A_396 {strides = array<i32>} : memref<40x128xf32, #tpu.memory_space<vmem>>, vector<1x16xf32>,
        %add3A_397 = arith.addf %add3A_325, %add3A_391 : vector<16xf32>
        %mul3A_398 = arith.mulf %add3A_391, %add3A_391 : vector<16xf32>
        %add3A_399 = arith.addf %add3A_327, %mul3A_398 : vector<16xf32>
        %get3A_400 = arith.index_cast %add3A_382 : i32 to index
        %get3A_401 = arith.constant 16 : index
        %get3A_402 = tpu.vector_load %arg13[%get3A_400, %get3A_401] {strides = array<i32>} : memref<80x64xf32, #tpu.memory_space<vmem>>, vector<1x16xf32>,
        %get3A_403 = vector.shape_cast %get3A_402 : vector<1x16xf32> to vector<16xf32>
        %get3A_404 = arith.index_cast %add3A_382 : i32 to index
        %get3A_405 = arith.constant 16 : index
        %get3A_406 = tpu.vector_load %arg17[%get3A_404, %get3A_405] {strides = array<i32>} : memref<80x64xf32, #tpu.memory_space<vmem>>, vector<1x16xf32>,
        %get3A_407 = vector.shape_cast %get3A_406 : vector<1x16xf32> to vector<16xf32>
        %add3A_408 = arith.addf %get3A_403, %get3A_407 : vector<16xf32>
        %swap3A_409 = arith.index_cast %scan3A_299 : i32 to index
        %swap3A_410 = arith.constant 80 : index
        %swap3A_411 = tpu.vector_load %arg21[%swap3A_409, %swap3A_410] {strides = array<i32>} : memref<40x128xf32, #tpu.memory_space<vmem>>, vector<1x16xf32>,
        %swap3A_412 = vector.shape_cast %swap3A_411 : vector<1x16xf32> to vector<16xf32>
        %swap3A_413 = vector.shape_cast %add3A_408 : vector<16xf32> to vector<1x16xf32>
        tpu.vector_store %arg21[%swap3A_409, %swap3A_410], %swap3A_413 {strides = array<i32>} : memref<40x128xf32, #tpu.memory_space<vmem>>, vector<1x16xf32>,
        %add3A_414 = arith.addf %add3A_342, %add3A_408 : vector<16xf32>
        %mul3A_415 = arith.mulf %add3A_408, %add3A_408 : vector<16xf32>
        %add3A_416 = arith.addf %add3A_344, %mul3A_415 : vector<16xf32>
        %get3A_417 = arith.index_cast %add3A_382 : i32 to index
        %get3A_418 = arith.constant 32 : index
        %get3A_419 = tpu.vector_load %arg13[%get3A_417, %get3A_418] {strides = array<i32>} : memref<80x64xf32, #tpu.memory_space<vmem>>, vector<1x16xf32>,
        %get3A_420 = vector.shape_cast %get3A_419 : vector<1x16xf32> to vector<16xf32>
        %get3A_421 = arith.index_cast %add3A_382 : i32 to index
        %get3A_422 = arith.constant 32 : index
        %get3A_423 = tpu.vector_load %arg17[%get3A_421, %get3A_422] {strides = array<i32>} : memref<80x64xf32, #tpu.memory_space<vmem>>, vector<1x16xf32>,
        %get3A_424 = vector.shape_cast %get3A_423 : vector<1x16xf32> to vector<16xf32>
        %add3A_425 = arith.addf %get3A_420, %get3A_424 : vector<16xf32>
        %swap3A_426 = arith.index_cast %scan3A_299 : i32 to index
        %swap3A_427 = arith.constant 96 : index
        %swap3A_428 = tpu.vector_load %arg21[%swap3A_426, %swap3A_427] {strides = array<i32>} : memref<40x128xf32, #tpu.memory_space<vmem>>, vector<1x16xf32>,
        %swap3A_429 = vector.shape_cast %swap3A_428 : vector<1x16xf32> to vector<16xf32>
        %swap3A_430 = vector.shape_cast %add3A_425 : vector<16xf32> to vector<1x16xf32>
        tpu.vector_store %arg21[%swap3A_426, %swap3A_427], %swap3A_430 {strides = array<i32>} : memref<40x128xf32, #tpu.memory_space<vmem>>, vector<1x16xf32>,
        %add3A_431 = arith.addf %add3A_359, %add3A_425 : vector<16xf32>
        %mul3A_432 = arith.mulf %add3A_425, %add3A_425 : vector<16xf32>
        %add3A_433 = arith.addf %add3A_361, %mul3A_432 : vector<16xf32>
        %get3A_434 = arith.index_cast %add3A_382 : i32 to index
        %get3A_435 = arith.constant 48 : index
        %get3A_436 = tpu.vector_load %arg13[%get3A_434, %get3A_435] {strides = array<i32>} : memref<80x64xf32, #tpu.memory_space<vmem>>, vector<1x16xf32>,
        %get3A_437 = vector.shape_cast %get3A_436 : vector<1x16xf32> to vector<16xf32>
        %get3A_438 = arith.index_cast %add3A_382 : i32 to index
        %get3A_439 = arith.constant 48 : index
        %get3A_440 = tpu.vector_load %arg17[%get3A_438, %get3A_439] {strides = array<i32>} : memref<80x64xf32, #tpu.memory_space<vmem>>, vector<1x16xf32>,
        %get3A_441 = vector.shape_cast %get3A_440 : vector<1x16xf32> to vector<16xf32>
        %add3A_442 = arith.addf %get3A_437, %get3A_441 : vector<16xf32>
        %swap3A_443 = arith.index_cast %scan3A_299 : i32 to index
        %swap3A_444 = arith.constant 112 : index
        %swap3A_445 = tpu.vector_load %arg21[%swap3A_443, %swap3A_444] {strides = array<i32>} : memref<40x128xf32, #tpu.memory_space<vmem>>, vector<1x16xf32>,
        %swap3A_446 = vector.shape_cast %swap3A_445 : vector<1x16xf32> to vector<16xf32>
        %swap3A_447 = vector.shape_cast %add3A_442 : vector<16xf32> to vector<1x16xf32>
        tpu.vector_store %arg21[%swap3A_443, %swap3A_444], %swap3A_447 {strides = array<i32>} : memref<40x128xf32, #tpu.memory_space<vmem>>, vector<1x16xf32>,
        %add3A_448 = arith.addf %add3A_376, %add3A_442 : vector<16xf32>
        %mul3A_449 = arith.mulf %add3A_442, %add3A_442 : vector<16xf32>
        %add3A_450 = arith.addf %add3A_378, %mul3A_449 : vector<16xf32>
        scf.yield %add3A_397, %add3A_414, %add3A_431, %add3A_448, %add3A_399, %add3A_416, %add3A_433, %add3A_450 : vector<16xf32>, vector<16xf32>, vector<16xf32>, vector<16xf32>, vector<16xf32>, vector<16xf32>, vector<16xf32>, vector<16xf32>
      }
      %scan3A_271 = arith.constant 40 : i32
      %add3A_272 = arith.constant 3 : i32
      %add3A_273 = arith.addi %mul3A_110, %add3A_272 : i32
      %mul3A_274 = arith.constant 125 : i32
      %mul3A_275 = arith.muli %add3A, %mul3A_274 : i32
      %add3A_276 = arith.addi %mul3A_275, %add3A_273 : i32
      %mul3A_277 = arith.constant 40 : i32
      %mul3A_278 = arith.muli %add3A_276, %mul3A_277 : i32
      %dma_start3A_279 = arith.constant 0 : i32
      %dma_start3A_280 = tpu.memref_slice %arg6[%mul3A_278, %dma_start3A_279] : memref<160000x128xf32, #tpu.memory_space<hbm>> -> memref<40x128xf32, #tpu.memory_space<hbm>>
      %dma_start3A_281 = arith.constant 0 : i32
      %dma_start3A_282 = tpu.memref_slice %arg6[%mul3A_278, %dma_start3A_281] : memref<160000x128xf32, #tpu.memory_space<hbm>> -> memref<40x128xf32, #tpu.memory_space<hbm>>
      tpu.enqueue_dma source(%arg21 : memref<40x128xf32, #tpu.memory_space<vmem>>) target(%dma_start3A_282 : memref<40x128xf32, #tpu.memory_space<hbm>>) target_semaphore(%arg34 : memref<!tpu.dma_semaphore, #tpu.memory_space<semaphore_mem>>)
      %dma_wait3A_283 = arith.constant 0 : i32
      %dma_wait3A_284 = tpu.memref_slice %arg6[%mul3A_191, %dma_wait3A_283] : memref<160000x128xf32, #tpu.memory_space<hbm>> -> memref<40x128xf32, #tpu.memory_space<hbm>>
      %dma_wait3A_285 = arith.constant 0 : i32
      %dma_wait3A_286 = tpu.memref_slice %arg6[%mul3A_191, %dma_wait3A_285] : memref<160000x128xf32, #tpu.memory_space<hbm>> -> memref<40x128xf32, #tpu.memory_space<hbm>>
      tpu.wait_dma2 semaphore(%arg31 : memref<!tpu.dma_semaphore, #tpu.memory_space<semaphore_mem>>) src(%arg18 : memref<40x128xf32, #tpu.memory_space<vmem>>) dst(%dma_wait3A_286 : memref<40x128xf32, #tpu.memory_space<hbm>>)
      %dma_wait3A_287 = arith.constant 0 : i32
      %dma_wait3A_288 = tpu.memref_slice %arg6[%mul3A_220, %dma_wait3A_287] : memref<160000x128xf32, #tpu.memory_space<hbm>> -> memref<40x128xf32, #tpu.memory_space<hbm>>
      %dma_wait3A_289 = arith.constant 0 : i32
      %dma_wait3A_290 = tpu.memref_slice %arg6[%mul3A_220, %dma_wait3A_289] : memref<160000x128xf32, #tpu.memory_space<hbm>> -> memref<40x128xf32, #tpu.memory_space<hbm>>
      tpu.wait_dma2 semaphore(%arg32 : memref<!tpu.dma_semaphore, #tpu.memory_space<semaphore_mem>>) src(%arg19 : memref<40x128xf32, #tpu.memory_space<vmem>>) dst(%dma_wait3A_290 : memref<40x128xf32, #tpu.memory_space<hbm>>)
      %dma_wait3A_291 = arith.constant 0 : i32
      %dma_wait3A_292 = tpu.memref_slice %arg6[%mul3A_249, %dma_wait3A_291] : memref<160000x128xf32, #tpu.memory_space<hbm>> -> memref<40x128xf32, #tpu.memory_space<hbm>>
      %dma_wait3A_293 = arith.constant 0 : i32
      %dma_wait3A_294 = tpu.memref_slice %arg6[%mul3A_249, %dma_wait3A_293] : memref<160000x128xf32, #tpu.memory_space<hbm>> -> memref<40x128xf32, #tpu.memory_space<hbm>>
      tpu.wait_dma2 semaphore(%arg33 : memref<!tpu.dma_semaphore, #tpu.memory_space<semaphore_mem>>) src(%arg20 : memref<40x128xf32, #tpu.memory_space<vmem>>) dst(%dma_wait3A_294 : memref<40x128xf32, #tpu.memory_space<hbm>>)
      %dma_wait3A_295 = arith.constant 0 : i32
      %dma_wait3A_296 = tpu.memref_slice %arg6[%mul3A_278, %dma_wait3A_295] : memref<160000x128xf32, #tpu.memory_space<hbm>> -> memref<40x128xf32, #tpu.memory_space<hbm>>
      %dma_wait3A_297 = arith.constant 0 : i32
      %dma_wait3A_298 = tpu.memref_slice %arg6[%mul3A_278, %dma_wait3A_297] : memref<160000x128xf32, #tpu.memory_space<hbm>> -> memref<40x128xf32, #tpu.memory_space<hbm>>
      tpu.wait_dma2 semaphore(%arg34 : memref<!tpu.dma_semaphore, #tpu.memory_space<semaphore_mem>>) src(%arg21 : memref<40x128xf32, #tpu.memory_space<vmem>>) dst(%dma_wait3A_298 : memref<40x128xf32, #tpu.memory_space<hbm>>)
      scf.yield %scan3A_270#0, %scan3A_270#1, %scan3A_270#2, %scan3A_270#3, %scan3A_270#4, %scan3A_270#5, %scan3A_270#6, %scan3A_270#7 : vector<16xf32>, vector<16xf32>, vector<16xf32>, vector<16xf32>, vector<16xf32>, vector<16xf32>, vector<16xf32>, vector<16xf32>
    }
    %scan3A_6 = arith.constant 31 : i32
    %dma_start3A = arith.constant 124 : i32
    %dma_start3A_7 = arith.constant 0 : i32
    %dma_start3A_8 = tpu.memref_slice %arg8[%dma_start3A, %dma_start3A_7] : memref<125x80xi32, #tpu.memory_space<vmem>> -> memref<1x80xi32, #tpu.memory_space<vmem>>
    %dma_start3A_9 = tpu.memref_squeeze %dma_start3A_8 : memref<1x80xi32, #tpu.memory_space<vmem>> -> memref<80xi32, #tpu.memory_space<vmem>>
    %dma_start3A_10 = arith.constant 0 : i32
    %dma_start3A_11 = arith.constant 0 : i32
    %dma_start3A_12 = tpu.memref_slice %arg2[%dma_start3A_10, %dma_start3A_11] : memref<10000x64xf32, #tpu.memory_space<hbm>> -> memref<10000x64xf32, #tpu.memory_space<hbm>>
    tpu.enqueue_indirect_dma source(%dma_start3A_12 : memref<10000x64xf32, #tpu.memory_space<hbm>>) target(%arg10 : memref<80x64xf32, #tpu.memory_space<vmem>>) offsets(%dma_start3A_9 : memref<80xi32, #tpu.memory_space<vmem>>) semaphore(%arg23 : memref<!tpu.dma_semaphore, #tpu.memory_space<semaphore_mem>>)
    %dma_start3A_13 = arith.constant 124 : i32
    %dma_start3A_14 = arith.constant 0 : i32
    %dma_start3A_15 = tpu.memref_slice %arg9[%dma_start3A_13, %dma_start3A_14] : memref<125x80xi32, #tpu.memory_space<vmem>> -> memref<1x80xi32, #tpu.memory_space<vmem>>
    %dma_start3A_16 = tpu.memref_squeeze %dma_start3A_15 : memref<1x80xi32, #tpu.memory_space<vmem>> -> memref<80xi32, #tpu.memory_space<vmem>>
    %dma_start3A_17 = arith.constant 0 : i32
    %dma_start3A_18 = arith.constant 0 : i32
    %dma_start3A_19 = tpu.memref_slice %arg3[%dma_start3A_17, %dma_start3A_18] : memref<10000x64xf32, #tpu.memory_space<hbm>> -> memref<10000x64xf32, #tpu.memory_space<hbm>>
    tpu.enqueue_indirect_dma source(%dma_start3A_19 : memref<10000x64xf32, #tpu.memory_space<hbm>>) target(%arg14 : memref<80x64xf32, #tpu.memory_space<vmem>>) offsets(%dma_start3A_16 : memref<80xi32, #tpu.memory_space<vmem>>) semaphore(%arg27 : memref<!tpu.dma_semaphore, #tpu.memory_space<semaphore_mem>>)
    %dma_wait3A = arith.constant 124 : i32
    %dma_wait3A_20 = arith.constant 0 : i32
    %dma_wait3A_21 = tpu.memref_slice %arg8[%dma_wait3A, %dma_wait3A_20] : memref<125x80xi32, #tpu.memory_space<vmem>> -> memref<1x80xi32, #tpu.memory_space<vmem>>
    %dma_wait3A_22 = tpu.memref_squeeze %dma_wait3A_21 : memref<1x80xi32, #tpu.memory_space<vmem>> -> memref<80xi32, #tpu.memory_space<vmem>>
    %dma_wait3A_23 = arith.constant 0 : i32
    %dma_wait3A_24 = arith.constant 0 : i32
    %dma_wait3A_25 = tpu.memref_slice %arg2[%dma_wait3A_23, %dma_wait3A_24] : memref<10000x64xf32, #tpu.memory_space<hbm>> -> memref<10000x64xf32, #tpu.memory_space<hbm>>
    tpu.wait_indirect_dma semaphore(%arg23 : memref<!tpu.dma_semaphore, #tpu.memory_space<semaphore_mem>>) src(%dma_wait3A_25 : memref<10000x64xf32, #tpu.memory_space<hbm>>) dst(%arg10 : memref<80x64xf32, #tpu.memory_space<vmem>>)
    %dma_wait3A_26 = arith.constant 124 : i32
    %dma_wait3A_27 = arith.constant 0 : i32
    %dma_wait3A_28 = tpu.memref_slice %arg9[%dma_wait3A_26, %dma_wait3A_27] : memref<125x80xi32, #tpu.memory_space<vmem>> -> memref<1x80xi32, #tpu.memory_space<vmem>>
    %dma_wait3A_29 = tpu.memref_squeeze %dma_wait3A_28 : memref<1x80xi32, #tpu.memory_space<vmem>> -> memref<80xi32, #tpu.memory_space<vmem>>
    %dma_wait3A_30 = arith.constant 0 : i32
    %dma_wait3A_31 = arith.constant 0 : i32
    %dma_wait3A_32 = tpu.memref_slice %arg3[%dma_wait3A_30, %dma_wait3A_31] : memref<10000x64xf32, #tpu.memory_space<hbm>> -> memref<10000x64xf32, #tpu.memory_space<hbm>>
    tpu.wait_indirect_dma semaphore(%arg27 : memref<!tpu.dma_semaphore, #tpu.memory_space<semaphore_mem>>) src(%dma_wait3A_32 : memref<10000x64xf32, #tpu.memory_space<hbm>>) dst(%arg14 : memref<80x64xf32, #tpu.memory_space<vmem>>)
    %scan3A_33 = arith.constant 0 : i32
    %scan3A_34 = arith.constant 40 : i32
    %scan3A_35 = arith.addi %scan3A_33, %scan3A_34 : i32
    %scan3A_36 = arith.constant 1 : i32
    %scan3A_37:8 = scf.for %scan3A_100 = %scan3A_33 to %scan3A_35 step %scan3A_36 iter_args(%scan3A_101 = %scan3A_5#0, %scan3A_102 = %scan3A_5#1, %scan3A_103 = %scan3A_5#2, %scan3A_104 = %scan3A_5#3, %scan3A_105 = %scan3A_5#4, %scan3A_106 = %scan3A_5#5, %scan3A_107 = %scan3A_5#6, %scan3A_108 = %scan3A_5#7) -> (vector<16xf32>, vector<16xf32>, vector<16xf32>, vector<16xf32>, vector<16xf32>, vector<16xf32>, vector<16xf32>, vector<16xf32>)  : i32 {
      %mul3A_109 = arith.constant 2 : i32
      %mul3A_110 = arith.muli %mul3A_109, %scan3A_100 : i32
      %add3A_111 = arith.constant 0 : i32
      %add3A_112 = arith.addi %mul3A_110, %add3A_111 : i32
      %get3A = arith.index_cast %add3A_112 : i32 to index
      %get3A_113 = arith.constant 0 : index
      %get3A_114 = tpu.vector_load %arg10[%get3A, %get3A_113] {strides = array<i32>} : memref<80x64xf32, #tpu.memory_space<vmem>>, vector<1x16xf32>,
      %get3A_115 = vector.shape_cast %get3A_114 : vector<1x16xf32> to vector<16xf32>
      %get3A_116 = arith.index_cast %add3A_112 : i32 to index
      %get3A_117 = arith.constant 0 : index
      %get3A_118 = tpu.vector_load %arg14[%get3A_116, %get3A_117] {strides = array<i32>} : memref<80x64xf32, #tpu.memory_space<vmem>>, vector<1x16xf32>,
      %get3A_119 = vector.shape_cast %get3A_118 : vector<1x16xf32> to vector<16xf32>
      %add3A_120 = arith.addf %get3A_115, %get3A_119 : vector<16xf32>
      %swap3A_121 = arith.index_cast %scan3A_100 : i32 to index
      %swap3A_122 = arith.constant 0 : index
      %swap3A_123 = tpu.vector_load %arg18[%swap3A_121, %swap3A_122] {strides = array<i32>} : memref<40x128xf32, #tpu.memory_space<vmem>>, vector<1x16xf32>,
      %swap3A_124 = vector.shape_cast %swap3A_123 : vector<1x16xf32> to vector<16xf32>
      %swap3A_125 = vector.shape_cast %add3A_120 : vector<16xf32> to vector<1x16xf32>
      tpu.vector_store %arg18[%swap3A_121, %swap3A_122], %swap3A_125 {strides = array<i32>} : memref<40x128xf32, #tpu.memory_space<vmem>>, vector<1x16xf32>,
      %add3A_126 = arith.addf %scan3A_101, %add3A_120 : vector<16xf32>
      %mul3A_127 = arith.mulf %add3A_120, %add3A_120 : vector<16xf32>
      %add3A_128 = arith.addf %scan3A_105, %mul3A_127 : vector<16xf32>
      %get3A_129 = arith.index_cast %add3A_112 : i32 to index
      %get3A_130 = arith.constant 16 : index
      %get3A_131 = tpu.vector_load %arg10[%get3A_129, %get3A_130] {strides = array<i32>} : memref<80x64xf32, #tpu.memory_space<vmem>>, vector<1x16xf32>,
      %get3A_132 = vector.shape_cast %get3A_131 : vector<1x16xf32> to vector<16xf32>
      %get3A_133 = arith.index_cast %add3A_112 : i32 to index
      %get3A_134 = arith.constant 16 : index
      %get3A_135 = tpu.vector_load %arg14[%get3A_133, %get3A_134] {strides = array<i32>} : memref<80x64xf32, #tpu.memory_space<vmem>>, vector<1x16xf32>,
      %get3A_136 = vector.shape_cast %get3A_135 : vector<1x16xf32> to vector<16xf32>
      %add3A_137 = arith.addf %get3A_132, %get3A_136 : vector<16xf32>
      %swap3A_138 = arith.index_cast %scan3A_100 : i32 to index
      %swap3A_139 = arith.constant 16 : index
      %swap3A_140 = tpu.vector_load %arg18[%swap3A_138, %swap3A_139] {strides = array<i32>} : memref<40x128xf32, #tpu.memory_space<vmem>>, vector<1x16xf32>,
      %swap3A_141 = vector.shape_cast %swap3A_140 : vector<1x16xf32> to vector<16xf32>
      %swap3A_142 = vector.shape_cast %add3A_137 : vector<16xf32> to vector<1x16xf32>
      tpu.vector_store %arg18[%swap3A_138, %swap3A_139], %swap3A_142 {strides = array<i32>} : memref<40x128xf32, #tpu.memory_space<vmem>>, vector<1x16xf32>,
      %add3A_143 = arith.addf %scan3A_102, %add3A_137 : vector<16xf32>
      %mul3A_144 = arith.mulf %add3A_137, %add3A_137 : vector<16xf32>
      %add3A_145 = arith.addf %scan3A_106, %mul3A_144 : vector<16xf32>
      %get3A_146 = arith.index_cast %add3A_112 : i32 to index
      %get3A_147 = arith.constant 32 : index
      %get3A_148 = tpu.vector_load %arg10[%get3A_146, %get3A_147] {strides = array<i32>} : memref<80x64xf32, #tpu.memory_space<vmem>>, vector<1x16xf32>,
      %get3A_149 = vector.shape_cast %get3A_148 : vector<1x16xf32> to vector<16xf32>
      %get3A_150 = arith.index_cast %add3A_112 : i32 to index
      %get3A_151 = arith.constant 32 : index
      %get3A_152 = tpu.vector_load %arg14[%get3A_150, %get3A_151] {strides = array<i32>} : memref<80x64xf32, #tpu.memory_space<vmem>>, vector<1x16xf32>,
      %get3A_153 = vector.shape_cast %get3A_152 : vector<1x16xf32> to vector<16xf32>
      %add3A_154 = arith.addf %get3A_149, %get3A_153 : vector<16xf32>
      %swap3A_155 = arith.index_cast %scan3A_100 : i32 to index
      %swap3A_156 = arith.constant 32 : index
      %swap3A_157 = tpu.vector_load %arg18[%swap3A_155, %swap3A_156] {strides = array<i32>} : memref<40x128xf32, #tpu.memory_space<vmem>>, vector<1x16xf32>,
      %swap3A_158 = vector.shape_cast %swap3A_157 : vector<1x16xf32> to vector<16xf32>
      %swap3A_159 = vector.shape_cast %add3A_154 : vector<16xf32> to vector<1x16xf32>
      tpu.vector_store %arg18[%swap3A_155, %swap3A_156], %swap3A_159 {strides = array<i32>} : memref<40x128xf32, #tpu.memory_space<vmem>>, vector<1x16xf32>,
      %add3A_160 = arith.addf %scan3A_103, %add3A_154 : vector<16xf32>
      %mul3A_161 = arith.mulf %add3A_154, %add3A_154 : vector<16xf32>
      %add3A_162 = arith.addf %scan3A_107, %mul3A_161 : vector<16xf32>
      %get3A_163 = arith.index_cast %add3A_112 : i32 to index
      %get3A_164 = arith.constant 48 : index
      %get3A_165 = tpu.vector_load %arg10[%get3A_163, %get3A_164] {strides = array<i32>} : memref<80x64xf32, #tpu.memory_space<vmem>>, vector<1x16xf32>,
      %get3A_166 = vector.shape_cast %get3A_165 : vector<1x16xf32> to vector<16xf32>
      %get3A_167 = arith.index_cast %add3A_112 : i32 to index
      %get3A_168 = arith.constant 48 : index
      %get3A_169 = tpu.vector_load %arg14[%get3A_167, %get3A_168] {strides = array<i32>} : memref<80x64xf32, #tpu.memory_space<vmem>>, vector<1x16xf32>,
      %get3A_170 = vector.shape_cast %get3A_169 : vector<1x16xf32> to vector<16xf32>
      %add3A_171 = arith.addf %get3A_166, %get3A_170 : vector<16xf32>
      %swap3A_172 = arith.index_cast %scan3A_100 : i32 to index
      %swap3A_173 = arith.constant 48 : index
      %swap3A_174 = tpu.vector_load %arg18[%swap3A_172, %swap3A_173] {strides = array<i32>} : memref<40x128xf32, #tpu.memory_space<vmem>>, vector<1x16xf32>,
      %swap3A_175 = vector.shape_cast %swap3A_174 : vector<1x16xf32> to vector<16xf32>
      %swap3A_176 = vector.shape_cast %add3A_171 : vector<16xf32> to vector<1x16xf32>
      tpu.vector_store %arg18[%swap3A_172, %swap3A_173], %swap3A_176 {strides = array<i32>} : memref<40x128xf32, #tpu.memory_space<vmem>>, vector<1x16xf32>,
      %add3A_177 = arith.addf %scan3A_104, %add3A_171 : vector<16xf32>
      %mul3A_178 = arith.mulf %add3A_171, %add3A_171 : vector<16xf32>
      %add3A_179 = arith.addf %scan3A_108, %mul3A_178 : vector<16xf32>
      %mul3A_180 = arith.constant 2 : i32
      %mul3A_181 = arith.muli %mul3A_180, %scan3A_100 : i32
      %add3A_182 = arith.constant 1 : i32
      %add3A_183 = arith.addi %mul3A_181, %add3A_182 : i32
      %get3A_184 = arith.index_cast %add3A_183 : i32 to index
      %get3A_185 = arith.constant 0 : index
      %get3A_186 = tpu.vector_load %arg10[%get3A_184, %get3A_185] {strides = array<i32>} : memref<80x64xf32, #tpu.memory_space<vmem>>, vector<1x16xf32>,
      %get3A_187 = vector.shape_cast %get3A_186 : vector<1x16xf32> to vector<16xf32>
      %get3A_188 = arith.index_cast %add3A_183 : i32 to index
      %get3A_189 = arith.constant 0 : index
      %get3A_190 = tpu.vector_load %arg14[%get3A_188, %get3A_189] {strides = array<i32>} : memref<80x64xf32, #tpu.memory_space<vmem>>, vector<1x16xf32>,
      %get3A_191 = vector.shape_cast %get3A_190 : vector<1x16xf32> to vector<16xf32>
      %add3A_192 = arith.addf %get3A_187, %get3A_191 : vector<16xf32>
      %swap3A_193 = arith.index_cast %scan3A_100 : i32 to index
      %swap3A_194 = arith.constant 64 : index
      %swap3A_195 = tpu.vector_load %arg18[%swap3A_193, %swap3A_194] {strides = array<i32>} : memref<40x128xf32, #tpu.memory_space<vmem>>, vector<1x16xf32>,
      %swap3A_196 = vector.shape_cast %swap3A_195 : vector<1x16xf32> to vector<16xf32>
      %swap3A_197 = vector.shape_cast %add3A_192 : vector<16xf32> to vector<1x16xf32>
      tpu.vector_store %arg18[%swap3A_193, %swap3A_194], %swap3A_197 {strides = array<i32>} : memref<40x128xf32, #tpu.memory_space<vmem>>, vector<1x16xf32>,
      %add3A_198 = arith.addf %add3A_126, %add3A_192 : vector<16xf32>
      %mul3A_199 = arith.mulf %add3A_192, %add3A_192 : vector<16xf32>
      %add3A_200 = arith.addf %add3A_128, %mul3A_199 : vector<16xf32>
      %get3A_201 = arith.index_cast %add3A_183 : i32 to index
      %get3A_202 = arith.constant 16 : index
      %get3A_203 = tpu.vector_load %arg10[%get3A_201, %get3A_202] {strides = array<i32>} : memref<80x64xf32, #tpu.memory_space<vmem>>, vector<1x16xf32>,
      %get3A_204 = vector.shape_cast %get3A_203 : vector<1x16xf32> to vector<16xf32>
      %get3A_205 = arith.index_cast %add3A_183 : i32 to index
      %get3A_206 = arith.constant 16 : index
      %get3A_207 = tpu.vector_load %arg14[%get3A_205, %get3A_206] {strides = array<i32>} : memref<80x64xf32, #tpu.memory_space<vmem>>, vector<1x16xf32>,
      %get3A_208 = vector.shape_cast %get3A_207 : vector<1x16xf32> to vector<16xf32>
      %add3A_209 = arith.addf %get3A_204, %get3A_208 : vector<16xf32>
      %swap3A_210 = arith.index_cast %scan3A_100 : i32 to index
      %swap3A_211 = arith.constant 80 : index
      %swap3A_212 = tpu.vector_load %arg18[%swap3A_210, %swap3A_211] {strides = array<i32>} : memref<40x128xf32, #tpu.memory_space<vmem>>, vector<1x16xf32>,
      %swap3A_213 = vector.shape_cast %swap3A_212 : vector<1x16xf32> to vector<16xf32>
      %swap3A_214 = vector.shape_cast %add3A_209 : vector<16xf32> to vector<1x16xf32>
      tpu.vector_store %arg18[%swap3A_210, %swap3A_211], %swap3A_214 {strides = array<i32>} : memref<40x128xf32, #tpu.memory_space<vmem>>, vector<1x16xf32>,
      %add3A_215 = arith.addf %add3A_143, %add3A_209 : vector<16xf32>
      %mul3A_216 = arith.mulf %add3A_209, %add3A_209 : vector<16xf32>
      %add3A_217 = arith.addf %add3A_145, %mul3A_216 : vector<16xf32>
      %get3A_218 = arith.index_cast %add3A_183 : i32 to index
      %get3A_219 = arith.constant 32 : index
      %get3A_220 = tpu.vector_load %arg10[%get3A_218, %get3A_219] {strides = array<i32>} : memref<80x64xf32, #tpu.memory_space<vmem>>, vector<1x16xf32>,
      %get3A_221 = vector.shape_cast %get3A_220 : vector<1x16xf32> to vector<16xf32>
      %get3A_222 = arith.index_cast %add3A_183 : i32 to index
      %get3A_223 = arith.constant 32 : index
      %get3A_224 = tpu.vector_load %arg14[%get3A_222, %get3A_223] {strides = array<i32>} : memref<80x64xf32, #tpu.memory_space<vmem>>, vector<1x16xf32>,
      %get3A_225 = vector.shape_cast %get3A_224 : vector<1x16xf32> to vector<16xf32>
      %add3A_226 = arith.addf %get3A_221, %get3A_225 : vector<16xf32>
      %swap3A_227 = arith.index_cast %scan3A_100 : i32 to index
      %swap3A_228 = arith.constant 96 : index
      %swap3A_229 = tpu.vector_load %arg18[%swap3A_227, %swap3A_228] {strides = array<i32>} : memref<40x128xf32, #tpu.memory_space<vmem>>, vector<1x16xf32>,
      %swap3A_230 = vector.shape_cast %swap3A_229 : vector<1x16xf32> to vector<16xf32>
      %swap3A_231 = vector.shape_cast %add3A_226 : vector<16xf32> to vector<1x16xf32>
      tpu.vector_store %arg18[%swap3A_227, %swap3A_228], %swap3A_231 {strides = array<i32>} : memref<40x128xf32, #tpu.memory_space<vmem>>, vector<1x16xf32>,
      %add3A_232 = arith.addf %add3A_160, %add3A_226 : vector<16xf32>
      %mul3A_233 = arith.mulf %add3A_226, %add3A_226 : vector<16xf32>
      %add3A_234 = arith.addf %add3A_162, %mul3A_233 : vector<16xf32>
      %get3A_235 = arith.index_cast %add3A_183 : i32 to index
      %get3A_236 = arith.constant 48 : index
      %get3A_237 = tpu.vector_load %arg10[%get3A_235, %get3A_236] {strides = array<i32>} : memref<80x64xf32, #tpu.memory_space<vmem>>, vector<1x16xf32>,
      %get3A_238 = vector.shape_cast %get3A_237 : vector<1x16xf32> to vector<16xf32>
      %get3A_239 = arith.index_cast %add3A_183 : i32 to index
      %get3A_240 = arith.constant 48 : index
      %get3A_241 = tpu.vector_load %arg14[%get3A_239, %get3A_240] {strides = array<i32>} : memref<80x64xf32, #tpu.memory_space<vmem>>, vector<1x16xf32>,
      %get3A_242 = vector.shape_cast %get3A_241 : vector<1x16xf32> to vector<16xf32>
      %add3A_243 = arith.addf %get3A_238, %get3A_242 : vector<16xf32>
      %swap3A_244 = arith.index_cast %scan3A_100 : i32 to index
      %swap3A_245 = arith.constant 112 : index
      %swap3A_246 = tpu.vector_load %arg18[%swap3A_244, %swap3A_245] {strides = array<i32>} : memref<40x128xf32, #tpu.memory_space<vmem>>, vector<1x16xf32>,
      %swap3A_247 = vector.shape_cast %swap3A_246 : vector<1x16xf32> to vector<16xf32>
      %swap3A_248 = vector.shape_cast %add3A_243 : vector<16xf32> to vector<1x16xf32>
      tpu.vector_store %arg18[%swap3A_244, %swap3A_245], %swap3A_248 {strides = array<i32>} : memref<40x128xf32, #tpu.memory_space<vmem>>, vector<1x16xf32>,
      %add3A_249 = arith.addf %add3A_177, %add3A_243 : vector<16xf32>
      %mul3A_250 = arith.mulf %add3A_243, %add3A_243 : vector<16xf32>
      %add3A_251 = arith.addf %add3A_179, %mul3A_250 : vector<16xf32>
      scf.yield %add3A_198, %add3A_215, %add3A_232, %add3A_249, %add3A_200, %add3A_217, %add3A_234, %add3A_251 : vector<16xf32>, vector<16xf32>, vector<16xf32>, vector<16xf32>, vector<16xf32>, vector<16xf32>, vector<16xf32>, vector<16xf32>
    }
    %scan3A_38 = arith.constant 40 : i32
    %mul3A_39 = arith.constant 125 : i32
    %mul3A_40 = arith.muli %add3A, %mul3A_39 : i32
    %add3A_41 = arith.constant 124 : i32
    %add3A_42 = arith.addi %mul3A_40, %add3A_41 : i32
    %mul3A_43 = arith.constant 40 : i32
    %mul3A_44 = arith.muli %add3A_42, %mul3A_43 : i32
    %dma_start3A_45 = arith.constant 0 : i32
    %dma_start3A_46 = tpu.memref_slice %arg6[%mul3A_44, %dma_start3A_45] : memref<160000x128xf32, #tpu.memory_space<hbm>> -> memref<40x128xf32, #tpu.memory_space<hbm>>
    %dma_start3A_47 = arith.constant 0 : i32
    %dma_start3A_48 = tpu.memref_slice %arg6[%mul3A_44, %dma_start3A_47] : memref<160000x128xf32, #tpu.memory_space<hbm>> -> memref<40x128xf32, #tpu.memory_space<hbm>>
    tpu.enqueue_dma source(%arg18 : memref<40x128xf32, #tpu.memory_space<vmem>>) target(%dma_start3A_48 : memref<40x128xf32, #tpu.memory_space<hbm>>) target_semaphore(%arg31 : memref<!tpu.dma_semaphore, #tpu.memory_space<semaphore_mem>>)
    %dma_wait3A_49 = arith.constant 0 : i32
    %dma_wait3A_50 = tpu.memref_slice %arg6[%mul3A_44, %dma_wait3A_49] : memref<160000x128xf32, #tpu.memory_space<hbm>> -> memref<40x128xf32, #tpu.memory_space<hbm>>
    %dma_wait3A_51 = arith.constant 0 : i32
    %dma_wait3A_52 = tpu.memref_slice %arg6[%mul3A_44, %dma_wait3A_51] : memref<160000x128xf32, #tpu.memory_space<hbm>> -> memref<40x128xf32, #tpu.memory_space<hbm>>
    tpu.wait_dma2 semaphore(%arg31 : memref<!tpu.dma_semaphore, #tpu.memory_space<semaphore_mem>>) src(%arg18 : memref<40x128xf32, #tpu.memory_space<vmem>>) dst(%dma_wait3A_52 : memref<40x128xf32, #tpu.memory_space<hbm>>)
    %swap3A = arith.constant 0 : i32
    %swap3A_53 = arith.index_cast %swap3A : i32 to index
    %swap3A_54 = arith.constant 0 : index
    %swap3A_55 = tpu.vector_load %arg22[%swap3A_53, %swap3A_54] {strides = array<i32>} : memref<2x64xf32, #tpu.memory_space<vmem>>, vector<1x16xf32>,
    %swap3A_56 = vector.shape_cast %swap3A_55 : vector<1x16xf32> to vector<16xf32>
    %swap3A_57 = vector.shape_cast %scan3A_37#0 : vector<16xf32> to vector<1x16xf32>
    tpu.vector_store %arg22[%swap3A_53, %swap3A_54], %swap3A_57 {strides = array<i32>} : memref<2x64xf32, #tpu.memory_space<vmem>>, vector<1x16xf32>,
    %swap3A_58 = arith.constant 1 : i32
    %swap3A_59 = arith.index_cast %swap3A_58 : i32 to index
    %swap3A_60 = arith.constant 0 : index
    %swap3A_61 = tpu.vector_load %arg22[%swap3A_59, %swap3A_60] {strides = array<i32>} : memref<2x64xf32, #tpu.memory_space<vmem>>, vector<1x16xf32>,
    %swap3A_62 = vector.shape_cast %swap3A_61 : vector<1x16xf32> to vector<16xf32>
    %swap3A_63 = vector.shape_cast %scan3A_37#4 : vector<16xf32> to vector<1x16xf32>
    tpu.vector_store %arg22[%swap3A_59, %swap3A_60], %swap3A_63 {strides = array<i32>} : memref<2x64xf32, #tpu.memory_space<vmem>>, vector<1x16xf32>,
    %swap3A_64 = arith.constant 0 : i32
    %swap3A_65 = arith.index_cast %swap3A_64 : i32 to index
    %swap3A_66 = arith.constant 16 : index
    %swap3A_67 = tpu.vector_load %arg22[%swap3A_65, %swap3A_66] {strides = array<i32>} : memref<2x64xf32, #tpu.memory_space<vmem>>, vector<1x16xf32>,
    %swap3A_68 = vector.shape_cast %swap3A_67 : vector<1x16xf32> to vector<16xf32>
    %swap3A_69 = vector.shape_cast %scan3A_37#1 : vector<16xf32> to vector<1x16xf32>
    tpu.vector_store %arg22[%swap3A_65, %swap3A_66], %swap3A_69 {strides = array<i32>} : memref<2x64xf32, #tpu.memory_space<vmem>>, vector<1x16xf32>,
    %swap3A_70 = arith.constant 1 : i32
    %swap3A_71 = arith.index_cast %swap3A_70 : i32 to index
    %swap3A_72 = arith.constant 16 : index
    %swap3A_73 = tpu.vector_load %arg22[%swap3A_71, %swap3A_72] {strides = array<i32>} : memref<2x64xf32, #tpu.memory_space<vmem>>, vector<1x16xf32>,
    %swap3A_74 = vector.shape_cast %swap3A_73 : vector<1x16xf32> to vector<16xf32>
    %swap3A_75 = vector.shape_cast %scan3A_37#5 : vector<16xf32> to vector<1x16xf32>
    tpu.vector_store %arg22[%swap3A_71, %swap3A_72], %swap3A_75 {strides = array<i32>} : memref<2x64xf32, #tpu.memory_space<vmem>>, vector<1x16xf32>,
    %swap3A_76 = arith.constant 0 : i32
    %swap3A_77 = arith.index_cast %swap3A_76 : i32 to index
    %swap3A_78 = arith.constant 32 : index
    %swap3A_79 = tpu.vector_load %arg22[%swap3A_77, %swap3A_78] {strides = array<i32>} : memref<2x64xf32, #tpu.memory_space<vmem>>, vector<1x16xf32>,
    %swap3A_80 = vector.shape_cast %swap3A_79 : vector<1x16xf32> to vector<16xf32>
    %swap3A_81 = vector.shape_cast %scan3A_37#2 : vector<16xf32> to vector<1x16xf32>
    tpu.vector_store %arg22[%swap3A_77, %swap3A_78], %swap3A_81 {strides = array<i32>} : memref<2x64xf32, #tpu.memory_space<vmem>>, vector<1x16xf32>,
    %swap3A_82 = arith.constant 1 : i32
    %swap3A_83 = arith.index_cast %swap3A_82 : i32 to index
    %swap3A_84 = arith.constant 32 : index
    %swap3A_85 = tpu.vector_load %arg22[%swap3A_83, %swap3A_84] {strides = array<i32>} : memref<2x64xf32, #tpu.memory_space<vmem>>, vector<1x16xf32>,
    %swap3A_86 = vector.shape_cast %swap3A_85 : vector<1x16xf32> to vector<16xf32>
    %swap3A_87 = vector.shape_cast %scan3A_37#6 : vector<16xf32> to vector<1x16xf32>
    tpu.vector_store %arg22[%swap3A_83, %swap3A_84], %swap3A_87 {strides = array<i32>} : memref<2x64xf32, #tpu.memory_space<vmem>>, vector<1x16xf32>,
    %swap3A_88 = arith.constant 0 : i32
    %swap3A_89 = arith.index_cast %swap3A_88 : i32 to index
    %swap3A_90 = arith.constant 48 : index
    %swap3A_91 = tpu.vector_load %arg22[%swap3A_89, %swap3A_90] {strides = array<i32>} : memref<2x64xf32, #tpu.memory_space<vmem>>, vector<1x16xf32>,
    %swap3A_92 = vector.shape_cast %swap3A_91 : vector<1x16xf32> to vector<16xf32>
    %swap3A_93 = vector.shape_cast %scan3A_37#3 : vector<16xf32> to vector<1x16xf32>
    tpu.vector_store %arg22[%swap3A_89, %swap3A_90], %swap3A_93 {strides = array<i32>} : memref<2x64xf32, #tpu.memory_space<vmem>>, vector<1x16xf32>,
    %swap3A_94 = arith.constant 1 : i32
    %swap3A_95 = arith.index_cast %swap3A_94 : i32 to index
    %swap3A_96 = arith.constant 48 : index
    %swap3A_97 = tpu.vector_load %arg22[%swap3A_95, %swap3A_96] {strides = array<i32>} : memref<2x64xf32, #tpu.memory_space<vmem>>, vector<1x16xf32>,
    %swap3A_98 = vector.shape_cast %swap3A_97 : vector<1x16xf32> to vector<16xf32>
    %swap3A_99 = vector.shape_cast %scan3A_37#7 : vector<16xf32> to vector<1x16xf32>
    tpu.vector_store %arg22[%swap3A_95, %swap3A_96], %swap3A_99 {strides = array<i32>} : memref<2x64xf32, #tpu.memory_space<vmem>>, vector<1x16xf32>,
    "tpu.region"() ({
      %run_scoped3A = tpu.sem_alloc : memref<!tpu.dma_semaphore, #tpu.memory_space<semaphore_mem>>
      %dma_start3A_100 = arith.constant 0 : i32
      %dma_start3A_101 = arith.constant 0 : i32
      %dma_start3A_102 = tpu.memref_slice %arg7[%add3A, %dma_start3A_100, %dma_start3A_101] : memref<32x2x64xf32, #tpu.memory_space<hbm>> -> memref<1x2x64xf32, #tpu.memory_space<hbm>>
      %dma_start3A_103 = tpu.memref_squeeze %dma_start3A_102 : memref<1x2x64xf32, #tpu.memory_space<hbm>> -> memref<2x64xf32, #tpu.memory_space<hbm>>
      %dma_start3A_104 = arith.constant 0 : i32
      %dma_start3A_105 = arith.constant 0 : i32
      %dma_start3A_106 = tpu.memref_slice %arg7[%add3A, %dma_start3A_104, %dma_start3A_105] : memref<32x2x64xf32, #tpu.memory_space<hbm>> -> memref<1x2x64xf32, #tpu.memory_space<hbm>>
      %dma_start3A_107 = tpu.memref_squeeze %dma_start3A_106 : memref<1x2x64xf32, #tpu.memory_space<hbm>> -> memref<2x64xf32, #tpu.memory_space<hbm>>
      tpu.enqueue_dma source(%arg22 : memref<2x64xf32, #tpu.memory_space<vmem>>) target(%dma_start3A_107 : memref<2x64xf32, #tpu.memory_space<hbm>>) target_semaphore(%run_scoped3A : memref<!tpu.dma_semaphore, #tpu.memory_space<semaphore_mem>>)
      %dma_wait3A_108 = arith.constant 0 : i32
      %dma_wait3A_109 = arith.constant 0 : i32
      %dma_wait3A_110 = tpu.memref_slice %arg7[%add3A, %dma_wait3A_108, %dma_wait3A_109] : memref<32x2x64xf32, #tpu.memory_space<hbm>> -> memref<1x2x64xf32, #tpu.memory_space<hbm>>
      %dma_wait3A_111 = tpu.memref_squeeze %dma_wait3A_110 : memref<1x2x64xf32, #tpu.memory_space<hbm>> -> memref<2x64xf32, #tpu.memory_space<hbm>>
      %dma_wait3A_112 = arith.constant 0 : i32
      %dma_wait3A_113 = arith.constant 0 : i32
      %dma_wait3A_114 = tpu.memref_slice %arg7[%add3A, %dma_wait3A_112, %dma_wait3A_113] : memref<32x2x64xf32, #tpu.memory_space<hbm>> -> memref<1x2x64xf32, #tpu.memory_space<hbm>>
      %dma_wait3A_115 = tpu.memref_squeeze %dma_wait3A_114 : memref<1x2x64xf32, #tpu.memory_space<hbm>> -> memref<2x64xf32, #tpu.memory_space<hbm>>
      tpu.wait_dma2 semaphore(%run_scoped3A : memref<!tpu.dma_semaphore, #tpu.memory_space<semaphore_mem>>) src(%arg22 : memref<2x64xf32, #tpu.memory_space<vmem>>) dst(%dma_wait3A_115 : memref<2x64xf32, #tpu.memory_space<hbm>>)
      tpu.yield
    }) : () -> ()
    return
  }
}

module attributes {stable_mosaic.version = 14 : i64} {
  func.func @body(%arg0: memref<10000x128xf32, #tpu.memory_space<vmem>>, %arg1: memref<2x10240x64xf32, #tpu.memory_space<vmem>>, %arg2: memref<128x64xf32, #tpu.memory_space<vmem>>, %arg3: memref<1x64xf32, #tpu.memory_space<vmem>>, %arg4: memref<1x64xf32, #tpu.memory_space<vmem>>, %arg5: memref<1x64xf32, #tpu.memory_space<vmem>>, %arg6: memref<64x64xf32, #tpu.memory_space<vmem>>, %arg7: memref<1x64xf32, #tpu.memory_space<vmem>>, %arg8: memref<1x64xf32, #tpu.memory_space<vmem>>, %arg9: memref<1x64xf32, #tpu.memory_space<vmem>>, %arg10: memref<64x64xf32, #tpu.memory_space<vmem>>, %arg11: memref<1x64xf32, #tpu.memory_space<vmem>>, %arg12: memref<1x64xf32, #tpu.memory_space<vmem>>, %arg13: memref<1x64xf32, #tpu.memory_space<vmem>>, %arg14: memref<10000x64xf32, #tpu.memory_space<vmem>>) attributes {dimension_semantics = [], scalar_prefetch = 0 : i64, scratch_operands = 0 : i64, tpu.core_type = #tpu.core_type<tc>} {
    %get3A = arith.constant 0 : index
    %get3A_0 = arith.constant 0 : index
    %get3A_1 = arith.constant 0 : index
    %get3A_2 = vector.load %arg1[%get3A, %get3A_0, %get3A_1] : memref<2x10240x64xf32, #tpu.memory_space<vmem>>, vector<1x10000x64xf32>
    %get3A_3 = vector.shape_cast %get3A_2 : vector<1x10000x64xf32> to vector<10000x64xf32>
    %get3A_4 = arith.constant 1 : index
    %get3A_5 = arith.constant 0 : index
    %get3A_6 = arith.constant 0 : index
    %get3A_7 = vector.load %arg1[%get3A_4, %get3A_5, %get3A_6] : memref<2x10240x64xf32, #tpu.memory_space<vmem>>, vector<1x10000x64xf32>
    %get3A_8 = vector.shape_cast %get3A_7 : vector<1x10000x64xf32> to vector<10000x64xf32>
    %concatenate3A = tpu.concatenate %get3A_3, %get3A_8 in 1 : vector<10000x64xf32>, vector<10000x64xf32> -> vector<10000x128xf32>
    %get3A_9 = arith.constant 0 : index
    %get3A_10 = arith.constant 0 : index
    %get3A_11 = vector.load %arg0[%get3A_9, %get3A_10] : memref<10000x128xf32, #tpu.memory_space<vmem>>, vector<10000x128xf32>
    %add3A = arith.addf %get3A_11, %concatenate3A : vector<10000x128xf32>
    %get3A_12 = arith.constant 0 : index
    %get3A_13 = arith.constant 0 : index
    %get3A_14 = vector.load %arg2[%get3A_12, %get3A_13] : memref<128x64xf32, #tpu.memory_space<vmem>>, vector<128x64xf32>
    %get3A_15 = arith.constant 0 : index
    %get3A_16 = arith.constant 0 : index
    %get3A_17 = vector.load %arg3[%get3A_15, %get3A_16] : memref<1x64xf32, #tpu.memory_space<vmem>>, vector<1x64xf32>
    %get3A_18 = arith.constant 0 : index
    %get3A_19 = arith.constant 0 : index
    %get3A_20 = vector.load %arg4[%get3A_18, %get3A_19] : memref<1x64xf32, #tpu.memory_space<vmem>>, vector<1x64xf32>
    %get3A_21 = arith.constant 0 : index
    %get3A_22 = arith.constant 0 : index
    %get3A_23 = vector.load %arg5[%get3A_21, %get3A_22] : memref<1x64xf32, #tpu.memory_space<vmem>>, vector<1x64xf32>
    %get3A_24 = arith.constant 0 : index
    %get3A_25 = arith.constant 0 : index
    %get3A_26 = vector.load %arg6[%get3A_24, %get3A_25] : memref<64x64xf32, #tpu.memory_space<vmem>>, vector<64x64xf32>
    %get3A_27 = arith.constant 0 : index
    %get3A_28 = arith.constant 0 : index
    %get3A_29 = vector.load %arg7[%get3A_27, %get3A_28] : memref<1x64xf32, #tpu.memory_space<vmem>>, vector<1x64xf32>
    %get3A_30 = arith.constant 0 : index
    %get3A_31 = arith.constant 0 : index
    %get3A_32 = vector.load %arg8[%get3A_30, %get3A_31] : memref<1x64xf32, #tpu.memory_space<vmem>>, vector<1x64xf32>
    %get3A_33 = arith.constant 0 : index
    %get3A_34 = arith.constant 0 : index
    %get3A_35 = vector.load %arg9[%get3A_33, %get3A_34] : memref<1x64xf32, #tpu.memory_space<vmem>>, vector<1x64xf32>
    %get3A_36 = arith.constant 0 : index
    %get3A_37 = arith.constant 0 : index
    %get3A_38 = vector.load %arg10[%get3A_36, %get3A_37] : memref<64x64xf32, #tpu.memory_space<vmem>>, vector<64x64xf32>
    %get3A_39 = arith.constant 0 : index
    %get3A_40 = arith.constant 0 : index
    %get3A_41 = vector.load %arg11[%get3A_39, %get3A_40] : memref<1x64xf32, #tpu.memory_space<vmem>>, vector<1x64xf32>
    %dot_general3A = arith.constant dense<0.000000e+00> : vector<10000x64xf32>
    %dot_general3A_42 = tpu.matmul %add3A, %get3A_14, %dot_general3A {dimension_numbers = #tpu.dot_dimension_numbers<[1], [0], [0], [1], [0, 0, 1, 1], [], []>, transpose_lhs_hint = false} : vector<10000x128xf32>, vector<128x64xf32>, vector<10000x64xf32> -> vector<10000x64xf32>
    %add3A_43 = vector.broadcast %get3A_17 : vector<1x64xf32> to vector<10000x64xf32>
    %add3A_44 = arith.addf %dot_general3A_42, %add3A_43 : vector<10000x64xf32>
    %reduce_sum3A = arith.constant dense<0.000000e+00> : vector<64xf32>
    %reduce_sum3A_45 = vector.multi_reduction <add>, %add3A_44, %reduce_sum3A [0] : vector<10000x64xf32> to vector<64xf32>
    %broadcast_in_dim3A = vector.shape_cast %reduce_sum3A_45 : vector<64xf32> to vector<1x64xf32>
    %div3A = arith.constant 1.000000e+04 : f32
    %div3A_46 = vector.broadcast %div3A : f32 to vector<1x64xf32>
    %div3A_47 = arith.divf %broadcast_in_dim3A, %div3A_46 : vector<1x64xf32>
    %sub3A = vector.broadcast %div3A_47 : vector<1x64xf32> to vector<10000x64xf32>
    %sub3A_48 = arith.subf %add3A_44, %sub3A : vector<10000x64xf32>
    %integer_pow3A = arith.mulf %sub3A_48, %sub3A_48 : vector<10000x64xf32>
    %reduce_sum3A_49 = arith.constant dense<0.000000e+00> : vector<64xf32>
    %reduce_sum3A_50 = vector.multi_reduction <add>, %integer_pow3A, %reduce_sum3A_49 [0] : vector<10000x64xf32> to vector<64xf32>
    %broadcast_in_dim3A_51 = vector.shape_cast %reduce_sum3A_50 : vector<64xf32> to vector<1x64xf32>
    %div3A_52 = arith.constant 1.000000e+04 : f32
    %div3A_53 = vector.broadcast %div3A_52 : f32 to vector<1x64xf32>
    %div3A_54 = arith.divf %broadcast_in_dim3A_51, %div3A_53 : vector<1x64xf32>
    %sub3A_55 = vector.broadcast %div3A_47 : vector<1x64xf32> to vector<10000x64xf32>
    %sub3A_56 = arith.subf %add3A_44, %sub3A_55 : vector<10000x64xf32>
    %mul3A = vector.broadcast %get3A_20 : vector<1x64xf32> to vector<10000x64xf32>
    %mul3A_57 = arith.mulf %mul3A, %sub3A_56 : vector<10000x64xf32>
    %add3A_58 = arith.constant 9.99999974E-6 : f32
    %add3A_59 = vector.broadcast %add3A_58 : f32 to vector<1x64xf32>
    %add3A_60 = arith.addf %div3A_54, %add3A_59 : vector<1x64xf32>
    %rsqrt3A = math.rsqrt %add3A_60 : vector<1x64xf32>
    %mul3A_61 = vector.broadcast %rsqrt3A : vector<1x64xf32> to vector<10000x64xf32>
    %mul3A_62 = arith.mulf %mul3A_57, %mul3A_61 : vector<10000x64xf32>
    %add3A_63 = vector.broadcast %get3A_23 : vector<1x64xf32> to vector<10000x64xf32>
    %add3A_64 = arith.addf %mul3A_62, %add3A_63 : vector<10000x64xf32>
    %max3A = arith.constant 0.000000e+00 : f32
    %max3A_65 = vector.broadcast %max3A : f32 to vector<10000x64xf32>
    %max3A_66 = arith.maximumf %add3A_64, %max3A_65 : vector<10000x64xf32>
    %dot_general3A_67 = arith.constant dense<0.000000e+00> : vector<10000x64xf32>
    %dot_general3A_68 = tpu.matmul %max3A_66, %get3A_26, %dot_general3A_67 {dimension_numbers = #tpu.dot_dimension_numbers<[1], [0], [0], [1], [0, 0, 1, 1], [], []>, transpose_lhs_hint = false} : vector<10000x64xf32>, vector<64x64xf32>, vector<10000x64xf32> -> vector<10000x64xf32>
    %add3A_69 = vector.broadcast %get3A_29 : vector<1x64xf32> to vector<10000x64xf32>
    %add3A_70 = arith.addf %dot_general3A_68, %add3A_69 : vector<10000x64xf32>
    %reduce_sum3A_71 = arith.constant dense<0.000000e+00> : vector<64xf32>
    %reduce_sum3A_72 = vector.multi_reduction <add>, %add3A_70, %reduce_sum3A_71 [0] : vector<10000x64xf32> to vector<64xf32>
    %broadcast_in_dim3A_73 = vector.shape_cast %reduce_sum3A_72 : vector<64xf32> to vector<1x64xf32>
    %div3A_74 = arith.constant 1.000000e+04 : f32
    %div3A_75 = vector.broadcast %div3A_74 : f32 to vector<1x64xf32>
    %div3A_76 = arith.divf %broadcast_in_dim3A_73, %div3A_75 : vector<1x64xf32>
    %sub3A_77 = vector.broadcast %div3A_76 : vector<1x64xf32> to vector<10000x64xf32>
    %sub3A_78 = arith.subf %add3A_70, %sub3A_77 : vector<10000x64xf32>
    %integer_pow3A_79 = arith.mulf %sub3A_78, %sub3A_78 : vector<10000x64xf32>
    %reduce_sum3A_80 = arith.constant dense<0.000000e+00> : vector<64xf32>
    %reduce_sum3A_81 = vector.multi_reduction <add>, %integer_pow3A_79, %reduce_sum3A_80 [0] : vector<10000x64xf32> to vector<64xf32>
    %broadcast_in_dim3A_82 = vector.shape_cast %reduce_sum3A_81 : vector<64xf32> to vector<1x64xf32>
    %div3A_83 = arith.constant 1.000000e+04 : f32
    %div3A_84 = vector.broadcast %div3A_83 : f32 to vector<1x64xf32>
    %div3A_85 = arith.divf %broadcast_in_dim3A_82, %div3A_84 : vector<1x64xf32>
    %sub3A_86 = vector.broadcast %div3A_76 : vector<1x64xf32> to vector<10000x64xf32>
    %sub3A_87 = arith.subf %add3A_70, %sub3A_86 : vector<10000x64xf32>
    %mul3A_88 = vector.broadcast %get3A_32 : vector<1x64xf32> to vector<10000x64xf32>
    %mul3A_89 = arith.mulf %mul3A_88, %sub3A_87 : vector<10000x64xf32>
    %add3A_90 = arith.constant 9.99999974E-6 : f32
    %add3A_91 = vector.broadcast %add3A_90 : f32 to vector<1x64xf32>
    %add3A_92 = arith.addf %div3A_85, %add3A_91 : vector<1x64xf32>
    %rsqrt3A_93 = math.rsqrt %add3A_92 : vector<1x64xf32>
    %mul3A_94 = vector.broadcast %rsqrt3A_93 : vector<1x64xf32> to vector<10000x64xf32>
    %mul3A_95 = arith.mulf %mul3A_89, %mul3A_94 : vector<10000x64xf32>
    %add3A_96 = vector.broadcast %get3A_35 : vector<1x64xf32> to vector<10000x64xf32>
    %add3A_97 = arith.addf %mul3A_95, %add3A_96 : vector<10000x64xf32>
    %max3A_98 = arith.constant 0.000000e+00 : f32
    %max3A_99 = vector.broadcast %max3A_98 : f32 to vector<10000x64xf32>
    %max3A_100 = arith.maximumf %add3A_97, %max3A_99 : vector<10000x64xf32>
    %dot_general3A_101 = arith.constant dense<0.000000e+00> : vector<10000x64xf32>
    %dot_general3A_102 = tpu.matmul %max3A_100, %get3A_38, %dot_general3A_101 {dimension_numbers = #tpu.dot_dimension_numbers<[1], [0], [0], [1], [0, 0, 1, 1], [], []>, transpose_lhs_hint = false} : vector<10000x64xf32>, vector<64x64xf32>, vector<10000x64xf32> -> vector<10000x64xf32>
    %add3A_103 = vector.broadcast %get3A_41 : vector<1x64xf32> to vector<10000x64xf32>
    %add3A_104 = arith.addf %dot_general3A_102, %add3A_103 : vector<10000x64xf32>
    %get3A_105 = arith.constant 0 : index
    %get3A_106 = arith.constant 0 : index
    %get3A_107 = vector.load %arg12[%get3A_105, %get3A_106] : memref<1x64xf32, #tpu.memory_space<vmem>>, vector<1x64xf32>
    %get3A_108 = arith.constant 0 : index
    %get3A_109 = arith.constant 0 : index
    %get3A_110 = vector.load %arg13[%get3A_108, %get3A_109] : memref<1x64xf32, #tpu.memory_space<vmem>>, vector<1x64xf32>
    %reduce_sum3A_111 = arith.constant dense<0.000000e+00> : vector<64xf32>
    %reduce_sum3A_112 = vector.multi_reduction <add>, %add3A_104, %reduce_sum3A_111 [0] : vector<10000x64xf32> to vector<64xf32>
    %broadcast_in_dim3A_113 = vector.shape_cast %reduce_sum3A_112 : vector<64xf32> to vector<1x64xf32>
    %div3A_114 = arith.constant 1.000000e+04 : f32
    %div3A_115 = vector.broadcast %div3A_114 : f32 to vector<1x64xf32>
    %div3A_116 = arith.divf %broadcast_in_dim3A_113, %div3A_115 : vector<1x64xf32>
    %sub3A_117 = vector.broadcast %div3A_116 : vector<1x64xf32> to vector<10000x64xf32>
    %sub3A_118 = arith.subf %add3A_104, %sub3A_117 : vector<10000x64xf32>
    %integer_pow3A_119 = arith.mulf %sub3A_118, %sub3A_118 : vector<10000x64xf32>
    %reduce_sum3A_120 = arith.constant dense<0.000000e+00> : vector<64xf32>
    %reduce_sum3A_121 = vector.multi_reduction <add>, %integer_pow3A_119, %reduce_sum3A_120 [0] : vector<10000x64xf32> to vector<64xf32>
    %broadcast_in_dim3A_122 = vector.shape_cast %reduce_sum3A_121 : vector<64xf32> to vector<1x64xf32>
    %div3A_123 = arith.constant 1.000000e+04 : f32
    %div3A_124 = vector.broadcast %div3A_123 : f32 to vector<1x64xf32>
    %div3A_125 = arith.divf %broadcast_in_dim3A_122, %div3A_124 : vector<1x64xf32>
    %sub3A_126 = vector.broadcast %div3A_116 : vector<1x64xf32> to vector<10000x64xf32>
    %sub3A_127 = arith.subf %add3A_104, %sub3A_126 : vector<10000x64xf32>
    %mul3A_128 = vector.broadcast %get3A_107 : vector<1x64xf32> to vector<10000x64xf32>
    %mul3A_129 = arith.mulf %mul3A_128, %sub3A_127 : vector<10000x64xf32>
    %add3A_130 = arith.constant 9.99999974E-6 : f32
    %add3A_131 = vector.broadcast %add3A_130 : f32 to vector<1x64xf32>
    %add3A_132 = arith.addf %div3A_125, %add3A_131 : vector<1x64xf32>
    %rsqrt3A_133 = math.rsqrt %add3A_132 : vector<1x64xf32>
    %mul3A_134 = vector.broadcast %rsqrt3A_133 : vector<1x64xf32> to vector<10000x64xf32>
    %mul3A_135 = arith.mulf %mul3A_129, %mul3A_134 : vector<10000x64xf32>
    %add3A_136 = vector.broadcast %get3A_110 : vector<1x64xf32> to vector<10000x64xf32>
    %add3A_137 = arith.addf %mul3A_135, %add3A_136 : vector<10000x64xf32>
    %max3A_138 = arith.constant 0.000000e+00 : f32
    %max3A_139 = vector.broadcast %max3A_138 : f32 to vector<10000x64xf32>
    %max3A_140 = arith.maximumf %add3A_137, %max3A_139 : vector<10000x64xf32>
    %swap3A = arith.constant 0 : index
    %swap3A_141 = arith.constant 0 : index
    %swap3A_142 = vector.load %arg14[%swap3A, %swap3A_141] : memref<10000x64xf32, #tpu.memory_space<vmem>>, vector<10000x64xf32>
    tpu.vector_store %arg14[%swap3A, %swap3A_141], %max3A_140 {strides = array<i32>} : memref<10000x64xf32, #tpu.memory_space<vmem>>, vector<10000x64xf32>,
    return
  }
}

module attributes {stable_mosaic.version = 14 : i64} {
  func.func @body(%arg0: memref<10000x64xf32, #tpu.memory_space<vmem>>, %arg1: memref<2x10240x64xf32, #tpu.memory_space<vmem>>, %arg2: memref<64x64xf32, #tpu.memory_space<vmem>>, %arg3: memref<1x64xf32, #tpu.memory_space<vmem>>, %arg4: memref<1x64xf32, #tpu.memory_space<vmem>>, %arg5: memref<1x64xf32, #tpu.memory_space<vmem>>, %arg6: memref<64x64xf32, #tpu.memory_space<vmem>>, %arg7: memref<1x64xf32, #tpu.memory_space<vmem>>, %arg8: memref<1x64xf32, #tpu.memory_space<vmem>>, %arg9: memref<1x64xf32, #tpu.memory_space<vmem>>, %arg10: memref<64x64xf32, #tpu.memory_space<vmem>>, %arg11: memref<1x64xf32, #tpu.memory_space<vmem>>, %arg12: memref<1x64xf32, #tpu.memory_space<vmem>>, %arg13: memref<1x64xf32, #tpu.memory_space<vmem>>, %arg14: memref<64x64xf32, #tpu.memory_space<vmem>>, %arg15: memref<64x64xf32, #tpu.memory_space<vmem>>, %arg16: memref<10000x64xf32, #tpu.memory_space<vmem>>, %arg17: memref<10000x64xf32, #tpu.memory_space<vmem>>) attributes {dimension_semantics = [], scalar_prefetch = 0 : i64, scratch_operands = 0 : i64, tpu.core_type = #tpu.core_type<tc>} {
    %get3A = arith.constant 0 : index
    %get3A_0 = arith.constant 0 : index
    %get3A_1 = vector.load %arg0[%get3A, %get3A_0] : memref<10000x64xf32, #tpu.memory_space<vmem>>, vector<10000x64xf32>
    %get3A_2 = arith.constant 0 : index
    %get3A_3 = arith.constant 0 : index
    %get3A_4 = arith.constant 0 : index
    %get3A_5 = vector.load %arg1[%get3A_2, %get3A_3, %get3A_4] : memref<2x10240x64xf32, #tpu.memory_space<vmem>>, vector<1x10000x64xf32>
    %get3A_6 = vector.shape_cast %get3A_5 : vector<1x10000x64xf32> to vector<10000x64xf32>
    %add3A = arith.addf %get3A_1, %get3A_6 : vector<10000x64xf32>
    %get3A_7 = arith.constant 1 : index
    %get3A_8 = arith.constant 0 : index
    %get3A_9 = arith.constant 0 : index
    %get3A_10 = vector.load %arg1[%get3A_7, %get3A_8, %get3A_9] : memref<2x10240x64xf32, #tpu.memory_space<vmem>>, vector<1x10000x64xf32>
    %get3A_11 = vector.shape_cast %get3A_10 : vector<1x10000x64xf32> to vector<10000x64xf32>
    %add3A_12 = arith.addf %add3A, %get3A_11 : vector<10000x64xf32>
    %get3A_13 = arith.constant 0 : index
    %get3A_14 = arith.constant 0 : index
    %get3A_15 = vector.load %arg2[%get3A_13, %get3A_14] : memref<64x64xf32, #tpu.memory_space<vmem>>, vector<64x64xf32>
    %get3A_16 = arith.constant 0 : index
    %get3A_17 = arith.constant 0 : index
    %get3A_18 = vector.load %arg3[%get3A_16, %get3A_17] : memref<1x64xf32, #tpu.memory_space<vmem>>, vector<1x64xf32>
    %get3A_19 = arith.constant 0 : index
    %get3A_20 = arith.constant 0 : index
    %get3A_21 = vector.load %arg4[%get3A_19, %get3A_20] : memref<1x64xf32, #tpu.memory_space<vmem>>, vector<1x64xf32>
    %get3A_22 = arith.constant 0 : index
    %get3A_23 = arith.constant 0 : index
    %get3A_24 = vector.load %arg5[%get3A_22, %get3A_23] : memref<1x64xf32, #tpu.memory_space<vmem>>, vector<1x64xf32>
    %get3A_25 = arith.constant 0 : index
    %get3A_26 = arith.constant 0 : index
    %get3A_27 = vector.load %arg6[%get3A_25, %get3A_26] : memref<64x64xf32, #tpu.memory_space<vmem>>, vector<64x64xf32>
    %get3A_28 = arith.constant 0 : index
    %get3A_29 = arith.constant 0 : index
    %get3A_30 = vector.load %arg7[%get3A_28, %get3A_29] : memref<1x64xf32, #tpu.memory_space<vmem>>, vector<1x64xf32>
    %get3A_31 = arith.constant 0 : index
    %get3A_32 = arith.constant 0 : index
    %get3A_33 = vector.load %arg8[%get3A_31, %get3A_32] : memref<1x64xf32, #tpu.memory_space<vmem>>, vector<1x64xf32>
    %get3A_34 = arith.constant 0 : index
    %get3A_35 = arith.constant 0 : index
    %get3A_36 = vector.load %arg9[%get3A_34, %get3A_35] : memref<1x64xf32, #tpu.memory_space<vmem>>, vector<1x64xf32>
    %get3A_37 = arith.constant 0 : index
    %get3A_38 = arith.constant 0 : index
    %get3A_39 = vector.load %arg10[%get3A_37, %get3A_38] : memref<64x64xf32, #tpu.memory_space<vmem>>, vector<64x64xf32>
    %get3A_40 = arith.constant 0 : index
    %get3A_41 = arith.constant 0 : index
    %get3A_42 = vector.load %arg11[%get3A_40, %get3A_41] : memref<1x64xf32, #tpu.memory_space<vmem>>, vector<1x64xf32>
    %dot_general3A = arith.constant dense<0.000000e+00> : vector<10000x64xf32>
    %dot_general3A_43 = tpu.matmul %add3A_12, %get3A_15, %dot_general3A {dimension_numbers = #tpu.dot_dimension_numbers<[1], [0], [0], [1], [0, 0, 1, 1], [], []>, transpose_lhs_hint = false} : vector<10000x64xf32>, vector<64x64xf32>, vector<10000x64xf32> -> vector<10000x64xf32>
    %add3A_44 = vector.broadcast %get3A_18 : vector<1x64xf32> to vector<10000x64xf32>
    %add3A_45 = arith.addf %dot_general3A_43, %add3A_44 : vector<10000x64xf32>
    %reduce_sum3A = arith.constant dense<0.000000e+00> : vector<64xf32>
    %reduce_sum3A_46 = vector.multi_reduction <add>, %add3A_45, %reduce_sum3A [0] : vector<10000x64xf32> to vector<64xf32>
    %broadcast_in_dim3A = vector.shape_cast %reduce_sum3A_46 : vector<64xf32> to vector<1x64xf32>
    %div3A = arith.constant 1.000000e+04 : f32
    %div3A_47 = vector.broadcast %div3A : f32 to vector<1x64xf32>
    %div3A_48 = arith.divf %broadcast_in_dim3A, %div3A_47 : vector<1x64xf32>
    %sub3A = vector.broadcast %div3A_48 : vector<1x64xf32> to vector<10000x64xf32>
    %sub3A_49 = arith.subf %add3A_45, %sub3A : vector<10000x64xf32>
    %integer_pow3A = arith.mulf %sub3A_49, %sub3A_49 : vector<10000x64xf32>
    %reduce_sum3A_50 = arith.constant dense<0.000000e+00> : vector<64xf32>
    %reduce_sum3A_51 = vector.multi_reduction <add>, %integer_pow3A, %reduce_sum3A_50 [0] : vector<10000x64xf32> to vector<64xf32>
    %broadcast_in_dim3A_52 = vector.shape_cast %reduce_sum3A_51 : vector<64xf32> to vector<1x64xf32>
    %div3A_53 = arith.constant 1.000000e+04 : f32
    %div3A_54 = vector.broadcast %div3A_53 : f32 to vector<1x64xf32>
    %div3A_55 = arith.divf %broadcast_in_dim3A_52, %div3A_54 : vector<1x64xf32>
    %sub3A_56 = vector.broadcast %div3A_48 : vector<1x64xf32> to vector<10000x64xf32>
    %sub3A_57 = arith.subf %add3A_45, %sub3A_56 : vector<10000x64xf32>
    %mul3A = vector.broadcast %get3A_21 : vector<1x64xf32> to vector<10000x64xf32>
    %mul3A_58 = arith.mulf %mul3A, %sub3A_57 : vector<10000x64xf32>
    %add3A_59 = arith.constant 9.99999974E-6 : f32
    %add3A_60 = vector.broadcast %add3A_59 : f32 to vector<1x64xf32>
    %add3A_61 = arith.addf %div3A_55, %add3A_60 : vector<1x64xf32>
    %rsqrt3A = math.rsqrt %add3A_61 : vector<1x64xf32>
    %mul3A_62 = vector.broadcast %rsqrt3A : vector<1x64xf32> to vector<10000x64xf32>
    %mul3A_63 = arith.mulf %mul3A_58, %mul3A_62 : vector<10000x64xf32>
    %add3A_64 = vector.broadcast %get3A_24 : vector<1x64xf32> to vector<10000x64xf32>
    %add3A_65 = arith.addf %mul3A_63, %add3A_64 : vector<10000x64xf32>
    %max3A = arith.constant 0.000000e+00 : f32
    %max3A_66 = vector.broadcast %max3A : f32 to vector<10000x64xf32>
    %max3A_67 = arith.maximumf %add3A_65, %max3A_66 : vector<10000x64xf32>
    %dot_general3A_68 = arith.constant dense<0.000000e+00> : vector<10000x64xf32>
    %dot_general3A_69 = tpu.matmul %max3A_67, %get3A_27, %dot_general3A_68 {dimension_numbers = #tpu.dot_dimension_numbers<[1], [0], [0], [1], [0, 0, 1, 1], [], []>, transpose_lhs_hint = false} : vector<10000x64xf32>, vector<64x64xf32>, vector<10000x64xf32> -> vector<10000x64xf32>
    %add3A_70 = vector.broadcast %get3A_30 : vector<1x64xf32> to vector<10000x64xf32>
    %add3A_71 = arith.addf %dot_general3A_69, %add3A_70 : vector<10000x64xf32>
    %reduce_sum3A_72 = arith.constant dense<0.000000e+00> : vector<64xf32>
    %reduce_sum3A_73 = vector.multi_reduction <add>, %add3A_71, %reduce_sum3A_72 [0] : vector<10000x64xf32> to vector<64xf32>
    %broadcast_in_dim3A_74 = vector.shape_cast %reduce_sum3A_73 : vector<64xf32> to vector<1x64xf32>
    %div3A_75 = arith.constant 1.000000e+04 : f32
    %div3A_76 = vector.broadcast %div3A_75 : f32 to vector<1x64xf32>
    %div3A_77 = arith.divf %broadcast_in_dim3A_74, %div3A_76 : vector<1x64xf32>
    %sub3A_78 = vector.broadcast %div3A_77 : vector<1x64xf32> to vector<10000x64xf32>
    %sub3A_79 = arith.subf %add3A_71, %sub3A_78 : vector<10000x64xf32>
    %integer_pow3A_80 = arith.mulf %sub3A_79, %sub3A_79 : vector<10000x64xf32>
    %reduce_sum3A_81 = arith.constant dense<0.000000e+00> : vector<64xf32>
    %reduce_sum3A_82 = vector.multi_reduction <add>, %integer_pow3A_80, %reduce_sum3A_81 [0] : vector<10000x64xf32> to vector<64xf32>
    %broadcast_in_dim3A_83 = vector.shape_cast %reduce_sum3A_82 : vector<64xf32> to vector<1x64xf32>
    %div3A_84 = arith.constant 1.000000e+04 : f32
    %div3A_85 = vector.broadcast %div3A_84 : f32 to vector<1x64xf32>
    %div3A_86 = arith.divf %broadcast_in_dim3A_83, %div3A_85 : vector<1x64xf32>
    %sub3A_87 = vector.broadcast %div3A_77 : vector<1x64xf32> to vector<10000x64xf32>
    %sub3A_88 = arith.subf %add3A_71, %sub3A_87 : vector<10000x64xf32>
    %mul3A_89 = vector.broadcast %get3A_33 : vector<1x64xf32> to vector<10000x64xf32>
    %mul3A_90 = arith.mulf %mul3A_89, %sub3A_88 : vector<10000x64xf32>
    %add3A_91 = arith.constant 9.99999974E-6 : f32
    %add3A_92 = vector.broadcast %add3A_91 : f32 to vector<1x64xf32>
    %add3A_93 = arith.addf %div3A_86, %add3A_92 : vector<1x64xf32>
    %rsqrt3A_94 = math.rsqrt %add3A_93 : vector<1x64xf32>
    %mul3A_95 = vector.broadcast %rsqrt3A_94 : vector<1x64xf32> to vector<10000x64xf32>
    %mul3A_96 = arith.mulf %mul3A_90, %mul3A_95 : vector<10000x64xf32>
    %add3A_97 = vector.broadcast %get3A_36 : vector<1x64xf32> to vector<10000x64xf32>
    %add3A_98 = arith.addf %mul3A_96, %add3A_97 : vector<10000x64xf32>
    %max3A_99 = arith.constant 0.000000e+00 : f32
    %max3A_100 = vector.broadcast %max3A_99 : f32 to vector<10000x64xf32>
    %max3A_101 = arith.maximumf %add3A_98, %max3A_100 : vector<10000x64xf32>
    %dot_general3A_102 = arith.constant dense<0.000000e+00> : vector<10000x64xf32>
    %dot_general3A_103 = tpu.matmul %max3A_101, %get3A_39, %dot_general3A_102 {dimension_numbers = #tpu.dot_dimension_numbers<[1], [0], [0], [1], [0, 0, 1, 1], [], []>, transpose_lhs_hint = false} : vector<10000x64xf32>, vector<64x64xf32>, vector<10000x64xf32> -> vector<10000x64xf32>
    %add3A_104 = vector.broadcast %get3A_42 : vector<1x64xf32> to vector<10000x64xf32>
    %add3A_105 = arith.addf %dot_general3A_103, %add3A_104 : vector<10000x64xf32>
    %get3A_106 = arith.constant 0 : index
    %get3A_107 = arith.constant 0 : index
    %get3A_108 = vector.load %arg12[%get3A_106, %get3A_107] : memref<1x64xf32, #tpu.memory_space<vmem>>, vector<1x64xf32>
    %get3A_109 = arith.constant 0 : index
    %get3A_110 = arith.constant 0 : index
    %get3A_111 = vector.load %arg13[%get3A_109, %get3A_110] : memref<1x64xf32, #tpu.memory_space<vmem>>, vector<1x64xf32>
    %reduce_sum3A_112 = arith.constant dense<0.000000e+00> : vector<64xf32>
    %reduce_sum3A_113 = vector.multi_reduction <add>, %add3A_105, %reduce_sum3A_112 [0] : vector<10000x64xf32> to vector<64xf32>
    %broadcast_in_dim3A_114 = vector.shape_cast %reduce_sum3A_113 : vector<64xf32> to vector<1x64xf32>
    %div3A_115 = arith.constant 1.000000e+04 : f32
    %div3A_116 = vector.broadcast %div3A_115 : f32 to vector<1x64xf32>
    %div3A_117 = arith.divf %broadcast_in_dim3A_114, %div3A_116 : vector<1x64xf32>
    %sub3A_118 = vector.broadcast %div3A_117 : vector<1x64xf32> to vector<10000x64xf32>
    %sub3A_119 = arith.subf %add3A_105, %sub3A_118 : vector<10000x64xf32>
    %integer_pow3A_120 = arith.mulf %sub3A_119, %sub3A_119 : vector<10000x64xf32>
    %reduce_sum3A_121 = arith.constant dense<0.000000e+00> : vector<64xf32>
    %reduce_sum3A_122 = vector.multi_reduction <add>, %integer_pow3A_120, %reduce_sum3A_121 [0] : vector<10000x64xf32> to vector<64xf32>
    %broadcast_in_dim3A_123 = vector.shape_cast %reduce_sum3A_122 : vector<64xf32> to vector<1x64xf32>
    %div3A_124 = arith.constant 1.000000e+04 : f32
    %div3A_125 = vector.broadcast %div3A_124 : f32 to vector<1x64xf32>
    %div3A_126 = arith.divf %broadcast_in_dim3A_123, %div3A_125 : vector<1x64xf32>
    %sub3A_127 = vector.broadcast %div3A_117 : vector<1x64xf32> to vector<10000x64xf32>
    %sub3A_128 = arith.subf %add3A_105, %sub3A_127 : vector<10000x64xf32>
    %mul3A_129 = vector.broadcast %get3A_108 : vector<1x64xf32> to vector<10000x64xf32>
    %mul3A_130 = arith.mulf %mul3A_129, %sub3A_128 : vector<10000x64xf32>
    %add3A_131 = arith.constant 9.99999974E-6 : f32
    %add3A_132 = vector.broadcast %add3A_131 : f32 to vector<1x64xf32>
    %add3A_133 = arith.addf %div3A_126, %add3A_132 : vector<1x64xf32>
    %rsqrt3A_134 = math.rsqrt %add3A_133 : vector<1x64xf32>
    %mul3A_135 = vector.broadcast %rsqrt3A_134 : vector<1x64xf32> to vector<10000x64xf32>
    %mul3A_136 = arith.mulf %mul3A_130, %mul3A_135 : vector<10000x64xf32>
    %add3A_137 = vector.broadcast %get3A_111 : vector<1x64xf32> to vector<10000x64xf32>
    %add3A_138 = arith.addf %mul3A_136, %add3A_137 : vector<10000x64xf32>
    %max3A_139 = arith.constant 0.000000e+00 : f32
    %max3A_140 = vector.broadcast %max3A_139 : f32 to vector<10000x64xf32>
    %max3A_141 = arith.maximumf %add3A_138, %max3A_140 : vector<10000x64xf32>
    %get3A_142 = arith.constant 0 : index
    %get3A_143 = arith.constant 0 : index
    %get3A_144 = vector.load %arg14[%get3A_142, %get3A_143] : memref<64x64xf32, #tpu.memory_space<vmem>>, vector<64x64xf32>
    %dot_general3A_145 = arith.constant dense<0.000000e+00> : vector<10000x64xf32>
    %dot_general3A_146 = tpu.matmul %max3A_141, %get3A_144, %dot_general3A_145 {dimension_numbers = #tpu.dot_dimension_numbers<[1], [0], [0], [1], [0, 0, 1, 1], [], []>, transpose_lhs_hint = false} : vector<10000x64xf32>, vector<64x64xf32>, vector<10000x64xf32> -> vector<10000x64xf32>
    %swap3A = arith.constant 0 : index
    %swap3A_147 = arith.constant 0 : index
    %swap3A_148 = vector.load %arg16[%swap3A, %swap3A_147] : memref<10000x64xf32, #tpu.memory_space<vmem>>, vector<10000x64xf32>
    tpu.vector_store %arg16[%swap3A, %swap3A_147], %dot_general3A_146 {strides = array<i32>} : memref<10000x64xf32, #tpu.memory_space<vmem>>, vector<10000x64xf32>,
    %get3A_149 = arith.constant 0 : index
    %get3A_150 = arith.constant 0 : index
    %get3A_151 = vector.load %arg15[%get3A_149, %get3A_150] : memref<64x64xf32, #tpu.memory_space<vmem>>, vector<64x64xf32>
    %dot_general3A_152 = arith.constant dense<0.000000e+00> : vector<10000x64xf32>
    %dot_general3A_153 = tpu.matmul %max3A_141, %get3A_151, %dot_general3A_152 {dimension_numbers = #tpu.dot_dimension_numbers<[1], [0], [0], [1], [0, 0, 1, 1], [], []>, transpose_lhs_hint = false} : vector<10000x64xf32>, vector<64x64xf32>, vector<10000x64xf32> -> vector<10000x64xf32>
    %swap3A_154 = arith.constant 0 : index
    %swap3A_155 = arith.constant 0 : index
    %swap3A_156 = vector.load %arg17[%swap3A_154, %swap3A_155] : memref<10000x64xf32, #tpu.memory_space<vmem>>, vector<10000x64xf32>
    tpu.vector_store %arg17[%swap3A_154, %swap3A_155], %dot_general3A_153 {strides = array<i32>} : memref<10000x64xf32, #tpu.memory_space<vmem>>, vector<10000x64xf32>,
    return
  }
}

module attributes {stable_mosaic.version = 14 : i64} {
  func.func @body(%arg0: i32, %arg1: memref<4000x128xf32, #tpu.memory_space<vmem>>, %arg2: memref<32x2x64xf32, #tpu.memory_space<vmem>>, %arg3: memref<1x128xf32, #tpu.memory_space<vmem>>, %arg4: memref<1x128xf32, #tpu.memory_space<vmem>>, %arg5: memref<128x64xf32, #tpu.memory_space<vmem>>, %arg6: memref<1x64xf32, #tpu.memory_space<vmem>>, %arg7: memref<64x2xf32, #tpu.memory_space<vmem>>, %arg8: memref<1x1xf32, #tpu.memory_space<vmem>>, %arg9: memref<4000x2xf32, #tpu.memory_space<vmem>>) attributes {dimension_semantics = [#tpu.dimension_semantics<arbitrary>], iteration_bounds = array<i64: 40>, scalar_prefetch = 0 : i64, scratch_operands = 0 : i64, tpu.core_type = #tpu.core_type<tc>, window_params = [{transform_indices = @transform_0, window_bounds = array<i64: 4000, 128>}, {pipeline_mode = #tpu.pipeline_mode<synchronous>, transform_indices = @transform_1, window_bounds = array<i64: 32, 2, 64>}, {pipeline_mode = #tpu.pipeline_mode<synchronous>, transform_indices = @transform_2, window_bounds = array<i64: 1, 128>}, {pipeline_mode = #tpu.pipeline_mode<synchronous>, transform_indices = @transform_3, window_bounds = array<i64: 1, 128>}, {pipeline_mode = #tpu.pipeline_mode<synchronous>, transform_indices = @transform_4, window_bounds = array<i64: 128, 64>}, {pipeline_mode = #tpu.pipeline_mode<synchronous>, transform_indices = @transform_5, window_bounds = array<i64: 1, 64>}, {pipeline_mode = #tpu.pipeline_mode<synchronous>, transform_indices = @transform_6, window_bounds = array<i64: 64, 2>}, {pipeline_mode = #tpu.pipeline_mode<synchronous>, transform_indices = @transform_7, window_bounds = array<i64: 1, 1>}, {transform_indices = @transform_8, window_bounds = array<i64: 4000, 2>}]} {
    %get3A = arith.constant 0 : index
    %get3A_0 = arith.constant 0 : index
    %get3A_1 = arith.constant 0 : index
    %get3A_2 = vector.load %arg2[%get3A, %get3A_0, %get3A_1] : memref<32x2x64xf32, #tpu.memory_space<vmem>>, vector<32x2x64xf32>
    %reduce_sum3A = arith.constant dense<0.000000e+00> : vector<2x64xf32>
    %reduce_sum3A_3 = vector.multi_reduction <add>, %get3A_2, %reduce_sum3A [0] : vector<32x2x64xf32> to vector<2x64xf32>
    %slice3A = vector.extract_strided_slice %reduce_sum3A_3 {offsets = [0, 0], sizes = [1, 64], strides = [1, 1]} : vector<2x64xf32> to vector<1x64xf32>
    %div3A = arith.constant 3.200000e+05 : f32
    %div3A_4 = vector.broadcast %div3A : f32 to vector<1x64xf32>
    %div3A_5 = arith.divf %slice3A, %div3A_4 : vector<1x64xf32>
    %slice3A_6 = vector.extract_strided_slice %reduce_sum3A_3 {offsets = [1, 0], sizes = [1, 64], strides = [1, 1]} : vector<2x64xf32> to vector<1x64xf32>
    %div3A_7 = arith.constant 3.200000e+05 : f32
    %div3A_8 = vector.broadcast %div3A_7 : f32 to vector<1x64xf32>
    %div3A_9 = arith.divf %slice3A_6, %div3A_8 : vector<1x64xf32>
    %mul3A = arith.mulf %div3A_5, %div3A_5 : vector<1x64xf32>
    %sub3A = arith.subf %div3A_9, %mul3A : vector<1x64xf32>
    %add3A = arith.constant 9.99999974E-6 : f32
    %add3A_10 = vector.broadcast %add3A : f32 to vector<1x64xf32>
    %add3A_11 = arith.addf %sub3A, %add3A_10 : vector<1x64xf32>
    %rsqrt3A = math.rsqrt %add3A_11 : vector<1x64xf32>
    %concatenate3A = tpu.concatenate %div3A_5, %div3A_5 in 1 : vector<1x64xf32>, vector<1x64xf32> -> vector<1x128xf32>
    %concatenate3A_12 = tpu.concatenate %rsqrt3A, %rsqrt3A in 1 : vector<1x64xf32>, vector<1x64xf32> -> vector<1x128xf32>
    %get3A_13 = arith.constant 0 : index
    %get3A_14 = arith.constant 0 : index
    %get3A_15 = vector.load %arg1[%get3A_13, %get3A_14] : memref<4000x128xf32, #tpu.memory_space<vmem>>, vector<4000x128xf32>
    %sub3A_16 = vector.broadcast %concatenate3A : vector<1x128xf32> to vector<4000x128xf32>
    %sub3A_17 = arith.subf %get3A_15, %sub3A_16 : vector<4000x128xf32>
    %get3A_18 = arith.constant 0 : index
    %get3A_19 = arith.constant 0 : index
    %get3A_20 = vector.load %arg3[%get3A_18, %get3A_19] : memref<1x128xf32, #tpu.memory_space<vmem>>, vector<1x128xf32>
    %mul3A_21 = arith.mulf %concatenate3A_12, %get3A_20 : vector<1x128xf32>
    %mul3A_22 = vector.broadcast %mul3A_21 : vector<1x128xf32> to vector<4000x128xf32>
    %mul3A_23 = arith.mulf %sub3A_17, %mul3A_22 : vector<4000x128xf32>
    %get3A_24 = arith.constant 0 : index
    %get3A_25 = arith.constant 0 : index
    %get3A_26 = vector.load %arg4[%get3A_24, %get3A_25] : memref<1x128xf32, #tpu.memory_space<vmem>>, vector<1x128xf32>
    %add3A_27 = vector.broadcast %get3A_26 : vector<1x128xf32> to vector<4000x128xf32>
    %add3A_28 = arith.addf %mul3A_23, %add3A_27 : vector<4000x128xf32>
    %max3A = arith.constant 0.000000e+00 : f32
    %max3A_29 = vector.broadcast %max3A : f32 to vector<4000x128xf32>
    %max3A_30 = arith.maximumf %add3A_28, %max3A_29 : vector<4000x128xf32>
    %get3A_31 = arith.constant 0 : index
    %get3A_32 = arith.constant 0 : index
    %get3A_33 = vector.load %arg5[%get3A_31, %get3A_32] : memref<128x64xf32, #tpu.memory_space<vmem>>, vector<128x64xf32>
    %dot_general3A = arith.constant dense<0.000000e+00> : vector<4000x64xf32>
    %dot_general3A_34 = tpu.matmul %max3A_30, %get3A_33, %dot_general3A {dimension_numbers = #tpu.dot_dimension_numbers<[1], [0], [0], [1], [0, 0, 1, 1], [], []>, transpose_lhs_hint = false} : vector<4000x128xf32>, vector<128x64xf32>, vector<4000x64xf32> -> vector<4000x64xf32>
    %get3A_35 = arith.constant 0 : index
    %get3A_36 = arith.constant 0 : index
    %get3A_37 = vector.load %arg6[%get3A_35, %get3A_36] : memref<1x64xf32, #tpu.memory_space<vmem>>, vector<1x64xf32>
    %add3A_38 = vector.broadcast %get3A_37 : vector<1x64xf32> to vector<4000x64xf32>
    %add3A_39 = arith.addf %dot_general3A_34, %add3A_38 : vector<4000x64xf32>
    %max3A_40 = arith.constant 0.000000e+00 : f32
    %max3A_41 = vector.broadcast %max3A_40 : f32 to vector<4000x64xf32>
    %max3A_42 = arith.maximumf %add3A_39, %max3A_41 : vector<4000x64xf32>
    %get3A_43 = arith.constant 0 : index
    %get3A_44 = arith.constant 0 : index
    %get3A_45 = vector.load %arg7[%get3A_43, %get3A_44] : memref<64x2xf32, #tpu.memory_space<vmem>>, vector<64x2xf32>
    %dot_general3A_46 = arith.constant dense<0.000000e+00> : vector<4000x2xf32>
    %dot_general3A_47 = tpu.matmul %max3A_42, %get3A_45, %dot_general3A_46 {dimension_numbers = #tpu.dot_dimension_numbers<[1], [0], [0], [1], [0, 0, 1, 1], [], []>, transpose_lhs_hint = false} : vector<4000x64xf32>, vector<64x2xf32>, vector<4000x2xf32> -> vector<4000x2xf32>
    %get3A_48 = arith.constant 0 : index
    %get3A_49 = arith.constant 0 : index
    %get3A_50 = vector.load %arg8[%get3A_48, %get3A_49] : memref<1x1xf32, #tpu.memory_space<vmem>>, vector<1x1xf32>
    %get3A_51 = vector.extract %get3A_50[0, 0] : f32 from vector<1x1xf32>
    %add3A_52 = vector.broadcast %get3A_51 : f32 to vector<4000x2xf32>
    %add3A_53 = arith.addf %dot_general3A_47, %add3A_52 : vector<4000x2xf32>
    %swap3A = arith.constant 0 : index
    %swap3A_54 = arith.constant 0 : index
    %swap3A_55 = vector.load %arg9[%swap3A, %swap3A_54] : memref<4000x2xf32, #tpu.memory_space<vmem>>, vector<4000x2xf32>
    tpu.vector_store %arg9[%swap3A, %swap3A_54], %add3A_53 {strides = array<i32>} : memref<4000x2xf32, #tpu.memory_space<vmem>>, vector<4000x2xf32>,
    return
  }
  func.func @transform_0(%arg0: i32) -> (i32, i32) {
    %c0_i32 = arith.constant 0 : i32
    %c0_i32_0 = arith.constant 0 : i32
    return %arg0, %c0_i32 : i32, i32
  }
  func.func @transform_1(%arg0: i32) -> (i32, i32, i32) {
    %c0_i32 = arith.constant 0 : i32
    %c0_i32_0 = arith.constant 0 : i32
    %c0_i32_1 = arith.constant 0 : i32
    %c0_i32_2 = arith.constant 0 : i32
    return %c0_i32, %c0_i32_0, %c0_i32_1 : i32, i32, i32
  }
  func.func @transform_2(%arg0: i32) -> (i32, i32) {
    %c0_i32 = arith.constant 0 : i32
    %c0_i32_0 = arith.constant 0 : i32
    %c0_i32_1 = arith.constant 0 : i32
    return %c0_i32, %c0_i32_0 : i32, i32
  }
  func.func @transform_3(%arg0: i32) -> (i32, i32) {
    %c0_i32 = arith.constant 0 : i32
    %c0_i32_0 = arith.constant 0 : i32
    %c0_i32_1 = arith.constant 0 : i32
    return %c0_i32, %c0_i32_0 : i32, i32
  }
  func.func @transform_4(%arg0: i32) -> (i32, i32) {
    %c0_i32 = arith.constant 0 : i32
    %c0_i32_0 = arith.constant 0 : i32
    %c0_i32_1 = arith.constant 0 : i32
    return %c0_i32, %c0_i32_0 : i32, i32
  }
  func.func @transform_5(%arg0: i32) -> (i32, i32) {
    %c0_i32 = arith.constant 0 : i32
    %c0_i32_0 = arith.constant 0 : i32
    %c0_i32_1 = arith.constant 0 : i32
    return %c0_i32, %c0_i32_0 : i32, i32
  }
  func.func @transform_6(%arg0: i32) -> (i32, i32) {
    %c0_i32 = arith.constant 0 : i32
    %c0_i32_0 = arith.constant 0 : i32
    %c0_i32_1 = arith.constant 0 : i32
    return %c0_i32, %c0_i32_0 : i32, i32
  }
  func.func @transform_7(%arg0: i32) -> (i32, i32) {
    %c0_i32 = arith.constant 0 : i32
    %c0_i32_0 = arith.constant 0 : i32
    %c0_i32_1 = arith.constant 0 : i32
    return %c0_i32, %c0_i32_0 : i32, i32
  }
  func.func @transform_8(%arg0: i32) -> (i32, i32) {
    %c0_i32 = arith.constant 0 : i32
    %c0_i32_0 = arith.constant 0 : i32
    return %arg0, %c0_i32 : i32, i32
  }
}

</mosaic_0001>

<sc_bundles>
// kernel: kernel.11.cloned.1.call-start
scs
__scs_entry_jumppad:
0x0: {  	(pc) =	sbr.rel $0x88, $3  }
0x1: {  	(tag) =	ssettag $0x0;
	lr =	simm.s32 $0x1  }
0x2: {  	[smem:$0x3F80] =	sst lr;
	_ =	strace $0xD0000000  }
0x3: {  	_ = 	snop  }
0x4: {  	_ = 	snop  }
0x5: {  	_ = 	snop  }
0x6: {  	_ = 	snop  }
0x7: {  	_ = 	snop  }
__scs_overlays_trampoline_lowered:
0x8: {  	[smem:$0x3F8F] =	sst s0  }
0x9: {  	[smem:$0x3F90] =	sst s1  }
0xa: {  	[smem:$0x3F91] =	sst s2  }
0xb: {  	[smem:$0x3F92] =	sst s3  }
0xc: {  	[smem:$0x3F93] =	sst s4  }
0xd: {  	[smem:$0x3F94] =	sst s5  }
0xe: {  	[smem:$0x3F95] =	sst s6  }
0xf: {  	[smem:$0x3F96] =	sst s7  }
0x10: {  	[smem:$0x3F97] =	sst s8  }
0x11: {  	[smem:$0x3F98] =	sst s9;
	s0 =	simm.s32 @!p0 $0x0  }
0x12: {  	s1 =	sld [smem:$0x3F7E];
	s0 =	simm.s32 @p0 $0x1  }
0x13: {  	[smem:$0x3F99] =	sst s0;
	s0 =	simm.s32 @!p1 $0x0  }
0x14: {  	s2 =	sld [smem:$0x3F7D];
	s0 =	simm.s32 @p1 $0x1  }
0x15: {  	[smem:$0x3F9A] =	sst s0;
	s0 =	simm.s32 @!p2 $0x0  }
0x16: {  	s3 =	sld [smem:$0x3FDB];
	s0 =	simm.s32 @p2 $0x1  }
0x17: {  	s4 =	simm.s32 $0x1BF5;
	[smem:$0x3F9C] =	sst s0  }
0x18: {  	s0 =	sld [smem:$0x3F7F];
	_ =	swait.ge [sflag:s4], $0x0  }
0x19: {  	s7 =	sld [smem:$0x3F80]  }
0x1a: {  	s8 =	sadd.s32 $0xFFFFE003, lr  }
0x1b: {  	s9 =	sadd.s32 $0xFFFFFEF7, lr;
	s5 =	simm.s32 $0xFFFFFFFF;
	p2 =	slt.u32 s8, $0xFFFFF086  }
0x1c: {  	p1 =	slt.u32 s9, $0xF7A;
	s5 =	simm.s32 @!p2 $0x0  }
0x1d: {  	s5 =	simm.s32 @p1 $0x1;
	p0 =	seq.s32 s7, s2  }
0x1e: {  	s7 =	smul.u32 @!p0 $0xF7A, s2;
	p2 =	seq.s32 @!p0 s5, $0x0  }
0x1f: {  	s9 =	smul.u32 $0xF7A, s1;
	s8 =	simm.s32 @!p0 $0x1BF5;
	p2 =	por !p2, p0  }
0x20: {  	[sflag:s8] =	ssyncset.s32 @!p0 $0xFFFFF086;
	s6 =	sadd.s32 @!p0 s3, s7;
	s7 =	simm.s32 @!p0 $0x108  }
0x21: {  	s3 =	sadd.s32 s3, s9;
	s6 =	sadd.s32 @!p0 $0x88, s6;
	s7 =	simm.s32 @p2 $0x1082  }
0x22: {  	[simem:s7], [sflag:s8] =	dma.local @!p0 [hbm:s6], $0xF7A  }
0x23: {  	s9 =	sor.u32 $0xD0000000, s2;
	s6 =	simm.s32 $0x108;
	_ =	swait.ge @!p0 [sflag:s8], $0x0  }
0x24: {  	s3 =	sadd.s32 $0x88, s3;
	s6 =	simm.s32 @!p1 $0x1082;
	[sflag:s4] =	ssyncset.s32 $0xFFFFF086  }
0x25: {  	[simem:s6], [sflag:s4] =	dma.local [hbm:s3], $0xF7A  }
0x26: {  	[smem:$0x3F80] =	sst s1;
	(tag) =	ssettag s2;
	_ =	strace s9  }
0x27: {  	s1 =	sld [smem:$0x3F90]  }
0x28: {  	s2 =	sld [smem:$0x3F91]  }
0x29: {  	s4 =	sld [smem:$0x3F93]  }
0x2a: {  	p0 =	seq.s32 s5, $0x0;
	s5 =	sld [smem:$0x3F94]  }
0x2b: {  	s6 =	sld [smem:$0x3F95]  }
0x2c: {  	s7 =	sld [smem:$0x3F96]  }
0x2d: {  	s3 =	simm.s32 $0x108;
	s8 =	sld [smem:$0x3F97]  }
0x2e: {  	s3 =	simm.s32 @!p0 $0x1082;
	s9 =	sld [smem:$0x3F98]  }
0x2f: {  	lr =	sadd.s32 s0, s3;
	s0 =	sld [smem:$0x3F8F]  }
0x30: {  	s3 =	sld [smem:$0x3F92]  }
0x31: {  	[smem:$0x3F9B] =	sst s10  }
0x32: {  	s10 =	sld [smem:$0x3F99];
	_ =	sdelay $0x3  }
0x33: {  	p0 =	seq.s32 s10, $0x1;
	s10 =	sld [smem:$0x3F9B];
	_ =	sdelay $0x3  }
0x34: {  	[smem:$0x3F9B] =	sst s10  }
0x35: {  	s10 =	sld [smem:$0x3F9A];
	_ =	sdelay $0x3  }
0x36: {  	p1 =	seq.s32 s10, $0x1;
	s10 =	sld [smem:$0x3F9B];
	_ =	sdelay $0x3  }
0x37: {  	[smem:$0x3F9B] =	sst s10  }
0x38: {  	s10 =	sld [smem:$0x3F9C]  }
0x39: {  	_ = 	snop;
	(pc) =	sbr.ind lr, $3  }
0x3a: {  	_ = 	snop  }
0x3b: {  	_ = 	snop  }
0x3c: {  	p2 =	seq.s32 s10, $0x1;
	s10 =	sld [smem:$0x3F9B]  }
0x3d: {  	_ =	shalt  }
0x3e: {  	_ =	shalt  }
0x3f: {  	_ =	shalt  }
0x40: {  	_ =	shalt  }
0x41: {  	_ =	shalt  }
0x42: {  	_ =	shalt  }
0x43: {  	_ =	shalt  }
0x44: {  	_ =	shalt  }
0x45: {  	_ =	shalt  }
0x46: {  	_ =	shalt  }
0x47: {  	_ =	shalt  }
0x48: {  	_ =	shalt  }
0x49: {  	_ =	shalt  }
0x4a: {  	_ =	shalt  }
0x4b: {  	_ =	shalt  }
0x4c: {  	_ =	shalt  }
0x4d: {  	_ =	shalt  }
0x4e: {  	_ =	shalt  }
0x4f: {  	_ =	shalt  }
0x50: {  	_ =	shalt  }
0x51: {  	_ =	shalt  }
0x52: {  	_ =	shalt  }
0x53: {  	_ =	shalt  }
0x54: {  	_ =	shalt  }
0x55: {  	_ =	shalt  }
0x56: {  	_ =	shalt  }
0x57: {  	_ =	shalt  }
0x58: {  	_ =	shalt  }
0x59: {  	_ =	shalt  }
0x5a: {  	_ =	shalt  }
0x5b: {  	_ =	shalt  }
0x5c: {  	_ =	shalt  }
0x5d: {  	_ =	shalt  }
0x5e: {  	_ =	shalt  }
0x5f: {  	_ =	shalt  }
0x60: {  	_ =	shalt  }
0x61: {  	_ =	shalt  }
0x62: {  	_ =	shalt  }
0x63: {  	_ =	shalt  }
0x64: {  	_ =	shalt  }
0x65: {  	_ =	shalt  }
0x66: {  	_ =	shalt  }
0x67: {  	_ =	shalt  }
0x68: {  	_ =	shalt  }
0x69: {  	_ =	shalt  }
0x6a: {  	_ =	shalt  }
0x6b: {  	_ =	shalt  }
0x6c: {  	_ =	shalt  }
0x6d: {  	_ =	shalt  }
0x6e: {  	_ =	shalt  }
0x6f: {  	_ =	shalt  }
0x70: {  	_ =	shalt  }
0x71: {  	_ =	shalt  }
0x72: {  	_ =	shalt  }
0x73: {  	_ =	shalt  }
0x74: {  	_ =	shalt  }
0x75: {  	_ =	shalt  }
0x76: {  	_ =	shalt  }
0x77: {  	_ =	shalt  }
0x78: {  	_ =	shalt  }
0x79: {  	_ =	shalt  }
0x7a: {  	_ =	shalt  }
0x7b: {  	_ =	shalt  }
0x7c: {  	_ =	shalt  }
0x7d: {  	_ =	shalt  }
0x7e: {  	_ =	shalt  }
0x7f: {  	_ =	shalt  }
0x80: {  	_ =	shalt  }
0x81: {  	_ =	shalt  }
0x82: {  	_ =	shalt  }
0x83: {  	_ =	shalt  }
0x84: {  	_ =	shalt  }
0x85: {  	_ =	shalt  }
0x86: {  	_ =	shalt  }
0x87: {  	_ =	shalt  }
.Lfunc_end0:
.L_simem_size_0:
called_computation.1_lowered:
.L_overlay_start_0:
0x88: {  	s2 =	sld [smem:$0x3FD9]  }
0x89: {  	s3 =	sld [smem:$0x3FFE];
	_ =	sdelay $0x1  }
0x8a: {  	s1 =	srdreg.scid  }
0x8b: {  	s0 =	sand.u32 $0x1, s1  }
0x8c: {  	s17 =	sshll.u32 s0, $0xA;
	s2 =	sadd.s32 s3, s2  }
0x8d: {  	s2 =	sadd.s32 s2, s17  }
0x8e: {  	[smem:$0x3FA7] =	sst s2  }
0x8f: {  	_ = 	snop  }
0x90: {  	s2 =	sld [smem:$0x3FD0];
	(tm) =	ssettm $0x1  }
0x91: {  	s18 =	sld [smem:$0x3FFB];
	_ =	sdelay $0x3  }
0x92: {  	_ =	strace s18  }
0x93: {  	s3 =	sld [smem:$0x3FFC];
	_ =	sdelay $0x3  }
0x94: {  	_ =	strace s3  }
0x95: {  	s3 =	sld [smem:$0x3FFD];
	_ =	sdelay $0x3  }
0x96: {  	_ =	strace s3  }
0x97: {  	_ =	strace $0x8FFFFFFF  }
0x98: {  	s19 =	sld [smem:$0x3FDB];
	_ =	sdelay $0x1  }
0x99: {  	s4 =	simm.s32 $_scs_section_size  }
0x9a: {  	s5 =	simm.s32 $_size__tile_overlayer_lowered;
	s6 =	simm.s32 $_tile_overlayer_lowered  }
0x9b: {  	s22 =	simm.s32 $0x1BFF;
	s21 =	sshll.u32 s6, $0x1;
	s3 =	sadd.s32 s4, s19  }
0x9c: {  	s7 =	simm.s32 $0x0;
	s20 =	sshll.u32 s5, $0x1;
	s5 =	sadd.s32 s21, s3  }
0x9d: {  	[timem:s7], [sflag:s22] =	dma.local [hbm:s5], s20  }
0x9e: {  	_ =	swait.ge [sflag:s22], s20  }
0x9f: {  	s4 =	ssub.s32 $0x0, s20;
	[sflag:s22] =	ssyncset.done $0x0  }
0xa0: {  	[sflag:s22] =	ssyncadd.s32 s4;
	_ =	sdelay $0x1  }
0xa1: {  	s23 =	simm.s32 $0x1B8B  }
0xa2: {  	_ =	swait.ge [sflag:s23], $0x1  }
0xa3: {  	[sflag:s23] =	ssyncset.done $0x0  }
0xa4: {  	s25 =	simm.s32 $0x1B8E;
	s24 =	sld [smem:$0x3FFE];
	[sflag:s23] =	ssyncadd.s32 $0xFFFFFFFF  }
0xa5: {  	s26 =	simm.s32 $execute0_lowered;
	[smem:$0x3FD2] =	sst s25  }
0xa6: {  	s5 =	sshll.u32 s26, $0x1;
	_ =	strace $0x80000049;
	[dreg:$0x1] =	wrdreg $0xFFFFFFFF  }
0xa7: {  	s28 =	simm.s32 $_size_execute0_lowered;
	s3 =	sadd.s32 s3, s5;
	[dreg:$0x0] =	wrdreg $0x0  }
0xa8: {  	s5 =	sshll.u32 s28, $0x1;
	[dreg:$0x2] =	wrdreg s3  }
0xa9: {  	[dreg:$0x3] =	wrdreg s5  }
0xaa: {  	[dreg:$0x4] =	wrdreg $0xC0  }
0xab: {  	_ =	task [dreg:s7], $0x5FFFF  }
0xac: {  	[dreg:$0x1] =	wrdreg $0xFFFFFFFF  }
0xad: {  	[dreg:$0x0] =	wrdreg $0x60  }
0xae: {  	[dreg:$0x2] =	wrdreg s24  }
0xaf: {  	[dreg:$0x3] =	wrdreg s2  }
0xb0: {  	[dreg:$0x4] =	wrdreg $0xC6200  }
0xb1: {  	[dreg:$0x5] =	wrdreg $0x9  }
0xb2: {  	_ =	task.clear_ibuf [dreg:s7], $0x6FFFF;
	_ =	strace $0x90000049  }
0xb3: {  	s29 =	simm.s32 $0x9;
	_ =	strace $0x8000004B  }
0xb4: {  	_ =	swait.ge [sflag:s29], $0x1  }
0xb5: {  	[sflag:s29] =	ssyncadd.s32 $0xFFFFFFFF  }
0xb6: {  	_ =	strace $0x9000004B  }
0xb7: {  	_ =	sfence  }
0xb8: {  	s30 =	sld [smem:$0x0];
	_ =	sdelay $0x2  }
0xb9: {  	s31 =	sshll.u32 s1, $0xD;
	s1 =	sshrl.u32 s1, $0x2  }
0xba: {  	s3 =	sand.u32 $0x4000, s31;
	s1 =	sadd.s32 s1, s30  }
0xbb: {  	s0 =	sor.u32 s3, s0;
	s1 =	sshll.u32 s1, $0x11  }
0xbc: {  	s0 =	sor.u32 s1, s0  }
0xbd: {  	s0 =	sadd.s32 $0x8F2B, s0  }
0xbe: {  	[sflag:s0] =	ssyncadd.remote.s32 $0x1  }
0xbf: {  	_ =	sfence.sel $0xFFFF  }
0xc0: {  	[dreg:$0x0] =	wrdreg $0xFFFFFFFF;
	(pc) =	sbr.abs _section_cstart, $3  }
0xc1: {  	[dreg:$0x1] =	wrdreg $0xFFFFFFFF  }
0xc2: {  	_ =	task.clear_ibuf [dreg:s7], $0x2FFFF;
	_ =	strace $0x9FFFFFFF  }
0xc3: {  	(tm) =	ssettm $0x7FFFFFFF  }
tec
execute0_lowered:
.L_overlay_start_1:
0x0: {  	(tag) =	ssettag $0x1  }
0x1: {  	s0 =	srdreg.scid;
	s1 =	rddreg [dreg:$0x0]  }
0x2: {  	s10 =	stileid.u32;
	s3 =	rddreg [dreg:$0x1]  }
0x3: {  	s23 =	simm.s32 $0x0;
	s12 =	simm.s32 $0xD;
	s14 =	simm.s32 $0x50  }
0x4: {  	s15 =	simm.s32 $0x4E20;
	s16 =	simm.s32 $0x6220;
	s17 =	simm.s32 $0x7620  }
0x5: {  	s18 =	simm.s32 $0x8A20;
	s19 =	simm.s32 $0x9E20;
	s20 =	simm.s32 $0xB220  }
0x6: {  	s21 =	simm.s32 $0x1;
	s22 =	simm.s32 $0x2;
	s28 =	simm.s32 $0x7  }
0x7: {  	s29 =	simm.s32 $0x8;
	s30 =	simm.s32 $0x9;
	s31 =	simm.s32 $0xA  }
0x8: {  	s13 =	simm.s32 $0x0;
	s0 =	sand.u32 $0x1, s0;
	s6 =	smul.u32 $0xA000, s10  }
0x9: {  	[smem:$0x7FF] =	sst s23;
	s9 =	sadd.s32 $0x4A000, s1;
	s25 =	sshll.u32 s10, $0x6  }
0xa: {  	s23 =	simm.s32 $0x3;
	s2 =	sshll.u32 s0, $0x4;
	s7 =	smul.u32 $0xA0000, s0  }
0xb: {  	s0 =	ssub.s32 $0x2, s0;
	s4 =	sor.u32 s10, s2;
	s2 =	rddreg [dreg:$0x2]  }
0xc: {  	_ =	strace $0x8000004A;
	[dreg:$0x4] =	wrdreg s9;
	s24 =	sshrl.u32 s0, $0x1  }
0xd: {  	s5 =	smul.u32 $0x4E2, s4;
	s4 =	sadd.s32 $0xF400, s1;
	s7 =	sadd.s32 s6, s7  }
0xe: {  	s0 =	ssub.s32 s0, s24;
	s11 =	sadd.s32 s6, s2;
	s6 =	sor.u32 $0x1C0D, s25  }
0xf: {  	s24 =	simm.s32 $0x4;
	s25 =	simm.s32 $0x5;
	s7 =	sshrl.u32 s7, $0x3  }
0x10: {  	s10 =	smax.u32 s0, $0x1;
	s11 =	sshrl.u32 s11, $0x3;
	s0 =	simm.s32 $0xC  }
0x11: {  	s8 =	sadd.s32 s5, s1;
	s1 =	sadd.s32 s7, s1;
	s3 =	sadd.s32 s3, s5  }
0x12: {  	s26 =	sadd.s32 $0x5600, s8;
	[dreg:$0x6] =	wrdreg s3;
	s9 =	sadd.s32 $0x4B400, s1  }
0x13: {  	s1 =	simm.s32 $0xB;
	[dreg:$0x5] =	wrdreg s26;
	s26 =	simm.s32 $0x6  }
.LBB2_1:
0x14: {  	s3 =	rddreg [dreg:$0x4]  }
0x15: {  	[spmem:s11], [sflag:s6] =	dma.local [hbm:s3], $0x1400  }
0x16: {  	_ =	swait.ge [sflag:s12], $0x1400  }
0x17: {  	[sflag:s12] =	ssyncset.done $0x0  }
0x18: {  	s3 =	simm.s32 $0x0;
	s5 =	rddreg [dreg:$0x5];
	[sflag:s12] =	ssyncadd.s32 $0xFFFFEC00  }
0x19: {  	[tilespmem:s3], [sflag:$0xD] =	stream.linear.gather [hbm4b:s5+s3], $0x2710, $0x38;
	[tilespmem:$0x16620] =	vst v63  }
0x1a: {  	_ =	swait.ge [sflag:s12], $0x2710  }
0x1b: {  	[sflag:s12] =	ssyncset.done $0x0  }
0x1c: {  	s7 =	simm.s32 $0x2710;
	s8 =	rddreg [dreg:$0x6];
	[sflag:s12] =	ssyncadd.s32 $0xFFFFD8F0  }
0x1d: {  	[tilespmem:s7], [sflag:$0xD] =	stream.linear.gather [hbm4b:s8+s3], $0x2710, $0x38;
	[tilespmem:$0x16620] =	vst v63  }
0x1e: {  	_ =	swait.ge [sflag:s12], $0x2710  }
0x1f: {  	[sflag:s12] =	ssyncset.done $0x0  }
0x20: {  	[sflag:s12] =	ssyncadd.s32 $0xFFFFD8F0  }
0x21: {  	s5 =	simm.s32 $0x0;
	[bflag:$0x0] =	sbarrier.arrive $0xFFFF  }
0x22: {  	[tilespmem:s15], [sflag:$0x1] =	stream.indirect.gather [hbm4b:s4+s14], $0x40, s5, s14, $0xb8;
	[tilespmem:$0x16620] =	vst v63  }
0x23: {  	s7 =	simm.s32 $0x50  }
0x24: {  	[tilespmem:s16], [sflag:$0x2] =	stream.indirect.gather [hbm4b:s4+s14], $0x40, s7, s14, $0xb8;
	[tilespmem:$0x16620] =	vst v63  }
0x25: {  	s8 =	simm.s32 $0xA0  }
0x26: {  	[tilespmem:s17], [sflag:$0x3] =	stream.indirect.gather [hbm4b:s4+s14], $0x40, s8, s14, $0xb8;
	[tilespmem:$0x16620] =	vst v63  }
0x27: {  	s5 =	simm.s32 $0xF0  }
0x28: {  	[tilespmem:s18], [sflag:$0x4] =	stream.indirect.gather [hbm4b:s4+s14], $0x40, s5, s14, $0xb8;
	[tilespmem:$0x16620] =	vst v63  }
0x29: {  	s7 =	simm.s32 $0x140  }
0x2a: {  	[tilespmem:s19], [sflag:$0x5] =	stream.indirect.gather [hbm4b:s4+s14], $0x40, s7, s14, $0xb8;
	[tilespmem:$0x16620] =	vst v63  }
0x2b: {  	s8 =	simm.s32 $0x190  }
0x2c: {  	[tilespmem:s20], [sflag:$0x6] =	stream.indirect.gather [hbm4b:s4+s14], $0x40, s8, s14, $0xb8;
	[tilespmem:$0x16620] =	vst v63  }
0x2d: {  	_ =	swait.ge [sflag:s21], $0x1400  }
0x2e: {  	[sflag:s21] =	ssyncset.done $0x0  }
0x2f: {  	s5 =	simm.s32 $0x2710;
	[sflag:s21] =	ssyncadd.s32 $0xFFFFEC00  }
0x30: {  	[spmem:s2] =	stream.indirect.scatter.add.f32 [tilespmem:s15], [sflag:$0x7], $0x40, s5, s14, $0xb8;
	[tilespmem:$0x16620] =	vst v63  }
0x31: {  	_ =	swait.ge [sflag:s22], $0x1400  }
0x32: {  	[sflag:s22] =	ssyncset.done $0x0  }
0x33: {  	s7 =	simm.s32 $0x2760;
	[sflag:s22] =	ssyncadd.s32 $0xFFFFEC00  }
0x34: {  	[spmem:s2] =	stream.indirect.scatter.add.f32 [tilespmem:s16], [sflag:$0x8], $0x40, s7, s14, $0xb8;
	[tilespmem:$0x16620] =	vst v63  }
0x35: {  	_ =	swait.ge [sflag:s23], $0x1400  }
0x36: {  	[sflag:s23] =	ssyncset.done $0x0  }
0x37: {  	s8 =	simm.s32 $0x27B0;
	[sflag:s23] =	ssyncadd.s32 $0xFFFFEC00  }
0x38: {  	[spmem:s2] =	stream.indirect.scatter.add.f32 [tilespmem:s17], [sflag:$0x9], $0x40, s8, s14, $0xb8;
	[tilespmem:$0x16620] =	vst v63  }
0x39: {  	_ =	swait.ge [sflag:s24], $0x1400  }
0x3a: {  	[sflag:s24] =	ssyncset.done $0x0  }
0x3b: {  	s5 =	simm.s32 $0x2800;
	[sflag:s24] =	ssyncadd.s32 $0xFFFFEC00  }
0x3c: {  	[spmem:s2] =	stream.indirect.scatter.add.f32 [tilespmem:s18], [sflag:$0xA], $0x40, s5, s14, $0xb8;
	[tilespmem:$0x16620] =	vst v63  }
0x3d: {  	_ =	swait.ge [sflag:s25], $0x1400  }
0x3e: {  	[sflag:s25] =	ssyncset.done $0x0  }
0x3f: {  	s7 =	simm.s32 $0x2850;
	[sflag:s25] =	ssyncadd.s32 $0xFFFFEC00  }
0x40: {  	[spmem:s2] =	stream.indirect.scatter.add.f32 [tilespmem:s19], [sflag:$0xB], $0x40, s7, s14, $0xb8;
	[tilespmem:$0x16620] =	vst v63  }
0x41: {  	_ =	swait.ge [sflag:s26], $0x1400  }
0x42: {  	[sflag:s26] =	ssyncset.done $0x0  }
0x43: {  	s8 =	simm.s32 $0x28A0;
	[sflag:s26] =	ssyncadd.s32 $0xFFFFEC00  }
0x44: {  	[spmem:s2] =	stream.indirect.scatter.add.f32 [tilespmem:s20], [sflag:$0xC], $0x40, s8, s14, $0xb8;
	[tilespmem:$0x16620] =	vst v63  }
0x45: {  	_ =	swait.ge [sflag:s28], $0x1400  }
0x46: {  	[sflag:s28] =	ssyncset.done $0x0  }
0x47: {  	[sflag:s28] =	ssyncadd.s32 $0xFFFFEC00  }
0x48: {  	_ =	swait.ge [sflag:s29], $0x1400  }
0x49: {  	[sflag:s29] =	ssyncset.done $0x0  }
0x4a: {  	[sflag:s29] =	ssyncadd.s32 $0xFFFFEC00  }
0x4b: {  	_ =	swait.ge [sflag:s30], $0x1400  }
0x4c: {  	[sflag:s30] =	ssyncset.done $0x0  }
0x4d: {  	[sflag:s30] =	ssyncadd.s32 $0xFFFFEC00  }
0x4e: {  	_ =	swait.ge [sflag:s31], $0x1400  }
0x4f: {  	[sflag:s31] =	ssyncset.done $0x0  }
0x50: {  	[sflag:s31] =	ssyncadd.s32 $0xFFFFEC00  }
0x51: {  	_ =	swait.ge [sflag:s1], $0x1400  }
0x52: {  	[sflag:s1] =	ssyncset.done $0x0  }
0x53: {  	[sflag:s1] =	ssyncadd.s32 $0xFFFFEC00  }
0x54: {  	_ =	swait.ge [sflag:s0], $0x1400  }
0x55: {  	s3 =	simm.s32 $0x780;
	s5 =	simm.s32 $0xF00;
	[sflag:s0] =	ssyncset.done $0x0  }
.LBB2_2:
0x56: {  	s7 =	sshra.s32 s3, $0x2  }
0x57: {  	[sflag:s0] =	ssyncadd.s32 $0xFFFFEC00;
	s3 =	smov.u32 s5;
	s8 =	sadd.s32 $0x780, s5  }
0x58: {  	[tilespmem:s15], [sflag:$0x1] =	stream.indirect.gather [hbm4b:s4+s14], $0x40, s7, s14, $0xb8;
	[tilespmem:$0x16620] =	vst v63  }
0x59: {  	p0 =	sne.s32 s5, $0x8E80;
	s5 =	sadd.s32 $0x50, s7  }
0x5a: {  	[tilespmem:s16], [sflag:$0x2] =	stream.indirect.gather [hbm4b:s4+s14], $0x40, s5, s14, $0xb8;
	[tilespmem:$0x16620] =	vst v63  }
0x5b: {  	s5 =	sadd.s32 $0xA0, s7  }
0x5c: {  	[tilespmem:s17], [sflag:$0x3] =	stream.indirect.gather [hbm4b:s4+s14], $0x40, s5, s14, $0xb8;
	[tilespmem:$0x16620] =	vst v63  }
0x5d: {  	s5 =	sadd.s32 $0xF0, s7  }
0x5e: {  	[tilespmem:s18], [sflag:$0x4] =	stream.indirect.gather [hbm4b:s4+s14], $0x40, s5, s14, $0xb8;
	[tilespmem:$0x16620] =	vst v63  }
0x5f: {  	s5 =	sadd.s32 $0x140, s7  }
0x60: {  	[tilespmem:s19], [sflag:$0x5] =	stream.indirect.gather [hbm4b:s4+s14], $0x40, s5, s14, $0xb8;
	[tilespmem:$0x16620] =	vst v63  }
0x61: {  	s5 =	sadd.s32 $0x190, s7  }
0x62: {  	[tilespmem:s20], [sflag:$0x6] =	stream.indirect.gather [hbm4b:s4+s14], $0x40, s5, s14, $0xb8;
	[tilespmem:$0x16620] =	vst v63  }
0x63: {  	_ =	swait.ge [sflag:s21], $0x1400  }
0x64: {  	[sflag:s21] =	ssyncset.done $0x0  }
0x65: {  	s5 =	sadd.s32 $0x2710, s7;
	[sflag:s21] =	ssyncadd.s32 $0xFFFFEC00  }
0x66: {  	[spmem:s2] =	stream.indirect.scatter.add.f32 [tilespmem:s15], [sflag:$0x7], $0x40, s5, s14, $0xb8;
	[tilespmem:$0x16620] =	vst v63  }
0x67: {  	_ =	swait.ge [sflag:s22], $0x1400  }
0x68: {  	[sflag:s22] =	ssyncset.done $0x0  }
0x69: {  	s5 =	sadd.s32 $0x2760, s7;
	[sflag:s22] =	ssyncadd.s32 $0xFFFFEC00  }
0x6a: {  	[spmem:s2] =	stream.indirect.scatter.add.f32 [tilespmem:s16], [sflag:$0x8], $0x40, s5, s14, $0xb8;
	[tilespmem:$0x16620] =	vst v63  }
0x6b: {  	_ =	swait.ge [sflag:s23], $0x1400  }
0x6c: {  	[sflag:s23] =	ssyncset.done $0x0  }
0x6d: {  	s5 =	sadd.s32 $0x27B0, s7;
	[sflag:s23] =	ssyncadd.s32 $0xFFFFEC00  }
0x6e: {  	[spmem:s2] =	stream.indirect.scatter.add.f32 [tilespmem:s17], [sflag:$0x9], $0x40, s5, s14, $0xb8;
	[tilespmem:$0x16620] =	vst v63  }
0x6f: {  	_ =	swait.ge [sflag:s24], $0x1400  }
0x70: {  	[sflag:s24] =	ssyncset.done $0x0  }
0x71: {  	s5 =	sadd.s32 $0x2800, s7;
	[sflag:s24] =	ssyncadd.s32 $0xFFFFEC00  }
0x72: {  	[spmem:s2] =	stream.indirect.scatter.add.f32 [tilespmem:s18], [sflag:$0xA], $0x40, s5, s14, $0xb8;
	[tilespmem:$0x16620] =	vst v63  }
0x73: {  	_ =	swait.ge [sflag:s25], $0x1400  }
0x74: {  	[sflag:s25] =	ssyncset.done $0x0  }
0x75: {  	s5 =	sadd.s32 $0x2850, s7;
	[sflag:s25] =	ssyncadd.s32 $0xFFFFEC00  }
0x76: {  	[spmem:s2] =	stream.indirect.scatter.add.f32 [tilespmem:s19], [sflag:$0xB], $0x40, s5, s14, $0xb8;
	[tilespmem:$0x16620] =	vst v63  }
0x77: {  	_ =	swait.ge [sflag:s26], $0x1400  }
0x78: {  	[sflag:s26] =	ssyncset.done $0x0  }
0x79: {  	s5 =	sadd.s32 $0x28A0, s7;
	[sflag:s26] =	ssyncadd.s32 $0xFFFFEC00  }
0x7a: {  	[spmem:s2] =	stream.indirect.scatter.add.f32 [tilespmem:s20], [sflag:$0xC], $0x40, s5, s14, $0xb8;
	[tilespmem:$0x16620] =	vst v63  }
0x7b: {  	_ =	swait.ge [sflag:s28], $0x1400  }
0x7c: {  	[sflag:s28] =	ssyncset.done $0x0  }
0x7d: {  	[sflag:s28] =	ssyncadd.s32 $0xFFFFEC00  }
0x7e: {  	_ =	swait.ge [sflag:s29], $0x1400  }
0x7f: {  	[sflag:s29] =	ssyncset.done $0x0  }
0x80: {  	[sflag:s29] =	ssyncadd.s32 $0xFFFFEC00  }
0x81: {  	_ =	swait.ge [sflag:s30], $0x1400  }
0x82: {  	[sflag:s30] =	ssyncset.done $0x0  }
0x83: {  	[sflag:s30] =	ssyncadd.s32 $0xFFFFEC00  }
0x84: {  	_ =	swait.ge [sflag:s31], $0x1400  }
0x85: {  	[sflag:s31] =	ssyncset.done $0x0  }
0x86: {  	[sflag:s31] =	ssyncadd.s32 $0xFFFFEC00  }
.Ltmp0:
0x87: {  	_ =	swait.ge [sflag:s1], $0x1400;
	(pc) =	sbr.rel @p0 .LBB2_2-.Ltmp0, $4  }
0x88: {  	[sflag:s1] =	ssyncset.done $0x0  }
0x89: {  	[sflag:s1] =	ssyncadd.s32 $0xFFFFEC00  }
0x8a: {  	_ =	swait.ge [sflag:s0], $0x1400  }
0x8b: {  	s5 =	smov.u32 s8;
	[sflag:s0] =	ssyncset.done $0x0  }
0x8c: {  	s3 =	sshra.s32 s3, $0x2;
	[sflag:s0] =	ssyncadd.s32 $0xFFFFEC00  }
0x8d: {  	[tilespmem:s15], [sflag:$0x1] =	stream.indirect.gather [hbm4b:s4+s14], $0x40, s3, s14, $0xb8;
	[tilespmem:$0x16620] =	vst v63  }
0x8e: {  	s5 =	sadd.s32 $0x50, s3  }
0x8f: {  	[tilespmem:s16], [sflag:$0x2] =	stream.indirect.gather [hbm4b:s4+s14], $0x40, s5, s14, $0xb8;
	[tilespmem:$0x16620] =	vst v63  }
0x90: {  	s7 =	sadd.s32 $0xA0, s3  }
0x91: {  	[tilespmem:s17], [sflag:$0x3] =	stream.indirect.gather [hbm4b:s4+s14], $0x40, s7, s14, $0xb8;
	[tilespmem:$0x16620] =	vst v63  }
0x92: {  	s8 =	sadd.s32 $0xF0, s3  }
0x93: {  	[tilespmem:s18], [sflag:$0x4] =	stream.indirect.gather [hbm4b:s4+s14], $0x40, s8, s14, $0xb8;
	[tilespmem:$0x16620] =	vst v63  }
0x94: {  	s7 =	sadd.s32 $0x140, s3  }
0x95: {  	[tilespmem:s19], [sflag:$0x5] =	stream.indirect.gather [hbm4b:s4+s14], $0x40, s7, s14, $0xb8;
	[tilespmem:$0x16620] =	vst v63  }
0x96: {  	s8 =	sadd.s32 $0x190, s3  }
0x97: {  	[tilespmem:s20], [sflag:$0x6] =	stream.indirect.gather [hbm4b:s4+s14], $0x40, s8, s14, $0xb8;
	[tilespmem:$0x16620] =	vst v63  }
0x98: {  	_ =	swait.ge [sflag:s21], $0x1400  }
0x99: {  	[sflag:s21] =	ssyncset.done $0x0  }
0x9a: {  	s7 =	sadd.s32 $0x2710, s3;
	[sflag:s21] =	ssyncadd.s32 $0xFFFFEC00  }
0x9b: {  	[spmem:s2] =	stream.indirect.scatter.add.f32 [tilespmem:s15], [sflag:$0x7], $0x40, s7, s14, $0xb8;
	[tilespmem:$0x16620] =	vst v63  }
0x9c: {  	_ =	swait.ge [sflag:s22], $0x1400  }
0x9d: {  	[sflag:s22] =	ssyncset.done $0x0  }
0x9e: {  	s8 =	sadd.s32 $0x2760, s3;
	[sflag:s22] =	ssyncadd.s32 $0xFFFFEC00  }
0x9f: {  	[spmem:s2] =	stream.indirect.scatter.add.f32 [tilespmem:s16], [sflag:$0x8], $0x40, s8, s14, $0xb8;
	[tilespmem:$0x16620] =	vst v63  }
0xa0: {  	_ =	swait.ge [sflag:s23], $0x1400  }
0xa1: {  	[sflag:s23] =	ssyncset.done $0x0  }
0xa2: {  	s7 =	sadd.s32 $0x27B0, s3;
	[sflag:s23] =	ssyncadd.s32 $0xFFFFEC00  }
0xa3: {  	[spmem:s2] =	stream.indirect.scatter.add.f32 [tilespmem:s17], [sflag:$0x9], $0x40, s7, s14, $0xb8;
	[tilespmem:$0x16620] =	vst v63  }
0xa4: {  	_ =	swait.ge [sflag:s24], $0x1400  }
0xa5: {  	[sflag:s24] =	ssyncset.done $0x0  }
0xa6: {  	s8 =	sadd.s32 $0x2800, s3;
	[sflag:s24] =	ssyncadd.s32 $0xFFFFEC00  }
0xa7: {  	[spmem:s2] =	stream.indirect.scatter.add.f32 [tilespmem:s18], [sflag:$0xA], $0x40, s8, s14, $0xb8;
	[tilespmem:$0x16620] =	vst v63  }
0xa8: {  	_ =	swait.ge [sflag:s25], $0x1400  }
0xa9: {  	[sflag:s25] =	ssyncset.done $0x0  }
0xaa: {  	s7 =	sadd.s32 $0x2850, s3;
	[sflag:s25] =	ssyncadd.s32 $0xFFFFEC00  }
0xab: {  	[spmem:s2] =	stream.indirect.scatter.add.f32 [tilespmem:s19], [sflag:$0xB], $0x40, s7, s14, $0xb8;
	[tilespmem:$0x16620] =	vst v63  }
0xac: {  	_ =	swait.ge [sflag:s26], $0x1400  }
0xad: {  	[sflag:s26] =	ssyncset.done $0x0  }
0xae: {  	s3 =	sadd.s32 $0x28A0, s3;
	[sflag:s26] =	ssyncadd.s32 $0xFFFFEC00  }
0xaf: {  	[spmem:s2] =	stream.indirect.scatter.add.f32 [tilespmem:s20], [sflag:$0xC], $0x40, s3, s14, $0xb8;
	[tilespmem:$0x16620] =	vst v63  }
0xb0: {  	_ =	swait.ge [sflag:s28], $0x1400  }
0xb1: {  	[sflag:s28] =	ssyncset.done $0x0  }
0xb2: {  	[sflag:s28] =	ssyncadd.s32 $0xFFFFEC00  }
0xb3: {  	_ =	swait.ge [sflag:s29], $0x1400  }
0xb4: {  	[sflag:s29] =	ssyncset.done $0x0  }
0xb5: {  	[sflag:s29] =	ssyncadd.s32 $0xFFFFEC00  }
0xb6: {  	_ =	swait.ge [sflag:s30], $0x1400  }
0xb7: {  	[sflag:s30] =	ssyncset.done $0x0  }
0xb8: {  	[sflag:s30] =	ssyncadd.s32 $0xFFFFEC00  }
0xb9: {  	_ =	swait.ge [sflag:s31], $0x1400  }
0xba: {  	[sflag:s31] =	ssyncset.done $0x0  }
0xbb: {  	[sflag:s31] =	ssyncadd.s32 $0xFFFFEC00  }
0xbc: {  	_ =	swait.ge [sflag:s1], $0x1400  }
0xbd: {  	[sflag:s1] =	ssyncset.done $0x0  }
0xbe: {  	[sflag:s1] =	ssyncadd.s32 $0xFFFFEC00  }
0xbf: {  	_ =	swait.ge [sflag:s0], $0x1400  }
0xc0: {  	[sflag:s0] =	ssyncset.done $0x0  }
0xc1: {  	s8 =	simm.s32 $0x2580;
	[sflag:s0] =	ssyncadd.s32 $0xFFFFEC00  }
0xc2: {  	[tilespmem:s15], [sflag:$0x1] =	stream.indirect.gather [hbm4b:s4+s14], $0x40, s8, s14, $0xb8;
	[tilespmem:$0x16620] =	vst v63  }
0xc3: {  	s5 =	simm.s32 $0x25D0  }
0xc4: {  	[tilespmem:s16], [sflag:$0x2] =	stream.indirect.gather [hbm4b:s4+s14], $0x40, s5, s14, $0xb8;
	[tilespmem:$0x16620] =	vst v63  }
0xc5: {  	s7 =	simm.s32 $0x2620  }
0xc6: {  	[tilespmem:s17], [sflag:$0x3] =	stream.indirect.gather [hbm4b:s4+s14], $0x40, s7, s14, $0xb8;
	[tilespmem:$0x16620] =	vst v63  }
0xc7: {  	s8 =	simm.s32 $0x2670  }
0xc8: {  	[tilespmem:s18], [sflag:$0x4] =	stream.indirect.gather [hbm4b:s4+s14], $0x40, s8, s14, $0xb8;
	[tilespmem:$0x16620] =	vst v63  }
0xc9: {  	s5 =	simm.s32 $0x26C0  }
0xca: {  	[tilespmem:s19], [sflag:$0x5] =	stream.indirect.gather [hbm4b:s4+s14], $0x40, s5, s14, $0xb8;
	[tilespmem:$0x16620] =	vst v63  }
0xcb: {  	_ =	swait.ge [sflag:s21], $0x1400  }
0xcc: {  	[sflag:s21] =	ssyncset.done $0x0  }
0xcd: {  	s7 =	simm.s32 $0x4C90;
	[sflag:s21] =	ssyncadd.s32 $0xFFFFEC00  }
0xce: {  	[spmem:s2] =	stream.indirect.scatter.add.f32 [tilespmem:s15], [sflag:$0x7], $0x40, s7, s14, $0xb8;
	[tilespmem:$0x16620] =	vst v63  }
0xcf: {  	_ =	swait.ge [sflag:s22], $0x1400  }
0xd0: {  	[sflag:s22] =	ssyncset.done $0x0  }
0xd1: {  	s8 =	simm.s32 $0x4CE0;
	[sflag:s22] =	ssyncadd.s32 $0xFFFFEC00  }
0xd2: {  	[spmem:s2] =	stream.indirect.scatter.add.f32 [tilespmem:s16], [sflag:$0x8], $0x40, s8, s14, $0xb8;
	[tilespmem:$0x16620] =	vst v63  }
0xd3: {  	_ =	swait.ge [sflag:s23], $0x1400  }
0xd4: {  	[sflag:s23] =	ssyncset.done $0x0  }
0xd5: {  	s5 =	simm.s32 $0x4D30;
	[sflag:s23] =	ssyncadd.s32 $0xFFFFEC00  }
0xd6: {  	[spmem:s2] =	stream.indirect.scatter.add.f32 [tilespmem:s17], [sflag:$0x9], $0x40, s5, s14, $0xb8;
	[tilespmem:$0x16620] =	vst v63  }
0xd7: {  	_ =	swait.ge [sflag:s24], $0x1400  }
0xd8: {  	[sflag:s24] =	ssyncset.done $0x0  }
0xd9: {  	s7 =	simm.s32 $0x4D80;
	[sflag:s24] =	ssyncadd.s32 $0xFFFFEC00  }
0xda: {  	[spmem:s2] =	stream.indirect.scatter.add.f32 [tilespmem:s18], [sflag:$0xA], $0x40, s7, s14, $0xb8;
	[tilespmem:$0x16620] =	vst v63  }
0xdb: {  	_ =	swait.ge [sflag:s25], $0x1400  }
0xdc: {  	[sflag:s25] =	ssyncset.done $0x0  }
0xdd: {  	s8 =	simm.s32 $0x4DD0;
	[sflag:s25] =	ssyncadd.s32 $0xFFFFEC00  }
0xde: {  	[spmem:s2] =	stream.indirect.scatter.add.f32 [tilespmem:s19], [sflag:$0xB], $0x40, s8, s14, $0xb8;
	[tilespmem:$0x16620] =	vst v63  }
0xdf: {  	_ =	swait.ge [sflag:s28], $0x1400  }
0xe0: {  	[sflag:s28] =	ssyncset.done $0x0  }
0xe1: {  	[sflag:s28] =	ssyncadd.s32 $0xFFFFEC00  }
0xe2: {  	_ =	swait.ge [sflag:s29], $0x1400  }
0xe3: {  	[sflag:s29] =	ssyncset.done $0x0  }
0xe4: {  	[sflag:s29] =	ssyncadd.s32 $0xFFFFEC00  }
0xe5: {  	_ =	swait.ge [sflag:s30], $0x1400  }
0xe6: {  	[sflag:s30] =	ssyncset.done $0x0  }
0xe7: {  	[sflag:s30] =	ssyncadd.s32 $0xFFFFEC00  }
0xe8: {  	_ =	swait.ge [sflag:s31], $0x1400  }
0xe9: {  	[sflag:s31] =	ssyncset.done $0x0  }
0xea: {  	[sflag:s31] =	ssyncadd.s32 $0xFFFFEC00  }
0xeb: {  	_ =	swait.ge [sflag:s1], $0x1400  }
0xec: {  	s13 =	sadd.s32 $0x1, s13;
	[sflag:s1] =	ssyncset.done $0x0  }
0xed: {  	p0 =	sne.s32 s13, s10;
	[sflag:s1] =	ssyncadd.s32 $0xFFFFEC00  }
.Ltmp1:
0xee: {  	[bflag:$0x0] =	sbarrier.arrive $0xFFFF;
	(pc) =	sbr.rel @p0 .LBB2_1-.Ltmp1, $4  }
0xef: {  	[hbm:s9], [sflag:s6] =	dma.local [spmem:s11], $0x1400  }
0xf0: {  	_ =	swait.ge [sflag:s12], $0x1400  }
0xf1: {  	[sflag:s12] =	ssyncset.done $0x0  }
0xf2: {  	[sflag:s12] =	ssyncadd.s32 $0xFFFFEC00  }
0xf3: {  	_ =	sfence.sel $0x180000  }
0xf4: {  	[bflag:$0x0] =	sbarrier.arrive $0xFFFF  }
0xf5: {  	_ =	strace $0x9000004A  }
0xf6: {  	s0 =	stileid.u32;
	[bflag:$0x2] =	sbarrier.arrive $0xFFFF  }
0xf7: {  	p0 =	sne.s32 s0, $0x0;
	s0 =	rddreg [dreg:$0x3]  }
0xf8: {  	s0 =	sadd.s32 @!p0 $0x100000, s0  }
0xf9: {  	[sflag:s0] =	ssyncadd.tile.s32 @!p0 $0x1;
	_ =	shalt  }
.Lfunc_end2:
_tile_overlayer_lowered:
.L_overlay_start_2:
0xfa: {  	(tag) =	ssettag $0x2  }
0xfb: {  	s0 =	rddreg [dreg:$0x0];
	s2 =	stileid.u32  }
0xfc: {  	s1 =	rddreg [dreg:$0x1];
	p0 =	sne.s32 s2, $0x0  }
0xfd: {  	s3 =	rddreg [dreg:$0x2];
	[bflag:$0x3] =	sbarrier.arrive $0xFFFF;
	s2 =	simm.s32 @!p0 $0x1C0D  }
0xfe: {  	[timem:s3], [sflag:s2] =	dma.local @!p0 [hbm:s0], s1  }
0xff: {  	s0 =	simm.s32 @!p0 $0xD  }
0x100: {  	_ =	swait.ge @!p0 [sflag:s0], s1  }
0x101: {  	s1 =	ssub.s32 @!p0 $0x0, s1;
	[sflag:s0] =	ssyncset.done @!p0 $0x0  }
0x102: {  	[sflag:s0] =	ssyncadd.s32 @!p0 s1  }
0x103: {  	[bflag:$0x3] =	sbarrier.arrive $0xFFFF  }
0x104: {  	_ =	shalt  }

// kernel: kernel.14.cloned.1.call-start
scs
__scs_entry_jumppad:
0x0: {  	(pc) =	sbr.rel $0x88, $3  }
0x1: {  	(tag) =	ssettag $0x0;
	lr =	simm.s32 $0x1  }
0x2: {  	[smem:$0x3F80] =	sst lr;
	_ =	strace $0xD0000000  }
0x3: {  	_ = 	snop  }
0x4: {  	_ = 	snop  }
0x5: {  	_ = 	snop  }
0x6: {  	_ = 	snop  }
0x7: {  	_ = 	snop  }
__scs_overlays_trampoline_lowered:
0x8: {  	[smem:$0x3F8F] =	sst s0  }
0x9: {  	[smem:$0x3F90] =	sst s1  }
0xa: {  	[smem:$0x3F91] =	sst s2  }
0xb: {  	[smem:$0x3F92] =	sst s3  }
0xc: {  	[smem:$0x3F93] =	sst s4  }
0xd: {  	[smem:$0x3F94] =	sst s5  }
0xe: {  	[smem:$0x3F95] =	sst s6  }
0xf: {  	[smem:$0x3F96] =	sst s7  }
0x10: {  	[smem:$0x3F97] =	sst s8  }
0x11: {  	[smem:$0x3F98] =	sst s9;
	s0 =	simm.s32 @!p0 $0x0  }
0x12: {  	s1 =	sld [smem:$0x3F7E];
	s0 =	simm.s32 @p0 $0x1  }
0x13: {  	[smem:$0x3F99] =	sst s0;
	s0 =	simm.s32 @!p1 $0x0  }
0x14: {  	s2 =	sld [smem:$0x3F7D];
	s0 =	simm.s32 @p1 $0x1  }
0x15: {  	[smem:$0x3F9A] =	sst s0;
	s0 =	simm.s32 @!p2 $0x0  }
0x16: {  	s3 =	sld [smem:$0x3FDB];
	s0 =	simm.s32 @p2 $0x1  }
0x17: {  	s4 =	simm.s32 $0x1BF5;
	[smem:$0x3F9C] =	sst s0  }
0x18: {  	s0 =	sld [smem:$0x3F7F];
	_ =	swait.ge [sflag:s4], $0x0  }
0x19: {  	s7 =	sld [smem:$0x3F80]  }
0x1a: {  	s8 =	sadd.s32 $0xFFFFE003, lr  }
0x1b: {  	s9 =	sadd.s32 $0xFFFFFEF7, lr;
	s5 =	simm.s32 $0xFFFFFFFF;
	p2 =	slt.u32 s8, $0xFFFFF086  }
0x1c: {  	p1 =	slt.u32 s9, $0xF7A;
	s5 =	simm.s32 @!p2 $0x0  }
0x1d: {  	s5 =	simm.s32 @p1 $0x1;
	p0 =	seq.s32 s7, s2  }
0x1e: {  	s7 =	smul.u32 @!p0 $0xF7A, s2;
	p2 =	seq.s32 @!p0 s5, $0x0  }
0x1f: {  	s9 =	smul.u32 $0xF7A, s1;
	s8 =	simm.s32 @!p0 $0x1BF5;
	p2 =	por !p2, p0  }
0x20: {  	[sflag:s8] =	ssyncset.s32 @!p0 $0xFFFFF086;
	s6 =	sadd.s32 @!p0 s3, s7;
	s7 =	simm.s32 @!p0 $0x108  }
0x21: {  	s3 =	sadd.s32 s3, s9;
	s6 =	sadd.s32 @!p0 $0x88, s6;
	s7 =	simm.s32 @p2 $0x1082  }
0x22: {  	[simem:s7], [sflag:s8] =	dma.local @!p0 [hbm:s6], $0xF7A  }
0x23: {  	s9 =	sor.u32 $0xD0000000, s2;
	s6 =	simm.s32 $0x108;
	_ =	swait.ge @!p0 [sflag:s8], $0x0  }
0x24: {  	s3 =	sadd.s32 $0x88, s3;
	s6 =	simm.s32 @!p1 $0x1082;
	[sflag:s4] =	ssyncset.s32 $0xFFFFF086  }
0x25: {  	[simem:s6], [sflag:s4] =	dma.local [hbm:s3], $0xF7A  }
0x26: {  	[smem:$0x3F80] =	sst s1;
	(tag) =	ssettag s2;
	_ =	strace s9  }
0x27: {  	s1 =	sld [smem:$0x3F90]  }
0x28: {  	s2 =	sld [smem:$0x3F91]  }
0x29: {  	s4 =	sld [smem:$0x3F93]  }
0x2a: {  	p0 =	seq.s32 s5, $0x0;
	s5 =	sld [smem:$0x3F94]  }
0x2b: {  	s6 =	sld [smem:$0x3F95]  }
0x2c: {  	s7 =	sld [smem:$0x3F96]  }
0x2d: {  	s3 =	simm.s32 $0x108;
	s8 =	sld [smem:$0x3F97]  }
0x2e: {  	s3 =	simm.s32 @!p0 $0x1082;
	s9 =	sld [smem:$0x3F98]  }
0x2f: {  	lr =	sadd.s32 s0, s3;
	s0 =	sld [smem:$0x3F8F]  }
0x30: {  	s3 =	sld [smem:$0x3F92]  }
0x31: {  	[smem:$0x3F9B] =	sst s10  }
0x32: {  	s10 =	sld [smem:$0x3F99];
	_ =	sdelay $0x3  }
0x33: {  	p0 =	seq.s32 s10, $0x1;
	s10 =	sld [smem:$0x3F9B];
	_ =	sdelay $0x3  }
0x34: {  	[smem:$0x3F9B] =	sst s10  }
0x35: {  	s10 =	sld [smem:$0x3F9A];
	_ =	sdelay $0x3  }
0x36: {  	p1 =	seq.s32 s10, $0x1;
	s10 =	sld [smem:$0x3F9B];
	_ =	sdelay $0x3  }
0x37: {  	[smem:$0x3F9B] =	sst s10  }
0x38: {  	s10 =	sld [smem:$0x3F9C]  }
0x39: {  	_ = 	snop;
	(pc) =	sbr.ind lr, $3  }
0x3a: {  	_ = 	snop  }
0x3b: {  	_ = 	snop  }
0x3c: {  	p2 =	seq.s32 s10, $0x1;
	s10 =	sld [smem:$0x3F9B]  }
0x3d: {  	_ =	shalt  }
0x3e: {  	_ =	shalt  }
0x3f: {  	_ =	shalt  }
0x40: {  	_ =	shalt  }
0x41: {  	_ =	shalt  }
0x42: {  	_ =	shalt  }
0x43: {  	_ =	shalt  }
0x44: {  	_ =	shalt  }
0x45: {  	_ =	shalt  }
0x46: {  	_ =	shalt  }
0x47: {  	_ =	shalt  }
0x48: {  	_ =	shalt  }
0x49: {  	_ =	shalt  }
0x4a: {  	_ =	shalt  }
0x4b: {  	_ =	shalt  }
0x4c: {  	_ =	shalt  }
0x4d: {  	_ =	shalt  }
0x4e: {  	_ =	shalt  }
0x4f: {  	_ =	shalt  }
0x50: {  	_ =	shalt  }
0x51: {  	_ =	shalt  }
0x52: {  	_ =	shalt  }
0x53: {  	_ =	shalt  }
0x54: {  	_ =	shalt  }
0x55: {  	_ =	shalt  }
0x56: {  	_ =	shalt  }
0x57: {  	_ =	shalt  }
0x58: {  	_ =	shalt  }
0x59: {  	_ =	shalt  }
0x5a: {  	_ =	shalt  }
0x5b: {  	_ =	shalt  }
0x5c: {  	_ =	shalt  }
0x5d: {  	_ =	shalt  }
0x5e: {  	_ =	shalt  }
0x5f: {  	_ =	shalt  }
0x60: {  	_ =	shalt  }
0x61: {  	_ =	shalt  }
0x62: {  	_ =	shalt  }
0x63: {  	_ =	shalt  }
0x64: {  	_ =	shalt  }
0x65: {  	_ =	shalt  }
0x66: {  	_ =	shalt  }
0x67: {  	_ =	shalt  }
0x68: {  	_ =	shalt  }
0x69: {  	_ =	shalt  }
0x6a: {  	_ =	shalt  }
0x6b: {  	_ =	shalt  }
0x6c: {  	_ =	shalt  }
0x6d: {  	_ =	shalt  }
0x6e: {  	_ =	shalt  }
0x6f: {  	_ =	shalt  }
0x70: {  	_ =	shalt  }
0x71: {  	_ =	shalt  }
0x72: {  	_ =	shalt  }
0x73: {  	_ =	shalt  }
0x74: {  	_ =	shalt  }
0x75: {  	_ =	shalt  }
0x76: {  	_ =	shalt  }
0x77: {  	_ =	shalt  }
0x78: {  	_ =	shalt  }
0x79: {  	_ =	shalt  }
0x7a: {  	_ =	shalt  }
0x7b: {  	_ =	shalt  }
0x7c: {  	_ =	shalt  }
0x7d: {  	_ =	shalt  }
0x7e: {  	_ =	shalt  }
0x7f: {  	_ =	shalt  }
0x80: {  	_ =	shalt  }
0x81: {  	_ =	shalt  }
0x82: {  	_ =	shalt  }
0x83: {  	_ =	shalt  }
0x84: {  	_ =	shalt  }
0x85: {  	_ =	shalt  }
0x86: {  	_ =	shalt  }
0x87: {  	_ =	shalt  }
.Lfunc_end0:
.L_simem_size_0:
called_computation.2_lowered:
.L_overlay_start_0:
0x88: {  	s2 =	sld [smem:$0x3FD9]  }
0x89: {  	s3 =	sld [smem:$0x3FFE];
	_ =	sdelay $0x1  }
0x8a: {  	s1 =	srdreg.scid  }
0x8b: {  	s0 =	sand.u32 $0x1, s1  }
0x8c: {  	s17 =	sshll.u32 s0, $0xA;
	s2 =	sadd.s32 s3, s2  }
0x8d: {  	s2 =	sadd.s32 s2, s17  }
0x8e: {  	[smem:$0x3FA7] =	sst s2  }
0x8f: {  	_ = 	snop  }
0x90: {  	s2 =	sld [smem:$0x3FD0];
	(tm) =	ssettm $0x1  }
0x91: {  	s18 =	sld [smem:$0x3FFB];
	_ =	sdelay $0x3  }
0x92: {  	_ =	strace s18  }
0x93: {  	s3 =	sld [smem:$0x3FFC];
	_ =	sdelay $0x3  }
0x94: {  	_ =	strace s3  }
0x95: {  	s3 =	sld [smem:$0x3FFD];
	_ =	sdelay $0x3  }
0x96: {  	_ =	strace s3  }
0x97: {  	_ =	strace $0x8FFFFFFF  }
0x98: {  	s19 =	sld [smem:$0x3FDB];
	_ =	sdelay $0x1  }
0x99: {  	s4 =	simm.s32 $_scs_section_size  }
0x9a: {  	s5 =	simm.s32 $_size__tile_overlayer_lowered;
	s6 =	simm.s32 $_tile_overlayer_lowered  }
0x9b: {  	s22 =	simm.s32 $0x1BFF;
	s21 =	sshll.u32 s6, $0x1;
	s3 =	sadd.s32 s4, s19  }
0x9c: {  	s7 =	simm.s32 $0x0;
	s20 =	sshll.u32 s5, $0x1;
	s5 =	sadd.s32 s21, s3  }
0x9d: {  	[timem:s7], [sflag:s22] =	dma.local [hbm:s5], s20  }
0x9e: {  	_ =	swait.ge [sflag:s22], s20  }
0x9f: {  	s4 =	ssub.s32 $0x0, s20;
	[sflag:s22] =	ssyncset.done $0x0  }
0xa0: {  	[sflag:s22] =	ssyncadd.s32 s4;
	_ =	sdelay $0x1  }
0xa1: {  	s23 =	simm.s32 $0x1B8B  }
0xa2: {  	_ =	swait.ge [sflag:s23], $0x1  }
0xa3: {  	[sflag:s23] =	ssyncset.done $0x0  }
0xa4: {  	s25 =	simm.s32 $0x1B8E;
	s24 =	sld [smem:$0x3FFE];
	[sflag:s23] =	ssyncadd.s32 $0xFFFFFFFF  }
0xa5: {  	s26 =	simm.s32 $execute0_lowered;
	[smem:$0x3FD2] =	sst s25  }
0xa6: {  	s5 =	sshll.u32 s26, $0x1;
	_ =	strace $0x8000004C;
	[dreg:$0x1] =	wrdreg $0xFFFFFFFF  }
0xa7: {  	s28 =	simm.s32 $_size_execute0_lowered;
	s3 =	sadd.s32 s3, s5;
	[dreg:$0x0] =	wrdreg $0x0  }
0xa8: {  	s5 =	sshll.u32 s28, $0x1;
	[dreg:$0x2] =	wrdreg s3  }
0xa9: {  	[dreg:$0x3] =	wrdreg s5  }
0xaa: {  	[dreg:$0x4] =	wrdreg $0xC0  }
0xab: {  	_ =	task [dreg:s7], $0x5FFFF  }
0xac: {  	[dreg:$0x1] =	wrdreg $0xFFFFFFFF  }
0xad: {  	[dreg:$0x0] =	wrdreg $0x60  }
0xae: {  	[dreg:$0x2] =	wrdreg s24  }
0xaf: {  	[dreg:$0x3] =	wrdreg s2  }
0xb0: {  	[dreg:$0x4] =	wrdreg $0x9  }
0xb1: {  	_ =	task.clear_ibuf [dreg:s7], $0x5FFFF;
	_ =	strace $0x9000004C  }
0xb2: {  	s29 =	simm.s32 $0x9;
	_ =	strace $0x8000004E  }
0xb3: {  	_ =	swait.ge [sflag:s29], $0x1  }
0xb4: {  	[sflag:s29] =	ssyncadd.s32 $0xFFFFFFFF  }
0xb5: {  	_ =	strace $0x9000004E  }
0xb6: {  	_ =	sfence  }
0xb7: {  	s30 =	sld [smem:$0x0];
	_ =	sdelay $0x2  }
0xb8: {  	s31 =	sshll.u32 s1, $0xD;
	s1 =	sshrl.u32 s1, $0x2  }
0xb9: {  	s3 =	sand.u32 $0x4000, s31;
	s1 =	sadd.s32 s1, s30  }
0xba: {  	s0 =	sor.u32 s3, s0;
	s1 =	sshll.u32 s1, $0x11  }
0xbb: {  	s0 =	sor.u32 s1, s0  }
0xbc: {  	s0 =	sadd.s32 $0x8F2B, s0  }
0xbd: {  	[sflag:s0] =	ssyncadd.remote.s32 $0x1  }
0xbe: {  	_ =	sfence.sel $0xFFFF  }
0xbf: {  	[dreg:$0x0] =	wrdreg $0xFFFFFFFF;
	(pc) =	sbr.abs _section_cstart, $3  }
0xc0: {  	[dreg:$0x1] =	wrdreg $0xFFFFFFFF  }
0xc1: {  	_ =	task.clear_ibuf [dreg:s7], $0x2FFFF;
	_ =	strace $0x9FFFFFFF  }
0xc2: {  	(tm) =	ssettm $0x7FFFFFFF  }
0xc3: {  	_ =	shalt  }
tec
execute0_lowered:
.L_overlay_start_1:
0x0: {  	(tag) =	ssettag $0x1  }
0x1: {  	s1 =	rddreg [dreg:$0x0]  }
0x2: {  	s0 =	srdreg.scid;
	s6 =	rddreg [dreg:$0x1]  }
0x3: {  	s4 =	stileid.u32;
	s2 =	simm.s32 $0x0;
	s17 =	simm.s32 $0xD  }
0x4: {  	s14 =	simm.s32 $0x50;
	s15 =	simm.s32 $0x4E20;
	s16 =	simm.s32 $0x9E20  }
0x5: {  	s23 =	simm.s32 $0x1;
	s24 =	simm.s32 $0x5;
	s28 =	simm.s32 $0x6  }
0x6: {  	s30 =	simm.s32 $0x3;
	s31 =	simm.s32 $0x7;
	s13 =	simm.s32 $0x8  }
0x7: {  	s18 =	simm.s32 $0x0;
	s0 =	sand.u32 $0x1, s0;
	[smem:$0x7FF] =	sst s2  }
0x8: {  	s5 =	sadd.s32 $0x36A00, s1;
	s3 =	sshll.u32 s0, $0x4;
	_ =	strace $0x8000004D  }
0x9: {  	s0 =	ssub.s32 $0x2, s0;
	s7 =	sor.u32 s4, s3;
	s3 =	sadd.s32 $0xF400, s1  }
0xa: {  	s4 =	sadd.s32 $0x22E00, s1;
	s25 =	sshrl.u32 s0, $0x1;
	s8 =	smul.u32 $0x4E2, s7  }
0xb: {  	s10 =	smul.u32 $0x9C400, s7;
	s11 =	sshll.u32 s7, $0x4;
	s0 =	ssub.s32 s0, s25  }
0xc: {  	s25 =	simm.s32 $0xEE20;
	s0 =	smax.u32 s0, $0x1;
	s9 =	sadd.s32 s8, s1  }
0xd: {  	s1 =	sadd.s32 s11, s1;
	s10 =	sshrl.u32 s10, $0x3;
	s6 =	sadd.s32 s6, s8  }
0xe: {  	s8 =	smul.u32 $0x7D, s7;
	[dreg:$0x7] =	wrdreg s0;
	s0 =	simm.s32 $0x11620  }
0xf: {  	s7 =	simm.s32 $0x9;
	s11 =	simm.s32 $0xC;
	s9 =	sadd.s32 $0x5600, s9  }
0x10: {  	s26 =	sadd.s32 s5, s10;
	[dreg:$0x4] =	wrdreg s6;
	s1 =	sadd.s32 $0x36800, s1  }
0x11: {  	s6 =	simm.s32 $0x12A20;
	s10 =	simm.s32 $0xB;
	[dreg:$0x3] =	wrdreg s9  }
0x12: {  	s29 =	sadd.s32 $0x13600, s26;
	[dreg:$0x6] =	wrdreg s1;
	s26 =	simm.s32 $0x2  }
0x13: {  	s1 =	simm.s32 $0x4;
	s9 =	simm.s32 $0xA;
	[dreg:$0x5] =	wrdreg s29  }
.LBB2_1:
0x14: {  	[dreg:$0x8] =	wrdreg s18  }
0x15: {  	s12 =	rddreg [dreg:$0x3]  }
0x16: {  	[tilespmem:s2], [sflag:$0xD] =	stream.linear.gather [hbm4b:s12+s2], $0x2710, $0x38;
	[tilespmem:$0x13EA0] =	vst v63  }
0x17: {  	_ =	swait.ge [sflag:s17], $0x2710  }
0x18: {  	[sflag:s17] =	ssyncset.done $0x0  }
0x19: {  	s29 =	simm.s32 $0x2710;
	s22 =	rddreg [dreg:$0x4];
	[sflag:s17] =	ssyncadd.s32 $0xFFFFD8F0  }
0x1a: {  	[tilespmem:s29], [sflag:$0xD] =	stream.linear.gather [hbm4b:s22+s2], $0x2710, $0x38;
	[tilespmem:$0x13EA0] =	vst v63  }
0x1b: {  	v7 =	vimm.f32 $0.0e+00;
	v3 =	vimm.f32 $0.0e+00;
	_ =	swait.ge [sflag:s17], $0x2710  }
0x1c: {  	v0 =	vimm.f32 $0.0e+00;
	v1 =	vimm.f32 $0.0e+00;
	v2 =	vimm.f32 $0.0e+00;
	[sflag:s17] =	ssyncset.done $0x0  }
0x1d: {  	v6 =	vimm.f32 $0.0e+00;
	v4 =	vimm.f32 $0.0e+00;
	v5 =	vimm.f32 $0.0e+00;
	s12 =	simm.s32 $0x0;
	[sflag:s17] =	ssyncadd.s32 $0xFFFFD8F0  }
.LBB2_2:
0x1e: {  	s17 =	smul.u32 $0x140, s12;
	s20 =	sshll.u32 s12, $0x2  }
0x1f: {  	s19 =	sor.u32 $0x1, s20  }
0x20: {  	[tilespmem:s15], [sflag:$0x1] =	stream.indirect.gather [hbm4b:s3+s14], $0x40, s17, s14, $0xb8;
	[tilespmem:$0x13EA0] =	vst v63  }
0x21: {  	s17 =	sadd.s32 $0x2710, s17;
	s21 =	smul.u32 $0x50, s19  }
0x22: {  	[tilespmem:s16], [sflag:$0x5] =	stream.indirect.gather [hbm4b:s4+s14], $0x40, s17, s14, $0xb8;
	[tilespmem:$0x13EA0] =	vst v63  }
0x23: {  	s18 =	simm.s32 $0x6220  }
0x24: {  	[tilespmem:s18], [sflag:$0x2] =	stream.indirect.gather [hbm4b:s3+s14], $0x40, s21, s14, $0xb8;
	[tilespmem:$0x13EA0] =	vst v63  }
0x25: {  	s18 =	sor.u32 $0x2, s20  }
0x26: {  	s22 =	simm.s32 $0xB220;
	s17 =	sadd.s32 $0x2710, s21;
	s29 =	smul.u32 $0x50, s18  }
0x27: {  	[tilespmem:s22], [sflag:$0x6] =	stream.indirect.gather [hbm4b:s4+s14], $0x40, s17, s14, $0xb8;
	[tilespmem:$0x13EA0] =	vst v63  }
0x28: {  	s21 =	simm.s32 $0x7620  }
0x29: {  	[tilespmem:s21], [sflag:$0x3] =	stream.indirect.gather [hbm4b:s3+s14], $0x40, s29, s14, $0xb8;
	[tilespmem:$0x13EA0] =	vst v63  }
0x2a: {  	s22 =	simm.s32 $0xC620;
	s17 =	sadd.s32 $0x2710, s29  }
0x2b: {  	[tilespmem:s22], [sflag:$0x7] =	stream.indirect.gather [hbm4b:s4+s14], $0x40, s17, s14, $0xb8;
	[tilespmem:$0x13EA0] =	vst v63  }
0x2c: {  	s17 =	sshllo.u32 s12, $0x2  }
0x2d: {  	s29 =	smul.u32 $0x50, s17  }
0x2e: {  	s22 =	simm.s32 $0x8A20  }
0x2f: {  	[tilespmem:s22], [sflag:$0x4] =	stream.indirect.gather [hbm4b:s3+s14], $0x40, s29, s14, $0xb8;
	[tilespmem:$0x13EA0] =	vst v63  }
0x30: {  	s21 =	sadd.s32 $0x2710, s29;
	s29 =	simm.s32 $0xDA20  }
0x31: {  	[tilespmem:s29], [sflag:$0x8] =	stream.indirect.gather [hbm4b:s4+s14], $0x40, s21, s14, $0xb8;
	[tilespmem:$0x13EA0] =	vst v63  }
0x32: {  	_ =	swait.ge [sflag:s23], $0x1400  }
0x33: {  	[sflag:s23] =	ssyncset.done $0x0  }
0x34: {  	[sflag:s23] =	ssyncadd.s32 $0xFFFFEC00  }
0x35: {  	_ =	swait.ge [sflag:s24], $0x1400  }
0x36: {  	[sflag:s24] =	ssyncset.done $0x0  }
0x37: {  	s21 =	simm.s32 $0x0;
	[sflag:s24] =	ssyncadd.s32 $0xFFFFEC00  }
0x38: {  	v10 =	vld [tilespmem:s21+$0x9E80]  }
0x39: {  	v9 =	vld [tilespmem:s21+$0x9E60]  }
0x3a: {  	v8 =	vld [tilespmem:s21+$0x9E90]  }
0x3b: {  	v12 =	vld [tilespmem:s21+$0x4E60]  }
0x3c: {  	v13 =	vld [tilespmem:s21+$0x9E70]  }
0x3d: {  	v14 =	vld [tilespmem:s21+$0x4E70]  }
0x3e: {  	v21 =	vld [tilespmem:s21+$0x4E90]  }
0x3f: {  	v11 =	vld [tilespmem:s21+$0x9E50]  }
0x40: {  	v19 =	vld [tilespmem:s21+$0x4E50]  }
0x41: {  	v17 =	vld [tilespmem:s21+$0x4E40]  }
0x42: {  	v15 =	vld [tilespmem:s21+$0x4E30]  }
0x43: {  	v16 =	vld [tilespmem:s21+$0x9E20]  }
0x44: {  	v20 =	vld [tilespmem:s21+$0x9E40]  }
0x45: {  	v18 =	vld [tilespmem:s21+$0x4E20]  }
0x46: {  	s22 =	simm.s32 $0x200;
	v11 =	vadd.f32 v11, v19;
	v19 =	vld [tilespmem:s21+$0x4E80];
	v8 =	vadd.f32 v8, v21  }
.LBB2_3:
0x47: {  	s29 =	sshra.s32 s22, $0x2;
	p0 =	sne.s32 s22, $0x4E00;
	s22 =	sadd.s32 $0x200, s22;
	v21 =	vld [tilespmem:s21+$0x9E30];
	v22 =	vadd.f32 v13, v14  }
0x48: {  	v24 =	vadd.f32 v9, v12;
	v23 =	vld [tilespmem:s29+$0x9E80];
	[tilespmem:s21+$0xEE90] =	vst v8  }
0x49: {  	v9 =	vld [tilespmem:s29+$0x9E60];
	v14 =	vadd.f32 v20, v17;
	[tilespmem:s21+$0xEE70] =	vst v22;
	v20 =	vmul.f32 v22, v22  }
0x4a: {  	v17 =	vmul.f32 v11, v11;
	v25 =	vld [tilespmem:s29+$0x9E90];
	v16 =	vadd.f32 v16, v18;
	[tilespmem:s21+$0xEE60] =	vst v24  }
0x4b: {  	v12 =	vld [tilespmem:s29+$0x4E60];
	v6 =	vadd.f32 v14, v6;
	v18 =	vmul.f32 v14, v14;
	[tilespmem:s21+$0xEE50] =	vst v11;
	v26 =	vadd.f32 v10, v19  }
0x4c: {  	v7 =	vadd.f32 v17, v7;
	v19 =	vmul.f32 v24, v24;
	v13 =	vld [tilespmem:s29+$0x9E70];
	v15 =	vadd.f32 v21, v15;
	[tilespmem:s21+$0xEE40] =	vst v14  }
0x4d: {  	v5 =	vadd.f32 v16, v5;
	v14 =	vld [tilespmem:s29+$0x4E70];
	v3 =	vadd.f32 v18, v3;
	[tilespmem:s21+$0xEE80] =	vst v26;
	v17 =	vmul.f32 v26, v26  }
0x4e: {  	v6 =	vadd.f32 v26, v6;
	v10 =	vmov v23;
	v21 =	vld [tilespmem:s29+$0x4E90];
	[tilespmem:s21+$0xEE30] =	vst v15;
	v18 =	vmul.f32 v15, v15  }
0x4f: {  	v4 =	vadd.f32 v15, v4;
	v5 =	vadd.f32 v24, v5;
	v23 =	vld [tilespmem:s29+$0x9E50];
	[tilespmem:s21+$0xEE20] =	vst v16;
	v16 =	vmul.f32 v16, v16;
	s21 =	smov.u32 s29  }
0x50: {  	v2 =	vadd.f32 v11, v2;
	v11 =	vmul.f32 v8, v8;
	v3 =	vadd.f32 v17, v3;
	v24 =	vld [tilespmem:s21+$0x4E50]  }
0x51: {  	v0 =	vadd.f32 v18, v0;
	v4 =	vadd.f32 v22, v4;
	v17 =	vld [tilespmem:s21+$0x4E40]  }
.Ltmp0:
0x52: {  	v7 =	vadd.f32 v11, v7;
	v1 =	vadd.f32 v16, v1;
	v15 =	vld [tilespmem:s21+$0x4E30];
	(pc) =	sbr.rel @p0 .LBB2_3-.Ltmp0, $4  }
0x53: {  	v2 =	vadd.f32 v8, v2;
	v0 =	vadd.f32 v20, v0;
	v16 =	vld [tilespmem:s21+$0x9E20]  }
0x54: {  	v1 =	vadd.f32 v19, v1;
	v20 =	vld [tilespmem:s21+$0x9E40]  }
0x55: {  	v18 =	vld [tilespmem:s21+$0x4E20];
	v11 =	vadd.f32 v23, v24  }
0x56: {  	v8 =	vadd.f32 v25, v21;
	v19 =	vld [tilespmem:s21+$0x4E80]  }
0x57: {  	v21 =	vld [tilespmem:s21+$0x9E30];
	v14 =	vadd.f32 v13, v14;
	[tilespmem:s21+$0xEE50] =	vst v11  }
0x58: {  	v22 =	vadd.f32 v9, v12;
	[tilespmem:s21+$0xEE90] =	vst v8  }
0x59: {  	[tilespmem:s21+$0xEE70] =	vst v14;
	v17 =	vadd.f32 v20, v17  }
0x5a: {  	[tilespmem:s21+$0xEE60] =	vst v22;
	v16 =	vadd.f32 v16, v18  }
0x5b: {  	s20 =	sadd.s32 s8, s20;
	v19 =	vadd.f32 v10, v19;
	[tilespmem:s21+$0xEE40] =	vst v17  }
0x5c: {  	s20 =	smul.u32 $0x280, s20;
	v20 =	vadd.f32 v21, v15;
	[tilespmem:s21+$0xEE20] =	vst v16  }
0x5d: {  	[tilespmem:s21+$0xEE80] =	vst v19  }
0x5e: {  	s29 =	simm.s32 $0x0;
	s20 =	sadd.s32 s5, s20;
	[tilespmem:s21+$0xEE30] =	vst v20  }
0x5f: {  	[hbm4b:s20+s29] =	stream.linear.scatter [tilespmem:s25], [sflag:$0x9], $0x1400, $0x38;
	[tilespmem:$0x13EA0] =	vst v63  }
0x60: {  	_ =	swait.ge [sflag:s26], $0x1400  }
0x61: {  	[sflag:s26] =	ssyncset.done $0x0  }
0x62: {  	[sflag:s26] =	ssyncadd.s32 $0xFFFFEC00  }
0x63: {  	_ =	swait.ge [sflag:s28], $0x1400  }
0x64: {  	[sflag:s28] =	ssyncset.done $0x0  }
0x65: {  	s20 =	simm.s32 $0x0;
	[sflag:s28] =	ssyncadd.s32 $0xFFFFEC00  }
0x66: {  	v10 =	vld [tilespmem:s20+$0xB280]  }
0x67: {  	v9 =	vld [tilespmem:s20+$0xB260]  }
0x68: {  	v21 =	vld [tilespmem:s20+$0xB290]  }
0x69: {  	v12 =	vld [tilespmem:s20+$0x6260]  }
0x6a: {  	v18 =	vmul.f32 v11, v11;
	v13 =	vld [tilespmem:s20+$0xB270]  }
0x6b: {  	v6 =	vadd.f32 v17, v6;
	v17 =	vmul.f32 v17, v17;
	v15 =	vld [tilespmem:s20+$0x6270]  }
0x6c: {  	v26 =	vmul.f32 v8, v8;
	v18 =	vadd.f32 v18, v7;
	v24 =	vld [tilespmem:s20+$0x6290]  }
0x6d: {  	v3 =	vadd.f32 v17, v3;
	v7 =	vmul.f32 v19, v19;
	v6 =	vadd.f32 v19, v6;
	v19 =	vld [tilespmem:s20+$0xB250]  }
0x6e: {  	v11 =	vadd.f32 v11, v2;
	v4 =	vadd.f32 v20, v4;
	v17 =	vmul.f32 v20, v20;
	v25 =	vld [tilespmem:s20+$0x6250]  }
0x6f: {  	v2 =	vadd.f32 v16, v5;
	v20 =	vmul.f32 v16, v16;
	v5 =	vadd.f32 v7, v3;
	v16 =	vld [tilespmem:s20+$0x6240]  }
0x70: {  	v23 =	vmul.f32 v14, v14;
	v0 =	vadd.f32 v17, v0;
	v3 =	vadd.f32 v14, v4;
	v7 =	vld [tilespmem:s20+$0x6230]  }
0x71: {  	v4 =	vadd.f32 v22, v2;
	v22 =	vmul.f32 v22, v22;
	v1 =	vadd.f32 v20, v1;
	v17 =	vld [tilespmem:s20+$0xB220]  }
0x72: {  	v8 =	vadd.f32 v8, v11;
	v14 =	vadd.f32 v26, v18;
	v20 =	vld [tilespmem:s20+$0xB240]  }
0x73: {  	v2 =	vadd.f32 v23, v0;
	v0 =	vadd.f32 v22, v1;
	v18 =	vld [tilespmem:s20+$0x6220]  }
0x74: {  	s21 =	simm.s32 $0x200;
	v11 =	vadd.f32 v19, v25;
	v19 =	vld [tilespmem:s20+$0x6280];
	v1 =	vadd.f32 v21, v24  }
.LBB2_5:
0x75: {  	s22 =	sshra.s32 s21, $0x2;
	p0 =	sne.s32 s21, $0x4E00;
	s21 =	sadd.s32 $0x200, s21;
	v21 =	vld [tilespmem:s20+$0xB230];
	v22 =	vadd.f32 v13, v15  }
0x76: {  	v24 =	vadd.f32 v9, v12;
	v23 =	vld [tilespmem:s22+$0xB280];
	[tilespmem:s20+$0x10290] =	vst v1  }
0x77: {  	v9 =	vld [tilespmem:s22+$0xB260];
	v15 =	vadd.f32 v20, v16;
	[tilespmem:s20+$0x10270] =	vst v22;
	v20 =	vmul.f32 v22, v22  }
0x78: {  	v25 =	vld [tilespmem:s22+$0xB290];
	v16 =	vadd.f32 v17, v18;
	v17 =	vmul.f32 v11, v11;
	[tilespmem:s20+$0x10260] =	vst v24  }
0x79: {  	v12 =	vld [tilespmem:s22+$0x6260];
	v6 =	vadd.f32 v15, v6;
	v18 =	vmul.f32 v15, v15;
	[tilespmem:s20+$0x10250] =	vst v11;
	v26 =	vadd.f32 v10, v19  }
0x7a: {  	v19 =	vmul.f32 v24, v24;
	v13 =	vld [tilespmem:s22+$0xB270];
	v7 =	vadd.f32 v21, v7;
	[tilespmem:s20+$0x10240] =	vst v15;
	v14 =	vadd.f32 v17, v14  }
0x7b: {  	v4 =	vadd.f32 v16, v4;
	v15 =	vld [tilespmem:s22+$0x6270];
	v5 =	vadd.f32 v18, v5;
	[tilespmem:s20+$0x10280] =	vst v26;
	v17 =	vmul.f32 v26, v26  }
0x7c: {  	v6 =	vadd.f32 v26, v6;
	v10 =	vmov v23;
	v21 =	vld [tilespmem:s22+$0x6290];
	[tilespmem:s20+$0x10230] =	vst v7;
	v18 =	vmul.f32 v7, v7  }
0x7d: {  	v26 =	vmul.f32 v16, v16;
	v3 =	vadd.f32 v7, v3;
	v4 =	vadd.f32 v24, v4;
	v23 =	vld [tilespmem:s22+$0xB250];
	[tilespmem:s20+$0x10220] =	vst v16;
	s20 =	smov.u32 s22  }
0x7e: {  	v8 =	vadd.f32 v11, v8;
	v11 =	vmul.f32 v1, v1;
	v5 =	vadd.f32 v17, v5;
	v24 =	vld [tilespmem:s20+$0x6250]  }
0x7f: {  	v2 =	vadd.f32 v18, v2;
	v3 =	vadd.f32 v22, v3;
	v16 =	vld [tilespmem:s20+$0x6240]  }
.Ltmp1:
0x80: {  	v14 =	vadd.f32 v11, v14;
	v0 =	vadd.f32 v26, v0;
	v7 =	vld [tilespmem:s20+$0x6230];
	(pc) =	sbr.rel @p0 .LBB2_5-.Ltmp1, $4  }
0x81: {  	v8 =	vadd.f32 v1, v8;
	v2 =	vadd.f32 v20, v2;
	v17 =	vld [tilespmem:s20+$0xB220]  }
0x82: {  	v0 =	vadd.f32 v19, v0;
	v20 =	vld [tilespmem:s20+$0xB240]  }
0x83: {  	v18 =	vld [tilespmem:s20+$0x6220];
	v11 =	vadd.f32 v23, v24  }
0x84: {  	v1 =	vadd.f32 v25, v21;
	v19 =	vld [tilespmem:s20+$0x6280]  }
0x85: {  	v21 =	vld [tilespmem:s20+$0xB230];
	v13 =	vadd.f32 v13, v15;
	[tilespmem:s20+$0x10250] =	vst v11  }
0x86: {  	v22 =	vadd.f32 v9, v12;
	[tilespmem:s20+$0x10290] =	vst v1  }
0x87: {  	[tilespmem:s20+$0x10270] =	vst v13;
	v15 =	vadd.f32 v20, v16  }
0x88: {  	[tilespmem:s20+$0x10260] =	vst v22;
	v17 =	vadd.f32 v17, v18  }
0x89: {  	s19 =	sadd.s32 s8, s19;
	v16 =	vadd.f32 v10, v19;
	[tilespmem:s20+$0x10240] =	vst v15  }
0x8a: {  	s19 =	smul.u32 $0x280, s19;
	v19 =	vadd.f32 v21, v7;
	[tilespmem:s20+$0x10220] =	vst v17  }
0x8b: {  	[tilespmem:s20+$0x10280] =	vst v16  }
0x8c: {  	s29 =	simm.s32 $0x0;
	s21 =	simm.s32 $0x10220;
	s19 =	sadd.s32 s5, s19;
	[tilespmem:s20+$0x10230] =	vst v19  }
0x8d: {  	[hbm4b:s19+s29] =	stream.linear.scatter [tilespmem:s21], [sflag:$0xA], $0x1400, $0x38;
	[tilespmem:$0x13EA0] =	vst v63  }
0x8e: {  	_ =	swait.ge [sflag:s30], $0x1400  }
0x8f: {  	[sflag:s30] =	ssyncset.done $0x0  }
0x90: {  	[sflag:s30] =	ssyncadd.s32 $0xFFFFEC00  }
0x91: {  	_ =	swait.ge [sflag:s31], $0x1400  }
0x92: {  	[sflag:s31] =	ssyncset.done $0x0  }
0x93: {  	s19 =	simm.s32 $0x0;
	[sflag:s31] =	ssyncadd.s32 $0xFFFFEC00  }
0x94: {  	v9 =	vld [tilespmem:s19+$0xC680]  }
0x95: {  	v7 =	vld [tilespmem:s19+$0xC660]  }
0x96: {  	v21 =	vld [tilespmem:s19+$0xC690]  }
0x97: {  	v10 =	vld [tilespmem:s19+$0x7660]  }
0x98: {  	v12 =	vld [tilespmem:s19+$0xC670]  }
0x99: {  	v18 =	vmul.f32 v11, v11;
	v6 =	vadd.f32 v15, v6;
	v20 =	vmul.f32 v15, v15;
	v15 =	vld [tilespmem:s19+$0x7670]  }
0x9a: {  	v8 =	vadd.f32 v11, v8;
	v23 =	vmul.f32 v13, v13;
	v24 =	vld [tilespmem:s19+$0x7690]  }
0x9b: {  	v18 =	vadd.f32 v18, v14;
	v4 =	vadd.f32 v17, v4;
	v17 =	vmul.f32 v17, v17;
	v25 =	vld [tilespmem:s19+$0xC650]  }
0x9c: {  	v14 =	vadd.f32 v20, v5;
	v20 =	vmul.f32 v16, v16;
	v5 =	vadd.f32 v16, v6;
	v11 =	vld [tilespmem:s19+$0x7650]  }
0x9d: {  	v3 =	vadd.f32 v19, v3;
	v19 =	vmul.f32 v19, v19;
	v4 =	vadd.f32 v22, v4;
	v16 =	vld [tilespmem:s19+$0x7640]  }
0x9e: {  	v22 =	vmul.f32 v22, v22;
	v0 =	vadd.f32 v17, v0;
	v6 =	vadd.f32 v20, v14;
	v14 =	vld [tilespmem:s19+$0x7630]  }
0x9f: {  	v8 =	vadd.f32 v1, v8;
	v2 =	vadd.f32 v19, v2;
	v19 =	vmul.f32 v1, v1;
	v17 =	vld [tilespmem:s19+$0xC620]  }
0xa0: {  	v3 =	vadd.f32 v13, v3;
	v0 =	vadd.f32 v22, v0;
	v20 =	vld [tilespmem:s19+$0xC640]  }
0xa1: {  	v13 =	vadd.f32 v19, v18;
	v2 =	vadd.f32 v23, v2;
	v18 =	vld [tilespmem:s19+$0x7620]  }
0xa2: {  	s20 =	simm.s32 $0x200;
	v19 =	vld [tilespmem:s19+$0x7680];
	v11 =	vadd.f32 v25, v11;
	v1 =	vadd.f32 v21, v24  }
.LBB2_7:
0xa3: {  	s21 =	sshra.s32 s20, $0x2;
	p0 =	sne.s32 s20, $0x4E00;
	s20 =	sadd.s32 $0x200, s20;
	v21 =	vld [tilespmem:s19+$0xC630];
	v22 =	vadd.f32 v12, v15  }
0xa4: {  	v24 =	vadd.f32 v7, v10;
	v23 =	vld [tilespmem:s21+$0xC680];
	[tilespmem:s19+$0x11690] =	vst v1  }
0xa5: {  	v7 =	vld [tilespmem:s21+$0xC660];
	v15 =	vadd.f32 v20, v16;
	[tilespmem:s19+$0x11670] =	vst v22;
	v20 =	vmul.f32 v22, v22  }
0xa6: {  	v25 =	vld [tilespmem:s21+$0xC690];
	v16 =	vadd.f32 v17, v18;
	v17 =	vmul.f32 v11, v11;
	[tilespmem:s19+$0x11660] =	vst v24  }
0xa7: {  	v10 =	vld [tilespmem:s21+$0x7660];
	v5 =	vadd.f32 v15, v5;
	v18 =	vmul.f32 v15, v15;
	[tilespmem:s19+$0x11650] =	vst v11;
	v26 =	vadd.f32 v9, v19  }
0xa8: {  	v19 =	vmul.f32 v24, v24;
	v12 =	vld [tilespmem:s21+$0xC670];
	v14 =	vadd.f32 v21, v14;
	[tilespmem:s19+$0x11640] =	vst v15;
	v13 =	vadd.f32 v17, v13  }
0xa9: {  	v4 =	vadd.f32 v16, v4;
	v15 =	vld [tilespmem:s21+$0x7670];
	v6 =	vadd.f32 v18, v6;
	[tilespmem:s19+$0x11680] =	vst v26;
	v17 =	vmul.f32 v26, v26  }
0xaa: {  	v5 =	vadd.f32 v26, v5;
	v9 =	vmov v23;
	v21 =	vld [tilespmem:s21+$0x7690];
	[tilespmem:s19+$0x11630] =	vst v14;
	v18 =	vmul.f32 v14, v14  }
0xab: {  	v26 =	vmul.f32 v16, v16;
	v3 =	vadd.f32 v14, v3;
	v4 =	vadd.f32 v24, v4;
	v23 =	vld [tilespmem:s21+$0xC650];
	[tilespmem:s19+$0x11620] =	vst v16;
	s19 =	smov.u32 s21  }
0xac: {  	v8 =	vadd.f32 v11, v8;
	v11 =	vmul.f32 v1, v1;
	v6 =	vadd.f32 v17, v6;
	v24 =	vld [tilespmem:s19+$0x7650]  }
0xad: {  	v2 =	vadd.f32 v18, v2;
	v3 =	vadd.f32 v22, v3;
	v16 =	vld [tilespmem:s19+$0x7640]  }
.Ltmp2:
0xae: {  	v13 =	vadd.f32 v11, v13;
	v0 =	vadd.f32 v26, v0;
	v14 =	vld [tilespmem:s19+$0x7630];
	(pc) =	sbr.rel @p0 .LBB2_7-.Ltmp2, $4  }
0xaf: {  	v8 =	vadd.f32 v1, v8;
	v2 =	vadd.f32 v20, v2;
	v17 =	vld [tilespmem:s19+$0xC620]  }
0xb0: {  	v0 =	vadd.f32 v19, v0;
	v20 =	vld [tilespmem:s19+$0xC640]  }
0xb1: {  	v18 =	vld [tilespmem:s19+$0x7620];
	v11 =	vadd.f32 v23, v24  }
0xb2: {  	v1 =	vadd.f32 v25, v21;
	v19 =	vld [tilespmem:s19+$0x7680]  }
0xb3: {  	v21 =	vld [tilespmem:s19+$0xC630];
	v15 =	vadd.f32 v12, v15;
	[tilespmem:s19+$0x11650] =	vst v11  }
0xb4: {  	v22 =	vadd.f32 v7, v10;
	[tilespmem:s19+$0x11690] =	vst v1  }
0xb5: {  	[tilespmem:s19+$0x11670] =	vst v15;
	v16 =	vadd.f32 v20, v16  }
0xb6: {  	[tilespmem:s19+$0x11660] =	vst v22;
	v17 =	vadd.f32 v17, v18  }
0xb7: {  	s18 =	sadd.s32 s8, s18;
	v19 =	vadd.f32 v9, v19;
	[tilespmem:s19+$0x11640] =	vst v16  }
0xb8: {  	s18 =	smul.u32 $0x280, s18;
	v20 =	vadd.f32 v21, v14;
	[tilespmem:s19+$0x11620] =	vst v17  }
0xb9: {  	[tilespmem:s19+$0x11680] =	vst v19  }
0xba: {  	s29 =	simm.s32 $0x0;
	s18 =	sadd.s32 s5, s18;
	[tilespmem:s19+$0x11630] =	vst v20  }
0xbb: {  	[hbm4b:s18+s29] =	stream.linear.scatter [tilespmem:s0], [sflag:$0xB], $0x1400, $0x38;
	[tilespmem:$0x13EA0] =	vst v63  }
0xbc: {  	_ =	swait.ge [sflag:s1], $0x1400  }
0xbd: {  	[sflag:s1] =	ssyncset.done $0x0  }
0xbe: {  	[sflag:s1] =	ssyncadd.s32 $0xFFFFEC00  }
0xbf: {  	_ =	swait.ge [sflag:s13], $0x1400  }
0xc0: {  	[sflag:s13] =	ssyncset.done $0x0  }
0xc1: {  	s18 =	simm.s32 $0x0;
	[sflag:s13] =	ssyncadd.s32 $0xFFFFEC00  }
0xc2: {  	v9 =	vld [tilespmem:s18+$0xDA80]  }
0xc3: {  	v7 =	vld [tilespmem:s18+$0xDA60]  }
0xc4: {  	v21 =	vld [tilespmem:s18+$0xDA90]  }
0xc5: {  	v10 =	vld [tilespmem:s18+$0x8A60]  }
0xc6: {  	v12 =	vld [tilespmem:s18+$0xDA70]  }
0xc7: {  	v23 =	vmul.f32 v15, v15;
	v5 =	vadd.f32 v16, v5;
	v16 =	vmul.f32 v16, v16;
	v14 =	vld [tilespmem:s18+$0x8A70]  }
0xc8: {  	v18 =	vmul.f32 v11, v11;
	v11 =	vadd.f32 v11, v8;
	v4 =	vadd.f32 v17, v4;
	v24 =	vld [tilespmem:s18+$0x8A90]  }
0xc9: {  	v6 =	vadd.f32 v16, v6;
	v16 =	vmul.f32 v19, v19;
	v5 =	vadd.f32 v19, v5;
	v19 =	vld [tilespmem:s18+$0xDA50]  }
0xca: {  	v13 =	vadd.f32 v18, v13;
	v17 =	vmul.f32 v17, v17;
	v3 =	vadd.f32 v20, v3;
	v25 =	vld [tilespmem:s18+$0x8A50]  }
0xcb: {  	v18 =	vmul.f32 v20, v20;
	v8 =	vadd.f32 v22, v4;
	v6 =	vadd.f32 v16, v6;
	v16 =	vld [tilespmem:s18+$0x8A40]  }
0xcc: {  	v22 =	vmul.f32 v22, v22;
	v0 =	vadd.f32 v17, v0;
	v3 =	vadd.f32 v15, v3;
	v15 =	vld [tilespmem:s18+$0x8A30]  }
0xcd: {  	v2 =	vadd.f32 v18, v2;
	v18 =	vmul.f32 v1, v1;
	v17 =	vld [tilespmem:s18+$0xDA20]  }
0xce: {  	v4 =	vadd.f32 v1, v11;
	v0 =	vadd.f32 v22, v0;
	v20 =	vld [tilespmem:s18+$0xDA40]  }
0xcf: {  	v13 =	vadd.f32 v18, v13;
	v2 =	vadd.f32 v23, v2;
	v18 =	vld [tilespmem:s18+$0x8A20]  }
0xd0: {  	s19 =	simm.s32 $0x200;
	v11 =	vadd.f32 v19, v25;
	v19 =	vld [tilespmem:s18+$0x8A80];
	v1 =	vadd.f32 v21, v24  }
.LBB2_9:
0xd1: {  	s20 =	sshra.s32 s19, $0x2;
	p0 =	sne.s32 s19, $0x4E00;
	s19 =	sadd.s32 $0x200, s19;
	v21 =	vld [tilespmem:s18+$0xDA30];
	v22 =	vadd.f32 v12, v14  }
0xd2: {  	v24 =	vadd.f32 v7, v10;
	v23 =	vld [tilespmem:s20+$0xDA80];
	[tilespmem:s18+$0x12A90] =	vst v1  }
0xd3: {  	v7 =	vld [tilespmem:s20+$0xDA60];
	v14 =	vadd.f32 v20, v16;
	[tilespmem:s18+$0x12A70] =	vst v22;
	v20 =	vmul.f32 v22, v22  }
0xd4: {  	v25 =	vld [tilespmem:s20+$0xDA90];
	v16 =	vadd.f32 v17, v18;
	v17 =	vmul.f32 v11, v11;
	[tilespmem:s18+$0x12A60] =	vst v24  }
0xd5: {  	v10 =	vld [tilespmem:s20+$0x8A60];
	v5 =	vadd.f32 v14, v5;
	v18 =	vmul.f32 v14, v14;
	[tilespmem:s18+$0x12A50] =	vst v11;
	v26 =	vadd.f32 v9, v19  }
0xd6: {  	v19 =	vmul.f32 v24, v24;
	v12 =	vld [tilespmem:s20+$0xDA70];
	v15 =	vadd.f32 v21, v15;
	[tilespmem:s18+$0x12A40] =	vst v14;
	v13 =	vadd.f32 v17, v13  }
0xd7: {  	v8 =	vadd.f32 v16, v8;
	v14 =	vld [tilespmem:s20+$0x8A70];
	v6 =	vadd.f32 v18, v6;
	[tilespmem:s18+$0x12A80] =	vst v26;
	v17 =	vmul.f32 v26, v26  }
0xd8: {  	v5 =	vadd.f32 v26, v5;
	v9 =	vmov v23;
	v21 =	vld [tilespmem:s20+$0x8A90];
	[tilespmem:s18+$0x12A30] =	vst v15;
	v18 =	vmul.f32 v15, v15  }
0xd9: {  	v26 =	vmul.f32 v16, v16;
	v3 =	vadd.f32 v15, v3;
	v8 =	vadd.f32 v24, v8;
	v23 =	vld [tilespmem:s20+$0xDA50];
	[tilespmem:s18+$0x12A20] =	vst v16;
	s18 =	smov.u32 s20  }
0xda: {  	v4 =	vadd.f32 v11, v4;
	v11 =	vmul.f32 v1, v1;
	v6 =	vadd.f32 v17, v6;
	v24 =	vld [tilespmem:s18+$0x8A50]  }
0xdb: {  	v2 =	vadd.f32 v18, v2;
	v3 =	vadd.f32 v22, v3;
	v16 =	vld [tilespmem:s18+$0x8A40]  }
.Ltmp3:
0xdc: {  	v13 =	vadd.f32 v11, v13;
	v0 =	vadd.f32 v26, v0;
	v15 =	vld [tilespmem:s18+$0x8A30];
	(pc) =	sbr.rel @p0 .LBB2_9-.Ltmp3, $4  }
0xdd: {  	v4 =	vadd.f32 v1, v4;
	v2 =	vadd.f32 v20, v2;
	v17 =	vld [tilespmem:s18+$0xDA20]  }
0xde: {  	v0 =	vadd.f32 v19, v0;
	v20 =	vld [tilespmem:s18+$0xDA40]  }
0xdf: {  	v18 =	vld [tilespmem:s18+$0x8A20];
	v11 =	vadd.f32 v23, v24  }
0xe0: {  	v1 =	vadd.f32 v25, v21;
	v19 =	vld [tilespmem:s18+$0x8A80]  }
0xe1: {  	v21 =	vld [tilespmem:s18+$0xDA30];
	v12 =	vadd.f32 v12, v14;
	[tilespmem:s18+$0x12A50] =	vst v11  }
0xe2: {  	v7 =	vadd.f32 v7, v10;
	[tilespmem:s18+$0x12A90] =	vst v1  }
0xe3: {  	[tilespmem:s18+$0x12A70] =	vst v12;
	v49 =	vadd.f32 v20, v16  }
0xe4: {  	[tilespmem:s18+$0x12A60] =	vst v7;
	v51 =	vadd.f32 v17, v18  }
0xe5: {  	s17 =	sadd.s32 s8, s17;
	v9 =	vadd.f32 v9, v19;
	[tilespmem:s18+$0x12A40] =	vst v49  }
0xe6: {  	s17 =	smul.u32 $0x280, s17;
	v50 =	vadd.f32 v21, v15;
	[tilespmem:s18+$0x12A20] =	vst v51  }
0xe7: {  	[tilespmem:s18+$0x12A80] =	vst v9  }
0xe8: {  	s17 =	sadd.s32 s5, s17;
	[tilespmem:s18+$0x12A30] =	vst v50  }
0xe9: {  	[hbm4b:s17+s2] =	stream.linear.scatter [tilespmem:s6], [sflag:$0xC], $0x1400, $0x38;
	[tilespmem:$0x13EA0] =	vst v63  }
0xea: {  	_ =	swait.ge [sflag:s7], $0x1400  }
0xeb: {  	[sflag:s7] =	ssyncset.done $0x0  }
0xec: {  	v52 =	vmul.f32 v11, v11;
	[sflag:s7] =	ssyncadd.s32 $0xFFFFEC00  }
0xed: {  	v53 =	vmul.f32 v49, v49;
	_ =	swait.ge [sflag:s9], $0x1400  }
0xee: {  	v61 =	vmul.f32 v1, v1;
	v55 =	vadd.f32 v52, v13;
	v5 =	vadd.f32 v49, v5;
	[sflag:s9] =	ssyncset.done $0x0  }
0xef: {  	s12 =	sadd.s32 $0x1, s12;
	v8 =	vadd.f32 v51, v8;
	v60 =	vmul.f32 v51, v51;
	v56 =	vadd.f32 v53, v6;
	[sflag:s9] =	ssyncadd.s32 $0xFFFFEC00  }
0xf0: {  	p0 =	sne.s32 s12, $0x1F;
	v6 =	vadd.f32 v9, v5;
	v58 =	vmul.f32 v50, v50;
	v59 =	vadd.f32 v50, v3;
	_ =	swait.ge [sflag:s10], $0x1400  }
.Ltmp4:
0xf1: {  	v57 =	vmul.f32 v9, v9;
	v5 =	vadd.f32 v7, v8;
	v8 =	vadd.f32 v11, v4;
	[sflag:s10] =	ssyncset.done $0x0;
	(pc) =	sbr.rel @p0 .LBB2_2-.Ltmp4, $4  }
0xf2: {  	v54 =	vmul.f32 v12, v12;
	v63 =	vadd.f32 v60, v0;
	v2 =	vadd.f32 v58, v2;
	[sflag:s10] =	ssyncadd.s32 $0xFFFFEC00  }
0xf3: {  	v62 =	vmul.f32 v7, v7;
	v7 =	vadd.f32 v61, v55;
	v3 =	vadd.f32 v57, v56;
	_ =	swait.ge [sflag:s11], $0x1400  }
0xf4: {  	v4 =	vadd.f32 v12, v59;
	v0 =	vadd.f32 v54, v2;
	[sflag:s11] =	ssyncset.done $0x0  }
0xf5: {  	v2 =	vadd.f32 v1, v8;
	v1 =	vadd.f32 v62, v63;
	[sflag:s11] =	ssyncadd.s32 $0xFFFFEC00  }
0xf6: {  	s12 =	simm.s32 $0x26C0  }
0xf7: {  	[tilespmem:s15], [sflag:$0x1] =	stream.indirect.gather [hbm4b:s3+s14], $0x40, s12, s14, $0xb8;
	[tilespmem:$0x13EA0] =	vst v63  }
0xf8: {  	s29 =	simm.s32 $0x4DD0  }
0xf9: {  	[tilespmem:s16], [sflag:$0x5] =	stream.indirect.gather [hbm4b:s4+s14], $0x40, s29, s14, $0xb8;
	[tilespmem:$0x13EA0] =	vst v63  }
0xfa: {  	_ =	swait.ge [sflag:s23], $0x1400  }
0xfb: {  	[sflag:s23] =	ssyncset.done $0x0  }
0xfc: {  	[sflag:s23] =	ssyncadd.s32 $0xFFFFEC00  }
0xfd: {  	_ =	swait.ge [sflag:s24], $0x1400  }
0xfe: {  	[sflag:s24] =	ssyncset.done $0x0  }
0xff: {  	s12 =	simm.s32 $0x0;
	[sflag:s24] =	ssyncadd.s32 $0xFFFFEC00  }
0x100: {  	v11 =	vld [tilespmem:s12+$0x9E80]  }
0x101: {  	v10 =	vld [tilespmem:s12+$0x9E60]  }
0x102: {  	v8 =	vld [tilespmem:s12+$0x9E90]  }
0x103: {  	v12 =	vld [tilespmem:s12+$0x4E60]  }
0x104: {  	v13 =	vld [tilespmem:s12+$0x9E70]  }
0x105: {  	v14 =	vld [tilespmem:s12+$0x4E70]  }
0x106: {  	v21 =	vld [tilespmem:s12+$0x4E90]  }
0x107: {  	v9 =	vld [tilespmem:s12+$0x9E50]  }
0x108: {  	v19 =	vld [tilespmem:s12+$0x4E50]  }
0x109: {  	v17 =	vld [tilespmem:s12+$0x4E40]  }
0x10a: {  	v15 =	vld [tilespmem:s12+$0x4E30]  }
0x10b: {  	v16 =	vld [tilespmem:s12+$0x9E20]  }
0x10c: {  	v20 =	vld [tilespmem:s12+$0x9E40]  }
0x10d: {  	v18 =	vld [tilespmem:s12+$0x4E20]  }
0x10e: {  	s17 =	simm.s32 $0x200;
	v9 =	vadd.f32 v9, v19;
	v19 =	vld [tilespmem:s12+$0x4E80];
	v8 =	vadd.f32 v8, v21  }
.LBB2_12:
0x10f: {  	s18 =	sshra.s32 s17, $0x2;
	p0 =	sne.s32 s17, $0x4E00;
	s17 =	sadd.s32 $0x200, s17;
	v21 =	vld [tilespmem:s12+$0x9E30];
	v22 =	vadd.f32 v13, v14  }
0x110: {  	v24 =	vadd.f32 v10, v12;
	v23 =	vld [tilespmem:s18+$0x9E80];
	[tilespmem:s12+$0xEE90] =	vst v8  }
0x111: {  	v10 =	vld [tilespmem:s18+$0x9E60];
	v14 =	vadd.f32 v20, v17;
	[tilespmem:s12+$0xEE70] =	vst v22;
	v20 =	vmul.f32 v22, v22  }
0x112: {  	v17 =	vmul.f32 v9, v9;
	v25 =	vld [tilespmem:s18+$0x9E90];
	v16 =	vadd.f32 v16, v18;
	[tilespmem:s12+$0xEE60] =	vst v24  }
0x113: {  	v12 =	vld [tilespmem:s18+$0x4E60];
	v6 =	vadd.f32 v14, v6;
	v18 =	vmul.f32 v14, v14;
	[tilespmem:s12+$0xEE50] =	vst v9;
	v26 =	vadd.f32 v11, v19  }
0x114: {  	v7 =	vadd.f32 v17, v7;
	v19 =	vmul.f32 v24, v24;
	v13 =	vld [tilespmem:s18+$0x9E70];
	v15 =	vadd.f32 v21, v15;
	[tilespmem:s12+$0xEE40] =	vst v14  }
0x115: {  	v5 =	vadd.f32 v16, v5;
	v14 =	vld [tilespmem:s18+$0x4E70];
	v3 =	vadd.f32 v18, v3;
	[tilespmem:s12+$0xEE80] =	vst v26;
	v17 =	vmul.f32 v26, v26  }
0x116: {  	v6 =	vadd.f32 v26, v6;
	v11 =	vmov v23;
	v21 =	vld [tilespmem:s18+$0x4E90];
	[tilespmem:s12+$0xEE30] =	vst v15;
	v18 =	vmul.f32 v15, v15  }
0x117: {  	v4 =	vadd.f32 v15, v4;
	v5 =	vadd.f32 v24, v5;
	v23 =	vld [tilespmem:s18+$0x9E50];
	[tilespmem:s12+$0xEE20] =	vst v16;
	v16 =	vmul.f32 v16, v16;
	s12 =	smov.u32 s18  }
0x118: {  	v2 =	vadd.f32 v9, v2;
	v9 =	vmul.f32 v8, v8;
	v3 =	vadd.f32 v17, v3;
	v24 =	vld [tilespmem:s12+$0x4E50]  }
0x119: {  	v0 =	vadd.f32 v18, v0;
	v4 =	vadd.f32 v22, v4;
	v17 =	vld [tilespmem:s12+$0x4E40]  }
.Ltmp5:
0x11a: {  	v7 =	vadd.f32 v9, v7;
	v1 =	vadd.f32 v16, v1;
	v15 =	vld [tilespmem:s12+$0x4E30];
	(pc) =	sbr.rel @p0 .LBB2_12-.Ltmp5, $4  }
0x11b: {  	v2 =	vadd.f32 v8, v2;
	v0 =	vadd.f32 v20, v0;
	v16 =	vld [tilespmem:s12+$0x9E20]  }
0x11c: {  	v1 =	vadd.f32 v19, v1;
	v20 =	vld [tilespmem:s12+$0x9E40]  }
0x11d: {  	v18 =	vld [tilespmem:s12+$0x4E20];
	v9 =	vadd.f32 v23, v24  }
0x11e: {  	v8 =	vadd.f32 v25, v21;
	v19 =	vld [tilespmem:s12+$0x4E80]  }
0x11f: {  	v21 =	vld [tilespmem:s12+$0x9E30];
	v13 =	vadd.f32 v13, v14;
	[tilespmem:s12+$0xEE50] =	vst v9  }
0x120: {  	v10 =	vadd.f32 v10, v12;
	[tilespmem:s12+$0xEE90] =	vst v8  }
0x121: {  	[tilespmem:s12+$0xEE70] =	vst v13;
	v50 =	vadd.f32 v20, v17  }
0x122: {  	[tilespmem:s12+$0xEE60] =	vst v10;
	v52 =	vadd.f32 v16, v18  }
0x123: {  	v11 =	vadd.f32 v11, v19;
	[tilespmem:s12+$0xEE40] =	vst v50  }
0x124: {  	v51 =	vadd.f32 v21, v15;
	[tilespmem:s12+$0xEE20] =	vst v52  }
0x125: {  	[tilespmem:s12+$0xEE80] =	vst v11  }
0x126: {  	s21 =	rddreg [dreg:$0x5];
	v16 =	vmul.f32 v52, v52;
	[tilespmem:s12+$0xEE30] =	vst v51  }
0x127: {  	v5 =	vadd.f32 v52, v5;
	[hbm4b:s21+s2] =	stream.linear.scatter [tilespmem:s25], [sflag:$0x9], $0x1400, $0x38;
	[tilespmem:$0x13EA0] =	vst v63  }
0x128: {  	v53 =	vmul.f32 v10, v10;
	v1 =	vadd.f32 v16, v1;
	_ =	swait.ge [sflag:s7], $0x1400  }
0x129: {  	v56 =	vmul.f32 v50, v50;
	v4 =	vadd.f32 v51, v4;
	v5 =	vadd.f32 v10, v5;
	[sflag:s7] =	ssyncset.done $0x0  }
0x12a: {  	v57 =	vmul.f32 v9, v9;
	v6 =	vadd.f32 v50, v6;
	v1 =	vadd.f32 v53, v1;
	[sflag:s7] =	ssyncadd.s32 $0xFFFFEC00  }
0x12b: {  	v3 =	vadd.f32 v56, v3;
	v58 =	vmul.f32 v11, v11;
	v4 =	vadd.f32 v13, v4;
	[tilespmem:$0x13E20] =	vst v5  }
0x12c: {  	v2 =	vadd.f32 v9, v2;
	v59 =	vadd.f32 v11, v6;
	v54 =	vmul.f32 v51, v51;
	[tilespmem:$0x13E60] =	vst v1  }
0x12d: {  	v61 =	vmul.f32 v8, v8;
	v60 =	vadd.f32 v57, v7;
	v3 =	vadd.f32 v58, v3;
	[tilespmem:$0x13E30] =	vst v4  }
0x12e: {  	v55 =	vmul.f32 v13, v13;
	v62 =	vadd.f32 v8, v2;
	v0 =	vadd.f32 v54, v0;
	[tilespmem:$0x13E40] =	vst v59  }
0x12f: {  	v63 =	vadd.f32 v61, v60;
	[tilespmem:$0x13E80] =	vst v3  }
0x130: {  	v0 =	vadd.f32 v55, v0;
	[tilespmem:$0x13E50] =	vst v62  }
0x131: {  	[tilespmem:$0x13E90] =	vst v63  }
0x132: {  	s17 =	simm.s32 $0x13E20;
	s22 =	rddreg [dreg:$0x6];
	[tilespmem:$0x13E70] =	vst v0  }
0x133: {  	[hbm4b:s22+s2] =	stream.linear.scatter [tilespmem:s17], [sflag:$0xD], $0x80, $0x38;
	[tilespmem:$0x13EA0] =	vst v63  }
0x134: {  	s17 =	simm.s32 $0xD  }
0x135: {  	_ =	swait.ge [sflag:s17], $0x80  }
0x136: {  	s18 =	rddreg [dreg:$0x8]  }
0x137: {  	s29 =	rddreg [dreg:$0x7];
	s18 =	sadd.s32 $0x1, s18  }
0x138: {  	p0 =	sne.s32 s18, s29  }
.Ltmp6:
0x139: {  	_ = 	snop;
	(pc) =	sbr.rel @p0 .LBB2_1-.Ltmp6, $3  }
0x13a: {  	_ =	sdelay $0x1  }
0x13b: {  	[sflag:s17] =	ssyncset.done $0x0  }
0x13c: {  	[sflag:s17] =	ssyncadd.s32 $0xFFFFFF80  }
0x13d: {  	_ =	sfence.sel $0x180000  }
0x13e: {  	[bflag:$0x0] =	sbarrier.arrive $0xFFFF  }
0x13f: {  	_ =	strace $0x9000004D  }
0x140: {  	s0 =	stileid.u32;
	[bflag:$0x2] =	sbarrier.arrive $0xFFFF  }
0x141: {  	p0 =	sne.s32 s0, $0x0;
	s0 =	rddreg [dreg:$0x2]  }
0x142: {  	s0 =	sadd.s32 @!p0 $0x100000, s0  }
0x143: {  	[sflag:s0] =	ssyncadd.tile.s32 @!p0 $0x1;
	_ =	shalt  }
.Lfunc_end2:
_tile_overlayer_lowered:
.L_overlay_start_2:
0x144: {  	(tag) =	ssettag $0x2  }
0x145: {  	s0 =	rddreg [dreg:$0x0];
	s2 =	stileid.u32  }
0x146: {  	s1 =	rddreg [dreg:$0x1];
	p0 =	sne.s32 s2, $0x0  }
0x147: {  	s3 =	rddreg [dreg:$0x2];
	[bflag:$0x3] =	sbarrier.arrive $0xFFFF;
	s2 =	simm.s32 @!p0 $0x1C0D  }
0x148: {  	[timem:s3], [sflag:s2] =	dma.local @!p0 [hbm:s0], s1  }
0x149: {  	s0 =	simm.s32 @!p0 $0xD  }
0x14a: {  	_ =	swait.ge @!p0 [sflag:s0], s1  }
0x14b: {  	s1 =	ssub.s32 @!p0 $0x0, s1;
	[sflag:s0] =	ssyncset.done @!p0 $0x0  }
0x14c: {  	[sflag:s0] =	ssyncadd.s32 @!p0 s1  }
0x14d: {  	[bflag:$0x3] =	sbarrier.arrive $0xFFFF  }
0x14e: {  	_ =	shalt  }

// kernel: kernel.8.cloned.1.call-start
scs
__scs_entry_jumppad:
0x0: {  	(pc) =	sbr.rel $0x88, $3  }
0x1: {  	(tag) =	ssettag $0x0;
	lr =	simm.s32 $0x1  }
0x2: {  	[smem:$0x3F80] =	sst lr;
	_ =	strace $0xD0000000  }
0x3: {  	_ = 	snop  }
0x4: {  	_ = 	snop  }
0x5: {  	_ = 	snop  }
0x6: {  	_ = 	snop  }
0x7: {  	_ = 	snop  }
__scs_overlays_trampoline_lowered:
0x8: {  	[smem:$0x3F8F] =	sst s0  }
0x9: {  	[smem:$0x3F90] =	sst s1  }
0xa: {  	[smem:$0x3F91] =	sst s2  }
0xb: {  	[smem:$0x3F92] =	sst s3  }
0xc: {  	[smem:$0x3F93] =	sst s4  }
0xd: {  	[smem:$0x3F94] =	sst s5  }
0xe: {  	[smem:$0x3F95] =	sst s6  }
0xf: {  	[smem:$0x3F96] =	sst s7  }
0x10: {  	[smem:$0x3F97] =	sst s8  }
0x11: {  	[smem:$0x3F98] =	sst s9;
	s0 =	simm.s32 @!p0 $0x0  }
0x12: {  	s1 =	sld [smem:$0x3F7E];
	s0 =	simm.s32 @p0 $0x1  }
0x13: {  	[smem:$0x3F99] =	sst s0;
	s0 =	simm.s32 @!p1 $0x0  }
0x14: {  	s2 =	sld [smem:$0x3F7D];
	s0 =	simm.s32 @p1 $0x1  }
0x15: {  	[smem:$0x3F9A] =	sst s0;
	s0 =	simm.s32 @!p2 $0x0  }
0x16: {  	s3 =	sld [smem:$0x3FDB];
	s0 =	simm.s32 @p2 $0x1  }
0x17: {  	s4 =	simm.s32 $0x1BF5;
	[smem:$0x3F9C] =	sst s0  }
0x18: {  	s0 =	sld [smem:$0x3F7F];
	_ =	swait.ge [sflag:s4], $0x0  }
0x19: {  	s7 =	sld [smem:$0x3F80]  }
0x1a: {  	s8 =	sadd.s32 $0xFFFFE003, lr  }
0x1b: {  	s9 =	sadd.s32 $0xFFFFFEF7, lr;
	s5 =	simm.s32 $0xFFFFFFFF;
	p2 =	slt.u32 s8, $0xFFFFF086  }
0x1c: {  	p1 =	slt.u32 s9, $0xF7A;
	s5 =	simm.s32 @!p2 $0x0  }
0x1d: {  	s5 =	simm.s32 @p1 $0x1;
	p0 =	seq.s32 s7, s2  }
0x1e: {  	s7 =	smul.u32 @!p0 $0xF7A, s2;
	p2 =	seq.s32 @!p0 s5, $0x0  }
0x1f: {  	s9 =	smul.u32 $0xF7A, s1;
	s8 =	simm.s32 @!p0 $0x1BF5;
	p2 =	por !p2, p0  }
0x20: {  	[sflag:s8] =	ssyncset.s32 @!p0 $0xFFFFF086;
	s6 =	sadd.s32 @!p0 s3, s7;
	s7 =	simm.s32 @!p0 $0x108  }
0x21: {  	s3 =	sadd.s32 s3, s9;
	s6 =	sadd.s32 @!p0 $0x88, s6;
	s7 =	simm.s32 @p2 $0x1082  }
0x22: {  	[simem:s7], [sflag:s8] =	dma.local @!p0 [hbm:s6], $0xF7A  }
0x23: {  	s9 =	sor.u32 $0xD0000000, s2;
	s6 =	simm.s32 $0x108;
	_ =	swait.ge @!p0 [sflag:s8], $0x0  }
0x24: {  	s3 =	sadd.s32 $0x88, s3;
	s6 =	simm.s32 @!p1 $0x1082;
	[sflag:s4] =	ssyncset.s32 $0xFFFFF086  }
0x25: {  	[simem:s6], [sflag:s4] =	dma.local [hbm:s3], $0xF7A  }
0x26: {  	[smem:$0x3F80] =	sst s1;
	(tag) =	ssettag s2;
	_ =	strace s9  }
0x27: {  	s1 =	sld [smem:$0x3F90]  }
0x28: {  	s2 =	sld [smem:$0x3F91]  }
0x29: {  	s4 =	sld [smem:$0x3F93]  }
0x2a: {  	p0 =	seq.s32 s5, $0x0;
	s5 =	sld [smem:$0x3F94]  }
0x2b: {  	s6 =	sld [smem:$0x3F95]  }
0x2c: {  	s7 =	sld [smem:$0x3F96]  }
0x2d: {  	s3 =	simm.s32 $0x108;
	s8 =	sld [smem:$0x3F97]  }
0x2e: {  	s3 =	simm.s32 @!p0 $0x1082;
	s9 =	sld [smem:$0x3F98]  }
0x2f: {  	lr =	sadd.s32 s0, s3;
	s0 =	sld [smem:$0x3F8F]  }
0x30: {  	s3 =	sld [smem:$0x3F92]  }
0x31: {  	[smem:$0x3F9B] =	sst s10  }
0x32: {  	s10 =	sld [smem:$0x3F99];
	_ =	sdelay $0x3  }
0x33: {  	p0 =	seq.s32 s10, $0x1;
	s10 =	sld [smem:$0x3F9B];
	_ =	sdelay $0x3  }
0x34: {  	[smem:$0x3F9B] =	sst s10  }
0x35: {  	s10 =	sld [smem:$0x3F9A];
	_ =	sdelay $0x3  }
0x36: {  	p1 =	seq.s32 s10, $0x1;
	s10 =	sld [smem:$0x3F9B];
	_ =	sdelay $0x3  }
0x37: {  	[smem:$0x3F9B] =	sst s10  }
0x38: {  	s10 =	sld [smem:$0x3F9C]  }
0x39: {  	_ = 	snop;
	(pc) =	sbr.ind lr, $3  }
0x3a: {  	_ = 	snop  }
0x3b: {  	_ = 	snop  }
0x3c: {  	p2 =	seq.s32 s10, $0x1;
	s10 =	sld [smem:$0x3F9B]  }
0x3d: {  	_ =	shalt  }
0x3e: {  	_ =	shalt  }
0x3f: {  	_ =	shalt  }
0x40: {  	_ =	shalt  }
0x41: {  	_ =	shalt  }
0x42: {  	_ =	shalt  }
0x43: {  	_ =	shalt  }
0x44: {  	_ =	shalt  }
0x45: {  	_ =	shalt  }
0x46: {  	_ =	shalt  }
0x47: {  	_ =	shalt  }
0x48: {  	_ =	shalt  }
0x49: {  	_ =	shalt  }
0x4a: {  	_ =	shalt  }
0x4b: {  	_ =	shalt  }
0x4c: {  	_ =	shalt  }
0x4d: {  	_ =	shalt  }
0x4e: {  	_ =	shalt  }
0x4f: {  	_ =	shalt  }
0x50: {  	_ =	shalt  }
0x51: {  	_ =	shalt  }
0x52: {  	_ =	shalt  }
0x53: {  	_ =	shalt  }
0x54: {  	_ =	shalt  }
0x55: {  	_ =	shalt  }
0x56: {  	_ =	shalt  }
0x57: {  	_ =	shalt  }
0x58: {  	_ =	shalt  }
0x59: {  	_ =	shalt  }
0x5a: {  	_ =	shalt  }
0x5b: {  	_ =	shalt  }
0x5c: {  	_ =	shalt  }
0x5d: {  	_ =	shalt  }
0x5e: {  	_ =	shalt  }
0x5f: {  	_ =	shalt  }
0x60: {  	_ =	shalt  }
0x61: {  	_ =	shalt  }
0x62: {  	_ =	shalt  }
0x63: {  	_ =	shalt  }
0x64: {  	_ =	shalt  }
0x65: {  	_ =	shalt  }
0x66: {  	_ =	shalt  }
0x67: {  	_ =	shalt  }
0x68: {  	_ =	shalt  }
0x69: {  	_ =	shalt  }
0x6a: {  	_ =	shalt  }
0x6b: {  	_ =	shalt  }
0x6c: {  	_ =	shalt  }
0x6d: {  	_ =	shalt  }
0x6e: {  	_ =	shalt  }
0x6f: {  	_ =	shalt  }
0x70: {  	_ =	shalt  }
0x71: {  	_ =	shalt  }
0x72: {  	_ =	shalt  }
0x73: {  	_ =	shalt  }
0x74: {  	_ =	shalt  }
0x75: {  	_ =	shalt  }
0x76: {  	_ =	shalt  }
0x77: {  	_ =	shalt  }
0x78: {  	_ =	shalt  }
0x79: {  	_ =	shalt  }
0x7a: {  	_ =	shalt  }
0x7b: {  	_ =	shalt  }
0x7c: {  	_ =	shalt  }
0x7d: {  	_ =	shalt  }
0x7e: {  	_ =	shalt  }
0x7f: {  	_ =	shalt  }
0x80: {  	_ =	shalt  }
0x81: {  	_ =	shalt  }
0x82: {  	_ =	shalt  }
0x83: {  	_ =	shalt  }
0x84: {  	_ =	shalt  }
0x85: {  	_ =	shalt  }
0x86: {  	_ =	shalt  }
0x87: {  	_ =	shalt  }
.Lfunc_end0:
.L_simem_size_0:
called_computation_lowered:
.L_overlay_start_0:
0x88: {  	s2 =	sld [smem:$0x3FD9]  }
0x89: {  	s3 =	sld [smem:$0x3FFE];
	_ =	sdelay $0x1  }
0x8a: {  	s1 =	srdreg.scid  }
0x8b: {  	s0 =	sand.u32 $0x1, s1  }
0x8c: {  	s17 =	sshll.u32 s0, $0xA;
	s2 =	sadd.s32 s3, s2  }
0x8d: {  	s2 =	sadd.s32 s2, s17  }
0x8e: {  	[smem:$0x3FA7] =	sst s2  }
0x8f: {  	_ = 	snop  }
0x90: {  	s2 =	sld [smem:$0x3FD0];
	(tm) =	ssettm $0x1  }
0x91: {  	s18 =	sld [smem:$0x3FFB];
	_ =	sdelay $0x3  }
0x92: {  	_ =	strace s18  }
0x93: {  	s3 =	sld [smem:$0x3FFC];
	_ =	sdelay $0x3  }
0x94: {  	_ =	strace s3  }
0x95: {  	s3 =	sld [smem:$0x3FFD];
	_ =	sdelay $0x3  }
0x96: {  	_ =	strace s3  }
0x97: {  	_ =	strace $0x8FFFFFFF  }
0x98: {  	s19 =	sld [smem:$0x3FDB];
	_ =	sdelay $0x1  }
0x99: {  	s4 =	simm.s32 $_scs_section_size  }
0x9a: {  	s5 =	simm.s32 $_size__tile_overlayer_lowered;
	s6 =	simm.s32 $_tile_overlayer_lowered  }
0x9b: {  	s22 =	simm.s32 $0x1BFF;
	s21 =	sshll.u32 s6, $0x1;
	s3 =	sadd.s32 s4, s19  }
0x9c: {  	s7 =	simm.s32 $0x0;
	s20 =	sshll.u32 s5, $0x1;
	s5 =	sadd.s32 s21, s3  }
0x9d: {  	[timem:s7], [sflag:s22] =	dma.local [hbm:s5], s20  }
0x9e: {  	_ =	swait.ge [sflag:s22], s20  }
0x9f: {  	s4 =	ssub.s32 $0x0, s20;
	[sflag:s22] =	ssyncset.done $0x0  }
0xa0: {  	[sflag:s22] =	ssyncadd.s32 s4;
	_ =	sdelay $0x1  }
0xa1: {  	s23 =	simm.s32 $0x1B8B  }
0xa2: {  	_ =	swait.ge [sflag:s23], $0x1  }
0xa3: {  	[sflag:s23] =	ssyncset.done $0x0  }
0xa4: {  	s25 =	simm.s32 $0x1B8E;
	s24 =	sld [smem:$0x3FFE];
	[sflag:s23] =	ssyncadd.s32 $0xFFFFFFFF  }
0xa5: {  	s26 =	simm.s32 $execute0_lowered;
	[smem:$0x3FD2] =	sst s25  }
0xa6: {  	s5 =	sshll.u32 s26, $0x1;
	_ =	strace $0x80000046;
	[dreg:$0x1] =	wrdreg $0xFFFFFFFF  }
0xa7: {  	s28 =	simm.s32 $_size_execute0_lowered;
	s3 =	sadd.s32 s3, s5;
	[dreg:$0x0] =	wrdreg $0x0  }
0xa8: {  	s5 =	sshll.u32 s28, $0x1;
	[dreg:$0x2] =	wrdreg s3  }
0xa9: {  	[dreg:$0x3] =	wrdreg s5  }
0xaa: {  	[dreg:$0x4] =	wrdreg $0xC0  }
0xab: {  	_ =	task [dreg:s7], $0x5FFFF  }
0xac: {  	[dreg:$0x1] =	wrdreg $0xFFFFFFFF  }
0xad: {  	[dreg:$0x0] =	wrdreg $0x60  }
0xae: {  	[dreg:$0x2] =	wrdreg s24  }
0xaf: {  	[dreg:$0x3] =	wrdreg s2  }
0xb0: {  	[dreg:$0x4] =	wrdreg $0x13C400  }
0xb1: {  	[dreg:$0x5] =	wrdreg $0x9  }
0xb2: {  	_ =	task.clear_ibuf [dreg:s7], $0x6FFFF;
	_ =	strace $0x90000046  }
0xb3: {  	s29 =	simm.s32 $0x9;
	_ =	strace $0x80000048  }
0xb4: {  	_ =	swait.ge [sflag:s29], $0x1  }
0xb5: {  	[sflag:s29] =	ssyncadd.s32 $0xFFFFFFFF  }
0xb6: {  	_ =	strace $0x90000048  }
0xb7: {  	_ =	sfence  }
0xb8: {  	s30 =	sld [smem:$0x0];
	_ =	sdelay $0x2  }
0xb9: {  	s31 =	sshll.u32 s1, $0xD;
	s1 =	sshrl.u32 s1, $0x2  }
0xba: {  	s3 =	sand.u32 $0x4000, s31;
	s1 =	sadd.s32 s1, s30  }
0xbb: {  	s0 =	sor.u32 s3, s0;
	s1 =	sshll.u32 s1, $0x11  }
0xbc: {  	s0 =	sor.u32 s1, s0  }
0xbd: {  	s0 =	sadd.s32 $0x8F2B, s0  }
0xbe: {  	[sflag:s0] =	ssyncadd.remote.s32 $0x1  }
0xbf: {  	_ =	sfence.sel $0xFFFF  }
0xc0: {  	[dreg:$0x0] =	wrdreg $0xFFFFFFFF;
	(pc) =	sbr.abs _section_cstart, $3  }
0xc1: {  	[dreg:$0x1] =	wrdreg $0xFFFFFFFF  }
0xc2: {  	_ =	task.clear_ibuf [dreg:s7], $0x2FFFF;
	_ =	strace $0x9FFFFFFF  }
0xc3: {  	(tm) =	ssettm $0x7FFFFFFF  }
tec
execute0_lowered:
.L_overlay_start_1:
0x0: {  	(tag) =	ssettag $0x1  }
0x1: {  	s0 =	rddreg [dreg:$0x0]  }
0x2: {  	s1 =	srdreg.scid;
	s3 =	rddreg [dreg:$0x1]  }
0x3: {  	s9 =	stileid.u32;
	s2 =	rddreg [dreg:$0x2]  }
0x4: {  	s7 =	simm.s32 $0x0;
	s12 =	simm.s32 $0x11;
	s14 =	simm.s32 $0x50  }
0x5: {  	s15 =	simm.s32 $0x9C40;
	s16 =	simm.s32 $0xB040;
	s17 =	simm.s32 $0xC440  }
0x6: {  	s18 =	simm.s32 $0xD840;
	s19 =	simm.s32 $0xEC40;
	s20 =	simm.s32 $0x10040  }
0x7: {  	s21 =	simm.s32 $0x11440;
	s28 =	simm.s32 $0x5;
	s29 =	simm.s32 $0x6  }
0x8: {  	s30 =	simm.s32 $0x7;
	s31 =	simm.s32 $0x8;
	s5 =	smul.u32 $0x4E20, s9  }
0x9: {  	s13 =	simm.s32 $0xB;
	s1 =	sand.u32 $0x1, s1;
	s6 =	smul.u32 $0xA000, s9  }
0xa: {  	[smem:$0x7FF] =	sst s7;
	s10 =	sadd.s32 $0x4A000, s0;
	s4 =	smul.u32 $0x4E200, s1  }
0xb: {  	s24 =	sshll.u32 s9, $0x6;
	s9 =	simm.s32 $0x10;
	s22 =	smul.u32 $0xA0000, s1  }
0xc: {  	_ =	strace $0x80000047;
	s1 =	ssub.s32 $0x2, s1;
	[dreg:$0x4] =	wrdreg s10  }
0xd: {  	s10 =	sor.u32 $0x1C11, s24;
	s24 =	simm.s32 $0x2;
	s23 =	sshrl.u32 s1, $0x1  }
0xe: {  	[dreg:$0x5] =	wrdreg s10;
	s8 =	sadd.s32 s5, s4;
	s4 =	sadd.s32 $0x22E00, s0  }
0xf: {  	s7 =	sadd.s32 s6, s22;
	s1 =	ssub.s32 s1, s23;
	s6 =	sadd.s32 s6, s2  }
0x10: {  	s5 =	sshrl.u32 s5, $0x3;
	s22 =	simm.s32 $0x12840;
	s23 =	simm.s32 $0x1  }
0x11: {  	s8 =	sshrl.u32 s8, $0x3;
	s7 =	sshrl.u32 s7, $0x3;
	s3 =	sadd.s32 s3, s5  }
0x12: {  	s26 =	smax.u32 s1, $0x1;
	s11 =	sshrl.u32 s6, $0x3;
	s1 =	simm.s32 $0x9  }
0x13: {  	s5 =	simm.s32 $0xD;
	s6 =	simm.s32 $0x0;
	[dreg:$0x7] =	wrdreg s3  }
0x14: {  	s8 =	sadd.s32 s8, s0;
	s0 =	sadd.s32 s7, s0;
	[dreg:$0x9] =	wrdreg s26  }
0x15: {  	s26 =	simm.s32 $0x4;
	s3 =	simm.s32 $0xC;
	[dreg:$0xb] =	wrdreg s6  }
0x16: {  	s7 =	simm.s32 $0xE;
	[dreg:$0xa] =	wrdreg s11;
	s25 =	sadd.s32 $0xF400, s8  }
0x17: {  	s0 =	sadd.s32 $0x4B400, s0;
	s8 =	simm.s32 $0xF;
	[dreg:$0x6] =	wrdreg s25  }
0x18: {  	[dreg:$0x8] =	wrdreg s0;
	s25 =	simm.s32 $0x3;
	s0 =	simm.s32 $0xA  }
.LBB2_1:
0x19: {  	s6 =	rddreg [dreg:$0x4]  }
0x1a: {  	[spmem:s11], [sflag:s10] =	dma.local [hbm:s6], $0x1400  }
0x1b: {  	_ =	swait.ge [sflag:s12], $0x1400  }
0x1c: {  	[sflag:s12] =	ssyncset.done $0x0  }
0x1d: {  	s6 =	simm.s32 $0x0;
	s11 =	rddreg [dreg:$0x6];
	[sflag:s12] =	ssyncadd.s32 $0xFFFFEC00  }
0x1e: {  	[tilespmem:s6], [sflag:$0x11] =	stream.linear.gather [hbm4b:s11+s6], $0x4E20, $0x38;
	[tilespmem:$0x1DC40] =	vst v63  }
0x1f: {  	_ =	swait.ge [sflag:s12], $0x4E20  }
0x20: {  	[sflag:s12] =	ssyncset.done $0x0  }
0x21: {  	s11 =	simm.s32 $0x4E20;
	s10 =	rddreg [dreg:$0x7];
	[sflag:s12] =	ssyncadd.s32 $0xFFFFB1E0  }
0x22: {  	[tilespmem:s11], [sflag:$0x11] =	stream.linear.gather [hbm4b:s10+s6], $0x4E20, $0x38;
	[tilespmem:$0x1DC40] =	vst v63  }
0x23: {  	_ =	swait.ge [sflag:s12], $0x4E20  }
0x24: {  	[sflag:s12] =	ssyncset.done $0x0  }
0x25: {  	[sflag:s12] =	ssyncadd.s32 $0xFFFFB1E0  }
0x26: {  	s12 =	simm.s32 $0x0;
	[bflag:$0x0] =	sbarrier.arrive $0xFFFF  }
0x27: {  	[tilespmem:s15], [sflag:$0x1] =	stream.indirect.gather [hbm4b:s4+s14], $0x40, s12, s14, $0xb8;
	[tilespmem:$0x1DC40] =	vst v63  }
0x28: {  	s10 =	simm.s32 $0x50  }
0x29: {  	[tilespmem:s16], [sflag:$0x2] =	stream.indirect.gather [hbm4b:s4+s14], $0x40, s10, s14, $0xb8;
	[tilespmem:$0x1DC40] =	vst v63  }
0x2a: {  	s11 =	simm.s32 $0xA0  }
0x2b: {  	[tilespmem:s17], [sflag:$0x3] =	stream.indirect.gather [hbm4b:s4+s14], $0x40, s11, s14, $0xb8;
	[tilespmem:$0x1DC40] =	vst v63  }
0x2c: {  	s12 =	simm.s32 $0xF0  }
0x2d: {  	[tilespmem:s18], [sflag:$0x4] =	stream.indirect.gather [hbm4b:s4+s14], $0x40, s12, s14, $0xb8;
	[tilespmem:$0x1DC40] =	vst v63  }
0x2e: {  	s10 =	simm.s32 $0x140  }
0x2f: {  	[tilespmem:s19], [sflag:$0x5] =	stream.indirect.gather [hbm4b:s4+s14], $0x40, s10, s14, $0xb8;
	[tilespmem:$0x1DC40] =	vst v63  }
0x30: {  	s11 =	simm.s32 $0x190  }
0x31: {  	[tilespmem:s20], [sflag:$0x6] =	stream.indirect.gather [hbm4b:s4+s14], $0x40, s11, s14, $0xb8;
	[tilespmem:$0x1DC40] =	vst v63  }
0x32: {  	s12 =	simm.s32 $0x1E0  }
0x33: {  	[tilespmem:s21], [sflag:$0x7] =	stream.indirect.gather [hbm4b:s4+s14], $0x40, s12, s14, $0xb8;
	[tilespmem:$0x1DC40] =	vst v63  }
0x34: {  	s10 =	simm.s32 $0x230  }
0x35: {  	[tilespmem:s22], [sflag:$0x8] =	stream.indirect.gather [hbm4b:s4+s14], $0x40, s10, s14, $0xb8;
	[tilespmem:$0x1DC40] =	vst v63  }
0x36: {  	_ =	swait.ge [sflag:s23], $0x1400  }
0x37: {  	[sflag:s23] =	ssyncset.done $0x0  }
0x38: {  	s11 =	simm.s32 $0x4E20;
	[sflag:s23] =	ssyncadd.s32 $0xFFFFEC00  }
0x39: {  	[spmem:s2] =	stream.indirect.scatter.add.f32 [tilespmem:s15], [sflag:$0x9], $0x40, s11, s14, $0xb8;
	[tilespmem:$0x1DC40] =	vst v63  }
0x3a: {  	_ =	swait.ge [sflag:s24], $0x1400  }
0x3b: {  	[sflag:s24] =	ssyncset.done $0x0  }
0x3c: {  	s12 =	simm.s32 $0x4E70;
	[sflag:s24] =	ssyncadd.s32 $0xFFFFEC00  }
0x3d: {  	[spmem:s2] =	stream.indirect.scatter.add.f32 [tilespmem:s16], [sflag:$0xA], $0x40, s12, s14, $0xb8;
	[tilespmem:$0x1DC40] =	vst v63  }
0x3e: {  	_ =	swait.ge [sflag:s25], $0x1400  }
0x3f: {  	[sflag:s25] =	ssyncset.done $0x0  }
0x40: {  	s10 =	simm.s32 $0x4EC0;
	[sflag:s25] =	ssyncadd.s32 $0xFFFFEC00  }
0x41: {  	[spmem:s2] =	stream.indirect.scatter.add.f32 [tilespmem:s17], [sflag:$0xB], $0x40, s10, s14, $0xb8;
	[tilespmem:$0x1DC40] =	vst v63  }
0x42: {  	_ =	swait.ge [sflag:s26], $0x1400  }
0x43: {  	[sflag:s26] =	ssyncset.done $0x0  }
0x44: {  	s11 =	simm.s32 $0x4F10;
	[sflag:s26] =	ssyncadd.s32 $0xFFFFEC00  }
0x45: {  	[spmem:s2] =	stream.indirect.scatter.add.f32 [tilespmem:s18], [sflag:$0xC], $0x40, s11, s14, $0xb8;
	[tilespmem:$0x1DC40] =	vst v63  }
0x46: {  	_ =	swait.ge [sflag:s28], $0x1400  }
0x47: {  	[sflag:s28] =	ssyncset.done $0x0  }
0x48: {  	s12 =	simm.s32 $0x4F60;
	[sflag:s28] =	ssyncadd.s32 $0xFFFFEC00  }
0x49: {  	[spmem:s2] =	stream.indirect.scatter.add.f32 [tilespmem:s19], [sflag:$0xD], $0x40, s12, s14, $0xb8;
	[tilespmem:$0x1DC40] =	vst v63  }
0x4a: {  	_ =	swait.ge [sflag:s29], $0x1400  }
0x4b: {  	[sflag:s29] =	ssyncset.done $0x0  }
0x4c: {  	s10 =	simm.s32 $0x4FB0;
	[sflag:s29] =	ssyncadd.s32 $0xFFFFEC00  }
0x4d: {  	[spmem:s2] =	stream.indirect.scatter.add.f32 [tilespmem:s20], [sflag:$0xE], $0x40, s10, s14, $0xb8;
	[tilespmem:$0x1DC40] =	vst v63  }
0x4e: {  	_ =	swait.ge [sflag:s30], $0x1400  }
0x4f: {  	[sflag:s30] =	ssyncset.done $0x0  }
0x50: {  	s11 =	simm.s32 $0x5000;
	[sflag:s30] =	ssyncadd.s32 $0xFFFFEC00  }
0x51: {  	[spmem:s2] =	stream.indirect.scatter.add.f32 [tilespmem:s21], [sflag:$0xF], $0x40, s11, s14, $0xb8;
	[tilespmem:$0x1DC40] =	vst v63  }
0x52: {  	_ =	swait.ge [sflag:s31], $0x1400  }
0x53: {  	[sflag:s31] =	ssyncset.done $0x0  }
0x54: {  	s12 =	simm.s32 $0x5050;
	[sflag:s31] =	ssyncadd.s32 $0xFFFFEC00  }
0x55: {  	[spmem:s2] =	stream.indirect.scatter.add.f32 [tilespmem:s22], [sflag:$0x10], $0x40, s12, s14, $0xb8;
	[tilespmem:$0x1DC40] =	vst v63  }
0x56: {  	_ =	swait.ge [sflag:s1], $0x1400  }
0x57: {  	[sflag:s1] =	ssyncset.done $0x0  }
0x58: {  	[sflag:s1] =	ssyncadd.s32 $0xFFFFEC00  }
0x59: {  	_ =	swait.ge [sflag:s0], $0x1400  }
0x5a: {  	[sflag:s0] =	ssyncset.done $0x0  }
0x5b: {  	[sflag:s0] =	ssyncadd.s32 $0xFFFFEC00  }
0x5c: {  	_ =	swait.ge [sflag:s13], $0x1400  }
0x5d: {  	[sflag:s13] =	ssyncset.done $0x0  }
0x5e: {  	[sflag:s13] =	ssyncadd.s32 $0xFFFFEC00  }
0x5f: {  	_ =	swait.ge [sflag:s3], $0x1400  }
0x60: {  	[sflag:s3] =	ssyncset.done $0x0  }
0x61: {  	[sflag:s3] =	ssyncadd.s32 $0xFFFFEC00  }
0x62: {  	_ =	swait.ge [sflag:s5], $0x1400  }
0x63: {  	[sflag:s5] =	ssyncset.done $0x0  }
0x64: {  	[sflag:s5] =	ssyncadd.s32 $0xFFFFEC00  }
0x65: {  	_ =	swait.ge [sflag:s7], $0x1400  }
0x66: {  	[sflag:s7] =	ssyncset.done $0x0  }
0x67: {  	[sflag:s7] =	ssyncadd.s32 $0xFFFFEC00  }
0x68: {  	_ =	swait.ge [sflag:s8], $0x1400  }
0x69: {  	[sflag:s8] =	ssyncset.done $0x0  }
0x6a: {  	[sflag:s8] =	ssyncadd.s32 $0xFFFFEC00  }
0x6b: {  	_ =	swait.ge [sflag:s9], $0x1400  }
0x6c: {  	s6 =	simm.s32 $0xA00;
	s11 =	simm.s32 $0x1400;
	[sflag:s9] =	ssyncset.done $0x0  }
.LBB2_2:
0x6d: {  	s12 =	sshra.s32 s6, $0x2  }
0x6e: {  	[sflag:s9] =	ssyncadd.s32 $0xFFFFEC00;
	s6 =	smov.u32 s11;
	s10 =	sadd.s32 $0xA00, s11  }
0x6f: {  	[tilespmem:s15], [sflag:$0x1] =	stream.indirect.gather [hbm4b:s4+s14], $0x40, s12, s14, $0xb8;
	[tilespmem:$0x1DC40] =	vst v63  }
0x70: {  	p0 =	sne.s32 s11, $0x12C00;
	s11 =	sadd.s32 $0x50, s12  }
0x71: {  	[tilespmem:s16], [sflag:$0x2] =	stream.indirect.gather [hbm4b:s4+s14], $0x40, s11, s14, $0xb8;
	[tilespmem:$0x1DC40] =	vst v63  }
0x72: {  	s11 =	sadd.s32 $0xA0, s12  }
0x73: {  	[tilespmem:s17], [sflag:$0x3] =	stream.indirect.gather [hbm4b:s4+s14], $0x40, s11, s14, $0xb8;
	[tilespmem:$0x1DC40] =	vst v63  }
0x74: {  	s11 =	sadd.s32 $0xF0, s12  }
0x75: {  	[tilespmem:s18], [sflag:$0x4] =	stream.indirect.gather [hbm4b:s4+s14], $0x40, s11, s14, $0xb8;
	[tilespmem:$0x1DC40] =	vst v63  }
0x76: {  	s11 =	sadd.s32 $0x140, s12  }
0x77: {  	[tilespmem:s19], [sflag:$0x5] =	stream.indirect.gather [hbm4b:s4+s14], $0x40, s11, s14, $0xb8;
	[tilespmem:$0x1DC40] =	vst v63  }
0x78: {  	s11 =	sadd.s32 $0x190, s12  }
0x79: {  	[tilespmem:s20], [sflag:$0x6] =	stream.indirect.gather [hbm4b:s4+s14], $0x40, s11, s14, $0xb8;
	[tilespmem:$0x1DC40] =	vst v63  }
0x7a: {  	s11 =	sadd.s32 $0x1E0, s12  }
0x7b: {  	[tilespmem:s21], [sflag:$0x7] =	stream.indirect.gather [hbm4b:s4+s14], $0x40, s11, s14, $0xb8;
	[tilespmem:$0x1DC40] =	vst v63  }
0x7c: {  	s11 =	sadd.s32 $0x230, s12  }
0x7d: {  	[tilespmem:s22], [sflag:$0x8] =	stream.indirect.gather [hbm4b:s4+s14], $0x40, s11, s14, $0xb8;
	[tilespmem:$0x1DC40] =	vst v63  }
0x7e: {  	_ =	swait.ge [sflag:s23], $0x1400  }
0x7f: {  	[sflag:s23] =	ssyncset.done $0x0  }
0x80: {  	s11 =	sadd.s32 $0x4E20, s12;
	[sflag:s23] =	ssyncadd.s32 $0xFFFFEC00  }
0x81: {  	[spmem:s2] =	stream.indirect.scatter.add.f32 [tilespmem:s15], [sflag:$0x9], $0x40, s11, s14, $0xb8;
	[tilespmem:$0x1DC40] =	vst v63  }
0x82: {  	_ =	swait.ge [sflag:s24], $0x1400  }
0x83: {  	[sflag:s24] =	ssyncset.done $0x0  }
0x84: {  	s11 =	sadd.s32 $0x4E70, s12;
	[sflag:s24] =	ssyncadd.s32 $0xFFFFEC00  }
0x85: {  	[spmem:s2] =	stream.indirect.scatter.add.f32 [tilespmem:s16], [sflag:$0xA], $0x40, s11, s14, $0xb8;
	[tilespmem:$0x1DC40] =	vst v63  }
0x86: {  	_ =	swait.ge [sflag:s25], $0x1400  }
0x87: {  	[sflag:s25] =	ssyncset.done $0x0  }
0x88: {  	s11 =	sadd.s32 $0x4EC0, s12;
	[sflag:s25] =	ssyncadd.s32 $0xFFFFEC00  }
0x89: {  	[spmem:s2] =	stream.indirect.scatter.add.f32 [tilespmem:s17], [sflag:$0xB], $0x40, s11, s14, $0xb8;
	[tilespmem:$0x1DC40] =	vst v63  }
0x8a: {  	_ =	swait.ge [sflag:s26], $0x1400  }
0x8b: {  	[sflag:s26] =	ssyncset.done $0x0  }
0x8c: {  	s11 =	sadd.s32 $0x4F10, s12;
	[sflag:s26] =	ssyncadd.s32 $0xFFFFEC00  }
0x8d: {  	[spmem:s2] =	stream.indirect.scatter.add.f32 [tilespmem:s18], [sflag:$0xC], $0x40, s11, s14, $0xb8;
	[tilespmem:$0x1DC40] =	vst v63  }
0x8e: {  	_ =	swait.ge [sflag:s28], $0x1400  }
0x8f: {  	[sflag:s28] =	ssyncset.done $0x0  }
0x90: {  	s11 =	sadd.s32 $0x4F60, s12;
	[sflag:s28] =	ssyncadd.s32 $0xFFFFEC00  }
0x91: {  	[spmem:s2] =	stream.indirect.scatter.add.f32 [tilespmem:s19], [sflag:$0xD], $0x40, s11, s14, $0xb8;
	[tilespmem:$0x1DC40] =	vst v63  }
0x92: {  	_ =	swait.ge [sflag:s29], $0x1400  }
0x93: {  	[sflag:s29] =	ssyncset.done $0x0  }
0x94: {  	s11 =	sadd.s32 $0x4FB0, s12;
	[sflag:s29] =	ssyncadd.s32 $0xFFFFEC00  }
0x95: {  	[spmem:s2] =	stream.indirect.scatter.add.f32 [tilespmem:s20], [sflag:$0xE], $0x40, s11, s14, $0xb8;
	[tilespmem:$0x1DC40] =	vst v63  }
0x96: {  	_ =	swait.ge [sflag:s30], $0x1400  }
0x97: {  	[sflag:s30] =	ssyncset.done $0x0  }
0x98: {  	s11 =	sadd.s32 $0x5000, s12;
	[sflag:s30] =	ssyncadd.s32 $0xFFFFEC00  }
0x99: {  	[spmem:s2] =	stream.indirect.scatter.add.f32 [tilespmem:s21], [sflag:$0xF], $0x40, s11, s14, $0xb8;
	[tilespmem:$0x1DC40] =	vst v63  }
0x9a: {  	_ =	swait.ge [sflag:s31], $0x1400  }
0x9b: {  	[sflag:s31] =	ssyncset.done $0x0  }
0x9c: {  	s11 =	sadd.s32 $0x5050, s12;
	[sflag:s31] =	ssyncadd.s32 $0xFFFFEC00  }
0x9d: {  	[spmem:s2] =	stream.indirect.scatter.add.f32 [tilespmem:s22], [sflag:$0x10], $0x40, s11, s14, $0xb8;
	[tilespmem:$0x1DC40] =	vst v63  }
0x9e: {  	_ =	swait.ge [sflag:s1], $0x1400  }
0x9f: {  	[sflag:s1] =	ssyncset.done $0x0  }
0xa0: {  	[sflag:s1] =	ssyncadd.s32 $0xFFFFEC00  }
0xa1: {  	_ =	swait.ge [sflag:s0], $0x1400  }
0xa2: {  	[sflag:s0] =	ssyncset.done $0x0  }
0xa3: {  	[sflag:s0] =	ssyncadd.s32 $0xFFFFEC00  }
0xa4: {  	_ =	swait.ge [sflag:s13], $0x1400  }
0xa5: {  	[sflag:s13] =	ssyncset.done $0x0  }
0xa6: {  	[sflag:s13] =	ssyncadd.s32 $0xFFFFEC00  }
0xa7: {  	_ =	swait.ge [sflag:s3], $0x1400  }
0xa8: {  	[sflag:s3] =	ssyncset.done $0x0  }
0xa9: {  	[sflag:s3] =	ssyncadd.s32 $0xFFFFEC00  }
0xaa: {  	_ =	swait.ge [sflag:s5], $0x1400  }
0xab: {  	[sflag:s5] =	ssyncset.done $0x0  }
0xac: {  	[sflag:s5] =	ssyncadd.s32 $0xFFFFEC00  }
0xad: {  	_ =	swait.ge [sflag:s7], $0x1400  }
0xae: {  	[sflag:s7] =	ssyncset.done $0x0  }
0xaf: {  	[sflag:s7] =	ssyncadd.s32 $0xFFFFEC00  }
.Ltmp0:
0xb0: {  	_ =	swait.ge [sflag:s8], $0x1400;
	(pc) =	sbr.rel @p0 .LBB2_2-.Ltmp0, $4  }
0xb1: {  	[sflag:s8] =	ssyncset.done $0x0  }
0xb2: {  	[sflag:s8] =	ssyncadd.s32 $0xFFFFEC00  }
0xb3: {  	_ =	swait.ge [sflag:s9], $0x1400  }
0xb4: {  	s11 =	smov.u32 s10;
	[sflag:s9] =	ssyncset.done $0x0  }
0xb5: {  	s6 =	sshra.s32 s6, $0x2;
	[sflag:s9] =	ssyncadd.s32 $0xFFFFEC00  }
0xb6: {  	[tilespmem:s15], [sflag:$0x1] =	stream.indirect.gather [hbm4b:s4+s14], $0x40, s6, s14, $0xb8;
	[tilespmem:$0x1DC40] =	vst v63  }
0xb7: {  	s10 =	sadd.s32 $0x50, s6  }
0xb8: {  	[tilespmem:s16], [sflag:$0x2] =	stream.indirect.gather [hbm4b:s4+s14], $0x40, s10, s14, $0xb8;
	[tilespmem:$0x1DC40] =	vst v63  }
0xb9: {  	s11 =	sadd.s32 $0xA0, s6  }
0xba: {  	[tilespmem:s17], [sflag:$0x3] =	stream.indirect.gather [hbm4b:s4+s14], $0x40, s11, s14, $0xb8;
	[tilespmem:$0x1DC40] =	vst v63  }
0xbb: {  	s12 =	sadd.s32 $0xF0, s6  }
0xbc: {  	[tilespmem:s18], [sflag:$0x4] =	stream.indirect.gather [hbm4b:s4+s14], $0x40, s12, s14, $0xb8;
	[tilespmem:$0x1DC40] =	vst v63  }
0xbd: {  	s11 =	sadd.s32 $0x140, s6  }
0xbe: {  	[tilespmem:s19], [sflag:$0x5] =	stream.indirect.gather [hbm4b:s4+s14], $0x40, s11, s14, $0xb8;
	[tilespmem:$0x1DC40] =	vst v63  }
0xbf: {  	s12 =	sadd.s32 $0x190, s6  }
0xc0: {  	[tilespmem:s20], [sflag:$0x6] =	stream.indirect.gather [hbm4b:s4+s14], $0x40, s12, s14, $0xb8;
	[tilespmem:$0x1DC40] =	vst v63  }
0xc1: {  	s11 =	sadd.s32 $0x1E0, s6  }
0xc2: {  	[tilespmem:s21], [sflag:$0x7] =	stream.indirect.gather [hbm4b:s4+s14], $0x40, s11, s14, $0xb8;
	[tilespmem:$0x1DC40] =	vst v63  }
0xc3: {  	s12 =	sadd.s32 $0x230, s6  }
0xc4: {  	[tilespmem:s22], [sflag:$0x8] =	stream.indirect.gather [hbm4b:s4+s14], $0x40, s12, s14, $0xb8;
	[tilespmem:$0x1DC40] =	vst v63  }
0xc5: {  	_ =	swait.ge [sflag:s23], $0x1400  }
0xc6: {  	[sflag:s23] =	ssyncset.done $0x0  }
0xc7: {  	s11 =	sadd.s32 $0x4E20, s6;
	[sflag:s23] =	ssyncadd.s32 $0xFFFFEC00  }
0xc8: {  	[spmem:s2] =	stream.indirect.scatter.add.f32 [tilespmem:s15], [sflag:$0x9], $0x40, s11, s14, $0xb8;
	[tilespmem:$0x1DC40] =	vst v63  }
0xc9: {  	_ =	swait.ge [sflag:s24], $0x1400  }
0xca: {  	[sflag:s24] =	ssyncset.done $0x0  }
0xcb: {  	s12 =	sadd.s32 $0x4E70, s6;
	[sflag:s24] =	ssyncadd.s32 $0xFFFFEC00  }
0xcc: {  	[spmem:s2] =	stream.indirect.scatter.add.f32 [tilespmem:s16], [sflag:$0xA], $0x40, s12, s14, $0xb8;
	[tilespmem:$0x1DC40] =	vst v63  }
0xcd: {  	_ =	swait.ge [sflag:s25], $0x1400  }
0xce: {  	[sflag:s25] =	ssyncset.done $0x0  }
0xcf: {  	s11 =	sadd.s32 $0x4EC0, s6;
	[sflag:s25] =	ssyncadd.s32 $0xFFFFEC00  }
0xd0: {  	[spmem:s2] =	stream.indirect.scatter.add.f32 [tilespmem:s17], [sflag:$0xB], $0x40, s11, s14, $0xb8;
	[tilespmem:$0x1DC40] =	vst v63  }
0xd1: {  	_ =	swait.ge [sflag:s26], $0x1400  }
0xd2: {  	[sflag:s26] =	ssyncset.done $0x0  }
0xd3: {  	s12 =	sadd.s32 $0x4F10, s6;
	[sflag:s26] =	ssyncadd.s32 $0xFFFFEC00  }
0xd4: {  	[spmem:s2] =	stream.indirect.scatter.add.f32 [tilespmem:s18], [sflag:$0xC], $0x40, s12, s14, $0xb8;
	[tilespmem:$0x1DC40] =	vst v63  }
0xd5: {  	_ =	swait.ge [sflag:s28], $0x1400  }
0xd6: {  	[sflag:s28] =	ssyncset.done $0x0  }
0xd7: {  	s11 =	sadd.s32 $0x4F60, s6;
	[sflag:s28] =	ssyncadd.s32 $0xFFFFEC00  }
0xd8: {  	[spmem:s2] =	stream.indirect.scatter.add.f32 [tilespmem:s19], [sflag:$0xD], $0x40, s11, s14, $0xb8;
	[tilespmem:$0x1DC40] =	vst v63  }
0xd9: {  	_ =	swait.ge [sflag:s29], $0x1400  }
0xda: {  	[sflag:s29] =	ssyncset.done $0x0  }
0xdb: {  	s12 =	sadd.s32 $0x4FB0, s6;
	[sflag:s29] =	ssyncadd.s32 $0xFFFFEC00  }
0xdc: {  	[spmem:s2] =	stream.indirect.scatter.add.f32 [tilespmem:s20], [sflag:$0xE], $0x40, s12, s14, $0xb8;
	[tilespmem:$0x1DC40] =	vst v63  }
0xdd: {  	_ =	swait.ge [sflag:s30], $0x1400  }
0xde: {  	[sflag:s30] =	ssyncset.done $0x0  }
0xdf: {  	s11 =	sadd.s32 $0x5000, s6;
	[sflag:s30] =	ssyncadd.s32 $0xFFFFEC00  }
0xe0: {  	[spmem:s2] =	stream.indirect.scatter.add.f32 [tilespmem:s21], [sflag:$0xF], $0x40, s11, s14, $0xb8;
	[tilespmem:$0x1DC40] =	vst v63  }
0xe1: {  	_ =	swait.ge [sflag:s31], $0x1400  }
0xe2: {  	[sflag:s31] =	ssyncset.done $0x0  }
0xe3: {  	s6 =	sadd.s32 $0x5050, s6;
	[sflag:s31] =	ssyncadd.s32 $0xFFFFEC00  }
0xe4: {  	[spmem:s2] =	stream.indirect.scatter.add.f32 [tilespmem:s22], [sflag:$0x10], $0x40, s6, s14, $0xb8;
	[tilespmem:$0x1DC40] =	vst v63  }
0xe5: {  	_ =	swait.ge [sflag:s1], $0x1400  }
0xe6: {  	[sflag:s1] =	ssyncset.done $0x0  }
0xe7: {  	[sflag:s1] =	ssyncadd.s32 $0xFFFFEC00  }
0xe8: {  	_ =	swait.ge [sflag:s0], $0x1400  }
0xe9: {  	[sflag:s0] =	ssyncset.done $0x0  }
0xea: {  	[sflag:s0] =	ssyncadd.s32 $0xFFFFEC00  }
0xeb: {  	_ =	swait.ge [sflag:s13], $0x1400  }
0xec: {  	[sflag:s13] =	ssyncset.done $0x0  }
0xed: {  	[sflag:s13] =	ssyncadd.s32 $0xFFFFEC00  }
0xee: {  	_ =	swait.ge [sflag:s3], $0x1400  }
0xef: {  	[sflag:s3] =	ssyncset.done $0x0  }
0xf0: {  	[sflag:s3] =	ssyncadd.s32 $0xFFFFEC00  }
0xf1: {  	_ =	swait.ge [sflag:s5], $0x1400  }
0xf2: {  	[sflag:s5] =	ssyncset.done $0x0  }
0xf3: {  	[sflag:s5] =	ssyncadd.s32 $0xFFFFEC00  }
0xf4: {  	_ =	swait.ge [sflag:s7], $0x1400  }
0xf5: {  	[sflag:s7] =	ssyncset.done $0x0  }
0xf6: {  	[sflag:s7] =	ssyncadd.s32 $0xFFFFEC00  }
0xf7: {  	_ =	swait.ge [sflag:s8], $0x1400  }
0xf8: {  	[sflag:s8] =	ssyncset.done $0x0  }
0xf9: {  	[sflag:s8] =	ssyncadd.s32 $0xFFFFEC00  }
0xfa: {  	_ =	swait.ge [sflag:s9], $0x1400  }
0xfb: {  	[sflag:s9] =	ssyncset.done $0x0  }
0xfc: {  	s12 =	simm.s32 $0x4D80;
	[sflag:s9] =	ssyncadd.s32 $0xFFFFEC00  }
0xfd: {  	[tilespmem:s15], [sflag:$0x1] =	stream.indirect.gather [hbm4b:s4+s14], $0x40, s12, s14, $0xb8;
	[tilespmem:$0x1DC40] =	vst v63  }
0xfe: {  	s10 =	simm.s32 $0x4DD0  }
0xff: {  	[tilespmem:s16], [sflag:$0x2] =	stream.indirect.gather [hbm4b:s4+s14], $0x40, s10, s14, $0xb8;
	[tilespmem:$0x1DC40] =	vst v63  }
0x100: {  	_ =	swait.ge [sflag:s23], $0x1400  }
0x101: {  	[sflag:s23] =	ssyncset.done $0x0  }
0x102: {  	s11 =	simm.s32 $0x9BA0;
	[sflag:s23] =	ssyncadd.s32 $0xFFFFEC00  }
0x103: {  	[spmem:s2] =	stream.indirect.scatter.add.f32 [tilespmem:s15], [sflag:$0x9], $0x40, s11, s14, $0xb8;
	[tilespmem:$0x1DC40] =	vst v63  }
0x104: {  	_ =	swait.ge [sflag:s24], $0x1400  }
0x105: {  	[sflag:s24] =	ssyncset.done $0x0  }
0x106: {  	s12 =	simm.s32 $0x9BF0;
	[sflag:s24] =	ssyncadd.s32 $0xFFFFEC00  }
0x107: {  	[spmem:s2] =	stream.indirect.scatter.add.f32 [tilespmem:s16], [sflag:$0xA], $0x40, s12, s14, $0xb8;
	[tilespmem:$0x1DC40] =	vst v63  }
0x108: {  	_ =	swait.ge [sflag:s1], $0x1400  }
0x109: {  	[sflag:s1] =	ssyncset.done $0x0  }
0x10a: {  	[sflag:s1] =	ssyncadd.s32 $0xFFFFEC00  }
0x10b: {  	_ =	swait.ge [sflag:s0], $0x1400  }
0x10c: {  	[sflag:s0] =	ssyncset.done $0x0  }
0x10d: {  	[sflag:s0] =	ssyncadd.s32 $0xFFFFEC00  }
0x10e: {  	[bflag:$0x0] =	sbarrier.arrive $0xFFFF  }
0x10f: {  	s6 =	rddreg [dreg:$0x5]  }
0x110: {  	s12 =	rddreg [dreg:$0x8]  }
0x111: {  	s11 =	rddreg [dreg:$0xa]  }
0x112: {  	[hbm:s12], [sflag:s6] =	dma.local [spmem:s11], $0x1400  }
0x113: {  	s12 =	simm.s32 $0x11  }
0x114: {  	_ =	swait.ge [sflag:s12], $0x1400  }
0x115: {  	s6 =	rddreg [dreg:$0xb]  }
0x116: {  	s10 =	sadd.s32 $0x1, s6;
	s6 =	rddreg [dreg:$0x9]  }
0x117: {  	p0 =	sne.s32 s10, s6  }
.Ltmp1:
0x118: {  	_ = 	snop;
	(pc) =	sbr.rel @p0 .LBB2_1-.Ltmp1, $3  }
0x119: {  	_ =	sdelay $0x1  }
0x11a: {  	[sflag:s12] =	ssyncset.done $0x0;
	[dreg:$0xb] =	wrdreg s10  }
0x11b: {  	[sflag:s12] =	ssyncadd.s32 $0xFFFFEC00;
	s10 =	rddreg [dreg:$0x5]  }
0x11c: {  	_ =	sfence.sel $0x180000  }
0x11d: {  	[bflag:$0x0] =	sbarrier.arrive $0xFFFF  }
0x11e: {  	_ =	strace $0x90000047  }
0x11f: {  	s0 =	stileid.u32;
	[bflag:$0x2] =	sbarrier.arrive $0xFFFF  }
0x120: {  	p0 =	sne.s32 s0, $0x0;
	s0 =	rddreg [dreg:$0x3]  }
0x121: {  	s0 =	sadd.s32 @!p0 $0x100000, s0  }
0x122: {  	[sflag:s0] =	ssyncadd.tile.s32 @!p0 $0x1;
	_ =	shalt  }
.Lfunc_end2:
_tile_overlayer_lowered:
.L_overlay_start_2:
0x123: {  	(tag) =	ssettag $0x2  }
0x124: {  	s0 =	rddreg [dreg:$0x0];
	s2 =	stileid.u32  }
0x125: {  	s1 =	rddreg [dreg:$0x1];
	p0 =	sne.s32 s2, $0x0  }
0x126: {  	s3 =	rddreg [dreg:$0x2];
	[bflag:$0x3] =	sbarrier.arrive $0xFFFF;
	s2 =	simm.s32 @!p0 $0x1C11  }
0x127: {  	[timem:s3], [sflag:s2] =	dma.local @!p0 [hbm:s0], s1  }
0x128: {  	s0 =	simm.s32 @!p0 $0x11  }
0x129: {  	_ =	swait.ge @!p0 [sflag:s0], s1  }
0x12a: {  	s1 =	ssub.s32 @!p0 $0x0, s1;
	[sflag:s0] =	ssyncset.done @!p0 $0x0  }
0x12b: {  	[sflag:s0] =	ssyncadd.s32 @!p0 s1  }
0x12c: {  	[bflag:$0x3] =	sbarrier.arrive $0xFFFF  }
0x12d: {  	_ =	shalt  }

</sc_bundles>
